<compile_context>
chip_gen: v7x
topology: tpu7x:2x2x1
jax: 0.10.2.dev20260603
libtpu: 0.0.44.dev20260713+nightly
codegen_flags: <defaults>
</compile_context>

<pallas_src>
import functools

import jax
import jax.numpy as jnp
from jax import lax
from jax.experimental import pallas as pl
from jax.experimental.pallas import tpu as pltpu
from jax.experimental.pallas import tpu_sc as plsc

_LANES = 16
_TAB = 32
_NBUF = 2


def _pad128(n):
    return (n + 127) // 128 * 128


@functools.partial(
    jax.jit,
    static_argnames=("rows_per_chunk", "n_channels", "nw", "n_cores", "rmax"),
)
def _pwlu_sc(x, a_tab, b_tab, lo_tab, inv_tab, *, rows_per_chunk,
             n_channels, nw, n_cores, rmax):
    bsz, _, h, w = x.shape
    chunks_per_plane = h // rows_per_chunk
    n_chunks = bsz * n_channels * chunks_per_plane
    chunks_per_tile = n_chunks // nw
    n_trips = chunks_per_tile // _NBUF
    mesh = plsc.VectorSubcoreMesh(core_axis_name="c", subcore_axis_name="s")

    @functools.partial(
        pl.kernel,
        out_type=jax.ShapeDtypeStruct(x.shape, jnp.float32),
        mesh=mesh,
        scratch_types=[
            pltpu.VMEM((_NBUF, rows_per_chunk, w), jnp.float32),
            pltpu.VMEM((_NBUF, rows_per_chunk, w), jnp.float32),
            pltpu.VMEM((n_channels * _TAB,), jnp.float32),
            pltpu.VMEM((n_channels * _TAB,), jnp.float32),
            pltpu.VMEM((_pad128(n_channels),), jnp.float32),
            pltpu.VMEM((_pad128(n_channels),), jnp.float32),
            [pltpu.SemaphoreType.DMA] * _NBUF,
            [pltpu.SemaphoreType.DMA] * _NBUF,
            pltpu.SemaphoreType.DMA,
        ],
        compiler_params=pltpu.CompilerParams(
            needs_layout_passes=False, use_tc_tiling_on_sc=True),
    )
    def pwlu(x_hbm, a_hbm, b_hbm, lo_hbm, inv_hbm, out_hbm,
             xb, yb, av, bv, lov, invv, isems, osems, tsem):
        wid = lax.axis_index("s") * n_cores + lax.axis_index("c")
        base_chunk = wid * chunks_per_tile

        tab_copies = (
            pltpu.make_async_copy(a_hbm, av, tsem),
            pltpu.make_async_copy(b_hbm, bv, tsem),
            pltpu.make_async_copy(lo_hbm, lov, tsem),
            pltpu.make_async_copy(inv_hbm, invv, tsem),
        )
        for cp in tab_copies:
            cp.start()

        def addr(k):
            q = k % chunks_per_plane
            plane = k // chunks_per_plane
            c = plane % n_channels
            b = plane // n_channels
            return b, c, q * rows_per_chunk

        def in_copy(bf, k):
            b, c, h0 = addr(k)
            return pltpu.make_async_copy(
                x_hbm.at[b, c, pl.ds(h0, rows_per_chunk), :], xb.at[bf], isems[bf])

        def out_copy(bf, k):
            b, c, h0 = addr(k)
            return pltpu.make_async_copy(
                yb.at[bf], out_hbm.at[b, c, pl.ds(h0, rows_per_chunk), :], osems[bf])

        def compute(bf, k):
            c = (k // chunks_per_plane) % n_channels
            ci = jnp.full((_LANES,), c, jnp.int32)
            lo = plsc.load_gather(lov, [ci])
            inv = plsc.load_gather(invv, [ci])
            cbase = ci * _TAB

            @plsc.parallel_loop(0, rows_per_chunk, step=1, unroll=2)
            def _(r):
                for o in range(w // _LANES):
                    off = o * _LANES
                    xv = xb[bf, r, pl.ds(off, _LANES)]
                    xn = (xv - lo) * inv
                    xc = jnp.minimum(jnp.maximum(xn, 0.0), rmax)
                    ri = xc.astype(jnp.int32) + cbase
                    avv = plsc.load_gather(av, [ri])
                    bvv = plsc.load_gather(bv, [ri])
                    yb[bf, r, pl.ds(off, _LANES)] = avv + xv * bvv

        for bf in range(_NBUF):
            in_copy(bf, base_chunk + bf).start()
        for cp in tab_copies:
            cp.wait()

        @pl.loop(0, n_trips)
        def _(p):
            for bf in range(_NBUF):
                k = base_chunk + _NBUF * p + bf
                in_copy(bf, k).wait()

                @pl.when(p >= 1)
                def _():
                    out_copy(bf, k - _NBUF).wait()

                compute(bf, k)
                out_copy(bf, k).start()

                @pl.when(p < n_trips - 1)
                def _():
                    in_copy(bf, k + _NBUF).start()

        for bf in range(_NBUF):
            out_copy(bf, base_chunk + chunks_per_tile - _NBUF + bf).wait()

    return pwlu(x, a_tab, b_tab, lo_tab, inv_tab)


def kernel(x, points, bounds, left_slopes, right_slopes):
    bsz, n_channels, h, w = x.shape
    n_points = points.shape[-1]
    n_regions = n_points - 1
    f32 = jnp.float32

    left_b = bounds[:, 0].astype(f32)
    right_b = bounds[:, 1].astype(f32)
    region_len = (right_b - left_b) / n_regions
    false_points = jnp.concatenate(
        [(points[:, 0] - left_slopes * region_len)[:, None], points], axis=1)
    inner = (points[:, 1:] - points[:, :-1]) / region_len[:, None]
    slopes = jnp.concatenate(
        [left_slopes[:, None], inner, right_slopes[:, None]], axis=1)
    sim_left = left_b - region_len
    ridx = jnp.arange(n_points + 1, dtype=f32)
    a_tab = false_points - (sim_left[:, None] + ridx[None, :] * region_len[:, None]) * slopes
    a_pad = jnp.zeros((n_channels, _TAB), f32).at[:, : n_points + 1].set(a_tab).reshape(-1)
    b_pad = jnp.zeros((n_channels, _TAB), f32).at[:, : n_points + 1].set(slopes).reshape(-1)
    inv_norm = 1.0 / region_len
    cpad = _pad128(n_channels)
    lo_pad = jnp.zeros((cpad,), f32).at[:n_channels].set(sim_left)
    inv_pad = jnp.zeros((cpad,), f32).at[:n_channels].set(inv_norm)

    info = plsc.get_sparse_core_info()
    nw = info.num_cores * info.num_subcores

    return _pwlu_sc(
        x, a_pad, b_pad, lo_pad, inv_pad,
        rows_per_chunk=56, n_channels=n_channels, nw=nw, n_cores=info.num_cores,
        rmax=float(n_regions + 1) + 0.01)

# --- scband reference (transcript-rebuilt; emitter-appended) ---
"""Pipeline reference for scband-pwlubase-23742579212531 (READ-ONLY COPY).

The authoritative reference and input builder live on the scoring server;
editing this copy changes nothing except your own understanding.
"""

import jax, jax.numpy as jnp
import numpy as np

N_REGIONS = 16
N_CHANNELS = 96
BOUND = 2.5


def _compile_params(points, bounds, left_slopes, right_slopes):
    left_b = bounds[..., 0]
    right_b = bounds[..., 1]
    region_lengths = (right_b - left_b) / N_REGIONS
    false_points = jnp.concatenate([(points[..., 0] - left_slopes * region_lengths)[..., None], points], axis=-1)
    inner = (points - jnp.roll(points, 1, axis=-1))[..., 1:] / region_lengths[..., None]
    slopes = jnp.concatenate([left_slopes[..., None], inner, right_slopes[..., None]], axis=-1)
    return false_points, slopes


def _pwlu_forward_compiled(x, false_points, bounds, slopes):
    # channelwise PWLU, points_is_compiled=True path of pwlu_forward
    batch_size, n_channels = x.shape[0], x.shape[1]
    n_points = false_points.shape[-1] - 1  # compiled points include one extra left point
    n_regions = n_points - 1
    left_bounds = bounds[..., 0]
    right_bounds = bounds[..., 1]
    region_lengths = (right_bounds - left_bounds) / n_regions  # [C]
    sim_left_bounds = left_bounds - region_lengths  # [C]
    x_channels_last = jnp.moveaxis(x, 1, -1)  # [B, H, W, C]
    x_normal = (x_channels_last - sim_left_bounds) / ((n_regions + 1) * region_lengths)
    x_normal = jnp.moveaxis(x_normal, -1, 0)  # [C, B, H, W]
    regions = jnp.floor(jnp.clip(x_normal, 0.0, 1.001) * (n_regions + 1))
    dists = x_normal * (n_regions + 1) - regions
    dists = jnp.moveaxis(dists, 0, -1) * region_lengths
    dists = jnp.moveaxis(dists, -1, 0)  # [C, B, H, W]
    regions_packed = regions.astype(jnp.int32).reshape(n_channels, -1)  # [C, B*H*W]
    left_points = jnp.take_along_axis(false_points, regions_packed, axis=-1)
    sl = jnp.take_along_axis(slopes, regions_packed, axis=-1)
    left_points = left_points.reshape(x_normal.shape)
    sl = sl.reshape(x_normal.shape)
    ret = left_points + dists * sl  # [C, B, H, W]
    return jnp.moveaxis(ret, 0, 1)  # [B, C, H, W]


def setup_inputs(seed: int = 0) -> dict:
    key = jax.random.key(seed)
    x = jax.random.normal(key, (8, N_CHANNELS, 224, 224), dtype=jnp.float32)
    n_points = N_REGIONS + 1
    # relu init of points over [-bound, bound]
    locs = jnp.linspace(-BOUND, BOUND, n_points).astype(jnp.float32)
    points = jnp.broadcast_to(jnp.maximum(locs, 0.0), (N_CHANNELS, n_points)).astype(jnp.float32)
    bounds = jnp.broadcast_to(jnp.array([-BOUND, BOUND], dtype=jnp.float32), (N_CHANNELS, 2)).astype(jnp.float32)
    left_slopes = jnp.zeros((N_CHANNELS,), dtype=jnp.float32)
    right_slopes = jnp.ones((N_CHANNELS,), dtype=jnp.float32)
    return {"x": x, "points": points, "bounds": bounds, "left_slopes": left_slopes, "right_slopes": right_slopes}


def reference(x, points, bounds, left_slopes, right_slopes):
    # autocompile=True -> compiled eval path: compiled points/slopes are detached constants
    false_points, slopes = _compile_params(points, bounds, left_slopes, right_slopes)
    false_points = jax.lax.stop_gradient(false_points)
    slopes = jax.lax.stop_gradient(slopes)
    return _pwlu_forward_compiled(x, false_points, bounds, slopes)

if __name__ == "__main__":
    import jax
    _d = setup_inputs()
    print(jax.jit(kernel)(*tuple(_d.values())))

</pallas_src>

<mosaic_0001>
#map = affine_map<(d0, d1) -> (0, 0, 0, 0)>
#map1 = affine_map<(d0, d1) -> (0)>
module attributes {stable_mosaic.version = 14 : i64} {
  func.func @pwlu(%arg0: i32, %arg1: i32, %arg2: memref<8x96x224x224xf32, #tpu.memory_space<hbm>>, %arg3: memref<3072xf32, #tpu.memory_space<hbm>>, %arg4: memref<3072xf32, #tpu.memory_space<hbm>>, %arg5: memref<128xf32, #tpu.memory_space<hbm>>, %arg6: memref<128xf32, #tpu.memory_space<hbm>>, %arg7: memref<8x96x224x224xf32, #tpu.memory_space<hbm>>, %arg8: memref<2x56x224xf32, #tpu.memory_space<vmem>>, %arg9: memref<2x56x224xf32, #tpu.memory_space<vmem>>, %arg10: memref<3072xf32, #tpu.memory_space<vmem>>, %arg11: memref<3072xf32, #tpu.memory_space<vmem>>, %arg12: memref<128xf32, #tpu.memory_space<vmem>>, %arg13: memref<128xf32, #tpu.memory_space<vmem>>, %arg14: memref<!tpu.dma_semaphore, #tpu.memory_space<semaphore_mem>>, %arg15: memref<!tpu.dma_semaphore, #tpu.memory_space<semaphore_mem>>, %arg16: memref<!tpu.dma_semaphore, #tpu.memory_space<semaphore_mem>>, %arg17: memref<!tpu.dma_semaphore, #tpu.memory_space<semaphore_mem>>, %arg18: memref<!tpu.dma_semaphore, #tpu.memory_space<semaphore_mem>>) attributes {dimension_semantics = [#tpu.dimension_semantics<core_parallel>, #tpu.dimension_semantics<subcore_parallel>], iteration_bounds = array<i64: 2, 16>, scalar_prefetch = 0 : i64, scratch_operands = 11 : i64, tpu.core_type = #tpu.core_type<sc_vector_subcore>, window_params = [{transform_indices = #map}, {transform_indices = #map1}, {transform_indices = #map1}, {transform_indices = #map1}, {transform_indices = #map1}, {transform_indices = #map}]} {
    %mul3A = arith.constant 2 : i32
    %mul3A_0 = arith.muli %arg1, %mul3A : i32
    %add3A = arith.addi %mul3A_0, %arg0 : i32
    %mul3A_1 = arith.constant 96 : i32
    %mul3A_2 = arith.muli %add3A, %mul3A_1 : i32
    tpu.enqueue_dma source(%arg3 : memref<3072xf32, #tpu.memory_space<hbm>>) target(%arg10 : memref<3072xf32, #tpu.memory_space<vmem>>) target_semaphore(%arg18 : memref<!tpu.dma_semaphore, #tpu.memory_space<semaphore_mem>>)
    tpu.enqueue_dma source(%arg4 : memref<3072xf32, #tpu.memory_space<hbm>>) target(%arg11 : memref<3072xf32, #tpu.memory_space<vmem>>) target_semaphore(%arg18 : memref<!tpu.dma_semaphore, #tpu.memory_space<semaphore_mem>>)
    tpu.enqueue_dma source(%arg5 : memref<128xf32, #tpu.memory_space<hbm>>) target(%arg12 : memref<128xf32, #tpu.memory_space<vmem>>) target_semaphore(%arg18 : memref<!tpu.dma_semaphore, #tpu.memory_space<semaphore_mem>>)
    tpu.enqueue_dma source(%arg6 : memref<128xf32, #tpu.memory_space<hbm>>) target(%arg13 : memref<128xf32, #tpu.memory_space<vmem>>) target_semaphore(%arg18 : memref<!tpu.dma_semaphore, #tpu.memory_space<semaphore_mem>>)
    %add3A_3 = arith.constant 0 : i32
    %add3A_4 = arith.addi %mul3A_2, %add3A_3 : i32
    %jit3A = arith.constant 4 : i32
    %eq3A = arith.constant 0 : i32
    %eq3A_5 = arith.cmpi eq, %jit3A, %eq3A : i32
    %jit3A_6 = arith.constant 1 : i32
    %select_n3A = arith.select %eq3A_5, %jit3A_6, %jit3A : i32
    %rem3A = arith.remsi %add3A_4, %select_n3A : i32
    %ne3A = arith.constant 0 : i32
    %ne3A_7 = arith.cmpi ne, %rem3A, %ne3A : i32
    %lt3A = arith.constant 0 : i32
    %lt3A_8 = arith.cmpi slt, %rem3A, %lt3A : i32
    %lt3A_9 = arith.constant 0 : i32
    %lt3A_10 = arith.cmpi slt, %select_n3A, %lt3A_9 : i32
    %ne3A_11 = arith.xori %lt3A_8, %lt3A_10 : i1
    %and3A = arith.andi %ne3A_11, %ne3A_7 : i1
    %add3A_12 = arith.addi %rem3A, %select_n3A : i32
    %select_n3A_13 = arith.select %and3A, %add3A_12, %rem3A : i32
    %jit3A_14 = arith.constant 4 : i32
    %div3A = arith.divsi %add3A_4, %jit3A_14 : i32
    %sign3A = arith.constant 0 : i32
    %sign3A_15 = arith.cmpi sgt, %add3A_4, %sign3A : i32
    %sign3A_16 = arith.extui %sign3A_15 : i1 to i32
    %sign3A_17 = arith.constant 0 : i32
    %sign3A_18 = arith.cmpi slt, %add3A_4, %sign3A_17 : i32
    %sign3A_19 = arith.extui %sign3A_18 : i1 to i32
    %sign3A_20 = arith.subi %sign3A_16, %sign3A_19 : i32
    %sign3A_21 = arith.constant 0 : i32
    %sign3A_22 = arith.cmpi sgt, %jit3A_14, %sign3A_21 : i32
    %sign3A_23 = arith.extui %sign3A_22 : i1 to i32
    %sign3A_24 = arith.constant 0 : i32
    %sign3A_25 = arith.cmpi slt, %jit3A_14, %sign3A_24 : i32
    %sign3A_26 = arith.extui %sign3A_25 : i1 to i32
    %sign3A_27 = arith.subi %sign3A_23, %sign3A_26 : i32
    %ne3A_28 = arith.cmpi ne, %sign3A_20, %sign3A_27 : i32
    %rem3A_29 = arith.remsi %add3A_4, %jit3A_14 : i32
    %ne3A_30 = arith.constant 0 : i32
    %ne3A_31 = arith.cmpi ne, %rem3A_29, %ne3A_30 : i32
    %and3A_32 = arith.andi %ne3A_28, %ne3A_31 : i1
    %sub3A = arith.constant 1 : i32
    %sub3A_33 = arith.subi %div3A, %sub3A : i32
    %select_n3A_34 = arith.select %and3A_32, %sub3A_33, %div3A : i32
    %jit3A_35 = arith.constant 96 : i32
    %eq3A_36 = arith.constant 0 : i32
    %eq3A_37 = arith.cmpi eq, %jit3A_35, %eq3A_36 : i32
    %jit3A_38 = arith.constant 1 : i32
    %select_n3A_39 = arith.select %eq3A_37, %jit3A_38, %jit3A_35 : i32
    %rem3A_40 = arith.remsi %select_n3A_34, %select_n3A_39 : i32
    %ne3A_41 = arith.constant 0 : i32
    %ne3A_42 = arith.cmpi ne, %rem3A_40, %ne3A_41 : i32
    %lt3A_43 = arith.constant 0 : i32
    %lt3A_44 = arith.cmpi slt, %rem3A_40, %lt3A_43 : i32
    %lt3A_45 = arith.constant 0 : i32
    %lt3A_46 = arith.cmpi slt, %select_n3A_39, %lt3A_45 : i32
    %ne3A_47 = arith.xori %lt3A_44, %lt3A_46 : i1
    %and3A_48 = arith.andi %ne3A_47, %ne3A_42 : i1
    %add3A_49 = arith.addi %rem3A_40, %select_n3A_39 : i32
    %select_n3A_50 = arith.select %and3A_48, %add3A_49, %rem3A_40 : i32
    %jit3A_51 = arith.constant 96 : i32
    %div3A_52 = arith.divsi %select_n3A_34, %jit3A_51 : i32
    %sign3A_53 = arith.constant 0 : i32
    %sign3A_54 = arith.cmpi sgt, %select_n3A_34, %sign3A_53 : i32
    %sign3A_55 = arith.extui %sign3A_54 : i1 to i32
    %sign3A_56 = arith.constant 0 : i32
    %sign3A_57 = arith.cmpi slt, %select_n3A_34, %sign3A_56 : i32
    %sign3A_58 = arith.extui %sign3A_57 : i1 to i32
    %sign3A_59 = arith.subi %sign3A_55, %sign3A_58 : i32
    %sign3A_60 = arith.constant 0 : i32
    %sign3A_61 = arith.cmpi sgt, %jit3A_51, %sign3A_60 : i32
    %sign3A_62 = arith.extui %sign3A_61 : i1 to i32
    %sign3A_63 = arith.constant 0 : i32
    %sign3A_64 = arith.cmpi slt, %jit3A_51, %sign3A_63 : i32
    %sign3A_65 = arith.extui %sign3A_64 : i1 to i32
    %sign3A_66 = arith.subi %sign3A_62, %sign3A_65 : i32
    %ne3A_67 = arith.cmpi ne, %sign3A_59, %sign3A_66 : i32
    %rem3A_68 = arith.remsi %select_n3A_34, %jit3A_51 : i32
    %ne3A_69 = arith.constant 0 : i32
    %ne3A_70 = arith.cmpi ne, %rem3A_68, %ne3A_69 : i32
    %and3A_71 = arith.andi %ne3A_67, %ne3A_70 : i1
    %sub3A_72 = arith.constant 1 : i32
    %sub3A_73 = arith.subi %div3A_52, %sub3A_72 : i32
    %select_n3A_74 = arith.select %and3A_71, %sub3A_73, %div3A_52 : i32
    %mul3A_75 = arith.constant 56 : i32
    %mul3A_76 = arith.muli %select_n3A_13, %mul3A_75 : i32
    %dma_start3A = arith.constant 0 : i32
    %dma_start3A_77 = arith.constant 0 : i32
    %dma_start3A_78 = arith.constant 0 : i32
    %dma_start3A_79 = tpu.memref_slice %arg8[%dma_start3A, %dma_start3A_77, %dma_start3A_78] : memref<2x56x224xf32, #tpu.memory_space<vmem>> -> memref<1x56x224xf32, #tpu.memory_space<vmem>>
    %dma_start3A_80 = tpu.memref_squeeze %dma_start3A_79 : memref<1x56x224xf32, #tpu.memory_space<vmem>> -> memref<56x224xf32, #tpu.memory_space<vmem>>
    %dma_start3A_81 = arith.constant 0 : i32
    %dma_start3A_82 = tpu.memref_slice %arg2[%select_n3A_74, %select_n3A_50, %mul3A_76, %dma_start3A_81] : memref<8x96x224x224xf32, #tpu.memory_space<hbm>> -> memref<1x1x56x224xf32, #tpu.memory_space<hbm>>
    %dma_start3A_83 = tpu.memref_squeeze %dma_start3A_82 : memref<1x1x56x224xf32, #tpu.memory_space<hbm>> -> memref<56x224xf32, #tpu.memory_space<hbm>>
    %dma_start3A_84 = arith.constant 0 : i32
    %dma_start3A_85 = arith.constant 0 : i32
    %dma_start3A_86 = tpu.memref_slice %arg8[%dma_start3A, %dma_start3A_84, %dma_start3A_85] : memref<2x56x224xf32, #tpu.memory_space<vmem>> -> memref<1x56x224xf32, #tpu.memory_space<vmem>>
    %dma_start3A_87 = tpu.memref_squeeze %dma_start3A_86 : memref<1x56x224xf32, #tpu.memory_space<vmem>> -> memref<56x224xf32, #tpu.memory_space<vmem>>
    %dma_start3A_88 = arith.constant 0 : i32
    %dma_start3A_89 = tpu.memref_slice %arg2[%select_n3A_74, %select_n3A_50, %mul3A_76, %dma_start3A_88] : memref<8x96x224x224xf32, #tpu.memory_space<hbm>> -> memref<1x1x56x224xf32, #tpu.memory_space<hbm>>
    %dma_start3A_90 = tpu.memref_squeeze %dma_start3A_89 : memref<1x1x56x224xf32, #tpu.memory_space<hbm>> -> memref<56x224xf32, #tpu.memory_space<hbm>>
    tpu.enqueue_dma source(%dma_start3A_90 : memref<56x224xf32, #tpu.memory_space<hbm>>) target(%dma_start3A_87 : memref<56x224xf32, #tpu.memory_space<vmem>>) target_semaphore(%arg14 : memref<!tpu.dma_semaphore, #tpu.memory_space<semaphore_mem>>)
    %add3A_91 = arith.constant 1 : i32
    %add3A_92 = arith.addi %mul3A_2, %add3A_91 : i32
    %jit3A_93 = arith.constant 4 : i32
    %eq3A_94 = arith.constant 0 : i32
    %eq3A_95 = arith.cmpi eq, %jit3A_93, %eq3A_94 : i32
    %jit3A_96 = arith.constant 1 : i32
    %select_n3A_97 = arith.select %eq3A_95, %jit3A_96, %jit3A_93 : i32
    %rem3A_98 = arith.remsi %add3A_92, %select_n3A_97 : i32
    %ne3A_99 = arith.constant 0 : i32
    %ne3A_100 = arith.cmpi ne, %rem3A_98, %ne3A_99 : i32
    %lt3A_101 = arith.constant 0 : i32
    %lt3A_102 = arith.cmpi slt, %rem3A_98, %lt3A_101 : i32
    %lt3A_103 = arith.constant 0 : i32
    %lt3A_104 = arith.cmpi slt, %select_n3A_97, %lt3A_103 : i32
    %ne3A_105 = arith.xori %lt3A_102, %lt3A_104 : i1
    %and3A_106 = arith.andi %ne3A_105, %ne3A_100 : i1
    %add3A_107 = arith.addi %rem3A_98, %select_n3A_97 : i32
    %select_n3A_108 = arith.select %and3A_106, %add3A_107, %rem3A_98 : i32
    %jit3A_109 = arith.constant 4 : i32
    %div3A_110 = arith.divsi %add3A_92, %jit3A_109 : i32
    %sign3A_111 = arith.constant 0 : i32
    %sign3A_112 = arith.cmpi sgt, %add3A_92, %sign3A_111 : i32
    %sign3A_113 = arith.extui %sign3A_112 : i1 to i32
    %sign3A_114 = arith.constant 0 : i32
    %sign3A_115 = arith.cmpi slt, %add3A_92, %sign3A_114 : i32
    %sign3A_116 = arith.extui %sign3A_115 : i1 to i32
    %sign3A_117 = arith.subi %sign3A_113, %sign3A_116 : i32
    %sign3A_118 = arith.constant 0 : i32
    %sign3A_119 = arith.cmpi sgt, %jit3A_109, %sign3A_118 : i32
    %sign3A_120 = arith.extui %sign3A_119 : i1 to i32
    %sign3A_121 = arith.constant 0 : i32
    %sign3A_122 = arith.cmpi slt, %jit3A_109, %sign3A_121 : i32
    %sign3A_123 = arith.extui %sign3A_122 : i1 to i32
    %sign3A_124 = arith.subi %sign3A_120, %sign3A_123 : i32
    %ne3A_125 = arith.cmpi ne, %sign3A_117, %sign3A_124 : i32
    %rem3A_126 = arith.remsi %add3A_92, %jit3A_109 : i32
    %ne3A_127 = arith.constant 0 : i32
    %ne3A_128 = arith.cmpi ne, %rem3A_126, %ne3A_127 : i32
    %and3A_129 = arith.andi %ne3A_125, %ne3A_128 : i1
    %sub3A_130 = arith.constant 1 : i32
    %sub3A_131 = arith.subi %div3A_110, %sub3A_130 : i32
    %select_n3A_132 = arith.select %and3A_129, %sub3A_131, %div3A_110 : i32
    %jit3A_133 = arith.constant 96 : i32
    %eq3A_134 = arith.constant 0 : i32
    %eq3A_135 = arith.cmpi eq, %jit3A_133, %eq3A_134 : i32
    %jit3A_136 = arith.constant 1 : i32
    %select_n3A_137 = arith.select %eq3A_135, %jit3A_136, %jit3A_133 : i32
    %rem3A_138 = arith.remsi %select_n3A_132, %select_n3A_137 : i32
    %ne3A_139 = arith.constant 0 : i32
    %ne3A_140 = arith.cmpi ne, %rem3A_138, %ne3A_139 : i32
    %lt3A_141 = arith.constant 0 : i32
    %lt3A_142 = arith.cmpi slt, %rem3A_138, %lt3A_141 : i32
    %lt3A_143 = arith.constant 0 : i32
    %lt3A_144 = arith.cmpi slt, %select_n3A_137, %lt3A_143 : i32
    %ne3A_145 = arith.xori %lt3A_142, %lt3A_144 : i1
    %and3A_146 = arith.andi %ne3A_145, %ne3A_140 : i1
    %add3A_147 = arith.addi %rem3A_138, %select_n3A_137 : i32
    %select_n3A_148 = arith.select %and3A_146, %add3A_147, %rem3A_138 : i32
    %jit3A_149 = arith.constant 96 : i32
    %div3A_150 = arith.divsi %select_n3A_132, %jit3A_149 : i32
    %sign3A_151 = arith.constant 0 : i32
    %sign3A_152 = arith.cmpi sgt, %select_n3A_132, %sign3A_151 : i32
    %sign3A_153 = arith.extui %sign3A_152 : i1 to i32
    %sign3A_154 = arith.constant 0 : i32
    %sign3A_155 = arith.cmpi slt, %select_n3A_132, %sign3A_154 : i32
    %sign3A_156 = arith.extui %sign3A_155 : i1 to i32
    %sign3A_157 = arith.subi %sign3A_153, %sign3A_156 : i32
    %sign3A_158 = arith.constant 0 : i32
    %sign3A_159 = arith.cmpi sgt, %jit3A_149, %sign3A_158 : i32
    %sign3A_160 = arith.extui %sign3A_159 : i1 to i32
    %sign3A_161 = arith.constant 0 : i32
    %sign3A_162 = arith.cmpi slt, %jit3A_149, %sign3A_161 : i32
    %sign3A_163 = arith.extui %sign3A_162 : i1 to i32
    %sign3A_164 = arith.subi %sign3A_160, %sign3A_163 : i32
    %ne3A_165 = arith.cmpi ne, %sign3A_157, %sign3A_164 : i32
    %rem3A_166 = arith.remsi %select_n3A_132, %jit3A_149 : i32
    %ne3A_167 = arith.constant 0 : i32
    %ne3A_168 = arith.cmpi ne, %rem3A_166, %ne3A_167 : i32
    %and3A_169 = arith.andi %ne3A_165, %ne3A_168 : i1
    %sub3A_170 = arith.constant 1 : i32
    %sub3A_171 = arith.subi %div3A_150, %sub3A_170 : i32
    %select_n3A_172 = arith.select %and3A_169, %sub3A_171, %div3A_150 : i32
    %mul3A_173 = arith.constant 56 : i32
    %mul3A_174 = arith.muli %select_n3A_108, %mul3A_173 : i32
    %dma_start3A_175 = arith.constant 1 : i32
    %dma_start3A_176 = arith.constant 0 : i32
    %dma_start3A_177 = arith.constant 0 : i32
    %dma_start3A_178 = tpu.memref_slice %arg8[%dma_start3A_175, %dma_start3A_176, %dma_start3A_177] : memref<2x56x224xf32, #tpu.memory_space<vmem>> -> memref<1x56x224xf32, #tpu.memory_space<vmem>>
    %dma_start3A_179 = tpu.memref_squeeze %dma_start3A_178 : memref<1x56x224xf32, #tpu.memory_space<vmem>> -> memref<56x224xf32, #tpu.memory_space<vmem>>
    %dma_start3A_180 = arith.constant 0 : i32
    %dma_start3A_181 = tpu.memref_slice %arg2[%select_n3A_172, %select_n3A_148, %mul3A_174, %dma_start3A_180] : memref<8x96x224x224xf32, #tpu.memory_space<hbm>> -> memref<1x1x56x224xf32, #tpu.memory_space<hbm>>
    %dma_start3A_182 = tpu.memref_squeeze %dma_start3A_181 : memref<1x1x56x224xf32, #tpu.memory_space<hbm>> -> memref<56x224xf32, #tpu.memory_space<hbm>>
    %dma_start3A_183 = arith.constant 0 : i32
    %dma_start3A_184 = arith.constant 0 : i32
    %dma_start3A_185 = tpu.memref_slice %arg8[%dma_start3A_175, %dma_start3A_183, %dma_start3A_184] : memref<2x56x224xf32, #tpu.memory_space<vmem>> -> memref<1x56x224xf32, #tpu.memory_space<vmem>>
    %dma_start3A_186 = tpu.memref_squeeze %dma_start3A_185 : memref<1x56x224xf32, #tpu.memory_space<vmem>> -> memref<56x224xf32, #tpu.memory_space<vmem>>
    %dma_start3A_187 = arith.constant 0 : i32
    %dma_start3A_188 = tpu.memref_slice %arg2[%select_n3A_172, %select_n3A_148, %mul3A_174, %dma_start3A_187] : memref<8x96x224x224xf32, #tpu.memory_space<hbm>> -> memref<1x1x56x224xf32, #tpu.memory_space<hbm>>
    %dma_start3A_189 = tpu.memref_squeeze %dma_start3A_188 : memref<1x1x56x224xf32, #tpu.memory_space<hbm>> -> memref<56x224xf32, #tpu.memory_space<hbm>>
    tpu.enqueue_dma source(%dma_start3A_189 : memref<56x224xf32, #tpu.memory_space<hbm>>) target(%dma_start3A_186 : memref<56x224xf32, #tpu.memory_space<vmem>>) target_semaphore(%arg15 : memref<!tpu.dma_semaphore, #tpu.memory_space<semaphore_mem>>)
    tpu.wait_dma2 semaphore(%arg18 : memref<!tpu.dma_semaphore, #tpu.memory_space<semaphore_mem>>) src(%arg3 : memref<3072xf32, #tpu.memory_space<hbm>>) dst(%arg10 : memref<3072xf32, #tpu.memory_space<vmem>>)
    tpu.wait_dma2 semaphore(%arg18 : memref<!tpu.dma_semaphore, #tpu.memory_space<semaphore_mem>>) src(%arg4 : memref<3072xf32, #tpu.memory_space<hbm>>) dst(%arg11 : memref<3072xf32, #tpu.memory_space<vmem>>)
    tpu.wait_dma2 semaphore(%arg18 : memref<!tpu.dma_semaphore, #tpu.memory_space<semaphore_mem>>) src(%arg5 : memref<128xf32, #tpu.memory_space<hbm>>) dst(%arg12 : memref<128xf32, #tpu.memory_space<vmem>>)
    tpu.wait_dma2 semaphore(%arg18 : memref<!tpu.dma_semaphore, #tpu.memory_space<semaphore_mem>>) src(%arg6 : memref<128xf32, #tpu.memory_space<hbm>>) dst(%arg13 : memref<128xf32, #tpu.memory_space<vmem>>)
    %scan3A = arith.constant 0 : i32
    %scan3A_190 = arith.constant 48 : i32
    %scan3A_191 = arith.addi %scan3A, %scan3A_190 : i32
    %scan3A_192 = arith.constant 1 : i32
    scf.for %scan3A_399 = %scan3A to %scan3A_191 step %scan3A_192  : i32 {
      %mul3A_400 = arith.constant 1 : i32
      %mul3A_401 = arith.muli %scan3A_399, %mul3A_400 : i32
      %add3A_402 = arith.constant 0 : i32
      %add3A_403 = arith.addi %add3A_402, %mul3A_401 : i32
      %mul3A_404 = arith.constant 2 : i32
      %mul3A_405 = arith.muli %mul3A_404, %add3A_403 : i32
      %add3A_406 = arith.addi %mul3A_2, %mul3A_405 : i32
      %add3A_407 = arith.constant 0 : i32
      %add3A_408 = arith.addi %add3A_406, %add3A_407 : i32
      %jit3A_409 = arith.constant 4 : i32
      %eq3A_410 = arith.constant 0 : i32
      %eq3A_411 = arith.cmpi eq, %jit3A_409, %eq3A_410 : i32
      %jit3A_412 = arith.constant 1 : i32
      %select_n3A_413 = arith.select %eq3A_411, %jit3A_412, %jit3A_409 : i32
      %rem3A_414 = arith.remsi %add3A_408, %select_n3A_413 : i32
      %ne3A_415 = arith.constant 0 : i32
      %ne3A_416 = arith.cmpi ne, %rem3A_414, %ne3A_415 : i32
      %lt3A_417 = arith.constant 0 : i32
      %lt3A_418 = arith.cmpi slt, %rem3A_414, %lt3A_417 : i32
      %lt3A_419 = arith.constant 0 : i32
      %lt3A_420 = arith.cmpi slt, %select_n3A_413, %lt3A_419 : i32
      %ne3A_421 = arith.xori %lt3A_418, %lt3A_420 : i1
      %and3A_422 = arith.andi %ne3A_421, %ne3A_416 : i1
      %add3A_423 = arith.addi %rem3A_414, %select_n3A_413 : i32
      %select_n3A_424 = arith.select %and3A_422, %add3A_423, %rem3A_414 : i32
      %jit3A_425 = arith.constant 4 : i32
      %div3A_426 = arith.divsi %add3A_408, %jit3A_425 : i32
      %sign3A_427 = arith.constant 0 : i32
      %sign3A_428 = arith.cmpi sgt, %add3A_408, %sign3A_427 : i32
      %sign3A_429 = arith.extui %sign3A_428 : i1 to i32
      %sign3A_430 = arith.constant 0 : i32
      %sign3A_431 = arith.cmpi slt, %add3A_408, %sign3A_430 : i32
      %sign3A_432 = arith.extui %sign3A_431 : i1 to i32
      %sign3A_433 = arith.subi %sign3A_429, %sign3A_432 : i32
      %sign3A_434 = arith.constant 0 : i32
      %sign3A_435 = arith.cmpi sgt, %jit3A_425, %sign3A_434 : i32
      %sign3A_436 = arith.extui %sign3A_435 : i1 to i32
      %sign3A_437 = arith.constant 0 : i32
      %sign3A_438 = arith.cmpi slt, %jit3A_425, %sign3A_437 : i32
      %sign3A_439 = arith.extui %sign3A_438 : i1 to i32
      %sign3A_440 = arith.subi %sign3A_436, %sign3A_439 : i32
      %ne3A_441 = arith.cmpi ne, %sign3A_433, %sign3A_440 : i32
      %rem3A_442 = arith.remsi %add3A_408, %jit3A_425 : i32
      %ne3A_443 = arith.constant 0 : i32
      %ne3A_444 = arith.cmpi ne, %rem3A_442, %ne3A_443 : i32
      %and3A_445 = arith.andi %ne3A_441, %ne3A_444 : i1
      %sub3A_446 = arith.constant 1 : i32
      %sub3A_447 = arith.subi %div3A_426, %sub3A_446 : i32
      %select_n3A_448 = arith.select %and3A_445, %sub3A_447, %div3A_426 : i32
      %jit3A_449 = arith.constant 96 : i32
      %eq3A_450 = arith.constant 0 : i32
      %eq3A_451 = arith.cmpi eq, %jit3A_449, %eq3A_450 : i32
      %jit3A_452 = arith.constant 1 : i32
      %select_n3A_453 = arith.select %eq3A_451, %jit3A_452, %jit3A_449 : i32
      %rem3A_454 = arith.remsi %select_n3A_448, %select_n3A_453 : i32
      %ne3A_455 = arith.constant 0 : i32
      %ne3A_456 = arith.cmpi ne, %rem3A_454, %ne3A_455 : i32
      %lt3A_457 = arith.constant 0 : i32
      %lt3A_458 = arith.cmpi slt, %rem3A_454, %lt3A_457 : i32
      %lt3A_459 = arith.constant 0 : i32
      %lt3A_460 = arith.cmpi slt, %select_n3A_453, %lt3A_459 : i32
      %ne3A_461 = arith.xori %lt3A_458, %lt3A_460 : i1
      %and3A_462 = arith.andi %ne3A_461, %ne3A_456 : i1
      %add3A_463 = arith.addi %rem3A_454, %select_n3A_453 : i32
      %select_n3A_464 = arith.select %and3A_462, %add3A_463, %rem3A_454 : i32
      %jit3A_465 = arith.constant 96 : i32
      %div3A_466 = arith.divsi %select_n3A_448, %jit3A_465 : i32
      %sign3A_467 = arith.constant 0 : i32
      %sign3A_468 = arith.cmpi sgt, %select_n3A_448, %sign3A_467 : i32
      %sign3A_469 = arith.extui %sign3A_468 : i1 to i32
      %sign3A_470 = arith.constant 0 : i32
      %sign3A_471 = arith.cmpi slt, %select_n3A_448, %sign3A_470 : i32
      %sign3A_472 = arith.extui %sign3A_471 : i1 to i32
      %sign3A_473 = arith.subi %sign3A_469, %sign3A_472 : i32
      %sign3A_474 = arith.constant 0 : i32
      %sign3A_475 = arith.cmpi sgt, %jit3A_465, %sign3A_474 : i32
      %sign3A_476 = arith.extui %sign3A_475 : i1 to i32
      %sign3A_477 = arith.constant 0 : i32
      %sign3A_478 = arith.cmpi slt, %jit3A_465, %sign3A_477 : i32
      %sign3A_479 = arith.extui %sign3A_478 : i1 to i32
      %sign3A_480 = arith.subi %sign3A_476, %sign3A_479 : i32
      %ne3A_481 = arith.cmpi ne, %sign3A_473, %sign3A_480 : i32
      %rem3A_482 = arith.remsi %select_n3A_448, %jit3A_465 : i32
      %ne3A_483 = arith.constant 0 : i32
      %ne3A_484 = arith.cmpi ne, %rem3A_482, %ne3A_483 : i32
      %and3A_485 = arith.andi %ne3A_481, %ne3A_484 : i1
      %sub3A_486 = arith.constant 1 : i32
      %sub3A_487 = arith.subi %div3A_466, %sub3A_486 : i32
      %select_n3A_488 = arith.select %and3A_485, %sub3A_487, %div3A_466 : i32
      %mul3A_489 = arith.constant 56 : i32
      %mul3A_490 = arith.muli %select_n3A_424, %mul3A_489 : i32
      %dma_wait3A_491 = arith.constant 0 : i32
      %dma_wait3A_492 = arith.constant 0 : i32
      %dma_wait3A_493 = arith.constant 0 : i32
      %dma_wait3A_494 = tpu.memref_slice %arg8[%dma_wait3A_491, %dma_wait3A_492, %dma_wait3A_493] : memref<2x56x224xf32, #tpu.memory_space<vmem>> -> memref<1x56x224xf32, #tpu.memory_space<vmem>>
      %dma_wait3A_495 = tpu.memref_squeeze %dma_wait3A_494 : memref<1x56x224xf32, #tpu.memory_space<vmem>> -> memref<56x224xf32, #tpu.memory_space<vmem>>
      %dma_wait3A_496 = arith.constant 0 : i32
      %dma_wait3A_497 = tpu.memref_slice %arg2[%select_n3A_488, %select_n3A_464, %mul3A_490, %dma_wait3A_496] : memref<8x96x224x224xf32, #tpu.memory_space<hbm>> -> memref<1x1x56x224xf32, #tpu.memory_space<hbm>>
      %dma_wait3A_498 = tpu.memref_squeeze %dma_wait3A_497 : memref<1x1x56x224xf32, #tpu.memory_space<hbm>> -> memref<56x224xf32, #tpu.memory_space<hbm>>
      %dma_wait3A_499 = arith.constant 0 : i32
      %dma_wait3A_500 = arith.constant 0 : i32
      %dma_wait3A_501 = tpu.memref_slice %arg8[%dma_wait3A_491, %dma_wait3A_499, %dma_wait3A_500] : memref<2x56x224xf32, #tpu.memory_space<vmem>> -> memref<1x56x224xf32, #tpu.memory_space<vmem>>
      %dma_wait3A_502 = tpu.memref_squeeze %dma_wait3A_501 : memref<1x56x224xf32, #tpu.memory_space<vmem>> -> memref<56x224xf32, #tpu.memory_space<vmem>>
      %dma_wait3A_503 = arith.constant 0 : i32
      %dma_wait3A_504 = tpu.memref_slice %arg2[%select_n3A_488, %select_n3A_464, %mul3A_490, %dma_wait3A_503] : memref<8x96x224x224xf32, #tpu.memory_space<hbm>> -> memref<1x1x56x224xf32, #tpu.memory_space<hbm>>
      %dma_wait3A_505 = tpu.memref_squeeze %dma_wait3A_504 : memref<1x1x56x224xf32, #tpu.memory_space<hbm>> -> memref<56x224xf32, #tpu.memory_space<hbm>>
      tpu.wait_dma2 semaphore(%arg14 : memref<!tpu.dma_semaphore, #tpu.memory_space<semaphore_mem>>) src(%dma_wait3A_505 : memref<56x224xf32, #tpu.memory_space<hbm>>) dst(%dma_wait3A_502 : memref<56x224xf32, #tpu.memory_space<vmem>>)
      %ge3A = arith.constant 1 : i32
      %ge3A_506 = arith.cmpi sge, %add3A_403, %ge3A : i32
      %convert_element_type3A = arith.extui %ge3A_506 : i1 to i32
      %cond3A = arith.constant 0 : i32
      %cond3A_507 = arith.cmpi ne, %convert_element_type3A, %cond3A : i32
      scf.if %cond3A_507 {
        %sub3A_914 = arith.constant 2 : i32
        %sub3A_915 = arith.subi %add3A_408, %sub3A_914 : i32
        %jit3A_916 = arith.constant 4 : i32
        %eq3A_917 = arith.constant 0 : i32
        %eq3A_918 = arith.cmpi eq, %jit3A_916, %eq3A_917 : i32
        %jit3A_919 = arith.constant 1 : i32
        %select_n3A_920 = arith.select %eq3A_918, %jit3A_919, %jit3A_916 : i32
        %rem3A_921 = arith.remsi %sub3A_915, %select_n3A_920 : i32
        %ne3A_922 = arith.constant 0 : i32
        %ne3A_923 = arith.cmpi ne, %rem3A_921, %ne3A_922 : i32
        %lt3A_924 = arith.constant 0 : i32
        %lt3A_925 = arith.cmpi slt, %rem3A_921, %lt3A_924 : i32
        %lt3A_926 = arith.constant 0 : i32
        %lt3A_927 = arith.cmpi slt, %select_n3A_920, %lt3A_926 : i32
        %ne3A_928 = arith.xori %lt3A_925, %lt3A_927 : i1
        %and3A_929 = arith.andi %ne3A_928, %ne3A_923 : i1
        %add3A_930 = arith.addi %rem3A_921, %select_n3A_920 : i32
        %select_n3A_931 = arith.select %and3A_929, %add3A_930, %rem3A_921 : i32
        %jit3A_932 = arith.constant 4 : i32
        %div3A_933 = arith.divsi %sub3A_915, %jit3A_932 : i32
        %sign3A_934 = arith.constant 0 : i32
        %sign3A_935 = arith.cmpi sgt, %sub3A_915, %sign3A_934 : i32
        %sign3A_936 = arith.extui %sign3A_935 : i1 to i32
        %sign3A_937 = arith.constant 0 : i32
        %sign3A_938 = arith.cmpi slt, %sub3A_915, %sign3A_937 : i32
        %sign3A_939 = arith.extui %sign3A_938 : i1 to i32
        %sign3A_940 = arith.subi %sign3A_936, %sign3A_939 : i32
        %sign3A_941 = arith.constant 0 : i32
        %sign3A_942 = arith.cmpi sgt, %jit3A_932, %sign3A_941 : i32
        %sign3A_943 = arith.extui %sign3A_942 : i1 to i32
        %sign3A_944 = arith.constant 0 : i32
        %sign3A_945 = arith.cmpi slt, %jit3A_932, %sign3A_944 : i32
        %sign3A_946 = arith.extui %sign3A_945 : i1 to i32
        %sign3A_947 = arith.subi %sign3A_943, %sign3A_946 : i32
        %ne3A_948 = arith.cmpi ne, %sign3A_940, %sign3A_947 : i32
        %rem3A_949 = arith.remsi %sub3A_915, %jit3A_932 : i32
        %ne3A_950 = arith.constant 0 : i32
        %ne3A_951 = arith.cmpi ne, %rem3A_949, %ne3A_950 : i32
        %and3A_952 = arith.andi %ne3A_948, %ne3A_951 : i1
        %sub3A_953 = arith.constant 1 : i32
        %sub3A_954 = arith.subi %div3A_933, %sub3A_953 : i32
        %select_n3A_955 = arith.select %and3A_952, %sub3A_954, %div3A_933 : i32
        %jit3A_956 = arith.constant 96 : i32
        %eq3A_957 = arith.constant 0 : i32
        %eq3A_958 = arith.cmpi eq, %jit3A_956, %eq3A_957 : i32
        %jit3A_959 = arith.constant 1 : i32
        %select_n3A_960 = arith.select %eq3A_958, %jit3A_959, %jit3A_956 : i32
        %rem3A_961 = arith.remsi %select_n3A_955, %select_n3A_960 : i32
        %ne3A_962 = arith.constant 0 : i32
        %ne3A_963 = arith.cmpi ne, %rem3A_961, %ne3A_962 : i32
        %lt3A_964 = arith.constant 0 : i32
        %lt3A_965 = arith.cmpi slt, %rem3A_961, %lt3A_964 : i32
        %lt3A_966 = arith.constant 0 : i32
        %lt3A_967 = arith.cmpi slt, %select_n3A_960, %lt3A_966 : i32
        %ne3A_968 = arith.xori %lt3A_965, %lt3A_967 : i1
        %and3A_969 = arith.andi %ne3A_968, %ne3A_963 : i1
        %add3A_970 = arith.addi %rem3A_961, %select_n3A_960 : i32
        %select_n3A_971 = arith.select %and3A_969, %add3A_970, %rem3A_961 : i32
        %jit3A_972 = arith.constant 96 : i32
        %div3A_973 = arith.divsi %select_n3A_955, %jit3A_972 : i32
        %sign3A_974 = arith.constant 0 : i32
        %sign3A_975 = arith.cmpi sgt, %select_n3A_955, %sign3A_974 : i32
        %sign3A_976 = arith.extui %sign3A_975 : i1 to i32
        %sign3A_977 = arith.constant 0 : i32
        %sign3A_978 = arith.cmpi slt, %select_n3A_955, %sign3A_977 : i32
        %sign3A_979 = arith.extui %sign3A_978 : i1 to i32
        %sign3A_980 = arith.subi %sign3A_976, %sign3A_979 : i32
        %sign3A_981 = arith.constant 0 : i32
        %sign3A_982 = arith.cmpi sgt, %jit3A_972, %sign3A_981 : i32
        %sign3A_983 = arith.extui %sign3A_982 : i1 to i32
        %sign3A_984 = arith.constant 0 : i32
        %sign3A_985 = arith.cmpi slt, %jit3A_972, %sign3A_984 : i32
        %sign3A_986 = arith.extui %sign3A_985 : i1 to i32
        %sign3A_987 = arith.subi %sign3A_983, %sign3A_986 : i32
        %ne3A_988 = arith.cmpi ne, %sign3A_980, %sign3A_987 : i32
        %rem3A_989 = arith.remsi %select_n3A_955, %jit3A_972 : i32
        %ne3A_990 = arith.constant 0 : i32
        %ne3A_991 = arith.cmpi ne, %rem3A_989, %ne3A_990 : i32
        %and3A_992 = arith.andi %ne3A_988, %ne3A_991 : i1
        %sub3A_993 = arith.constant 1 : i32
        %sub3A_994 = arith.subi %div3A_973, %sub3A_993 : i32
        %select_n3A_995 = arith.select %and3A_992, %sub3A_994, %div3A_973 : i32
        %mul3A_996 = arith.constant 56 : i32
        %mul3A_997 = arith.muli %select_n3A_931, %mul3A_996 : i32
        %dma_wait3A_998 = arith.constant 0 : i32
        %dma_wait3A_999 = arith.constant 0 : i32
        %dma_wait3A_1000 = arith.constant 0 : i32
        %dma_wait3A_1001 = tpu.memref_slice %arg9[%dma_wait3A_998, %dma_wait3A_999, %dma_wait3A_1000] : memref<2x56x224xf32, #tpu.memory_space<vmem>> -> memref<1x56x224xf32, #tpu.memory_space<vmem>>
        %dma_wait3A_1002 = tpu.memref_squeeze %dma_wait3A_1001 : memref<1x56x224xf32, #tpu.memory_space<vmem>> -> memref<56x224xf32, #tpu.memory_space<vmem>>
        %dma_wait3A_1003 = arith.constant 0 : i32
        %dma_wait3A_1004 = tpu.memref_slice %arg7[%select_n3A_995, %select_n3A_971, %mul3A_997, %dma_wait3A_1003] : memref<8x96x224x224xf32, #tpu.memory_space<hbm>> -> memref<1x1x56x224xf32, #tpu.memory_space<hbm>>
        %dma_wait3A_1005 = tpu.memref_squeeze %dma_wait3A_1004 : memref<1x1x56x224xf32, #tpu.memory_space<hbm>> -> memref<56x224xf32, #tpu.memory_space<hbm>>
        %dma_wait3A_1006 = arith.constant 0 : i32
        %dma_wait3A_1007 = tpu.memref_slice %arg7[%select_n3A_995, %select_n3A_971, %mul3A_997, %dma_wait3A_1006] : memref<8x96x224x224xf32, #tpu.memory_space<hbm>> -> memref<1x1x56x224xf32, #tpu.memory_space<hbm>>
        %dma_wait3A_1008 = tpu.memref_squeeze %dma_wait3A_1007 : memref<1x1x56x224xf32, #tpu.memory_space<hbm>> -> memref<56x224xf32, #tpu.memory_space<hbm>>
        %dma_wait3A_1009 = arith.constant 0 : i32
        %dma_wait3A_1010 = arith.constant 0 : i32
        %dma_wait3A_1011 = tpu.memref_slice %arg9[%dma_wait3A_998, %dma_wait3A_1009, %dma_wait3A_1010] : memref<2x56x224xf32, #tpu.memory_space<vmem>> -> memref<1x56x224xf32, #tpu.memory_space<vmem>>
        %dma_wait3A_1012 = tpu.memref_squeeze %dma_wait3A_1011 : memref<1x56x224xf32, #tpu.memory_space<vmem>> -> memref<56x224xf32, #tpu.memory_space<vmem>>
        tpu.wait_dma2 semaphore(%arg16 : memref<!tpu.dma_semaphore, #tpu.memory_space<semaphore_mem>>) src(%dma_wait3A_1012 : memref<56x224xf32, #tpu.memory_space<vmem>>) dst(%dma_wait3A_1008 : memref<56x224xf32, #tpu.memory_space<hbm>>)
      } else {
      }
      %jit3A_508 = arith.constant 4 : i32
      %div3A_509 = arith.divsi %add3A_408, %jit3A_508 : i32
      %sign3A_510 = arith.constant 0 : i32
      %sign3A_511 = arith.cmpi sgt, %add3A_408, %sign3A_510 : i32
      %sign3A_512 = arith.extui %sign3A_511 : i1 to i32
      %sign3A_513 = arith.constant 0 : i32
      %sign3A_514 = arith.cmpi slt, %add3A_408, %sign3A_513 : i32
      %sign3A_515 = arith.extui %sign3A_514 : i1 to i32
      %sign3A_516 = arith.subi %sign3A_512, %sign3A_515 : i32
      %sign3A_517 = arith.constant 0 : i32
      %sign3A_518 = arith.cmpi sgt, %jit3A_508, %sign3A_517 : i32
      %sign3A_519 = arith.extui %sign3A_518 : i1 to i32
      %sign3A_520 = arith.constant 0 : i32
      %sign3A_521 = arith.cmpi slt, %jit3A_508, %sign3A_520 : i32
      %sign3A_522 = arith.extui %sign3A_521 : i1 to i32
      %sign3A_523 = arith.subi %sign3A_519, %sign3A_522 : i32
      %ne3A_524 = arith.cmpi ne, %sign3A_516, %sign3A_523 : i32
      %rem3A_525 = arith.remsi %add3A_408, %jit3A_508 : i32
      %ne3A_526 = arith.constant 0 : i32
      %ne3A_527 = arith.cmpi ne, %rem3A_525, %ne3A_526 : i32
      %and3A_528 = arith.andi %ne3A_524, %ne3A_527 : i1
      %sub3A_529 = arith.constant 1 : i32
      %sub3A_530 = arith.subi %div3A_509, %sub3A_529 : i32
      %select_n3A_531 = arith.select %and3A_528, %sub3A_530, %div3A_509 : i32
      %jit3A_532 = arith.constant 96 : i32
      %eq3A_533 = arith.constant 0 : i32
      %eq3A_534 = arith.cmpi eq, %jit3A_532, %eq3A_533 : i32
      %jit3A_535 = arith.constant 1 : i32
      %select_n3A_536 = arith.select %eq3A_534, %jit3A_535, %jit3A_532 : i32
      %rem3A_537 = arith.remsi %select_n3A_531, %select_n3A_536 : i32
      %ne3A_538 = arith.constant 0 : i32
      %ne3A_539 = arith.cmpi ne, %rem3A_537, %ne3A_538 : i32
      %lt3A_540 = arith.constant 0 : i32
      %lt3A_541 = arith.cmpi slt, %rem3A_537, %lt3A_540 : i32
      %lt3A_542 = arith.constant 0 : i32
      %lt3A_543 = arith.cmpi slt, %select_n3A_536, %lt3A_542 : i32
      %ne3A_544 = arith.xori %lt3A_541, %lt3A_543 : i1
      %and3A_545 = arith.andi %ne3A_544, %ne3A_539 : i1
      %add3A_546 = arith.addi %rem3A_537, %select_n3A_536 : i32
      %select_n3A_547 = arith.select %and3A_545, %add3A_546, %rem3A_537 : i32
      %broadcast_in_dim3A = vector.broadcast %select_n3A_547 : i32 to vector<16xi32>
      %gather3A = tpu.vector_load_idx %arg12[%broadcast_in_dim3A] : memref<128xf32, #tpu.memory_space<vmem>>[vector<16xi32>], vector<16xf32>,
      %gather3A_548 = tpu.vector_load_idx %arg13[%broadcast_in_dim3A] : memref<128xf32, #tpu.memory_space<vmem>>[vector<16xi32>], vector<16xf32>,
      %mul3A_549 = arith.constant 32 : i32
      %mul3A_550 = vector.broadcast %mul3A_549 : i32 to vector<16xi32>
      %mul3A_551 = arith.muli %broadcast_in_dim3A, %mul3A_550 : vector<16xi32>
      %parallel_loop3A = arith.constant 0 : i32
      %parallel_loop3A_552 = arith.constant 56 : i32
      %parallel_loop3A_553 = arith.constant 1 : i32
      scf.for %parallel_loop3A_914 = %parallel_loop3A to %parallel_loop3A_552 step %parallel_loop3A_553  : i32 {
        %parallel_loop3A_915 = arith.constant 0 : i32
        %parallel_loop3A_916 = arith.index_cast %parallel_loop3A_915 : i32 to index
        %parallel_loop3A_917 = arith.index_cast %parallel_loop3A_914 : i32 to index
        %parallel_loop3A_918 = arith.constant 0 : index
        %parallel_loop3A_919 = tpu.vector_load %arg8[%parallel_loop3A_916, %parallel_loop3A_917, %parallel_loop3A_918] {strides = array<i32>} : memref<2x56x224xf32, #tpu.memory_space<vmem>>, vector<16xf32>,
        %parallel_loop3A_920 = arith.subf %parallel_loop3A_919, %gather3A : vector<16xf32>
        %parallel_loop3A_921 = arith.mulf %parallel_loop3A_920, %gather3A_548 : vector<16xf32>
        %parallel_loop3A_922 = arith.constant 0.000000e+00 : f32
        %parallel_loop3A_923 = vector.broadcast %parallel_loop3A_922 : f32 to vector<16xf32>
        %parallel_loop3A_924 = arith.maximumf %parallel_loop3A_921, %parallel_loop3A_923 : vector<16xf32>
        %parallel_loop3A_925 = arith.constant 1.701000e+01 : f32
        %parallel_loop3A_926 = vector.broadcast %parallel_loop3A_925 : f32 to vector<16xf32>
        %parallel_loop3A_927 = arith.minimumf %parallel_loop3A_924, %parallel_loop3A_926 : vector<16xf32>
        %parallel_loop3A_928 = arith.fptosi %parallel_loop3A_927 : vector<16xf32> to vector<16xi32>
        %parallel_loop3A_929 = arith.addi %parallel_loop3A_928, %mul3A_551 : vector<16xi32>
        %parallel_loop3A_930 = tpu.vector_load_idx %arg10[%parallel_loop3A_929] : memref<3072xf32, #tpu.memory_space<vmem>>[vector<16xi32>], vector<16xf32>,
        %parallel_loop3A_931 = tpu.vector_load_idx %arg11[%parallel_loop3A_929] : memref<3072xf32, #tpu.memory_space<vmem>>[vector<16xi32>], vector<16xf32>,
        %parallel_loop3A_932 = arith.mulf %parallel_loop3A_919, %parallel_loop3A_931 : vector<16xf32>
        %parallel_loop3A_933 = arith.addf %parallel_loop3A_930, %parallel_loop3A_932 : vector<16xf32>
        %parallel_loop3A_934 = arith.constant 0 : i32
        %parallel_loop3A_935 = arith.index_cast %parallel_loop3A_934 : i32 to index
        %parallel_loop3A_936 = arith.index_cast %parallel_loop3A_914 : i32 to index
        %parallel_loop3A_937 = arith.constant 0 : index
        %parallel_loop3A_938 = tpu.vector_load %arg9[%parallel_loop3A_935, %parallel_loop3A_936, %parallel_loop3A_937] {strides = array<i32>} : memref<2x56x224xf32, #tpu.memory_space<vmem>>, vector<16xf32>,
        tpu.vector_store %arg9[%parallel_loop3A_935, %parallel_loop3A_936, %parallel_loop3A_937], %parallel_loop3A_933 {strides = array<i32>} : memref<2x56x224xf32, #tpu.memory_space<vmem>>, vector<16xf32>,
        %parallel_loop3A_939 = arith.constant 0 : i32
        %parallel_loop3A_940 = arith.index_cast %parallel_loop3A_939 : i32 to index
        %parallel_loop3A_941 = arith.index_cast %parallel_loop3A_914 : i32 to index
        %parallel_loop3A_942 = arith.constant 16 : index
        %parallel_loop3A_943 = tpu.vector_load %arg8[%parallel_loop3A_940, %parallel_loop3A_941, %parallel_loop3A_942] {strides = array<i32>} : memref<2x56x224xf32, #tpu.memory_space<vmem>>, vector<16xf32>,
        %parallel_loop3A_944 = arith.subf %parallel_loop3A_943, %gather3A : vector<16xf32>
        %parallel_loop3A_945 = arith.mulf %parallel_loop3A_944, %gather3A_548 : vector<16xf32>
        %parallel_loop3A_946 = arith.constant 0.000000e+00 : f32
        %parallel_loop3A_947 = vector.broadcast %parallel_loop3A_946 : f32 to vector<16xf32>
        %parallel_loop3A_948 = arith.maximumf %parallel_loop3A_945, %parallel_loop3A_947 : vector<16xf32>
        %parallel_loop3A_949 = arith.constant 1.701000e+01 : f32
        %parallel_loop3A_950 = vector.broadcast %parallel_loop3A_949 : f32 to vector<16xf32>
        %parallel_loop3A_951 = arith.minimumf %parallel_loop3A_948, %parallel_loop3A_950 : vector<16xf32>
        %parallel_loop3A_952 = arith.fptosi %parallel_loop3A_951 : vector<16xf32> to vector<16xi32>
        %parallel_loop3A_953 = arith.addi %parallel_loop3A_952, %mul3A_551 : vector<16xi32>
        %parallel_loop3A_954 = tpu.vector_load_idx %arg10[%parallel_loop3A_953] : memref<3072xf32, #tpu.memory_space<vmem>>[vector<16xi32>], vector<16xf32>,
        %parallel_loop3A_955 = tpu.vector_load_idx %arg11[%parallel_loop3A_953] : memref<3072xf32, #tpu.memory_space<vmem>>[vector<16xi32>], vector<16xf32>,
        %parallel_loop3A_956 = arith.mulf %parallel_loop3A_943, %parallel_loop3A_955 : vector<16xf32>
        %parallel_loop3A_957 = arith.addf %parallel_loop3A_954, %parallel_loop3A_956 : vector<16xf32>
        %parallel_loop3A_958 = arith.constant 0 : i32
        %parallel_loop3A_959 = arith.index_cast %parallel_loop3A_958 : i32 to index
        %parallel_loop3A_960 = arith.index_cast %parallel_loop3A_914 : i32 to index
        %parallel_loop3A_961 = arith.constant 16 : index
        %parallel_loop3A_962 = tpu.vector_load %arg9[%parallel_loop3A_959, %parallel_loop3A_960, %parallel_loop3A_961] {strides = array<i32>} : memref<2x56x224xf32, #tpu.memory_space<vmem>>, vector<16xf32>,
        tpu.vector_store %arg9[%parallel_loop3A_959, %parallel_loop3A_960, %parallel_loop3A_961], %parallel_loop3A_957 {strides = array<i32>} : memref<2x56x224xf32, #tpu.memory_space<vmem>>, vector<16xf32>,
        %parallel_loop3A_963 = arith.constant 0 : i32
        %parallel_loop3A_964 = arith.index_cast %parallel_loop3A_963 : i32 to index
        %parallel_loop3A_965 = arith.index_cast %parallel_loop3A_914 : i32 to index
        %parallel_loop3A_966 = arith.constant 32 : index
        %parallel_loop3A_967 = tpu.vector_load %arg8[%parallel_loop3A_964, %parallel_loop3A_965, %parallel_loop3A_966] {strides = array<i32>} : memref<2x56x224xf32, #tpu.memory_space<vmem>>, vector<16xf32>,
        %parallel_loop3A_968 = arith.subf %parallel_loop3A_967, %gather3A : vector<16xf32>
        %parallel_loop3A_969 = arith.mulf %parallel_loop3A_968, %gather3A_548 : vector<16xf32>
        %parallel_loop3A_970 = arith.constant 0.000000e+00 : f32
        %parallel_loop3A_971 = vector.broadcast %parallel_loop3A_970 : f32 to vector<16xf32>
        %parallel_loop3A_972 = arith.maximumf %parallel_loop3A_969, %parallel_loop3A_971 : vector<16xf32>
        %parallel_loop3A_973 = arith.constant 1.701000e+01 : f32
        %parallel_loop3A_974 = vector.broadcast %parallel_loop3A_973 : f32 to vector<16xf32>
        %parallel_loop3A_975 = arith.minimumf %parallel_loop3A_972, %parallel_loop3A_974 : vector<16xf32>
        %parallel_loop3A_976 = arith.fptosi %parallel_loop3A_975 : vector<16xf32> to vector<16xi32>
        %parallel_loop3A_977 = arith.addi %parallel_loop3A_976, %mul3A_551 : vector<16xi32>
        %parallel_loop3A_978 = tpu.vector_load_idx %arg10[%parallel_loop3A_977] : memref<3072xf32, #tpu.memory_space<vmem>>[vector<16xi32>], vector<16xf32>,
        %parallel_loop3A_979 = tpu.vector_load_idx %arg11[%parallel_loop3A_977] : memref<3072xf32, #tpu.memory_space<vmem>>[vector<16xi32>], vector<16xf32>,
        %parallel_loop3A_980 = arith.mulf %parallel_loop3A_967, %parallel_loop3A_979 : vector<16xf32>
        %parallel_loop3A_981 = arith.addf %parallel_loop3A_978, %parallel_loop3A_980 : vector<16xf32>
        %parallel_loop3A_982 = arith.constant 0 : i32
        %parallel_loop3A_983 = arith.index_cast %parallel_loop3A_982 : i32 to index
        %parallel_loop3A_984 = arith.index_cast %parallel_loop3A_914 : i32 to index
        %parallel_loop3A_985 = arith.constant 32 : index
        %parallel_loop3A_986 = tpu.vector_load %arg9[%parallel_loop3A_983, %parallel_loop3A_984, %parallel_loop3A_985] {strides = array<i32>} : memref<2x56x224xf32, #tpu.memory_space<vmem>>, vector<16xf32>,
        tpu.vector_store %arg9[%parallel_loop3A_983, %parallel_loop3A_984, %parallel_loop3A_985], %parallel_loop3A_981 {strides = array<i32>} : memref<2x56x224xf32, #tpu.memory_space<vmem>>, vector<16xf32>,
        %parallel_loop3A_987 = arith.constant 0 : i32
        %parallel_loop3A_988 = arith.index_cast %parallel_loop3A_987 : i32 to index
        %parallel_loop3A_989 = arith.index_cast %parallel_loop3A_914 : i32 to index
        %parallel_loop3A_990 = arith.constant 48 : index
        %parallel_loop3A_991 = tpu.vector_load %arg8[%parallel_loop3A_988, %parallel_loop3A_989, %parallel_loop3A_990] {strides = array<i32>} : memref<2x56x224xf32, #tpu.memory_space<vmem>>, vector<16xf32>,
        %parallel_loop3A_992 = arith.subf %parallel_loop3A_991, %gather3A : vector<16xf32>
        %parallel_loop3A_993 = arith.mulf %parallel_loop3A_992, %gather3A_548 : vector<16xf32>
        %parallel_loop3A_994 = arith.constant 0.000000e+00 : f32
        %parallel_loop3A_995 = vector.broadcast %parallel_loop3A_994 : f32 to vector<16xf32>
        %parallel_loop3A_996 = arith.maximumf %parallel_loop3A_993, %parallel_loop3A_995 : vector<16xf32>
        %parallel_loop3A_997 = arith.constant 1.701000e+01 : f32
        %parallel_loop3A_998 = vector.broadcast %parallel_loop3A_997 : f32 to vector<16xf32>
        %parallel_loop3A_999 = arith.minimumf %parallel_loop3A_996, %parallel_loop3A_998 : vector<16xf32>
        %parallel_loop3A_1000 = arith.fptosi %parallel_loop3A_999 : vector<16xf32> to vector<16xi32>
        %parallel_loop3A_1001 = arith.addi %parallel_loop3A_1000, %mul3A_551 : vector<16xi32>
        %parallel_loop3A_1002 = tpu.vector_load_idx %arg10[%parallel_loop3A_1001] : memref<3072xf32, #tpu.memory_space<vmem>>[vector<16xi32>], vector<16xf32>,
        %parallel_loop3A_1003 = tpu.vector_load_idx %arg11[%parallel_loop3A_1001] : memref<3072xf32, #tpu.memory_space<vmem>>[vector<16xi32>], vector<16xf32>,
        %parallel_loop3A_1004 = arith.mulf %parallel_loop3A_991, %parallel_loop3A_1003 : vector<16xf32>
        %parallel_loop3A_1005 = arith.addf %parallel_loop3A_1002, %parallel_loop3A_1004 : vector<16xf32>
        %parallel_loop3A_1006 = arith.constant 0 : i32
        %parallel_loop3A_1007 = arith.index_cast %parallel_loop3A_1006 : i32 to index
        %parallel_loop3A_1008 = arith.index_cast %parallel_loop3A_914 : i32 to index
        %parallel_loop3A_1009 = arith.constant 48 : index
        %parallel_loop3A_1010 = tpu.vector_load %arg9[%parallel_loop3A_1007, %parallel_loop3A_1008, %parallel_loop3A_1009] {strides = array<i32>} : memref<2x56x224xf32, #tpu.memory_space<vmem>>, vector<16xf32>,
        tpu.vector_store %arg9[%parallel_loop3A_1007, %parallel_loop3A_1008, %parallel_loop3A_1009], %parallel_loop3A_1005 {strides = array<i32>} : memref<2x56x224xf32, #tpu.memory_space<vmem>>, vector<16xf32>,
        %parallel_loop3A_1011 = arith.constant 0 : i32
        %parallel_loop3A_1012 = arith.index_cast %parallel_loop3A_1011 : i32 to index
        %parallel_loop3A_1013 = arith.index_cast %parallel_loop3A_914 : i32 to index
        %parallel_loop3A_1014 = arith.constant 64 : index
        %parallel_loop3A_1015 = tpu.vector_load %arg8[%parallel_loop3A_1012, %parallel_loop3A_1013, %parallel_loop3A_1014] {strides = array<i32>} : memref<2x56x224xf32, #tpu.memory_space<vmem>>, vector<16xf32>,
        %parallel_loop3A_1016 = arith.subf %parallel_loop3A_1015, %gather3A : vector<16xf32>
        %parallel_loop3A_1017 = arith.mulf %parallel_loop3A_1016, %gather3A_548 : vector<16xf32>
        %parallel_loop3A_1018 = arith.constant 0.000000e+00 : f32
        %parallel_loop3A_1019 = vector.broadcast %parallel_loop3A_1018 : f32 to vector<16xf32>
        %parallel_loop3A_1020 = arith.maximumf %parallel_loop3A_1017, %parallel_loop3A_1019 : vector<16xf32>
        %parallel_loop3A_1021 = arith.constant 1.701000e+01 : f32
        %parallel_loop3A_1022 = vector.broadcast %parallel_loop3A_1021 : f32 to vector<16xf32>
        %parallel_loop3A_1023 = arith.minimumf %parallel_loop3A_1020, %parallel_loop3A_1022 : vector<16xf32>
        %parallel_loop3A_1024 = arith.fptosi %parallel_loop3A_1023 : vector<16xf32> to vector<16xi32>
        %parallel_loop3A_1025 = arith.addi %parallel_loop3A_1024, %mul3A_551 : vector<16xi32>
        %parallel_loop3A_1026 = tpu.vector_load_idx %arg10[%parallel_loop3A_1025] : memref<3072xf32, #tpu.memory_space<vmem>>[vector<16xi32>], vector<16xf32>,
        %parallel_loop3A_1027 = tpu.vector_load_idx %arg11[%parallel_loop3A_1025] : memref<3072xf32, #tpu.memory_space<vmem>>[vector<16xi32>], vector<16xf32>,
        %parallel_loop3A_1028 = arith.mulf %parallel_loop3A_1015, %parallel_loop3A_1027 : vector<16xf32>
        %parallel_loop3A_1029 = arith.addf %parallel_loop3A_1026, %parallel_loop3A_1028 : vector<16xf32>
        %parallel_loop3A_1030 = arith.constant 0 : i32
        %parallel_loop3A_1031 = arith.index_cast %parallel_loop3A_1030 : i32 to index
        %parallel_loop3A_1032 = arith.index_cast %parallel_loop3A_914 : i32 to index
        %parallel_loop3A_1033 = arith.constant 64 : index
        %parallel_loop3A_1034 = tpu.vector_load %arg9[%parallel_loop3A_1031, %parallel_loop3A_1032, %parallel_loop3A_1033] {strides = array<i32>} : memref<2x56x224xf32, #tpu.memory_space<vmem>>, vector<16xf32>,
        tpu.vector_store %arg9[%parallel_loop3A_1031, %parallel_loop3A_1032, %parallel_loop3A_1033], %parallel_loop3A_1029 {strides = array<i32>} : memref<2x56x224xf32, #tpu.memory_space<vmem>>, vector<16xf32>,
        %parallel_loop3A_1035 = arith.constant 0 : i32
        %parallel_loop3A_1036 = arith.index_cast %parallel_loop3A_1035 : i32 to index
        %parallel_loop3A_1037 = arith.index_cast %parallel_loop3A_914 : i32 to index
        %parallel_loop3A_1038 = arith.constant 80 : index
        %parallel_loop3A_1039 = tpu.vector_load %arg8[%parallel_loop3A_1036, %parallel_loop3A_1037, %parallel_loop3A_1038] {strides = array<i32>} : memref<2x56x224xf32, #tpu.memory_space<vmem>>, vector<16xf32>,
        %parallel_loop3A_1040 = arith.subf %parallel_loop3A_1039, %gather3A : vector<16xf32>
        %parallel_loop3A_1041 = arith.mulf %parallel_loop3A_1040, %gather3A_548 : vector<16xf32>
        %parallel_loop3A_1042 = arith.constant 0.000000e+00 : f32
        %parallel_loop3A_1043 = vector.broadcast %parallel_loop3A_1042 : f32 to vector<16xf32>
        %parallel_loop3A_1044 = arith.maximumf %parallel_loop3A_1041, %parallel_loop3A_1043 : vector<16xf32>
        %parallel_loop3A_1045 = arith.constant 1.701000e+01 : f32
        %parallel_loop3A_1046 = vector.broadcast %parallel_loop3A_1045 : f32 to vector<16xf32>
        %parallel_loop3A_1047 = arith.minimumf %parallel_loop3A_1044, %parallel_loop3A_1046 : vector<16xf32>
        %parallel_loop3A_1048 = arith.fptosi %parallel_loop3A_1047 : vector<16xf32> to vector<16xi32>
        %parallel_loop3A_1049 = arith.addi %parallel_loop3A_1048, %mul3A_551 : vector<16xi32>
        %parallel_loop3A_1050 = tpu.vector_load_idx %arg10[%parallel_loop3A_1049] : memref<3072xf32, #tpu.memory_space<vmem>>[vector<16xi32>], vector<16xf32>,
        %parallel_loop3A_1051 = tpu.vector_load_idx %arg11[%parallel_loop3A_1049] : memref<3072xf32, #tpu.memory_space<vmem>>[vector<16xi32>], vector<16xf32>,
        %parallel_loop3A_1052 = arith.mulf %parallel_loop3A_1039, %parallel_loop3A_1051 : vector<16xf32>
        %parallel_loop3A_1053 = arith.addf %parallel_loop3A_1050, %parallel_loop3A_1052 : vector<16xf32>
        %parallel_loop3A_1054 = arith.constant 0 : i32
        %parallel_loop3A_1055 = arith.index_cast %parallel_loop3A_1054 : i32 to index
        %parallel_loop3A_1056 = arith.index_cast %parallel_loop3A_914 : i32 to index
        %parallel_loop3A_1057 = arith.constant 80 : index
        %parallel_loop3A_1058 = tpu.vector_load %arg9[%parallel_loop3A_1055, %parallel_loop3A_1056, %parallel_loop3A_1057] {strides = array<i32>} : memref<2x56x224xf32, #tpu.memory_space<vmem>>, vector<16xf32>,
        tpu.vector_store %arg9[%parallel_loop3A_1055, %parallel_loop3A_1056, %parallel_loop3A_1057], %parallel_loop3A_1053 {strides = array<i32>} : memref<2x56x224xf32, #tpu.memory_space<vmem>>, vector<16xf32>,
        %parallel_loop3A_1059 = arith.constant 0 : i32
        %parallel_loop3A_1060 = arith.index_cast %parallel_loop3A_1059 : i32 to index
        %parallel_loop3A_1061 = arith.index_cast %parallel_loop3A_914 : i32 to index
        %parallel_loop3A_1062 = arith.constant 96 : index
        %parallel_loop3A_1063 = tpu.vector_load %arg8[%parallel_loop3A_1060, %parallel_loop3A_1061, %parallel_loop3A_1062] {strides = array<i32>} : memref<2x56x224xf32, #tpu.memory_space<vmem>>, vector<16xf32>,
        %parallel_loop3A_1064 = arith.subf %parallel_loop3A_1063, %gather3A : vector<16xf32>
        %parallel_loop3A_1065 = arith.mulf %parallel_loop3A_1064, %gather3A_548 : vector<16xf32>
        %parallel_loop3A_1066 = arith.constant 0.000000e+00 : f32
        %parallel_loop3A_1067 = vector.broadcast %parallel_loop3A_1066 : f32 to vector<16xf32>
        %parallel_loop3A_1068 = arith.maximumf %parallel_loop3A_1065, %parallel_loop3A_1067 : vector<16xf32>
        %parallel_loop3A_1069 = arith.constant 1.701000e+01 : f32
        %parallel_loop3A_1070 = vector.broadcast %parallel_loop3A_1069 : f32 to vector<16xf32>
        %parallel_loop3A_1071 = arith.minimumf %parallel_loop3A_1068, %parallel_loop3A_1070 : vector<16xf32>
        %parallel_loop3A_1072 = arith.fptosi %parallel_loop3A_1071 : vector<16xf32> to vector<16xi32>
        %parallel_loop3A_1073 = arith.addi %parallel_loop3A_1072, %mul3A_551 : vector<16xi32>
        %parallel_loop3A_1074 = tpu.vector_load_idx %arg10[%parallel_loop3A_1073] : memref<3072xf32, #tpu.memory_space<vmem>>[vector<16xi32>], vector<16xf32>,
        %parallel_loop3A_1075 = tpu.vector_load_idx %arg11[%parallel_loop3A_1073] : memref<3072xf32, #tpu.memory_space<vmem>>[vector<16xi32>], vector<16xf32>,
        %parallel_loop3A_1076 = arith.mulf %parallel_loop3A_1063, %parallel_loop3A_1075 : vector<16xf32>
        %parallel_loop3A_1077 = arith.addf %parallel_loop3A_1074, %parallel_loop3A_1076 : vector<16xf32>
        %parallel_loop3A_1078 = arith.constant 0 : i32
        %parallel_loop3A_1079 = arith.index_cast %parallel_loop3A_1078 : i32 to index
        %parallel_loop3A_1080 = arith.index_cast %parallel_loop3A_914 : i32 to index
        %parallel_loop3A_1081 = arith.constant 96 : index
        %parallel_loop3A_1082 = tpu.vector_load %arg9[%parallel_loop3A_1079, %parallel_loop3A_1080, %parallel_loop3A_1081] {strides = array<i32>} : memref<2x56x224xf32, #tpu.memory_space<vmem>>, vector<16xf32>,
        tpu.vector_store %arg9[%parallel_loop3A_1079, %parallel_loop3A_1080, %parallel_loop3A_1081], %parallel_loop3A_1077 {strides = array<i32>} : memref<2x56x224xf32, #tpu.memory_space<vmem>>, vector<16xf32>,
        %parallel_loop3A_1083 = arith.constant 0 : i32
        %parallel_loop3A_1084 = arith.index_cast %parallel_loop3A_1083 : i32 to index
        %parallel_loop3A_1085 = arith.index_cast %parallel_loop3A_914 : i32 to index
        %parallel_loop3A_1086 = arith.constant 112 : index
        %parallel_loop3A_1087 = tpu.vector_load %arg8[%parallel_loop3A_1084, %parallel_loop3A_1085, %parallel_loop3A_1086] {strides = array<i32>} : memref<2x56x224xf32, #tpu.memory_space<vmem>>, vector<16xf32>,
        %parallel_loop3A_1088 = arith.subf %parallel_loop3A_1087, %gather3A : vector<16xf32>
        %parallel_loop3A_1089 = arith.mulf %parallel_loop3A_1088, %gather3A_548 : vector<16xf32>
        %parallel_loop3A_1090 = arith.constant 0.000000e+00 : f32
        %parallel_loop3A_1091 = vector.broadcast %parallel_loop3A_1090 : f32 to vector<16xf32>
        %parallel_loop3A_1092 = arith.maximumf %parallel_loop3A_1089, %parallel_loop3A_1091 : vector<16xf32>
        %parallel_loop3A_1093 = arith.constant 1.701000e+01 : f32
        %parallel_loop3A_1094 = vector.broadcast %parallel_loop3A_1093 : f32 to vector<16xf32>
        %parallel_loop3A_1095 = arith.minimumf %parallel_loop3A_1092, %parallel_loop3A_1094 : vector<16xf32>
        %parallel_loop3A_1096 = arith.fptosi %parallel_loop3A_1095 : vector<16xf32> to vector<16xi32>
        %parallel_loop3A_1097 = arith.addi %parallel_loop3A_1096, %mul3A_551 : vector<16xi32>
        %parallel_loop3A_1098 = tpu.vector_load_idx %arg10[%parallel_loop3A_1097] : memref<3072xf32, #tpu.memory_space<vmem>>[vector<16xi32>], vector<16xf32>,
        %parallel_loop3A_1099 = tpu.vector_load_idx %arg11[%parallel_loop3A_1097] : memref<3072xf32, #tpu.memory_space<vmem>>[vector<16xi32>], vector<16xf32>,
        %parallel_loop3A_1100 = arith.mulf %parallel_loop3A_1087, %parallel_loop3A_1099 : vector<16xf32>
        %parallel_loop3A_1101 = arith.addf %parallel_loop3A_1098, %parallel_loop3A_1100 : vector<16xf32>
        %parallel_loop3A_1102 = arith.constant 0 : i32
        %parallel_loop3A_1103 = arith.index_cast %parallel_loop3A_1102 : i32 to index
        %parallel_loop3A_1104 = arith.index_cast %parallel_loop3A_914 : i32 to index
        %parallel_loop3A_1105 = arith.constant 112 : index
        %parallel_loop3A_1106 = tpu.vector_load %arg9[%parallel_loop3A_1103, %parallel_loop3A_1104, %parallel_loop3A_1105] {strides = array<i32>} : memref<2x56x224xf32, #tpu.memory_space<vmem>>, vector<16xf32>,
        tpu.vector_store %arg9[%parallel_loop3A_1103, %parallel_loop3A_1104, %parallel_loop3A_1105], %parallel_loop3A_1101 {strides = array<i32>} : memref<2x56x224xf32, #tpu.memory_space<vmem>>, vector<16xf32>,
        %parallel_loop3A_1107 = arith.constant 0 : i32
        %parallel_loop3A_1108 = arith.index_cast %parallel_loop3A_1107 : i32 to index
        %parallel_loop3A_1109 = arith.index_cast %parallel_loop3A_914 : i32 to index
        %parallel_loop3A_1110 = arith.constant 128 : index
        %parallel_loop3A_1111 = tpu.vector_load %arg8[%parallel_loop3A_1108, %parallel_loop3A_1109, %parallel_loop3A_1110] {strides = array<i32>} : memref<2x56x224xf32, #tpu.memory_space<vmem>>, vector<16xf32>,
        %parallel_loop3A_1112 = arith.subf %parallel_loop3A_1111, %gather3A : vector<16xf32>
        %parallel_loop3A_1113 = arith.mulf %parallel_loop3A_1112, %gather3A_548 : vector<16xf32>
        %parallel_loop3A_1114 = arith.constant 0.000000e+00 : f32
        %parallel_loop3A_1115 = vector.broadcast %parallel_loop3A_1114 : f32 to vector<16xf32>
        %parallel_loop3A_1116 = arith.maximumf %parallel_loop3A_1113, %parallel_loop3A_1115 : vector<16xf32>
        %parallel_loop3A_1117 = arith.constant 1.701000e+01 : f32
        %parallel_loop3A_1118 = vector.broadcast %parallel_loop3A_1117 : f32 to vector<16xf32>
        %parallel_loop3A_1119 = arith.minimumf %parallel_loop3A_1116, %parallel_loop3A_1118 : vector<16xf32>
        %parallel_loop3A_1120 = arith.fptosi %parallel_loop3A_1119 : vector<16xf32> to vector<16xi32>
        %parallel_loop3A_1121 = arith.addi %parallel_loop3A_1120, %mul3A_551 : vector<16xi32>
        %parallel_loop3A_1122 = tpu.vector_load_idx %arg10[%parallel_loop3A_1121] : memref<3072xf32, #tpu.memory_space<vmem>>[vector<16xi32>], vector<16xf32>,
        %parallel_loop3A_1123 = tpu.vector_load_idx %arg11[%parallel_loop3A_1121] : memref<3072xf32, #tpu.memory_space<vmem>>[vector<16xi32>], vector<16xf32>,
        %parallel_loop3A_1124 = arith.mulf %parallel_loop3A_1111, %parallel_loop3A_1123 : vector<16xf32>
        %parallel_loop3A_1125 = arith.addf %parallel_loop3A_1122, %parallel_loop3A_1124 : vector<16xf32>
        %parallel_loop3A_1126 = arith.constant 0 : i32
        %parallel_loop3A_1127 = arith.index_cast %parallel_loop3A_1126 : i32 to index
        %parallel_loop3A_1128 = arith.index_cast %parallel_loop3A_914 : i32 to index
        %parallel_loop3A_1129 = arith.constant 128 : index
        %parallel_loop3A_1130 = tpu.vector_load %arg9[%parallel_loop3A_1127, %parallel_loop3A_1128, %parallel_loop3A_1129] {strides = array<i32>} : memref<2x56x224xf32, #tpu.memory_space<vmem>>, vector<16xf32>,
        tpu.vector_store %arg9[%parallel_loop3A_1127, %parallel_loop3A_1128, %parallel_loop3A_1129], %parallel_loop3A_1125 {strides = array<i32>} : memref<2x56x224xf32, #tpu.memory_space<vmem>>, vector<16xf32>,
        %parallel_loop3A_1131 = arith.constant 0 : i32
        %parallel_loop3A_1132 = arith.index_cast %parallel_loop3A_1131 : i32 to index
        %parallel_loop3A_1133 = arith.index_cast %parallel_loop3A_914 : i32 to index
        %parallel_loop3A_1134 = arith.constant 144 : index
        %parallel_loop3A_1135 = tpu.vector_load %arg8[%parallel_loop3A_1132, %parallel_loop3A_1133, %parallel_loop3A_1134] {strides = array<i32>} : memref<2x56x224xf32, #tpu.memory_space<vmem>>, vector<16xf32>,
        %parallel_loop3A_1136 = arith.subf %parallel_loop3A_1135, %gather3A : vector<16xf32>
        %parallel_loop3A_1137 = arith.mulf %parallel_loop3A_1136, %gather3A_548 : vector<16xf32>
        %parallel_loop3A_1138 = arith.constant 0.000000e+00 : f32
        %parallel_loop3A_1139 = vector.broadcast %parallel_loop3A_1138 : f32 to vector<16xf32>
        %parallel_loop3A_1140 = arith.maximumf %parallel_loop3A_1137, %parallel_loop3A_1139 : vector<16xf32>
        %parallel_loop3A_1141 = arith.constant 1.701000e+01 : f32
        %parallel_loop3A_1142 = vector.broadcast %parallel_loop3A_1141 : f32 to vector<16xf32>
        %parallel_loop3A_1143 = arith.minimumf %parallel_loop3A_1140, %parallel_loop3A_1142 : vector<16xf32>
        %parallel_loop3A_1144 = arith.fptosi %parallel_loop3A_1143 : vector<16xf32> to vector<16xi32>
        %parallel_loop3A_1145 = arith.addi %parallel_loop3A_1144, %mul3A_551 : vector<16xi32>
        %parallel_loop3A_1146 = tpu.vector_load_idx %arg10[%parallel_loop3A_1145] : memref<3072xf32, #tpu.memory_space<vmem>>[vector<16xi32>], vector<16xf32>,
        %parallel_loop3A_1147 = tpu.vector_load_idx %arg11[%parallel_loop3A_1145] : memref<3072xf32, #tpu.memory_space<vmem>>[vector<16xi32>], vector<16xf32>,
        %parallel_loop3A_1148 = arith.mulf %parallel_loop3A_1135, %parallel_loop3A_1147 : vector<16xf32>
        %parallel_loop3A_1149 = arith.addf %parallel_loop3A_1146, %parallel_loop3A_1148 : vector<16xf32>
        %parallel_loop3A_1150 = arith.constant 0 : i32
        %parallel_loop3A_1151 = arith.index_cast %parallel_loop3A_1150 : i32 to index
        %parallel_loop3A_1152 = arith.index_cast %parallel_loop3A_914 : i32 to index
        %parallel_loop3A_1153 = arith.constant 144 : index
        %parallel_loop3A_1154 = tpu.vector_load %arg9[%parallel_loop3A_1151, %parallel_loop3A_1152, %parallel_loop3A_1153] {strides = array<i32>} : memref<2x56x224xf32, #tpu.memory_space<vmem>>, vector<16xf32>,
        tpu.vector_store %arg9[%parallel_loop3A_1151, %parallel_loop3A_1152, %parallel_loop3A_1153], %parallel_loop3A_1149 {strides = array<i32>} : memref<2x56x224xf32, #tpu.memory_space<vmem>>, vector<16xf32>,
        %parallel_loop3A_1155 = arith.constant 0 : i32
        %parallel_loop3A_1156 = arith.index_cast %parallel_loop3A_1155 : i32 to index
        %parallel_loop3A_1157 = arith.index_cast %parallel_loop3A_914 : i32 to index
        %parallel_loop3A_1158 = arith.constant 160 : index
        %parallel_loop3A_1159 = tpu.vector_load %arg8[%parallel_loop3A_1156, %parallel_loop3A_1157, %parallel_loop3A_1158] {strides = array<i32>} : memref<2x56x224xf32, #tpu.memory_space<vmem>>, vector<16xf32>,
        %parallel_loop3A_1160 = arith.subf %parallel_loop3A_1159, %gather3A : vector<16xf32>
        %parallel_loop3A_1161 = arith.mulf %parallel_loop3A_1160, %gather3A_548 : vector<16xf32>
        %parallel_loop3A_1162 = arith.constant 0.000000e+00 : f32
        %parallel_loop3A_1163 = vector.broadcast %parallel_loop3A_1162 : f32 to vector<16xf32>
        %parallel_loop3A_1164 = arith.maximumf %parallel_loop3A_1161, %parallel_loop3A_1163 : vector<16xf32>
        %parallel_loop3A_1165 = arith.constant 1.701000e+01 : f32
        %parallel_loop3A_1166 = vector.broadcast %parallel_loop3A_1165 : f32 to vector<16xf32>
        %parallel_loop3A_1167 = arith.minimumf %parallel_loop3A_1164, %parallel_loop3A_1166 : vector<16xf32>
        %parallel_loop3A_1168 = arith.fptosi %parallel_loop3A_1167 : vector<16xf32> to vector<16xi32>
        %parallel_loop3A_1169 = arith.addi %parallel_loop3A_1168, %mul3A_551 : vector<16xi32>
        %parallel_loop3A_1170 = tpu.vector_load_idx %arg10[%parallel_loop3A_1169] : memref<3072xf32, #tpu.memory_space<vmem>>[vector<16xi32>], vector<16xf32>,
        %parallel_loop3A_1171 = tpu.vector_load_idx %arg11[%parallel_loop3A_1169] : memref<3072xf32, #tpu.memory_space<vmem>>[vector<16xi32>], vector<16xf32>,
        %parallel_loop3A_1172 = arith.mulf %parallel_loop3A_1159, %parallel_loop3A_1171 : vector<16xf32>
        %parallel_loop3A_1173 = arith.addf %parallel_loop3A_1170, %parallel_loop3A_1172 : vector<16xf32>
        %parallel_loop3A_1174 = arith.constant 0 : i32
        %parallel_loop3A_1175 = arith.index_cast %parallel_loop3A_1174 : i32 to index
        %parallel_loop3A_1176 = arith.index_cast %parallel_loop3A_914 : i32 to index
        %parallel_loop3A_1177 = arith.constant 160 : index
        %parallel_loop3A_1178 = tpu.vector_load %arg9[%parallel_loop3A_1175, %parallel_loop3A_1176, %parallel_loop3A_1177] {strides = array<i32>} : memref<2x56x224xf32, #tpu.memory_space<vmem>>, vector<16xf32>,
        tpu.vector_store %arg9[%parallel_loop3A_1175, %parallel_loop3A_1176, %parallel_loop3A_1177], %parallel_loop3A_1173 {strides = array<i32>} : memref<2x56x224xf32, #tpu.memory_space<vmem>>, vector<16xf32>,
        %parallel_loop3A_1179 = arith.constant 0 : i32
        %parallel_loop3A_1180 = arith.index_cast %parallel_loop3A_1179 : i32 to index
        %parallel_loop3A_1181 = arith.index_cast %parallel_loop3A_914 : i32 to index
        %parallel_loop3A_1182 = arith.constant 176 : index
        %parallel_loop3A_1183 = tpu.vector_load %arg8[%parallel_loop3A_1180, %parallel_loop3A_1181, %parallel_loop3A_1182] {strides = array<i32>} : memref<2x56x224xf32, #tpu.memory_space<vmem>>, vector<16xf32>,
        %parallel_loop3A_1184 = arith.subf %parallel_loop3A_1183, %gather3A : vector<16xf32>
        %parallel_loop3A_1185 = arith.mulf %parallel_loop3A_1184, %gather3A_548 : vector<16xf32>
        %parallel_loop3A_1186 = arith.constant 0.000000e+00 : f32
        %parallel_loop3A_1187 = vector.broadcast %parallel_loop3A_1186 : f32 to vector<16xf32>
        %parallel_loop3A_1188 = arith.maximumf %parallel_loop3A_1185, %parallel_loop3A_1187 : vector<16xf32>
        %parallel_loop3A_1189 = arith.constant 1.701000e+01 : f32
        %parallel_loop3A_1190 = vector.broadcast %parallel_loop3A_1189 : f32 to vector<16xf32>
        %parallel_loop3A_1191 = arith.minimumf %parallel_loop3A_1188, %parallel_loop3A_1190 : vector<16xf32>
        %parallel_loop3A_1192 = arith.fptosi %parallel_loop3A_1191 : vector<16xf32> to vector<16xi32>
        %parallel_loop3A_1193 = arith.addi %parallel_loop3A_1192, %mul3A_551 : vector<16xi32>
        %parallel_loop3A_1194 = tpu.vector_load_idx %arg10[%parallel_loop3A_1193] : memref<3072xf32, #tpu.memory_space<vmem>>[vector<16xi32>], vector<16xf32>,
        %parallel_loop3A_1195 = tpu.vector_load_idx %arg11[%parallel_loop3A_1193] : memref<3072xf32, #tpu.memory_space<vmem>>[vector<16xi32>], vector<16xf32>,
        %parallel_loop3A_1196 = arith.mulf %parallel_loop3A_1183, %parallel_loop3A_1195 : vector<16xf32>
        %parallel_loop3A_1197 = arith.addf %parallel_loop3A_1194, %parallel_loop3A_1196 : vector<16xf32>
        %parallel_loop3A_1198 = arith.constant 0 : i32
        %parallel_loop3A_1199 = arith.index_cast %parallel_loop3A_1198 : i32 to index
        %parallel_loop3A_1200 = arith.index_cast %parallel_loop3A_914 : i32 to index
        %parallel_loop3A_1201 = arith.constant 176 : index
        %parallel_loop3A_1202 = tpu.vector_load %arg9[%parallel_loop3A_1199, %parallel_loop3A_1200, %parallel_loop3A_1201] {strides = array<i32>} : memref<2x56x224xf32, #tpu.memory_space<vmem>>, vector<16xf32>,
        tpu.vector_store %arg9[%parallel_loop3A_1199, %parallel_loop3A_1200, %parallel_loop3A_1201], %parallel_loop3A_1197 {strides = array<i32>} : memref<2x56x224xf32, #tpu.memory_space<vmem>>, vector<16xf32>,
        %parallel_loop3A_1203 = arith.constant 0 : i32
        %parallel_loop3A_1204 = arith.index_cast %parallel_loop3A_1203 : i32 to index
        %parallel_loop3A_1205 = arith.index_cast %parallel_loop3A_914 : i32 to index
        %parallel_loop3A_1206 = arith.constant 192 : index
        %parallel_loop3A_1207 = tpu.vector_load %arg8[%parallel_loop3A_1204, %parallel_loop3A_1205, %parallel_loop3A_1206] {strides = array<i32>} : memref<2x56x224xf32, #tpu.memory_space<vmem>>, vector<16xf32>,
        %parallel_loop3A_1208 = arith.subf %parallel_loop3A_1207, %gather3A : vector<16xf32>
        %parallel_loop3A_1209 = arith.mulf %parallel_loop3A_1208, %gather3A_548 : vector<16xf32>
        %parallel_loop3A_1210 = arith.constant 0.000000e+00 : f32
        %parallel_loop3A_1211 = vector.broadcast %parallel_loop3A_1210 : f32 to vector<16xf32>
        %parallel_loop3A_1212 = arith.maximumf %parallel_loop3A_1209, %parallel_loop3A_1211 : vector<16xf32>
        %parallel_loop3A_1213 = arith.constant 1.701000e+01 : f32
        %parallel_loop3A_1214 = vector.broadcast %parallel_loop3A_1213 : f32 to vector<16xf32>
        %parallel_loop3A_1215 = arith.minimumf %parallel_loop3A_1212, %parallel_loop3A_1214 : vector<16xf32>
        %parallel_loop3A_1216 = arith.fptosi %parallel_loop3A_1215 : vector<16xf32> to vector<16xi32>
        %parallel_loop3A_1217 = arith.addi %parallel_loop3A_1216, %mul3A_551 : vector<16xi32>
        %parallel_loop3A_1218 = tpu.vector_load_idx %arg10[%parallel_loop3A_1217] : memref<3072xf32, #tpu.memory_space<vmem>>[vector<16xi32>], vector<16xf32>,
        %parallel_loop3A_1219 = tpu.vector_load_idx %arg11[%parallel_loop3A_1217] : memref<3072xf32, #tpu.memory_space<vmem>>[vector<16xi32>], vector<16xf32>,
        %parallel_loop3A_1220 = arith.mulf %parallel_loop3A_1207, %parallel_loop3A_1219 : vector<16xf32>
        %parallel_loop3A_1221 = arith.addf %parallel_loop3A_1218, %parallel_loop3A_1220 : vector<16xf32>
        %parallel_loop3A_1222 = arith.constant 0 : i32
        %parallel_loop3A_1223 = arith.index_cast %parallel_loop3A_1222 : i32 to index
        %parallel_loop3A_1224 = arith.index_cast %parallel_loop3A_914 : i32 to index
        %parallel_loop3A_1225 = arith.constant 192 : index
        %parallel_loop3A_1226 = tpu.vector_load %arg9[%parallel_loop3A_1223, %parallel_loop3A_1224, %parallel_loop3A_1225] {strides = array<i32>} : memref<2x56x224xf32, #tpu.memory_space<vmem>>, vector<16xf32>,
        tpu.vector_store %arg9[%parallel_loop3A_1223, %parallel_loop3A_1224, %parallel_loop3A_1225], %parallel_loop3A_1221 {strides = array<i32>} : memref<2x56x224xf32, #tpu.memory_space<vmem>>, vector<16xf32>,
        %parallel_loop3A_1227 = arith.constant 0 : i32
        %parallel_loop3A_1228 = arith.index_cast %parallel_loop3A_1227 : i32 to index
        %parallel_loop3A_1229 = arith.index_cast %parallel_loop3A_914 : i32 to index
        %parallel_loop3A_1230 = arith.constant 208 : index
        %parallel_loop3A_1231 = tpu.vector_load %arg8[%parallel_loop3A_1228, %parallel_loop3A_1229, %parallel_loop3A_1230] {strides = array<i32>} : memref<2x56x224xf32, #tpu.memory_space<vmem>>, vector<16xf32>,
        %parallel_loop3A_1232 = arith.subf %parallel_loop3A_1231, %gather3A : vector<16xf32>
        %parallel_loop3A_1233 = arith.mulf %parallel_loop3A_1232, %gather3A_548 : vector<16xf32>
        %parallel_loop3A_1234 = arith.constant 0.000000e+00 : f32
        %parallel_loop3A_1235 = vector.broadcast %parallel_loop3A_1234 : f32 to vector<16xf32>
        %parallel_loop3A_1236 = arith.maximumf %parallel_loop3A_1233, %parallel_loop3A_1235 : vector<16xf32>
        %parallel_loop3A_1237 = arith.constant 1.701000e+01 : f32
        %parallel_loop3A_1238 = vector.broadcast %parallel_loop3A_1237 : f32 to vector<16xf32>
        %parallel_loop3A_1239 = arith.minimumf %parallel_loop3A_1236, %parallel_loop3A_1238 : vector<16xf32>
        %parallel_loop3A_1240 = arith.fptosi %parallel_loop3A_1239 : vector<16xf32> to vector<16xi32>
        %parallel_loop3A_1241 = arith.addi %parallel_loop3A_1240, %mul3A_551 : vector<16xi32>
        %parallel_loop3A_1242 = tpu.vector_load_idx %arg10[%parallel_loop3A_1241] : memref<3072xf32, #tpu.memory_space<vmem>>[vector<16xi32>], vector<16xf32>,
        %parallel_loop3A_1243 = tpu.vector_load_idx %arg11[%parallel_loop3A_1241] : memref<3072xf32, #tpu.memory_space<vmem>>[vector<16xi32>], vector<16xf32>,
        %parallel_loop3A_1244 = arith.mulf %parallel_loop3A_1231, %parallel_loop3A_1243 : vector<16xf32>
        %parallel_loop3A_1245 = arith.addf %parallel_loop3A_1242, %parallel_loop3A_1244 : vector<16xf32>
        %parallel_loop3A_1246 = arith.constant 0 : i32
        %parallel_loop3A_1247 = arith.index_cast %parallel_loop3A_1246 : i32 to index
        %parallel_loop3A_1248 = arith.index_cast %parallel_loop3A_914 : i32 to index
        %parallel_loop3A_1249 = arith.constant 208 : index
        %parallel_loop3A_1250 = tpu.vector_load %arg9[%parallel_loop3A_1247, %parallel_loop3A_1248, %parallel_loop3A_1249] {strides = array<i32>} : memref<2x56x224xf32, #tpu.memory_space<vmem>>, vector<16xf32>,
        tpu.vector_store %arg9[%parallel_loop3A_1247, %parallel_loop3A_1248, %parallel_loop3A_1249], %parallel_loop3A_1245 {strides = array<i32>} : memref<2x56x224xf32, #tpu.memory_space<vmem>>, vector<16xf32>,
      } {sc.loop_unroll_factor = 2 : i64, sc.parallel_access}
      %jit3A_554 = arith.constant 4 : i32
      %eq3A_555 = arith.constant 0 : i32
      %eq3A_556 = arith.cmpi eq, %jit3A_554, %eq3A_555 : i32
      %jit3A_557 = arith.constant 1 : i32
      %select_n3A_558 = arith.select %eq3A_556, %jit3A_557, %jit3A_554 : i32
      %rem3A_559 = arith.remsi %add3A_408, %select_n3A_558 : i32
      %ne3A_560 = arith.constant 0 : i32
      %ne3A_561 = arith.cmpi ne, %rem3A_559, %ne3A_560 : i32
      %lt3A_562 = arith.constant 0 : i32
      %lt3A_563 = arith.cmpi slt, %rem3A_559, %lt3A_562 : i32
      %lt3A_564 = arith.constant 0 : i32
      %lt3A_565 = arith.cmpi slt, %select_n3A_558, %lt3A_564 : i32
      %ne3A_566 = arith.xori %lt3A_563, %lt3A_565 : i1
      %and3A_567 = arith.andi %ne3A_566, %ne3A_561 : i1
      %add3A_568 = arith.addi %rem3A_559, %select_n3A_558 : i32
      %select_n3A_569 = arith.select %and3A_567, %add3A_568, %rem3A_559 : i32
      %jit3A_570 = arith.constant 4 : i32
      %div3A_571 = arith.divsi %add3A_408, %jit3A_570 : i32
      %sign3A_572 = arith.constant 0 : i32
      %sign3A_573 = arith.cmpi sgt, %add3A_408, %sign3A_572 : i32
      %sign3A_574 = arith.extui %sign3A_573 : i1 to i32
      %sign3A_575 = arith.constant 0 : i32
      %sign3A_576 = arith.cmpi slt, %add3A_408, %sign3A_575 : i32
      %sign3A_577 = arith.extui %sign3A_576 : i1 to i32
      %sign3A_578 = arith.subi %sign3A_574, %sign3A_577 : i32
      %sign3A_579 = arith.constant 0 : i32
      %sign3A_580 = arith.cmpi sgt, %jit3A_570, %sign3A_579 : i32
      %sign3A_581 = arith.extui %sign3A_580 : i1 to i32
      %sign3A_582 = arith.constant 0 : i32
      %sign3A_583 = arith.cmpi slt, %jit3A_570, %sign3A_582 : i32
      %sign3A_584 = arith.extui %sign3A_583 : i1 to i32
      %sign3A_585 = arith.subi %sign3A_581, %sign3A_584 : i32
      %ne3A_586 = arith.cmpi ne, %sign3A_578, %sign3A_585 : i32
      %rem3A_587 = arith.remsi %add3A_408, %jit3A_570 : i32
      %ne3A_588 = arith.constant 0 : i32
      %ne3A_589 = arith.cmpi ne, %rem3A_587, %ne3A_588 : i32
      %and3A_590 = arith.andi %ne3A_586, %ne3A_589 : i1
      %sub3A_591 = arith.constant 1 : i32
      %sub3A_592 = arith.subi %div3A_571, %sub3A_591 : i32
      %select_n3A_593 = arith.select %and3A_590, %sub3A_592, %div3A_571 : i32
      %jit3A_594 = arith.constant 96 : i32
      %eq3A_595 = arith.constant 0 : i32
      %eq3A_596 = arith.cmpi eq, %jit3A_594, %eq3A_595 : i32
      %jit3A_597 = arith.constant 1 : i32
      %select_n3A_598 = arith.select %eq3A_596, %jit3A_597, %jit3A_594 : i32
      %rem3A_599 = arith.remsi %select_n3A_593, %select_n3A_598 : i32
      %ne3A_600 = arith.constant 0 : i32
      %ne3A_601 = arith.cmpi ne, %rem3A_599, %ne3A_600 : i32
      %lt3A_602 = arith.constant 0 : i32
      %lt3A_603 = arith.cmpi slt, %rem3A_599, %lt3A_602 : i32
      %lt3A_604 = arith.constant 0 : i32
      %lt3A_605 = arith.cmpi slt, %select_n3A_598, %lt3A_604 : i32
      %ne3A_606 = arith.xori %lt3A_603, %lt3A_605 : i1
      %and3A_607 = arith.andi %ne3A_606, %ne3A_601 : i1
      %add3A_608 = arith.addi %rem3A_599, %select_n3A_598 : i32
      %select_n3A_609 = arith.select %and3A_607, %add3A_608, %rem3A_599 : i32
      %jit3A_610 = arith.constant 96 : i32
      %div3A_611 = arith.divsi %select_n3A_593, %jit3A_610 : i32
      %sign3A_612 = arith.constant 0 : i32
      %sign3A_613 = arith.cmpi sgt, %select_n3A_593, %sign3A_612 : i32
      %sign3A_614 = arith.extui %sign3A_613 : i1 to i32
      %sign3A_615 = arith.constant 0 : i32
      %sign3A_616 = arith.cmpi slt, %select_n3A_593, %sign3A_615 : i32
      %sign3A_617 = arith.extui %sign3A_616 : i1 to i32
      %sign3A_618 = arith.subi %sign3A_614, %sign3A_617 : i32
      %sign3A_619 = arith.constant 0 : i32
      %sign3A_620 = arith.cmpi sgt, %jit3A_610, %sign3A_619 : i32
      %sign3A_621 = arith.extui %sign3A_620 : i1 to i32
      %sign3A_622 = arith.constant 0 : i32
      %sign3A_623 = arith.cmpi slt, %jit3A_610, %sign3A_622 : i32
      %sign3A_624 = arith.extui %sign3A_623 : i1 to i32
      %sign3A_625 = arith.subi %sign3A_621, %sign3A_624 : i32
      %ne3A_626 = arith.cmpi ne, %sign3A_618, %sign3A_625 : i32
      %rem3A_627 = arith.remsi %select_n3A_593, %jit3A_610 : i32
      %ne3A_628 = arith.constant 0 : i32
      %ne3A_629 = arith.cmpi ne, %rem3A_627, %ne3A_628 : i32
      %and3A_630 = arith.andi %ne3A_626, %ne3A_629 : i1
      %sub3A_631 = arith.constant 1 : i32
      %sub3A_632 = arith.subi %div3A_611, %sub3A_631 : i32
      %select_n3A_633 = arith.select %and3A_630, %sub3A_632, %div3A_611 : i32
      %mul3A_634 = arith.constant 56 : i32
      %mul3A_635 = arith.muli %select_n3A_569, %mul3A_634 : i32
      %dma_start3A_636 = arith.constant 0 : i32
      %dma_start3A_637 = arith.constant 0 : i32
      %dma_start3A_638 = arith.constant 0 : i32
      %dma_start3A_639 = tpu.memref_slice %arg9[%dma_start3A_636, %dma_start3A_637, %dma_start3A_638] : memref<2x56x224xf32, #tpu.memory_space<vmem>> -> memref<1x56x224xf32, #tpu.memory_space<vmem>>
      %dma_start3A_640 = tpu.memref_squeeze %dma_start3A_639 : memref<1x56x224xf32, #tpu.memory_space<vmem>> -> memref<56x224xf32, #tpu.memory_space<vmem>>
      %dma_start3A_641 = arith.constant 0 : i32
      %dma_start3A_642 = tpu.memref_slice %arg7[%select_n3A_633, %select_n3A_609, %mul3A_635, %dma_start3A_641] : memref<8x96x224x224xf32, #tpu.memory_space<hbm>> -> memref<1x1x56x224xf32, #tpu.memory_space<hbm>>
      %dma_start3A_643 = tpu.memref_squeeze %dma_start3A_642 : memref<1x1x56x224xf32, #tpu.memory_space<hbm>> -> memref<56x224xf32, #tpu.memory_space<hbm>>
      %dma_start3A_644 = arith.constant 0 : i32
      %dma_start3A_645 = tpu.memref_slice %arg7[%select_n3A_633, %select_n3A_609, %mul3A_635, %dma_start3A_644] : memref<8x96x224x224xf32, #tpu.memory_space<hbm>> -> memref<1x1x56x224xf32, #tpu.memory_space<hbm>>
      %dma_start3A_646 = tpu.memref_squeeze %dma_start3A_645 : memref<1x1x56x224xf32, #tpu.memory_space<hbm>> -> memref<56x224xf32, #tpu.memory_space<hbm>>
      %dma_start3A_647 = arith.constant 0 : i32
      %dma_start3A_648 = arith.constant 0 : i32
      %dma_start3A_649 = tpu.memref_slice %arg9[%dma_start3A_636, %dma_start3A_647, %dma_start3A_648] : memref<2x56x224xf32, #tpu.memory_space<vmem>> -> memref<1x56x224xf32, #tpu.memory_space<vmem>>
      %dma_start3A_650 = tpu.memref_squeeze %dma_start3A_649 : memref<1x56x224xf32, #tpu.memory_space<vmem>> -> memref<56x224xf32, #tpu.memory_space<vmem>>
      tpu.enqueue_dma source(%dma_start3A_650 : memref<56x224xf32, #tpu.memory_space<vmem>>) target(%dma_start3A_646 : memref<56x224xf32, #tpu.memory_space<hbm>>) target_semaphore(%arg16 : memref<!tpu.dma_semaphore, #tpu.memory_space<semaphore_mem>>)
      %lt3A_651 = arith.constant 47 : i32
      %lt3A_652 = arith.cmpi slt, %add3A_403, %lt3A_651 : i32
      %convert_element_type3A_653 = arith.extui %lt3A_652 : i1 to i32
      %cond3A_654 = arith.constant 0 : i32
      %cond3A_655 = arith.cmpi ne, %convert_element_type3A_653, %cond3A_654 : i32
      scf.if %cond3A_655 {
        %add3A_914 = arith.constant 2 : i32
        %add3A_915 = arith.addi %add3A_408, %add3A_914 : i32
        %jit3A_916 = arith.constant 4 : i32
        %eq3A_917 = arith.constant 0 : i32
        %eq3A_918 = arith.cmpi eq, %jit3A_916, %eq3A_917 : i32
        %jit3A_919 = arith.constant 1 : i32
        %select_n3A_920 = arith.select %eq3A_918, %jit3A_919, %jit3A_916 : i32
        %rem3A_921 = arith.remsi %add3A_915, %select_n3A_920 : i32
        %ne3A_922 = arith.constant 0 : i32
        %ne3A_923 = arith.cmpi ne, %rem3A_921, %ne3A_922 : i32
        %lt3A_924 = arith.constant 0 : i32
        %lt3A_925 = arith.cmpi slt, %rem3A_921, %lt3A_924 : i32
        %lt3A_926 = arith.constant 0 : i32
        %lt3A_927 = arith.cmpi slt, %select_n3A_920, %lt3A_926 : i32
        %ne3A_928 = arith.xori %lt3A_925, %lt3A_927 : i1
        %and3A_929 = arith.andi %ne3A_928, %ne3A_923 : i1
        %add3A_930 = arith.addi %rem3A_921, %select_n3A_920 : i32
        %select_n3A_931 = arith.select %and3A_929, %add3A_930, %rem3A_921 : i32
        %jit3A_932 = arith.constant 4 : i32
        %div3A_933 = arith.divsi %add3A_915, %jit3A_932 : i32
        %sign3A_934 = arith.constant 0 : i32
        %sign3A_935 = arith.cmpi sgt, %add3A_915, %sign3A_934 : i32
        %sign3A_936 = arith.extui %sign3A_935 : i1 to i32
        %sign3A_937 = arith.constant 0 : i32
        %sign3A_938 = arith.cmpi slt, %add3A_915, %sign3A_937 : i32
        %sign3A_939 = arith.extui %sign3A_938 : i1 to i32
        %sign3A_940 = arith.subi %sign3A_936, %sign3A_939 : i32
        %sign3A_941 = arith.constant 0 : i32
        %sign3A_942 = arith.cmpi sgt, %jit3A_932, %sign3A_941 : i32
        %sign3A_943 = arith.extui %sign3A_942 : i1 to i32
        %sign3A_944 = arith.constant 0 : i32
        %sign3A_945 = arith.cmpi slt, %jit3A_932, %sign3A_944 : i32
        %sign3A_946 = arith.extui %sign3A_945 : i1 to i32
        %sign3A_947 = arith.subi %sign3A_943, %sign3A_946 : i32
        %ne3A_948 = arith.cmpi ne, %sign3A_940, %sign3A_947 : i32
        %rem3A_949 = arith.remsi %add3A_915, %jit3A_932 : i32
        %ne3A_950 = arith.constant 0 : i32
        %ne3A_951 = arith.cmpi ne, %rem3A_949, %ne3A_950 : i32
        %and3A_952 = arith.andi %ne3A_948, %ne3A_951 : i1
        %sub3A_953 = arith.constant 1 : i32
        %sub3A_954 = arith.subi %div3A_933, %sub3A_953 : i32
        %select_n3A_955 = arith.select %and3A_952, %sub3A_954, %div3A_933 : i32
        %jit3A_956 = arith.constant 96 : i32
        %eq3A_957 = arith.constant 0 : i32
        %eq3A_958 = arith.cmpi eq, %jit3A_956, %eq3A_957 : i32
        %jit3A_959 = arith.constant 1 : i32
        %select_n3A_960 = arith.select %eq3A_958, %jit3A_959, %jit3A_956 : i32
        %rem3A_961 = arith.remsi %select_n3A_955, %select_n3A_960 : i32
        %ne3A_962 = arith.constant 0 : i32
        %ne3A_963 = arith.cmpi ne, %rem3A_961, %ne3A_962 : i32
        %lt3A_964 = arith.constant 0 : i32
        %lt3A_965 = arith.cmpi slt, %rem3A_961, %lt3A_964 : i32
        %lt3A_966 = arith.constant 0 : i32
        %lt3A_967 = arith.cmpi slt, %select_n3A_960, %lt3A_966 : i32
        %ne3A_968 = arith.xori %lt3A_965, %lt3A_967 : i1
        %and3A_969 = arith.andi %ne3A_968, %ne3A_963 : i1
        %add3A_970 = arith.addi %rem3A_961, %select_n3A_960 : i32
        %select_n3A_971 = arith.select %and3A_969, %add3A_970, %rem3A_961 : i32
        %jit3A_972 = arith.constant 96 : i32
        %div3A_973 = arith.divsi %select_n3A_955, %jit3A_972 : i32
        %sign3A_974 = arith.constant 0 : i32
        %sign3A_975 = arith.cmpi sgt, %select_n3A_955, %sign3A_974 : i32
        %sign3A_976 = arith.extui %sign3A_975 : i1 to i32
        %sign3A_977 = arith.constant 0 : i32
        %sign3A_978 = arith.cmpi slt, %select_n3A_955, %sign3A_977 : i32
        %sign3A_979 = arith.extui %sign3A_978 : i1 to i32
        %sign3A_980 = arith.subi %sign3A_976, %sign3A_979 : i32
        %sign3A_981 = arith.constant 0 : i32
        %sign3A_982 = arith.cmpi sgt, %jit3A_972, %sign3A_981 : i32
        %sign3A_983 = arith.extui %sign3A_982 : i1 to i32
        %sign3A_984 = arith.constant 0 : i32
        %sign3A_985 = arith.cmpi slt, %jit3A_972, %sign3A_984 : i32
        %sign3A_986 = arith.extui %sign3A_985 : i1 to i32
        %sign3A_987 = arith.subi %sign3A_983, %sign3A_986 : i32
        %ne3A_988 = arith.cmpi ne, %sign3A_980, %sign3A_987 : i32
        %rem3A_989 = arith.remsi %select_n3A_955, %jit3A_972 : i32
        %ne3A_990 = arith.constant 0 : i32
        %ne3A_991 = arith.cmpi ne, %rem3A_989, %ne3A_990 : i32
        %and3A_992 = arith.andi %ne3A_988, %ne3A_991 : i1
        %sub3A_993 = arith.constant 1 : i32
        %sub3A_994 = arith.subi %div3A_973, %sub3A_993 : i32
        %select_n3A_995 = arith.select %and3A_992, %sub3A_994, %div3A_973 : i32
        %mul3A_996 = arith.constant 56 : i32
        %mul3A_997 = arith.muli %select_n3A_931, %mul3A_996 : i32
        %dma_start3A_998 = arith.constant 0 : i32
        %dma_start3A_999 = arith.constant 0 : i32
        %dma_start3A_1000 = arith.constant 0 : i32
        %dma_start3A_1001 = tpu.memref_slice %arg8[%dma_start3A_998, %dma_start3A_999, %dma_start3A_1000] : memref<2x56x224xf32, #tpu.memory_space<vmem>> -> memref<1x56x224xf32, #tpu.memory_space<vmem>>
        %dma_start3A_1002 = tpu.memref_squeeze %dma_start3A_1001 : memref<1x56x224xf32, #tpu.memory_space<vmem>> -> memref<56x224xf32, #tpu.memory_space<vmem>>
        %dma_start3A_1003 = arith.constant 0 : i32
        %dma_start3A_1004 = tpu.memref_slice %arg2[%select_n3A_995, %select_n3A_971, %mul3A_997, %dma_start3A_1003] : memref<8x96x224x224xf32, #tpu.memory_space<hbm>> -> memref<1x1x56x224xf32, #tpu.memory_space<hbm>>
        %dma_start3A_1005 = tpu.memref_squeeze %dma_start3A_1004 : memref<1x1x56x224xf32, #tpu.memory_space<hbm>> -> memref<56x224xf32, #tpu.memory_space<hbm>>
        %dma_start3A_1006 = arith.constant 0 : i32
        %dma_start3A_1007 = arith.constant 0 : i32
        %dma_start3A_1008 = tpu.memref_slice %arg8[%dma_start3A_998, %dma_start3A_1006, %dma_start3A_1007] : memref<2x56x224xf32, #tpu.memory_space<vmem>> -> memref<1x56x224xf32, #tpu.memory_space<vmem>>
        %dma_start3A_1009 = tpu.memref_squeeze %dma_start3A_1008 : memref<1x56x224xf32, #tpu.memory_space<vmem>> -> memref<56x224xf32, #tpu.memory_space<vmem>>
        %dma_start3A_1010 = arith.constant 0 : i32
        %dma_start3A_1011 = tpu.memref_slice %arg2[%select_n3A_995, %select_n3A_971, %mul3A_997, %dma_start3A_1010] : memref<8x96x224x224xf32, #tpu.memory_space<hbm>> -> memref<1x1x56x224xf32, #tpu.memory_space<hbm>>
        %dma_start3A_1012 = tpu.memref_squeeze %dma_start3A_1011 : memref<1x1x56x224xf32, #tpu.memory_space<hbm>> -> memref<56x224xf32, #tpu.memory_space<hbm>>
        tpu.enqueue_dma source(%dma_start3A_1012 : memref<56x224xf32, #tpu.memory_space<hbm>>) target(%dma_start3A_1009 : memref<56x224xf32, #tpu.memory_space<vmem>>) target_semaphore(%arg14 : memref<!tpu.dma_semaphore, #tpu.memory_space<semaphore_mem>>)
      } else {
      }
      %mul3A_656 = arith.constant 2 : i32
      %mul3A_657 = arith.muli %mul3A_656, %add3A_403 : i32
      %add3A_658 = arith.addi %mul3A_2, %mul3A_657 : i32
      %add3A_659 = arith.constant 1 : i32
      %add3A_660 = arith.addi %add3A_658, %add3A_659 : i32
      %jit3A_661 = arith.constant 4 : i32
      %eq3A_662 = arith.constant 0 : i32
      %eq3A_663 = arith.cmpi eq, %jit3A_661, %eq3A_662 : i32
      %jit3A_664 = arith.constant 1 : i32
      %select_n3A_665 = arith.select %eq3A_663, %jit3A_664, %jit3A_661 : i32
      %rem3A_666 = arith.remsi %add3A_660, %select_n3A_665 : i32
      %ne3A_667 = arith.constant 0 : i32
      %ne3A_668 = arith.cmpi ne, %rem3A_666, %ne3A_667 : i32
      %lt3A_669 = arith.constant 0 : i32
      %lt3A_670 = arith.cmpi slt, %rem3A_666, %lt3A_669 : i32
      %lt3A_671 = arith.constant 0 : i32
      %lt3A_672 = arith.cmpi slt, %select_n3A_665, %lt3A_671 : i32
      %ne3A_673 = arith.xori %lt3A_670, %lt3A_672 : i1
      %and3A_674 = arith.andi %ne3A_673, %ne3A_668 : i1
      %add3A_675 = arith.addi %rem3A_666, %select_n3A_665 : i32
      %select_n3A_676 = arith.select %and3A_674, %add3A_675, %rem3A_666 : i32
      %jit3A_677 = arith.constant 4 : i32
      %div3A_678 = arith.divsi %add3A_660, %jit3A_677 : i32
      %sign3A_679 = arith.constant 0 : i32
      %sign3A_680 = arith.cmpi sgt, %add3A_660, %sign3A_679 : i32
      %sign3A_681 = arith.extui %sign3A_680 : i1 to i32
      %sign3A_682 = arith.constant 0 : i32
      %sign3A_683 = arith.cmpi slt, %add3A_660, %sign3A_682 : i32
      %sign3A_684 = arith.extui %sign3A_683 : i1 to i32
      %sign3A_685 = arith.subi %sign3A_681, %sign3A_684 : i32
      %sign3A_686 = arith.constant 0 : i32
      %sign3A_687 = arith.cmpi sgt, %jit3A_677, %sign3A_686 : i32
      %sign3A_688 = arith.extui %sign3A_687 : i1 to i32
      %sign3A_689 = arith.constant 0 : i32
      %sign3A_690 = arith.cmpi slt, %jit3A_677, %sign3A_689 : i32
      %sign3A_691 = arith.extui %sign3A_690 : i1 to i32
      %sign3A_692 = arith.subi %sign3A_688, %sign3A_691 : i32
      %ne3A_693 = arith.cmpi ne, %sign3A_685, %sign3A_692 : i32
      %rem3A_694 = arith.remsi %add3A_660, %jit3A_677 : i32
      %ne3A_695 = arith.constant 0 : i32
      %ne3A_696 = arith.cmpi ne, %rem3A_694, %ne3A_695 : i32
      %and3A_697 = arith.andi %ne3A_693, %ne3A_696 : i1
      %sub3A_698 = arith.constant 1 : i32
      %sub3A_699 = arith.subi %div3A_678, %sub3A_698 : i32
      %select_n3A_700 = arith.select %and3A_697, %sub3A_699, %div3A_678 : i32
      %jit3A_701 = arith.constant 96 : i32
      %eq3A_702 = arith.constant 0 : i32
      %eq3A_703 = arith.cmpi eq, %jit3A_701, %eq3A_702 : i32
      %jit3A_704 = arith.constant 1 : i32
      %select_n3A_705 = arith.select %eq3A_703, %jit3A_704, %jit3A_701 : i32
      %rem3A_706 = arith.remsi %select_n3A_700, %select_n3A_705 : i32
      %ne3A_707 = arith.constant 0 : i32
      %ne3A_708 = arith.cmpi ne, %rem3A_706, %ne3A_707 : i32
      %lt3A_709 = arith.constant 0 : i32
      %lt3A_710 = arith.cmpi slt, %rem3A_706, %lt3A_709 : i32
      %lt3A_711 = arith.constant 0 : i32
      %lt3A_712 = arith.cmpi slt, %select_n3A_705, %lt3A_711 : i32
      %ne3A_713 = arith.xori %lt3A_710, %lt3A_712 : i1
      %and3A_714 = arith.andi %ne3A_713, %ne3A_708 : i1
      %add3A_715 = arith.addi %rem3A_706, %select_n3A_705 : i32
      %select_n3A_716 = arith.select %and3A_714, %add3A_715, %rem3A_706 : i32
      %jit3A_717 = arith.constant 96 : i32
      %div3A_718 = arith.divsi %select_n3A_700, %jit3A_717 : i32
      %sign3A_719 = arith.constant 0 : i32
      %sign3A_720 = arith.cmpi sgt, %select_n3A_700, %sign3A_719 : i32
      %sign3A_721 = arith.extui %sign3A_720 : i1 to i32
      %sign3A_722 = arith.constant 0 : i32
      %sign3A_723 = arith.cmpi slt, %select_n3A_700, %sign3A_722 : i32
      %sign3A_724 = arith.extui %sign3A_723 : i1 to i32
      %sign3A_725 = arith.subi %sign3A_721, %sign3A_724 : i32
      %sign3A_726 = arith.constant 0 : i32
      %sign3A_727 = arith.cmpi sgt, %jit3A_717, %sign3A_726 : i32
      %sign3A_728 = arith.extui %sign3A_727 : i1 to i32
      %sign3A_729 = arith.constant 0 : i32
      %sign3A_730 = arith.cmpi slt, %jit3A_717, %sign3A_729 : i32
      %sign3A_731 = arith.extui %sign3A_730 : i1 to i32
      %sign3A_732 = arith.subi %sign3A_728, %sign3A_731 : i32
      %ne3A_733 = arith.cmpi ne, %sign3A_725, %sign3A_732 : i32
      %rem3A_734 = arith.remsi %select_n3A_700, %jit3A_717 : i32
      %ne3A_735 = arith.constant 0 : i32
      %ne3A_736 = arith.cmpi ne, %rem3A_734, %ne3A_735 : i32
      %and3A_737 = arith.andi %ne3A_733, %ne3A_736 : i1
      %sub3A_738 = arith.constant 1 : i32
      %sub3A_739 = arith.subi %div3A_718, %sub3A_738 : i32
      %select_n3A_740 = arith.select %and3A_737, %sub3A_739, %div3A_718 : i32
      %mul3A_741 = arith.constant 56 : i32
      %mul3A_742 = arith.muli %select_n3A_676, %mul3A_741 : i32
      %dma_wait3A_743 = arith.constant 1 : i32
      %dma_wait3A_744 = arith.constant 0 : i32
      %dma_wait3A_745 = arith.constant 0 : i32
      %dma_wait3A_746 = tpu.memref_slice %arg8[%dma_wait3A_743, %dma_wait3A_744, %dma_wait3A_745] : memref<2x56x224xf32, #tpu.memory_space<vmem>> -> memref<1x56x224xf32, #tpu.memory_space<vmem>>
      %dma_wait3A_747 = tpu.memref_squeeze %dma_wait3A_746 : memref<1x56x224xf32, #tpu.memory_space<vmem>> -> memref<56x224xf32, #tpu.memory_space<vmem>>
      %dma_wait3A_748 = arith.constant 0 : i32
      %dma_wait3A_749 = tpu.memref_slice %arg2[%select_n3A_740, %select_n3A_716, %mul3A_742, %dma_wait3A_748] : memref<8x96x224x224xf32, #tpu.memory_space<hbm>> -> memref<1x1x56x224xf32, #tpu.memory_space<hbm>>
      %dma_wait3A_750 = tpu.memref_squeeze %dma_wait3A_749 : memref<1x1x56x224xf32, #tpu.memory_space<hbm>> -> memref<56x224xf32, #tpu.memory_space<hbm>>
      %dma_wait3A_751 = arith.constant 0 : i32
      %dma_wait3A_752 = arith.constant 0 : i32
      %dma_wait3A_753 = tpu.memref_slice %arg8[%dma_wait3A_743, %dma_wait3A_751, %dma_wait3A_752] : memref<2x56x224xf32, #tpu.memory_space<vmem>> -> memref<1x56x224xf32, #tpu.memory_space<vmem>>
      %dma_wait3A_754 = tpu.memref_squeeze %dma_wait3A_753 : memref<1x56x224xf32, #tpu.memory_space<vmem>> -> memref<56x224xf32, #tpu.memory_space<vmem>>
      %dma_wait3A_755 = arith.constant 0 : i32
      %dma_wait3A_756 = tpu.memref_slice %arg2[%select_n3A_740, %select_n3A_716, %mul3A_742, %dma_wait3A_755] : memref<8x96x224x224xf32, #tpu.memory_space<hbm>> -> memref<1x1x56x224xf32, #tpu.memory_space<hbm>>
      %dma_wait3A_757 = tpu.memref_squeeze %dma_wait3A_756 : memref<1x1x56x224xf32, #tpu.memory_space<hbm>> -> memref<56x224xf32, #tpu.memory_space<hbm>>
      tpu.wait_dma2 semaphore(%arg15 : memref<!tpu.dma_semaphore, #tpu.memory_space<semaphore_mem>>) src(%dma_wait3A_757 : memref<56x224xf32, #tpu.memory_space<hbm>>) dst(%dma_wait3A_754 : memref<56x224xf32, #tpu.memory_space<vmem>>)
      %ge3A_758 = arith.constant 1 : i32
      %ge3A_759 = arith.cmpi sge, %add3A_403, %ge3A_758 : i32
      %convert_element_type3A_760 = arith.extui %ge3A_759 : i1 to i32
      %cond3A_761 = arith.constant 0 : i32
      %cond3A_762 = arith.cmpi ne, %convert_element_type3A_760, %cond3A_761 : i32
      scf.if %cond3A_762 {
        %sub3A_914 = arith.constant 2 : i32
        %sub3A_915 = arith.subi %add3A_660, %sub3A_914 : i32
        %jit3A_916 = arith.constant 4 : i32
        %eq3A_917 = arith.constant 0 : i32
        %eq3A_918 = arith.cmpi eq, %jit3A_916, %eq3A_917 : i32
        %jit3A_919 = arith.constant 1 : i32
        %select_n3A_920 = arith.select %eq3A_918, %jit3A_919, %jit3A_916 : i32
        %rem3A_921 = arith.remsi %sub3A_915, %select_n3A_920 : i32
        %ne3A_922 = arith.constant 0 : i32
        %ne3A_923 = arith.cmpi ne, %rem3A_921, %ne3A_922 : i32
        %lt3A_924 = arith.constant 0 : i32
        %lt3A_925 = arith.cmpi slt, %rem3A_921, %lt3A_924 : i32
        %lt3A_926 = arith.constant 0 : i32
        %lt3A_927 = arith.cmpi slt, %select_n3A_920, %lt3A_926 : i32
        %ne3A_928 = arith.xori %lt3A_925, %lt3A_927 : i1
        %and3A_929 = arith.andi %ne3A_928, %ne3A_923 : i1
        %add3A_930 = arith.addi %rem3A_921, %select_n3A_920 : i32
        %select_n3A_931 = arith.select %and3A_929, %add3A_930, %rem3A_921 : i32
        %jit3A_932 = arith.constant 4 : i32
        %div3A_933 = arith.divsi %sub3A_915, %jit3A_932 : i32
        %sign3A_934 = arith.constant 0 : i32
        %sign3A_935 = arith.cmpi sgt, %sub3A_915, %sign3A_934 : i32
        %sign3A_936 = arith.extui %sign3A_935 : i1 to i32
        %sign3A_937 = arith.constant 0 : i32
        %sign3A_938 = arith.cmpi slt, %sub3A_915, %sign3A_937 : i32
        %sign3A_939 = arith.extui %sign3A_938 : i1 to i32
        %sign3A_940 = arith.subi %sign3A_936, %sign3A_939 : i32
        %sign3A_941 = arith.constant 0 : i32
        %sign3A_942 = arith.cmpi sgt, %jit3A_932, %sign3A_941 : i32
        %sign3A_943 = arith.extui %sign3A_942 : i1 to i32
        %sign3A_944 = arith.constant 0 : i32
        %sign3A_945 = arith.cmpi slt, %jit3A_932, %sign3A_944 : i32
        %sign3A_946 = arith.extui %sign3A_945 : i1 to i32
        %sign3A_947 = arith.subi %sign3A_943, %sign3A_946 : i32
        %ne3A_948 = arith.cmpi ne, %sign3A_940, %sign3A_947 : i32
        %rem3A_949 = arith.remsi %sub3A_915, %jit3A_932 : i32
        %ne3A_950 = arith.constant 0 : i32
        %ne3A_951 = arith.cmpi ne, %rem3A_949, %ne3A_950 : i32
        %and3A_952 = arith.andi %ne3A_948, %ne3A_951 : i1
        %sub3A_953 = arith.constant 1 : i32
        %sub3A_954 = arith.subi %div3A_933, %sub3A_953 : i32
        %select_n3A_955 = arith.select %and3A_952, %sub3A_954, %div3A_933 : i32
        %jit3A_956 = arith.constant 96 : i32
        %eq3A_957 = arith.constant 0 : i32
        %eq3A_958 = arith.cmpi eq, %jit3A_956, %eq3A_957 : i32
        %jit3A_959 = arith.constant 1 : i32
        %select_n3A_960 = arith.select %eq3A_958, %jit3A_959, %jit3A_956 : i32
        %rem3A_961 = arith.remsi %select_n3A_955, %select_n3A_960 : i32
        %ne3A_962 = arith.constant 0 : i32
        %ne3A_963 = arith.cmpi ne, %rem3A_961, %ne3A_962 : i32
        %lt3A_964 = arith.constant 0 : i32
        %lt3A_965 = arith.cmpi slt, %rem3A_961, %lt3A_964 : i32
        %lt3A_966 = arith.constant 0 : i32
        %lt3A_967 = arith.cmpi slt, %select_n3A_960, %lt3A_966 : i32
        %ne3A_968 = arith.xori %lt3A_965, %lt3A_967 : i1
        %and3A_969 = arith.andi %ne3A_968, %ne3A_963 : i1
        %add3A_970 = arith.addi %rem3A_961, %select_n3A_960 : i32
        %select_n3A_971 = arith.select %and3A_969, %add3A_970, %rem3A_961 : i32
        %jit3A_972 = arith.constant 96 : i32
        %div3A_973 = arith.divsi %select_n3A_955, %jit3A_972 : i32
        %sign3A_974 = arith.constant 0 : i32
        %sign3A_975 = arith.cmpi sgt, %select_n3A_955, %sign3A_974 : i32
        %sign3A_976 = arith.extui %sign3A_975 : i1 to i32
        %sign3A_977 = arith.constant 0 : i32
        %sign3A_978 = arith.cmpi slt, %select_n3A_955, %sign3A_977 : i32
        %sign3A_979 = arith.extui %sign3A_978 : i1 to i32
        %sign3A_980 = arith.subi %sign3A_976, %sign3A_979 : i32
        %sign3A_981 = arith.constant 0 : i32
        %sign3A_982 = arith.cmpi sgt, %jit3A_972, %sign3A_981 : i32
        %sign3A_983 = arith.extui %sign3A_982 : i1 to i32
        %sign3A_984 = arith.constant 0 : i32
        %sign3A_985 = arith.cmpi slt, %jit3A_972, %sign3A_984 : i32
        %sign3A_986 = arith.extui %sign3A_985 : i1 to i32
        %sign3A_987 = arith.subi %sign3A_983, %sign3A_986 : i32
        %ne3A_988 = arith.cmpi ne, %sign3A_980, %sign3A_987 : i32
        %rem3A_989 = arith.remsi %select_n3A_955, %jit3A_972 : i32
        %ne3A_990 = arith.constant 0 : i32
        %ne3A_991 = arith.cmpi ne, %rem3A_989, %ne3A_990 : i32
        %and3A_992 = arith.andi %ne3A_988, %ne3A_991 : i1
        %sub3A_993 = arith.constant 1 : i32
        %sub3A_994 = arith.subi %div3A_973, %sub3A_993 : i32
        %select_n3A_995 = arith.select %and3A_992, %sub3A_994, %div3A_973 : i32
        %mul3A_996 = arith.constant 56 : i32
        %mul3A_997 = arith.muli %select_n3A_931, %mul3A_996 : i32
        %dma_wait3A_998 = arith.constant 1 : i32
        %dma_wait3A_999 = arith.constant 0 : i32
        %dma_wait3A_1000 = arith.constant 0 : i32
        %dma_wait3A_1001 = tpu.memref_slice %arg9[%dma_wait3A_998, %dma_wait3A_999, %dma_wait3A_1000] : memref<2x56x224xf32, #tpu.memory_space<vmem>> -> memref<1x56x224xf32, #tpu.memory_space<vmem>>
        %dma_wait3A_1002 = tpu.memref_squeeze %dma_wait3A_1001 : memref<1x56x224xf32, #tpu.memory_space<vmem>> -> memref<56x224xf32, #tpu.memory_space<vmem>>
        %dma_wait3A_1003 = arith.constant 0 : i32
        %dma_wait3A_1004 = tpu.memref_slice %arg7[%select_n3A_995, %select_n3A_971, %mul3A_997, %dma_wait3A_1003] : memref<8x96x224x224xf32, #tpu.memory_space<hbm>> -> memref<1x1x56x224xf32, #tpu.memory_space<hbm>>
        %dma_wait3A_1005 = tpu.memref_squeeze %dma_wait3A_1004 : memref<1x1x56x224xf32, #tpu.memory_space<hbm>> -> memref<56x224xf32, #tpu.memory_space<hbm>>
        %dma_wait3A_1006 = arith.constant 0 : i32
        %dma_wait3A_1007 = tpu.memref_slice %arg7[%select_n3A_995, %select_n3A_971, %mul3A_997, %dma_wait3A_1006] : memref<8x96x224x224xf32, #tpu.memory_space<hbm>> -> memref<1x1x56x224xf32, #tpu.memory_space<hbm>>
        %dma_wait3A_1008 = tpu.memref_squeeze %dma_wait3A_1007 : memref<1x1x56x224xf32, #tpu.memory_space<hbm>> -> memref<56x224xf32, #tpu.memory_space<hbm>>
        %dma_wait3A_1009 = arith.constant 0 : i32
        %dma_wait3A_1010 = arith.constant 0 : i32
        %dma_wait3A_1011 = tpu.memref_slice %arg9[%dma_wait3A_998, %dma_wait3A_1009, %dma_wait3A_1010] : memref<2x56x224xf32, #tpu.memory_space<vmem>> -> memref<1x56x224xf32, #tpu.memory_space<vmem>>
        %dma_wait3A_1012 = tpu.memref_squeeze %dma_wait3A_1011 : memref<1x56x224xf32, #tpu.memory_space<vmem>> -> memref<56x224xf32, #tpu.memory_space<vmem>>
        tpu.wait_dma2 semaphore(%arg17 : memref<!tpu.dma_semaphore, #tpu.memory_space<semaphore_mem>>) src(%dma_wait3A_1012 : memref<56x224xf32, #tpu.memory_space<vmem>>) dst(%dma_wait3A_1008 : memref<56x224xf32, #tpu.memory_space<hbm>>)
      } else {
      }
      %jit3A_763 = arith.constant 4 : i32
      %div3A_764 = arith.divsi %add3A_660, %jit3A_763 : i32
      %sign3A_765 = arith.constant 0 : i32
      %sign3A_766 = arith.cmpi sgt, %add3A_660, %sign3A_765 : i32
      %sign3A_767 = arith.extui %sign3A_766 : i1 to i32
      %sign3A_768 = arith.constant 0 : i32
      %sign3A_769 = arith.cmpi slt, %add3A_660, %sign3A_768 : i32
      %sign3A_770 = arith.extui %sign3A_769 : i1 to i32
      %sign3A_771 = arith.subi %sign3A_767, %sign3A_770 : i32
      %sign3A_772 = arith.constant 0 : i32
      %sign3A_773 = arith.cmpi sgt, %jit3A_763, %sign3A_772 : i32
      %sign3A_774 = arith.extui %sign3A_773 : i1 to i32
      %sign3A_775 = arith.constant 0 : i32
      %sign3A_776 = arith.cmpi slt, %jit3A_763, %sign3A_775 : i32
      %sign3A_777 = arith.extui %sign3A_776 : i1 to i32
      %sign3A_778 = arith.subi %sign3A_774, %sign3A_777 : i32
      %ne3A_779 = arith.cmpi ne, %sign3A_771, %sign3A_778 : i32
      %rem3A_780 = arith.remsi %add3A_660, %jit3A_763 : i32
      %ne3A_781 = arith.constant 0 : i32
      %ne3A_782 = arith.cmpi ne, %rem3A_780, %ne3A_781 : i32
      %and3A_783 = arith.andi %ne3A_779, %ne3A_782 : i1
      %sub3A_784 = arith.constant 1 : i32
      %sub3A_785 = arith.subi %div3A_764, %sub3A_784 : i32
      %select_n3A_786 = arith.select %and3A_783, %sub3A_785, %div3A_764 : i32
      %jit3A_787 = arith.constant 96 : i32
      %eq3A_788 = arith.constant 0 : i32
      %eq3A_789 = arith.cmpi eq, %jit3A_787, %eq3A_788 : i32
      %jit3A_790 = arith.constant 1 : i32
      %select_n3A_791 = arith.select %eq3A_789, %jit3A_790, %jit3A_787 : i32
      %rem3A_792 = arith.remsi %select_n3A_786, %select_n3A_791 : i32
      %ne3A_793 = arith.constant 0 : i32
      %ne3A_794 = arith.cmpi ne, %rem3A_792, %ne3A_793 : i32
      %lt3A_795 = arith.constant 0 : i32
      %lt3A_796 = arith.cmpi slt, %rem3A_792, %lt3A_795 : i32
      %lt3A_797 = arith.constant 0 : i32
      %lt3A_798 = arith.cmpi slt, %select_n3A_791, %lt3A_797 : i32
      %ne3A_799 = arith.xori %lt3A_796, %lt3A_798 : i1
      %and3A_800 = arith.andi %ne3A_799, %ne3A_794 : i1
      %add3A_801 = arith.addi %rem3A_792, %select_n3A_791 : i32
      %select_n3A_802 = arith.select %and3A_800, %add3A_801, %rem3A_792 : i32
      %broadcast_in_dim3A_803 = vector.broadcast %select_n3A_802 : i32 to vector<16xi32>
      %gather3A_804 = tpu.vector_load_idx %arg12[%broadcast_in_dim3A_803] : memref<128xf32, #tpu.memory_space<vmem>>[vector<16xi32>], vector<16xf32>,
      %gather3A_805 = tpu.vector_load_idx %arg13[%broadcast_in_dim3A_803] : memref<128xf32, #tpu.memory_space<vmem>>[vector<16xi32>], vector<16xf32>,
      %mul3A_806 = arith.constant 32 : i32
      %mul3A_807 = vector.broadcast %mul3A_806 : i32 to vector<16xi32>
      %mul3A_808 = arith.muli %broadcast_in_dim3A_803, %mul3A_807 : vector<16xi32>
      %parallel_loop3A_809 = arith.constant 0 : i32
      %parallel_loop3A_810 = arith.constant 56 : i32
      %parallel_loop3A_811 = arith.constant 1 : i32
      scf.for %parallel_loop3A_914 = %parallel_loop3A_809 to %parallel_loop3A_810 step %parallel_loop3A_811  : i32 {
        %parallel_loop3A_915 = arith.constant 1 : i32
        %parallel_loop3A_916 = arith.index_cast %parallel_loop3A_915 : i32 to index
        %parallel_loop3A_917 = arith.index_cast %parallel_loop3A_914 : i32 to index
        %parallel_loop3A_918 = arith.constant 0 : index
        %parallel_loop3A_919 = tpu.vector_load %arg8[%parallel_loop3A_916, %parallel_loop3A_917, %parallel_loop3A_918] {strides = array<i32>} : memref<2x56x224xf32, #tpu.memory_space<vmem>>, vector<16xf32>,
        %parallel_loop3A_920 = arith.subf %parallel_loop3A_919, %gather3A_804 : vector<16xf32>
        %parallel_loop3A_921 = arith.mulf %parallel_loop3A_920, %gather3A_805 : vector<16xf32>
        %parallel_loop3A_922 = arith.constant 0.000000e+00 : f32
        %parallel_loop3A_923 = vector.broadcast %parallel_loop3A_922 : f32 to vector<16xf32>
        %parallel_loop3A_924 = arith.maximumf %parallel_loop3A_921, %parallel_loop3A_923 : vector<16xf32>
        %parallel_loop3A_925 = arith.constant 1.701000e+01 : f32
        %parallel_loop3A_926 = vector.broadcast %parallel_loop3A_925 : f32 to vector<16xf32>
        %parallel_loop3A_927 = arith.minimumf %parallel_loop3A_924, %parallel_loop3A_926 : vector<16xf32>
        %parallel_loop3A_928 = arith.fptosi %parallel_loop3A_927 : vector<16xf32> to vector<16xi32>
        %parallel_loop3A_929 = arith.addi %parallel_loop3A_928, %mul3A_808 : vector<16xi32>
        %parallel_loop3A_930 = tpu.vector_load_idx %arg10[%parallel_loop3A_929] : memref<3072xf32, #tpu.memory_space<vmem>>[vector<16xi32>], vector<16xf32>,
        %parallel_loop3A_931 = tpu.vector_load_idx %arg11[%parallel_loop3A_929] : memref<3072xf32, #tpu.memory_space<vmem>>[vector<16xi32>], vector<16xf32>,
        %parallel_loop3A_932 = arith.mulf %parallel_loop3A_919, %parallel_loop3A_931 : vector<16xf32>
        %parallel_loop3A_933 = arith.addf %parallel_loop3A_930, %parallel_loop3A_932 : vector<16xf32>
        %parallel_loop3A_934 = arith.constant 1 : i32
        %parallel_loop3A_935 = arith.index_cast %parallel_loop3A_934 : i32 to index
        %parallel_loop3A_936 = arith.index_cast %parallel_loop3A_914 : i32 to index
        %parallel_loop3A_937 = arith.constant 0 : index
        %parallel_loop3A_938 = tpu.vector_load %arg9[%parallel_loop3A_935, %parallel_loop3A_936, %parallel_loop3A_937] {strides = array<i32>} : memref<2x56x224xf32, #tpu.memory_space<vmem>>, vector<16xf32>,
        tpu.vector_store %arg9[%parallel_loop3A_935, %parallel_loop3A_936, %parallel_loop3A_937], %parallel_loop3A_933 {strides = array<i32>} : memref<2x56x224xf32, #tpu.memory_space<vmem>>, vector<16xf32>,
        %parallel_loop3A_939 = arith.constant 1 : i32
        %parallel_loop3A_940 = arith.index_cast %parallel_loop3A_939 : i32 to index
        %parallel_loop3A_941 = arith.index_cast %parallel_loop3A_914 : i32 to index
        %parallel_loop3A_942 = arith.constant 16 : index
        %parallel_loop3A_943 = tpu.vector_load %arg8[%parallel_loop3A_940, %parallel_loop3A_941, %parallel_loop3A_942] {strides = array<i32>} : memref<2x56x224xf32, #tpu.memory_space<vmem>>, vector<16xf32>,
        %parallel_loop3A_944 = arith.subf %parallel_loop3A_943, %gather3A_804 : vector<16xf32>
        %parallel_loop3A_945 = arith.mulf %parallel_loop3A_944, %gather3A_805 : vector<16xf32>
        %parallel_loop3A_946 = arith.constant 0.000000e+00 : f32
        %parallel_loop3A_947 = vector.broadcast %parallel_loop3A_946 : f32 to vector<16xf32>
        %parallel_loop3A_948 = arith.maximumf %parallel_loop3A_945, %parallel_loop3A_947 : vector<16xf32>
        %parallel_loop3A_949 = arith.constant 1.701000e+01 : f32
        %parallel_loop3A_950 = vector.broadcast %parallel_loop3A_949 : f32 to vector<16xf32>
        %parallel_loop3A_951 = arith.minimumf %parallel_loop3A_948, %parallel_loop3A_950 : vector<16xf32>
        %parallel_loop3A_952 = arith.fptosi %parallel_loop3A_951 : vector<16xf32> to vector<16xi32>
        %parallel_loop3A_953 = arith.addi %parallel_loop3A_952, %mul3A_808 : vector<16xi32>
        %parallel_loop3A_954 = tpu.vector_load_idx %arg10[%parallel_loop3A_953] : memref<3072xf32, #tpu.memory_space<vmem>>[vector<16xi32>], vector<16xf32>,
        %parallel_loop3A_955 = tpu.vector_load_idx %arg11[%parallel_loop3A_953] : memref<3072xf32, #tpu.memory_space<vmem>>[vector<16xi32>], vector<16xf32>,
        %parallel_loop3A_956 = arith.mulf %parallel_loop3A_943, %parallel_loop3A_955 : vector<16xf32>
        %parallel_loop3A_957 = arith.addf %parallel_loop3A_954, %parallel_loop3A_956 : vector<16xf32>
        %parallel_loop3A_958 = arith.constant 1 : i32
        %parallel_loop3A_959 = arith.index_cast %parallel_loop3A_958 : i32 to index
        %parallel_loop3A_960 = arith.index_cast %parallel_loop3A_914 : i32 to index
        %parallel_loop3A_961 = arith.constant 16 : index
        %parallel_loop3A_962 = tpu.vector_load %arg9[%parallel_loop3A_959, %parallel_loop3A_960, %parallel_loop3A_961] {strides = array<i32>} : memref<2x56x224xf32, #tpu.memory_space<vmem>>, vector<16xf32>,
        tpu.vector_store %arg9[%parallel_loop3A_959, %parallel_loop3A_960, %parallel_loop3A_961], %parallel_loop3A_957 {strides = array<i32>} : memref<2x56x224xf32, #tpu.memory_space<vmem>>, vector<16xf32>,
        %parallel_loop3A_963 = arith.constant 1 : i32
        %parallel_loop3A_964 = arith.index_cast %parallel_loop3A_963 : i32 to index
        %parallel_loop3A_965 = arith.index_cast %parallel_loop3A_914 : i32 to index
        %parallel_loop3A_966 = arith.constant 32 : index
        %parallel_loop3A_967 = tpu.vector_load %arg8[%parallel_loop3A_964, %parallel_loop3A_965, %parallel_loop3A_966] {strides = array<i32>} : memref<2x56x224xf32, #tpu.memory_space<vmem>>, vector<16xf32>,
        %parallel_loop3A_968 = arith.subf %parallel_loop3A_967, %gather3A_804 : vector<16xf32>
        %parallel_loop3A_969 = arith.mulf %parallel_loop3A_968, %gather3A_805 : vector<16xf32>
        %parallel_loop3A_970 = arith.constant 0.000000e+00 : f32
        %parallel_loop3A_971 = vector.broadcast %parallel_loop3A_970 : f32 to vector<16xf32>
        %parallel_loop3A_972 = arith.maximumf %parallel_loop3A_969, %parallel_loop3A_971 : vector<16xf32>
        %parallel_loop3A_973 = arith.constant 1.701000e+01 : f32
        %parallel_loop3A_974 = vector.broadcast %parallel_loop3A_973 : f32 to vector<16xf32>
        %parallel_loop3A_975 = arith.minimumf %parallel_loop3A_972, %parallel_loop3A_974 : vector<16xf32>
        %parallel_loop3A_976 = arith.fptosi %parallel_loop3A_975 : vector<16xf32> to vector<16xi32>
        %parallel_loop3A_977 = arith.addi %parallel_loop3A_976, %mul3A_808 : vector<16xi32>
        %parallel_loop3A_978 = tpu.vector_load_idx %arg10[%parallel_loop3A_977] : memref<3072xf32, #tpu.memory_space<vmem>>[vector<16xi32>], vector<16xf32>,
        %parallel_loop3A_979 = tpu.vector_load_idx %arg11[%parallel_loop3A_977] : memref<3072xf32, #tpu.memory_space<vmem>>[vector<16xi32>], vector<16xf32>,
        %parallel_loop3A_980 = arith.mulf %parallel_loop3A_967, %parallel_loop3A_979 : vector<16xf32>
        %parallel_loop3A_981 = arith.addf %parallel_loop3A_978, %parallel_loop3A_980 : vector<16xf32>
        %parallel_loop3A_982 = arith.constant 1 : i32
        %parallel_loop3A_983 = arith.index_cast %parallel_loop3A_982 : i32 to index
        %parallel_loop3A_984 = arith.index_cast %parallel_loop3A_914 : i32 to index
        %parallel_loop3A_985 = arith.constant 32 : index
        %parallel_loop3A_986 = tpu.vector_load %arg9[%parallel_loop3A_983, %parallel_loop3A_984, %parallel_loop3A_985] {strides = array<i32>} : memref<2x56x224xf32, #tpu.memory_space<vmem>>, vector<16xf32>,
        tpu.vector_store %arg9[%parallel_loop3A_983, %parallel_loop3A_984, %parallel_loop3A_985], %parallel_loop3A_981 {strides = array<i32>} : memref<2x56x224xf32, #tpu.memory_space<vmem>>, vector<16xf32>,
        %parallel_loop3A_987 = arith.constant 1 : i32
        %parallel_loop3A_988 = arith.index_cast %parallel_loop3A_987 : i32 to index
        %parallel_loop3A_989 = arith.index_cast %parallel_loop3A_914 : i32 to index
        %parallel_loop3A_990 = arith.constant 48 : index
        %parallel_loop3A_991 = tpu.vector_load %arg8[%parallel_loop3A_988, %parallel_loop3A_989, %parallel_loop3A_990] {strides = array<i32>} : memref<2x56x224xf32, #tpu.memory_space<vmem>>, vector<16xf32>,
        %parallel_loop3A_992 = arith.subf %parallel_loop3A_991, %gather3A_804 : vector<16xf32>
        %parallel_loop3A_993 = arith.mulf %parallel_loop3A_992, %gather3A_805 : vector<16xf32>
        %parallel_loop3A_994 = arith.constant 0.000000e+00 : f32
        %parallel_loop3A_995 = vector.broadcast %parallel_loop3A_994 : f32 to vector<16xf32>
        %parallel_loop3A_996 = arith.maximumf %parallel_loop3A_993, %parallel_loop3A_995 : vector<16xf32>
        %parallel_loop3A_997 = arith.constant 1.701000e+01 : f32
        %parallel_loop3A_998 = vector.broadcast %parallel_loop3A_997 : f32 to vector<16xf32>
        %parallel_loop3A_999 = arith.minimumf %parallel_loop3A_996, %parallel_loop3A_998 : vector<16xf32>
        %parallel_loop3A_1000 = arith.fptosi %parallel_loop3A_999 : vector<16xf32> to vector<16xi32>
        %parallel_loop3A_1001 = arith.addi %parallel_loop3A_1000, %mul3A_808 : vector<16xi32>
        %parallel_loop3A_1002 = tpu.vector_load_idx %arg10[%parallel_loop3A_1001] : memref<3072xf32, #tpu.memory_space<vmem>>[vector<16xi32>], vector<16xf32>,
        %parallel_loop3A_1003 = tpu.vector_load_idx %arg11[%parallel_loop3A_1001] : memref<3072xf32, #tpu.memory_space<vmem>>[vector<16xi32>], vector<16xf32>,
        %parallel_loop3A_1004 = arith.mulf %parallel_loop3A_991, %parallel_loop3A_1003 : vector<16xf32>
        %parallel_loop3A_1005 = arith.addf %parallel_loop3A_1002, %parallel_loop3A_1004 : vector<16xf32>
        %parallel_loop3A_1006 = arith.constant 1 : i32
        %parallel_loop3A_1007 = arith.index_cast %parallel_loop3A_1006 : i32 to index
        %parallel_loop3A_1008 = arith.index_cast %parallel_loop3A_914 : i32 to index
        %parallel_loop3A_1009 = arith.constant 48 : index
        %parallel_loop3A_1010 = tpu.vector_load %arg9[%parallel_loop3A_1007, %parallel_loop3A_1008, %parallel_loop3A_1009] {strides = array<i32>} : memref<2x56x224xf32, #tpu.memory_space<vmem>>, vector<16xf32>,
        tpu.vector_store %arg9[%parallel_loop3A_1007, %parallel_loop3A_1008, %parallel_loop3A_1009], %parallel_loop3A_1005 {strides = array<i32>} : memref<2x56x224xf32, #tpu.memory_space<vmem>>, vector<16xf32>,
        %parallel_loop3A_1011 = arith.constant 1 : i32
        %parallel_loop3A_1012 = arith.index_cast %parallel_loop3A_1011 : i32 to index
        %parallel_loop3A_1013 = arith.index_cast %parallel_loop3A_914 : i32 to index
        %parallel_loop3A_1014 = arith.constant 64 : index
        %parallel_loop3A_1015 = tpu.vector_load %arg8[%parallel_loop3A_1012, %parallel_loop3A_1013, %parallel_loop3A_1014] {strides = array<i32>} : memref<2x56x224xf32, #tpu.memory_space<vmem>>, vector<16xf32>,
        %parallel_loop3A_1016 = arith.subf %parallel_loop3A_1015, %gather3A_804 : vector<16xf32>
        %parallel_loop3A_1017 = arith.mulf %parallel_loop3A_1016, %gather3A_805 : vector<16xf32>
        %parallel_loop3A_1018 = arith.constant 0.000000e+00 : f32
        %parallel_loop3A_1019 = vector.broadcast %parallel_loop3A_1018 : f32 to vector<16xf32>
        %parallel_loop3A_1020 = arith.maximumf %parallel_loop3A_1017, %parallel_loop3A_1019 : vector<16xf32>
        %parallel_loop3A_1021 = arith.constant 1.701000e+01 : f32
        %parallel_loop3A_1022 = vector.broadcast %parallel_loop3A_1021 : f32 to vector<16xf32>
        %parallel_loop3A_1023 = arith.minimumf %parallel_loop3A_1020, %parallel_loop3A_1022 : vector<16xf32>
        %parallel_loop3A_1024 = arith.fptosi %parallel_loop3A_1023 : vector<16xf32> to vector<16xi32>
        %parallel_loop3A_1025 = arith.addi %parallel_loop3A_1024, %mul3A_808 : vector<16xi32>
        %parallel_loop3A_1026 = tpu.vector_load_idx %arg10[%parallel_loop3A_1025] : memref<3072xf32, #tpu.memory_space<vmem>>[vector<16xi32>], vector<16xf32>,
        %parallel_loop3A_1027 = tpu.vector_load_idx %arg11[%parallel_loop3A_1025] : memref<3072xf32, #tpu.memory_space<vmem>>[vector<16xi32>], vector<16xf32>,
        %parallel_loop3A_1028 = arith.mulf %parallel_loop3A_1015, %parallel_loop3A_1027 : vector<16xf32>
        %parallel_loop3A_1029 = arith.addf %parallel_loop3A_1026, %parallel_loop3A_1028 : vector<16xf32>
        %parallel_loop3A_1030 = arith.constant 1 : i32
        %parallel_loop3A_1031 = arith.index_cast %parallel_loop3A_1030 : i32 to index
        %parallel_loop3A_1032 = arith.index_cast %parallel_loop3A_914 : i32 to index
        %parallel_loop3A_1033 = arith.constant 64 : index
        %parallel_loop3A_1034 = tpu.vector_load %arg9[%parallel_loop3A_1031, %parallel_loop3A_1032, %parallel_loop3A_1033] {strides = array<i32>} : memref<2x56x224xf32, #tpu.memory_space<vmem>>, vector<16xf32>,
        tpu.vector_store %arg9[%parallel_loop3A_1031, %parallel_loop3A_1032, %parallel_loop3A_1033], %parallel_loop3A_1029 {strides = array<i32>} : memref<2x56x224xf32, #tpu.memory_space<vmem>>, vector<16xf32>,
        %parallel_loop3A_1035 = arith.constant 1 : i32
        %parallel_loop3A_1036 = arith.index_cast %parallel_loop3A_1035 : i32 to index
        %parallel_loop3A_1037 = arith.index_cast %parallel_loop3A_914 : i32 to index
        %parallel_loop3A_1038 = arith.constant 80 : index
        %parallel_loop3A_1039 = tpu.vector_load %arg8[%parallel_loop3A_1036, %parallel_loop3A_1037, %parallel_loop3A_1038] {strides = array<i32>} : memref<2x56x224xf32, #tpu.memory_space<vmem>>, vector<16xf32>,
        %parallel_loop3A_1040 = arith.subf %parallel_loop3A_1039, %gather3A_804 : vector<16xf32>
        %parallel_loop3A_1041 = arith.mulf %parallel_loop3A_1040, %gather3A_805 : vector<16xf32>
        %parallel_loop3A_1042 = arith.constant 0.000000e+00 : f32
        %parallel_loop3A_1043 = vector.broadcast %parallel_loop3A_1042 : f32 to vector<16xf32>
        %parallel_loop3A_1044 = arith.maximumf %parallel_loop3A_1041, %parallel_loop3A_1043 : vector<16xf32>
        %parallel_loop3A_1045 = arith.constant 1.701000e+01 : f32
        %parallel_loop3A_1046 = vector.broadcast %parallel_loop3A_1045 : f32 to vector<16xf32>
        %parallel_loop3A_1047 = arith.minimumf %parallel_loop3A_1044, %parallel_loop3A_1046 : vector<16xf32>
        %parallel_loop3A_1048 = arith.fptosi %parallel_loop3A_1047 : vector<16xf32> to vector<16xi32>
        %parallel_loop3A_1049 = arith.addi %parallel_loop3A_1048, %mul3A_808 : vector<16xi32>
        %parallel_loop3A_1050 = tpu.vector_load_idx %arg10[%parallel_loop3A_1049] : memref<3072xf32, #tpu.memory_space<vmem>>[vector<16xi32>], vector<16xf32>,
        %parallel_loop3A_1051 = tpu.vector_load_idx %arg11[%parallel_loop3A_1049] : memref<3072xf32, #tpu.memory_space<vmem>>[vector<16xi32>], vector<16xf32>,
        %parallel_loop3A_1052 = arith.mulf %parallel_loop3A_1039, %parallel_loop3A_1051 : vector<16xf32>
        %parallel_loop3A_1053 = arith.addf %parallel_loop3A_1050, %parallel_loop3A_1052 : vector<16xf32>
        %parallel_loop3A_1054 = arith.constant 1 : i32
        %parallel_loop3A_1055 = arith.index_cast %parallel_loop3A_1054 : i32 to index
        %parallel_loop3A_1056 = arith.index_cast %parallel_loop3A_914 : i32 to index
        %parallel_loop3A_1057 = arith.constant 80 : index
        %parallel_loop3A_1058 = tpu.vector_load %arg9[%parallel_loop3A_1055, %parallel_loop3A_1056, %parallel_loop3A_1057] {strides = array<i32>} : memref<2x56x224xf32, #tpu.memory_space<vmem>>, vector<16xf32>,
        tpu.vector_store %arg9[%parallel_loop3A_1055, %parallel_loop3A_1056, %parallel_loop3A_1057], %parallel_loop3A_1053 {strides = array<i32>} : memref<2x56x224xf32, #tpu.memory_space<vmem>>, vector<16xf32>,
        %parallel_loop3A_1059 = arith.constant 1 : i32
        %parallel_loop3A_1060 = arith.index_cast %parallel_loop3A_1059 : i32 to index
        %parallel_loop3A_1061 = arith.index_cast %parallel_loop3A_914 : i32 to index
        %parallel_loop3A_1062 = arith.constant 96 : index
        %parallel_loop3A_1063 = tpu.vector_load %arg8[%parallel_loop3A_1060, %parallel_loop3A_1061, %parallel_loop3A_1062] {strides = array<i32>} : memref<2x56x224xf32, #tpu.memory_space<vmem>>, vector<16xf32>,
        %parallel_loop3A_1064 = arith.subf %parallel_loop3A_1063, %gather3A_804 : vector<16xf32>
        %parallel_loop3A_1065 = arith.mulf %parallel_loop3A_1064, %gather3A_805 : vector<16xf32>
        %parallel_loop3A_1066 = arith.constant 0.000000e+00 : f32
        %parallel_loop3A_1067 = vector.broadcast %parallel_loop3A_1066 : f32 to vector<16xf32>
        %parallel_loop3A_1068 = arith.maximumf %parallel_loop3A_1065, %parallel_loop3A_1067 : vector<16xf32>
        %parallel_loop3A_1069 = arith.constant 1.701000e+01 : f32
        %parallel_loop3A_1070 = vector.broadcast %parallel_loop3A_1069 : f32 to vector<16xf32>
        %parallel_loop3A_1071 = arith.minimumf %parallel_loop3A_1068, %parallel_loop3A_1070 : vector<16xf32>
        %parallel_loop3A_1072 = arith.fptosi %parallel_loop3A_1071 : vector<16xf32> to vector<16xi32>
        %parallel_loop3A_1073 = arith.addi %parallel_loop3A_1072, %mul3A_808 : vector<16xi32>
        %parallel_loop3A_1074 = tpu.vector_load_idx %arg10[%parallel_loop3A_1073] : memref<3072xf32, #tpu.memory_space<vmem>>[vector<16xi32>], vector<16xf32>,
        %parallel_loop3A_1075 = tpu.vector_load_idx %arg11[%parallel_loop3A_1073] : memref<3072xf32, #tpu.memory_space<vmem>>[vector<16xi32>], vector<16xf32>,
        %parallel_loop3A_1076 = arith.mulf %parallel_loop3A_1063, %parallel_loop3A_1075 : vector<16xf32>
        %parallel_loop3A_1077 = arith.addf %parallel_loop3A_1074, %parallel_loop3A_1076 : vector<16xf32>
        %parallel_loop3A_1078 = arith.constant 1 : i32
        %parallel_loop3A_1079 = arith.index_cast %parallel_loop3A_1078 : i32 to index
        %parallel_loop3A_1080 = arith.index_cast %parallel_loop3A_914 : i32 to index
        %parallel_loop3A_1081 = arith.constant 96 : index
        %parallel_loop3A_1082 = tpu.vector_load %arg9[%parallel_loop3A_1079, %parallel_loop3A_1080, %parallel_loop3A_1081] {strides = array<i32>} : memref<2x56x224xf32, #tpu.memory_space<vmem>>, vector<16xf32>,
        tpu.vector_store %arg9[%parallel_loop3A_1079, %parallel_loop3A_1080, %parallel_loop3A_1081], %parallel_loop3A_1077 {strides = array<i32>} : memref<2x56x224xf32, #tpu.memory_space<vmem>>, vector<16xf32>,
        %parallel_loop3A_1083 = arith.constant 1 : i32
        %parallel_loop3A_1084 = arith.index_cast %parallel_loop3A_1083 : i32 to index
        %parallel_loop3A_1085 = arith.index_cast %parallel_loop3A_914 : i32 to index
        %parallel_loop3A_1086 = arith.constant 112 : index
        %parallel_loop3A_1087 = tpu.vector_load %arg8[%parallel_loop3A_1084, %parallel_loop3A_1085, %parallel_loop3A_1086] {strides = array<i32>} : memref<2x56x224xf32, #tpu.memory_space<vmem>>, vector<16xf32>,
        %parallel_loop3A_1088 = arith.subf %parallel_loop3A_1087, %gather3A_804 : vector<16xf32>
        %parallel_loop3A_1089 = arith.mulf %parallel_loop3A_1088, %gather3A_805 : vector<16xf32>
        %parallel_loop3A_1090 = arith.constant 0.000000e+00 : f32
        %parallel_loop3A_1091 = vector.broadcast %parallel_loop3A_1090 : f32 to vector<16xf32>
        %parallel_loop3A_1092 = arith.maximumf %parallel_loop3A_1089, %parallel_loop3A_1091 : vector<16xf32>
        %parallel_loop3A_1093 = arith.constant 1.701000e+01 : f32
        %parallel_loop3A_1094 = vector.broadcast %parallel_loop3A_1093 : f32 to vector<16xf32>
        %parallel_loop3A_1095 = arith.minimumf %parallel_loop3A_1092, %parallel_loop3A_1094 : vector<16xf32>
        %parallel_loop3A_1096 = arith.fptosi %parallel_loop3A_1095 : vector<16xf32> to vector<16xi32>
        %parallel_loop3A_1097 = arith.addi %parallel_loop3A_1096, %mul3A_808 : vector<16xi32>
        %parallel_loop3A_1098 = tpu.vector_load_idx %arg10[%parallel_loop3A_1097] : memref<3072xf32, #tpu.memory_space<vmem>>[vector<16xi32>], vector<16xf32>,
        %parallel_loop3A_1099 = tpu.vector_load_idx %arg11[%parallel_loop3A_1097] : memref<3072xf32, #tpu.memory_space<vmem>>[vector<16xi32>], vector<16xf32>,
        %parallel_loop3A_1100 = arith.mulf %parallel_loop3A_1087, %parallel_loop3A_1099 : vector<16xf32>
        %parallel_loop3A_1101 = arith.addf %parallel_loop3A_1098, %parallel_loop3A_1100 : vector<16xf32>
        %parallel_loop3A_1102 = arith.constant 1 : i32
        %parallel_loop3A_1103 = arith.index_cast %parallel_loop3A_1102 : i32 to index
        %parallel_loop3A_1104 = arith.index_cast %parallel_loop3A_914 : i32 to index
        %parallel_loop3A_1105 = arith.constant 112 : index
        %parallel_loop3A_1106 = tpu.vector_load %arg9[%parallel_loop3A_1103, %parallel_loop3A_1104, %parallel_loop3A_1105] {strides = array<i32>} : memref<2x56x224xf32, #tpu.memory_space<vmem>>, vector<16xf32>,
        tpu.vector_store %arg9[%parallel_loop3A_1103, %parallel_loop3A_1104, %parallel_loop3A_1105], %parallel_loop3A_1101 {strides = array<i32>} : memref<2x56x224xf32, #tpu.memory_space<vmem>>, vector<16xf32>,
        %parallel_loop3A_1107 = arith.constant 1 : i32
        %parallel_loop3A_1108 = arith.index_cast %parallel_loop3A_1107 : i32 to index
        %parallel_loop3A_1109 = arith.index_cast %parallel_loop3A_914 : i32 to index
        %parallel_loop3A_1110 = arith.constant 128 : index
        %parallel_loop3A_1111 = tpu.vector_load %arg8[%parallel_loop3A_1108, %parallel_loop3A_1109, %parallel_loop3A_1110] {strides = array<i32>} : memref<2x56x224xf32, #tpu.memory_space<vmem>>, vector<16xf32>,
        %parallel_loop3A_1112 = arith.subf %parallel_loop3A_1111, %gather3A_804 : vector<16xf32>
        %parallel_loop3A_1113 = arith.mulf %parallel_loop3A_1112, %gather3A_805 : vector<16xf32>
        %parallel_loop3A_1114 = arith.constant 0.000000e+00 : f32
        %parallel_loop3A_1115 = vector.broadcast %parallel_loop3A_1114 : f32 to vector<16xf32>
        %parallel_loop3A_1116 = arith.maximumf %parallel_loop3A_1113, %parallel_loop3A_1115 : vector<16xf32>
        %parallel_loop3A_1117 = arith.constant 1.701000e+01 : f32
        %parallel_loop3A_1118 = vector.broadcast %parallel_loop3A_1117 : f32 to vector<16xf32>
        %parallel_loop3A_1119 = arith.minimumf %parallel_loop3A_1116, %parallel_loop3A_1118 : vector<16xf32>
        %parallel_loop3A_1120 = arith.fptosi %parallel_loop3A_1119 : vector<16xf32> to vector<16xi32>
        %parallel_loop3A_1121 = arith.addi %parallel_loop3A_1120, %mul3A_808 : vector<16xi32>
        %parallel_loop3A_1122 = tpu.vector_load_idx %arg10[%parallel_loop3A_1121] : memref<3072xf32, #tpu.memory_space<vmem>>[vector<16xi32>], vector<16xf32>,
        %parallel_loop3A_1123 = tpu.vector_load_idx %arg11[%parallel_loop3A_1121] : memref<3072xf32, #tpu.memory_space<vmem>>[vector<16xi32>], vector<16xf32>,
        %parallel_loop3A_1124 = arith.mulf %parallel_loop3A_1111, %parallel_loop3A_1123 : vector<16xf32>
        %parallel_loop3A_1125 = arith.addf %parallel_loop3A_1122, %parallel_loop3A_1124 : vector<16xf32>
        %parallel_loop3A_1126 = arith.constant 1 : i32
        %parallel_loop3A_1127 = arith.index_cast %parallel_loop3A_1126 : i32 to index
        %parallel_loop3A_1128 = arith.index_cast %parallel_loop3A_914 : i32 to index
        %parallel_loop3A_1129 = arith.constant 128 : index
        %parallel_loop3A_1130 = tpu.vector_load %arg9[%parallel_loop3A_1127, %parallel_loop3A_1128, %parallel_loop3A_1129] {strides = array<i32>} : memref<2x56x224xf32, #tpu.memory_space<vmem>>, vector<16xf32>,
        tpu.vector_store %arg9[%parallel_loop3A_1127, %parallel_loop3A_1128, %parallel_loop3A_1129], %parallel_loop3A_1125 {strides = array<i32>} : memref<2x56x224xf32, #tpu.memory_space<vmem>>, vector<16xf32>,
        %parallel_loop3A_1131 = arith.constant 1 : i32
        %parallel_loop3A_1132 = arith.index_cast %parallel_loop3A_1131 : i32 to index
        %parallel_loop3A_1133 = arith.index_cast %parallel_loop3A_914 : i32 to index
        %parallel_loop3A_1134 = arith.constant 144 : index
        %parallel_loop3A_1135 = tpu.vector_load %arg8[%parallel_loop3A_1132, %parallel_loop3A_1133, %parallel_loop3A_1134] {strides = array<i32>} : memref<2x56x224xf32, #tpu.memory_space<vmem>>, vector<16xf32>,
        %parallel_loop3A_1136 = arith.subf %parallel_loop3A_1135, %gather3A_804 : vector<16xf32>
        %parallel_loop3A_1137 = arith.mulf %parallel_loop3A_1136, %gather3A_805 : vector<16xf32>
        %parallel_loop3A_1138 = arith.constant 0.000000e+00 : f32
        %parallel_loop3A_1139 = vector.broadcast %parallel_loop3A_1138 : f32 to vector<16xf32>
        %parallel_loop3A_1140 = arith.maximumf %parallel_loop3A_1137, %parallel_loop3A_1139 : vector<16xf32>
        %parallel_loop3A_1141 = arith.constant 1.701000e+01 : f32
        %parallel_loop3A_1142 = vector.broadcast %parallel_loop3A_1141 : f32 to vector<16xf32>
        %parallel_loop3A_1143 = arith.minimumf %parallel_loop3A_1140, %parallel_loop3A_1142 : vector<16xf32>
        %parallel_loop3A_1144 = arith.fptosi %parallel_loop3A_1143 : vector<16xf32> to vector<16xi32>
        %parallel_loop3A_1145 = arith.addi %parallel_loop3A_1144, %mul3A_808 : vector<16xi32>
        %parallel_loop3A_1146 = tpu.vector_load_idx %arg10[%parallel_loop3A_1145] : memref<3072xf32, #tpu.memory_space<vmem>>[vector<16xi32>], vector<16xf32>,
        %parallel_loop3A_1147 = tpu.vector_load_idx %arg11[%parallel_loop3A_1145] : memref<3072xf32, #tpu.memory_space<vmem>>[vector<16xi32>], vector<16xf32>,
        %parallel_loop3A_1148 = arith.mulf %parallel_loop3A_1135, %parallel_loop3A_1147 : vector<16xf32>
        %parallel_loop3A_1149 = arith.addf %parallel_loop3A_1146, %parallel_loop3A_1148 : vector<16xf32>
        %parallel_loop3A_1150 = arith.constant 1 : i32
        %parallel_loop3A_1151 = arith.index_cast %parallel_loop3A_1150 : i32 to index
        %parallel_loop3A_1152 = arith.index_cast %parallel_loop3A_914 : i32 to index
        %parallel_loop3A_1153 = arith.constant 144 : index
        %parallel_loop3A_1154 = tpu.vector_load %arg9[%parallel_loop3A_1151, %parallel_loop3A_1152, %parallel_loop3A_1153] {strides = array<i32>} : memref<2x56x224xf32, #tpu.memory_space<vmem>>, vector<16xf32>,
        tpu.vector_store %arg9[%parallel_loop3A_1151, %parallel_loop3A_1152, %parallel_loop3A_1153], %parallel_loop3A_1149 {strides = array<i32>} : memref<2x56x224xf32, #tpu.memory_space<vmem>>, vector<16xf32>,
        %parallel_loop3A_1155 = arith.constant 1 : i32
        %parallel_loop3A_1156 = arith.index_cast %parallel_loop3A_1155 : i32 to index
        %parallel_loop3A_1157 = arith.index_cast %parallel_loop3A_914 : i32 to index
        %parallel_loop3A_1158 = arith.constant 160 : index
        %parallel_loop3A_1159 = tpu.vector_load %arg8[%parallel_loop3A_1156, %parallel_loop3A_1157, %parallel_loop3A_1158] {strides = array<i32>} : memref<2x56x224xf32, #tpu.memory_space<vmem>>, vector<16xf32>,
        %parallel_loop3A_1160 = arith.subf %parallel_loop3A_1159, %gather3A_804 : vector<16xf32>
        %parallel_loop3A_1161 = arith.mulf %parallel_loop3A_1160, %gather3A_805 : vector<16xf32>
        %parallel_loop3A_1162 = arith.constant 0.000000e+00 : f32
        %parallel_loop3A_1163 = vector.broadcast %parallel_loop3A_1162 : f32 to vector<16xf32>
        %parallel_loop3A_1164 = arith.maximumf %parallel_loop3A_1161, %parallel_loop3A_1163 : vector<16xf32>
        %parallel_loop3A_1165 = arith.constant 1.701000e+01 : f32
        %parallel_loop3A_1166 = vector.broadcast %parallel_loop3A_1165 : f32 to vector<16xf32>
        %parallel_loop3A_1167 = arith.minimumf %parallel_loop3A_1164, %parallel_loop3A_1166 : vector<16xf32>
        %parallel_loop3A_1168 = arith.fptosi %parallel_loop3A_1167 : vector<16xf32> to vector<16xi32>
        %parallel_loop3A_1169 = arith.addi %parallel_loop3A_1168, %mul3A_808 : vector<16xi32>
        %parallel_loop3A_1170 = tpu.vector_load_idx %arg10[%parallel_loop3A_1169] : memref<3072xf32, #tpu.memory_space<vmem>>[vector<16xi32>], vector<16xf32>,
        %parallel_loop3A_1171 = tpu.vector_load_idx %arg11[%parallel_loop3A_1169] : memref<3072xf32, #tpu.memory_space<vmem>>[vector<16xi32>], vector<16xf32>,
        %parallel_loop3A_1172 = arith.mulf %parallel_loop3A_1159, %parallel_loop3A_1171 : vector<16xf32>
        %parallel_loop3A_1173 = arith.addf %parallel_loop3A_1170, %parallel_loop3A_1172 : vector<16xf32>
        %parallel_loop3A_1174 = arith.constant 1 : i32
        %parallel_loop3A_1175 = arith.index_cast %parallel_loop3A_1174 : i32 to index
        %parallel_loop3A_1176 = arith.index_cast %parallel_loop3A_914 : i32 to index
        %parallel_loop3A_1177 = arith.constant 160 : index
        %parallel_loop3A_1178 = tpu.vector_load %arg9[%parallel_loop3A_1175, %parallel_loop3A_1176, %parallel_loop3A_1177] {strides = array<i32>} : memref<2x56x224xf32, #tpu.memory_space<vmem>>, vector<16xf32>,
        tpu.vector_store %arg9[%parallel_loop3A_1175, %parallel_loop3A_1176, %parallel_loop3A_1177], %parallel_loop3A_1173 {strides = array<i32>} : memref<2x56x224xf32, #tpu.memory_space<vmem>>, vector<16xf32>,
        %parallel_loop3A_1179 = arith.constant 1 : i32
        %parallel_loop3A_1180 = arith.index_cast %parallel_loop3A_1179 : i32 to index
        %parallel_loop3A_1181 = arith.index_cast %parallel_loop3A_914 : i32 to index
        %parallel_loop3A_1182 = arith.constant 176 : index
        %parallel_loop3A_1183 = tpu.vector_load %arg8[%parallel_loop3A_1180, %parallel_loop3A_1181, %parallel_loop3A_1182] {strides = array<i32>} : memref<2x56x224xf32, #tpu.memory_space<vmem>>, vector<16xf32>,
        %parallel_loop3A_1184 = arith.subf %parallel_loop3A_1183, %gather3A_804 : vector<16xf32>
        %parallel_loop3A_1185 = arith.mulf %parallel_loop3A_1184, %gather3A_805 : vector<16xf32>
        %parallel_loop3A_1186 = arith.constant 0.000000e+00 : f32
        %parallel_loop3A_1187 = vector.broadcast %parallel_loop3A_1186 : f32 to vector<16xf32>
        %parallel_loop3A_1188 = arith.maximumf %parallel_loop3A_1185, %parallel_loop3A_1187 : vector<16xf32>
        %parallel_loop3A_1189 = arith.constant 1.701000e+01 : f32
        %parallel_loop3A_1190 = vector.broadcast %parallel_loop3A_1189 : f32 to vector<16xf32>
        %parallel_loop3A_1191 = arith.minimumf %parallel_loop3A_1188, %parallel_loop3A_1190 : vector<16xf32>
        %parallel_loop3A_1192 = arith.fptosi %parallel_loop3A_1191 : vector<16xf32> to vector<16xi32>
        %parallel_loop3A_1193 = arith.addi %parallel_loop3A_1192, %mul3A_808 : vector<16xi32>
        %parallel_loop3A_1194 = tpu.vector_load_idx %arg10[%parallel_loop3A_1193] : memref<3072xf32, #tpu.memory_space<vmem>>[vector<16xi32>], vector<16xf32>,
        %parallel_loop3A_1195 = tpu.vector_load_idx %arg11[%parallel_loop3A_1193] : memref<3072xf32, #tpu.memory_space<vmem>>[vector<16xi32>], vector<16xf32>,
        %parallel_loop3A_1196 = arith.mulf %parallel_loop3A_1183, %parallel_loop3A_1195 : vector<16xf32>
        %parallel_loop3A_1197 = arith.addf %parallel_loop3A_1194, %parallel_loop3A_1196 : vector<16xf32>
        %parallel_loop3A_1198 = arith.constant 1 : i32
        %parallel_loop3A_1199 = arith.index_cast %parallel_loop3A_1198 : i32 to index
        %parallel_loop3A_1200 = arith.index_cast %parallel_loop3A_914 : i32 to index
        %parallel_loop3A_1201 = arith.constant 176 : index
        %parallel_loop3A_1202 = tpu.vector_load %arg9[%parallel_loop3A_1199, %parallel_loop3A_1200, %parallel_loop3A_1201] {strides = array<i32>} : memref<2x56x224xf32, #tpu.memory_space<vmem>>, vector<16xf32>,
        tpu.vector_store %arg9[%parallel_loop3A_1199, %parallel_loop3A_1200, %parallel_loop3A_1201], %parallel_loop3A_1197 {strides = array<i32>} : memref<2x56x224xf32, #tpu.memory_space<vmem>>, vector<16xf32>,
        %parallel_loop3A_1203 = arith.constant 1 : i32
        %parallel_loop3A_1204 = arith.index_cast %parallel_loop3A_1203 : i32 to index
        %parallel_loop3A_1205 = arith.index_cast %parallel_loop3A_914 : i32 to index
        %parallel_loop3A_1206 = arith.constant 192 : index
        %parallel_loop3A_1207 = tpu.vector_load %arg8[%parallel_loop3A_1204, %parallel_loop3A_1205, %parallel_loop3A_1206] {strides = array<i32>} : memref<2x56x224xf32, #tpu.memory_space<vmem>>, vector<16xf32>,
        %parallel_loop3A_1208 = arith.subf %parallel_loop3A_1207, %gather3A_804 : vector<16xf32>
        %parallel_loop3A_1209 = arith.mulf %parallel_loop3A_1208, %gather3A_805 : vector<16xf32>
        %parallel_loop3A_1210 = arith.constant 0.000000e+00 : f32
        %parallel_loop3A_1211 = vector.broadcast %parallel_loop3A_1210 : f32 to vector<16xf32>
        %parallel_loop3A_1212 = arith.maximumf %parallel_loop3A_1209, %parallel_loop3A_1211 : vector<16xf32>
        %parallel_loop3A_1213 = arith.constant 1.701000e+01 : f32
        %parallel_loop3A_1214 = vector.broadcast %parallel_loop3A_1213 : f32 to vector<16xf32>
        %parallel_loop3A_1215 = arith.minimumf %parallel_loop3A_1212, %parallel_loop3A_1214 : vector<16xf32>
        %parallel_loop3A_1216 = arith.fptosi %parallel_loop3A_1215 : vector<16xf32> to vector<16xi32>
        %parallel_loop3A_1217 = arith.addi %parallel_loop3A_1216, %mul3A_808 : vector<16xi32>
        %parallel_loop3A_1218 = tpu.vector_load_idx %arg10[%parallel_loop3A_1217] : memref<3072xf32, #tpu.memory_space<vmem>>[vector<16xi32>], vector<16xf32>,
        %parallel_loop3A_1219 = tpu.vector_load_idx %arg11[%parallel_loop3A_1217] : memref<3072xf32, #tpu.memory_space<vmem>>[vector<16xi32>], vector<16xf32>,
        %parallel_loop3A_1220 = arith.mulf %parallel_loop3A_1207, %parallel_loop3A_1219 : vector<16xf32>
        %parallel_loop3A_1221 = arith.addf %parallel_loop3A_1218, %parallel_loop3A_1220 : vector<16xf32>
        %parallel_loop3A_1222 = arith.constant 1 : i32
        %parallel_loop3A_1223 = arith.index_cast %parallel_loop3A_1222 : i32 to index
        %parallel_loop3A_1224 = arith.index_cast %parallel_loop3A_914 : i32 to index
        %parallel_loop3A_1225 = arith.constant 192 : index
        %parallel_loop3A_1226 = tpu.vector_load %arg9[%parallel_loop3A_1223, %parallel_loop3A_1224, %parallel_loop3A_1225] {strides = array<i32>} : memref<2x56x224xf32, #tpu.memory_space<vmem>>, vector<16xf32>,
        tpu.vector_store %arg9[%parallel_loop3A_1223, %parallel_loop3A_1224, %parallel_loop3A_1225], %parallel_loop3A_1221 {strides = array<i32>} : memref<2x56x224xf32, #tpu.memory_space<vmem>>, vector<16xf32>,
        %parallel_loop3A_1227 = arith.constant 1 : i32
        %parallel_loop3A_1228 = arith.index_cast %parallel_loop3A_1227 : i32 to index
        %parallel_loop3A_1229 = arith.index_cast %parallel_loop3A_914 : i32 to index
        %parallel_loop3A_1230 = arith.constant 208 : index
        %parallel_loop3A_1231 = tpu.vector_load %arg8[%parallel_loop3A_1228, %parallel_loop3A_1229, %parallel_loop3A_1230] {strides = array<i32>} : memref<2x56x224xf32, #tpu.memory_space<vmem>>, vector<16xf32>,
        %parallel_loop3A_1232 = arith.subf %parallel_loop3A_1231, %gather3A_804 : vector<16xf32>
        %parallel_loop3A_1233 = arith.mulf %parallel_loop3A_1232, %gather3A_805 : vector<16xf32>
        %parallel_loop3A_1234 = arith.constant 0.000000e+00 : f32
        %parallel_loop3A_1235 = vector.broadcast %parallel_loop3A_1234 : f32 to vector<16xf32>
        %parallel_loop3A_1236 = arith.maximumf %parallel_loop3A_1233, %parallel_loop3A_1235 : vector<16xf32>
        %parallel_loop3A_1237 = arith.constant 1.701000e+01 : f32
        %parallel_loop3A_1238 = vector.broadcast %parallel_loop3A_1237 : f32 to vector<16xf32>
        %parallel_loop3A_1239 = arith.minimumf %parallel_loop3A_1236, %parallel_loop3A_1238 : vector<16xf32>
        %parallel_loop3A_1240 = arith.fptosi %parallel_loop3A_1239 : vector<16xf32> to vector<16xi32>
        %parallel_loop3A_1241 = arith.addi %parallel_loop3A_1240, %mul3A_808 : vector<16xi32>
        %parallel_loop3A_1242 = tpu.vector_load_idx %arg10[%parallel_loop3A_1241] : memref<3072xf32, #tpu.memory_space<vmem>>[vector<16xi32>], vector<16xf32>,
        %parallel_loop3A_1243 = tpu.vector_load_idx %arg11[%parallel_loop3A_1241] : memref<3072xf32, #tpu.memory_space<vmem>>[vector<16xi32>], vector<16xf32>,
        %parallel_loop3A_1244 = arith.mulf %parallel_loop3A_1231, %parallel_loop3A_1243 : vector<16xf32>
        %parallel_loop3A_1245 = arith.addf %parallel_loop3A_1242, %parallel_loop3A_1244 : vector<16xf32>
        %parallel_loop3A_1246 = arith.constant 1 : i32
        %parallel_loop3A_1247 = arith.index_cast %parallel_loop3A_1246 : i32 to index
        %parallel_loop3A_1248 = arith.index_cast %parallel_loop3A_914 : i32 to index
        %parallel_loop3A_1249 = arith.constant 208 : index
        %parallel_loop3A_1250 = tpu.vector_load %arg9[%parallel_loop3A_1247, %parallel_loop3A_1248, %parallel_loop3A_1249] {strides = array<i32>} : memref<2x56x224xf32, #tpu.memory_space<vmem>>, vector<16xf32>,
        tpu.vector_store %arg9[%parallel_loop3A_1247, %parallel_loop3A_1248, %parallel_loop3A_1249], %parallel_loop3A_1245 {strides = array<i32>} : memref<2x56x224xf32, #tpu.memory_space<vmem>>, vector<16xf32>,
      } {sc.loop_unroll_factor = 2 : i64, sc.parallel_access}
      %jit3A_812 = arith.constant 4 : i32
      %eq3A_813 = arith.constant 0 : i32
      %eq3A_814 = arith.cmpi eq, %jit3A_812, %eq3A_813 : i32
      %jit3A_815 = arith.constant 1 : i32
      %select_n3A_816 = arith.select %eq3A_814, %jit3A_815, %jit3A_812 : i32
      %rem3A_817 = arith.remsi %add3A_660, %select_n3A_816 : i32
      %ne3A_818 = arith.constant 0 : i32
      %ne3A_819 = arith.cmpi ne, %rem3A_817, %ne3A_818 : i32
      %lt3A_820 = arith.constant 0 : i32
      %lt3A_821 = arith.cmpi slt, %rem3A_817, %lt3A_820 : i32
      %lt3A_822 = arith.constant 0 : i32
      %lt3A_823 = arith.cmpi slt, %select_n3A_816, %lt3A_822 : i32
      %ne3A_824 = arith.xori %lt3A_821, %lt3A_823 : i1
      %and3A_825 = arith.andi %ne3A_824, %ne3A_819 : i1
      %add3A_826 = arith.addi %rem3A_817, %select_n3A_816 : i32
      %select_n3A_827 = arith.select %and3A_825, %add3A_826, %rem3A_817 : i32
      %jit3A_828 = arith.constant 4 : i32
      %div3A_829 = arith.divsi %add3A_660, %jit3A_828 : i32
      %sign3A_830 = arith.constant 0 : i32
      %sign3A_831 = arith.cmpi sgt, %add3A_660, %sign3A_830 : i32
      %sign3A_832 = arith.extui %sign3A_831 : i1 to i32
      %sign3A_833 = arith.constant 0 : i32
      %sign3A_834 = arith.cmpi slt, %add3A_660, %sign3A_833 : i32
      %sign3A_835 = arith.extui %sign3A_834 : i1 to i32
      %sign3A_836 = arith.subi %sign3A_832, %sign3A_835 : i32
      %sign3A_837 = arith.constant 0 : i32
      %sign3A_838 = arith.cmpi sgt, %jit3A_828, %sign3A_837 : i32
      %sign3A_839 = arith.extui %sign3A_838 : i1 to i32
      %sign3A_840 = arith.constant 0 : i32
      %sign3A_841 = arith.cmpi slt, %jit3A_828, %sign3A_840 : i32
      %sign3A_842 = arith.extui %sign3A_841 : i1 to i32
      %sign3A_843 = arith.subi %sign3A_839, %sign3A_842 : i32
      %ne3A_844 = arith.cmpi ne, %sign3A_836, %sign3A_843 : i32
      %rem3A_845 = arith.remsi %add3A_660, %jit3A_828 : i32
      %ne3A_846 = arith.constant 0 : i32
      %ne3A_847 = arith.cmpi ne, %rem3A_845, %ne3A_846 : i32
      %and3A_848 = arith.andi %ne3A_844, %ne3A_847 : i1
      %sub3A_849 = arith.constant 1 : i32
      %sub3A_850 = arith.subi %div3A_829, %sub3A_849 : i32
      %select_n3A_851 = arith.select %and3A_848, %sub3A_850, %div3A_829 : i32
      %jit3A_852 = arith.constant 96 : i32
      %eq3A_853 = arith.constant 0 : i32
      %eq3A_854 = arith.cmpi eq, %jit3A_852, %eq3A_853 : i32
      %jit3A_855 = arith.constant 1 : i32
      %select_n3A_856 = arith.select %eq3A_854, %jit3A_855, %jit3A_852 : i32
      %rem3A_857 = arith.remsi %select_n3A_851, %select_n3A_856 : i32
      %ne3A_858 = arith.constant 0 : i32
      %ne3A_859 = arith.cmpi ne, %rem3A_857, %ne3A_858 : i32
      %lt3A_860 = arith.constant 0 : i32
      %lt3A_861 = arith.cmpi slt, %rem3A_857, %lt3A_860 : i32
      %lt3A_862 = arith.constant 0 : i32
      %lt3A_863 = arith.cmpi slt, %select_n3A_856, %lt3A_862 : i32
      %ne3A_864 = arith.xori %lt3A_861, %lt3A_863 : i1
      %and3A_865 = arith.andi %ne3A_864, %ne3A_859 : i1
      %add3A_866 = arith.addi %rem3A_857, %select_n3A_856 : i32
      %select_n3A_867 = arith.select %and3A_865, %add3A_866, %rem3A_857 : i32
      %jit3A_868 = arith.constant 96 : i32
      %div3A_869 = arith.divsi %select_n3A_851, %jit3A_868 : i32
      %sign3A_870 = arith.constant 0 : i32
      %sign3A_871 = arith.cmpi sgt, %select_n3A_851, %sign3A_870 : i32
      %sign3A_872 = arith.extui %sign3A_871 : i1 to i32
      %sign3A_873 = arith.constant 0 : i32
      %sign3A_874 = arith.cmpi slt, %select_n3A_851, %sign3A_873 : i32
      %sign3A_875 = arith.extui %sign3A_874 : i1 to i32
      %sign3A_876 = arith.subi %sign3A_872, %sign3A_875 : i32
      %sign3A_877 = arith.constant 0 : i32
      %sign3A_878 = arith.cmpi sgt, %jit3A_868, %sign3A_877 : i32
      %sign3A_879 = arith.extui %sign3A_878 : i1 to i32
      %sign3A_880 = arith.constant 0 : i32
      %sign3A_881 = arith.cmpi slt, %jit3A_868, %sign3A_880 : i32
      %sign3A_882 = arith.extui %sign3A_881 : i1 to i32
      %sign3A_883 = arith.subi %sign3A_879, %sign3A_882 : i32
      %ne3A_884 = arith.cmpi ne, %sign3A_876, %sign3A_883 : i32
      %rem3A_885 = arith.remsi %select_n3A_851, %jit3A_868 : i32
      %ne3A_886 = arith.constant 0 : i32
      %ne3A_887 = arith.cmpi ne, %rem3A_885, %ne3A_886 : i32
      %and3A_888 = arith.andi %ne3A_884, %ne3A_887 : i1
      %sub3A_889 = arith.constant 1 : i32
      %sub3A_890 = arith.subi %div3A_869, %sub3A_889 : i32
      %select_n3A_891 = arith.select %and3A_888, %sub3A_890, %div3A_869 : i32
      %mul3A_892 = arith.constant 56 : i32
      %mul3A_893 = arith.muli %select_n3A_827, %mul3A_892 : i32
      %dma_start3A_894 = arith.constant 1 : i32
      %dma_start3A_895 = arith.constant 0 : i32
      %dma_start3A_896 = arith.constant 0 : i32
      %dma_start3A_897 = tpu.memref_slice %arg9[%dma_start3A_894, %dma_start3A_895, %dma_start3A_896] : memref<2x56x224xf32, #tpu.memory_space<vmem>> -> memref<1x56x224xf32, #tpu.memory_space<vmem>>
      %dma_start3A_898 = tpu.memref_squeeze %dma_start3A_897 : memref<1x56x224xf32, #tpu.memory_space<vmem>> -> memref<56x224xf32, #tpu.memory_space<vmem>>
      %dma_start3A_899 = arith.constant 0 : i32
      %dma_start3A_900 = tpu.memref_slice %arg7[%select_n3A_891, %select_n3A_867, %mul3A_893, %dma_start3A_899] : memref<8x96x224x224xf32, #tpu.memory_space<hbm>> -> memref<1x1x56x224xf32, #tpu.memory_space<hbm>>
      %dma_start3A_901 = tpu.memref_squeeze %dma_start3A_900 : memref<1x1x56x224xf32, #tpu.memory_space<hbm>> -> memref<56x224xf32, #tpu.memory_space<hbm>>
      %dma_start3A_902 = arith.constant 0 : i32
      %dma_start3A_903 = tpu.memref_slice %arg7[%select_n3A_891, %select_n3A_867, %mul3A_893, %dma_start3A_902] : memref<8x96x224x224xf32, #tpu.memory_space<hbm>> -> memref<1x1x56x224xf32, #tpu.memory_space<hbm>>
      %dma_start3A_904 = tpu.memref_squeeze %dma_start3A_903 : memref<1x1x56x224xf32, #tpu.memory_space<hbm>> -> memref<56x224xf32, #tpu.memory_space<hbm>>
      %dma_start3A_905 = arith.constant 0 : i32
      %dma_start3A_906 = arith.constant 0 : i32
      %dma_start3A_907 = tpu.memref_slice %arg9[%dma_start3A_894, %dma_start3A_905, %dma_start3A_906] : memref<2x56x224xf32, #tpu.memory_space<vmem>> -> memref<1x56x224xf32, #tpu.memory_space<vmem>>
      %dma_start3A_908 = tpu.memref_squeeze %dma_start3A_907 : memref<1x56x224xf32, #tpu.memory_space<vmem>> -> memref<56x224xf32, #tpu.memory_space<vmem>>
      tpu.enqueue_dma source(%dma_start3A_908 : memref<56x224xf32, #tpu.memory_space<vmem>>) target(%dma_start3A_904 : memref<56x224xf32, #tpu.memory_space<hbm>>) target_semaphore(%arg17 : memref<!tpu.dma_semaphore, #tpu.memory_space<semaphore_mem>>)
      %lt3A_909 = arith.constant 47 : i32
      %lt3A_910 = arith.cmpi slt, %add3A_403, %lt3A_909 : i32
      %convert_element_type3A_911 = arith.extui %lt3A_910 : i1 to i32
      %cond3A_912 = arith.constant 0 : i32
      %cond3A_913 = arith.cmpi ne, %convert_element_type3A_911, %cond3A_912 : i32
      scf.if %cond3A_913 {
        %add3A_914 = arith.constant 2 : i32
        %add3A_915 = arith.addi %add3A_660, %add3A_914 : i32
        %jit3A_916 = arith.constant 4 : i32
        %eq3A_917 = arith.constant 0 : i32
        %eq3A_918 = arith.cmpi eq, %jit3A_916, %eq3A_917 : i32
        %jit3A_919 = arith.constant 1 : i32
        %select_n3A_920 = arith.select %eq3A_918, %jit3A_919, %jit3A_916 : i32
        %rem3A_921 = arith.remsi %add3A_915, %select_n3A_920 : i32
        %ne3A_922 = arith.constant 0 : i32
        %ne3A_923 = arith.cmpi ne, %rem3A_921, %ne3A_922 : i32
        %lt3A_924 = arith.constant 0 : i32
        %lt3A_925 = arith.cmpi slt, %rem3A_921, %lt3A_924 : i32
        %lt3A_926 = arith.constant 0 : i32
        %lt3A_927 = arith.cmpi slt, %select_n3A_920, %lt3A_926 : i32
        %ne3A_928 = arith.xori %lt3A_925, %lt3A_927 : i1
        %and3A_929 = arith.andi %ne3A_928, %ne3A_923 : i1
        %add3A_930 = arith.addi %rem3A_921, %select_n3A_920 : i32
        %select_n3A_931 = arith.select %and3A_929, %add3A_930, %rem3A_921 : i32
        %jit3A_932 = arith.constant 4 : i32
        %div3A_933 = arith.divsi %add3A_915, %jit3A_932 : i32
        %sign3A_934 = arith.constant 0 : i32
        %sign3A_935 = arith.cmpi sgt, %add3A_915, %sign3A_934 : i32
        %sign3A_936 = arith.extui %sign3A_935 : i1 to i32
        %sign3A_937 = arith.constant 0 : i32
        %sign3A_938 = arith.cmpi slt, %add3A_915, %sign3A_937 : i32
        %sign3A_939 = arith.extui %sign3A_938 : i1 to i32
        %sign3A_940 = arith.subi %sign3A_936, %sign3A_939 : i32
        %sign3A_941 = arith.constant 0 : i32
        %sign3A_942 = arith.cmpi sgt, %jit3A_932, %sign3A_941 : i32
        %sign3A_943 = arith.extui %sign3A_942 : i1 to i32
        %sign3A_944 = arith.constant 0 : i32
        %sign3A_945 = arith.cmpi slt, %jit3A_932, %sign3A_944 : i32
        %sign3A_946 = arith.extui %sign3A_945 : i1 to i32
        %sign3A_947 = arith.subi %sign3A_943, %sign3A_946 : i32
        %ne3A_948 = arith.cmpi ne, %sign3A_940, %sign3A_947 : i32
        %rem3A_949 = arith.remsi %add3A_915, %jit3A_932 : i32
        %ne3A_950 = arith.constant 0 : i32
        %ne3A_951 = arith.cmpi ne, %rem3A_949, %ne3A_950 : i32
        %and3A_952 = arith.andi %ne3A_948, %ne3A_951 : i1
        %sub3A_953 = arith.constant 1 : i32
        %sub3A_954 = arith.subi %div3A_933, %sub3A_953 : i32
        %select_n3A_955 = arith.select %and3A_952, %sub3A_954, %div3A_933 : i32
        %jit3A_956 = arith.constant 96 : i32
        %eq3A_957 = arith.constant 0 : i32
        %eq3A_958 = arith.cmpi eq, %jit3A_956, %eq3A_957 : i32
        %jit3A_959 = arith.constant 1 : i32
        %select_n3A_960 = arith.select %eq3A_958, %jit3A_959, %jit3A_956 : i32
        %rem3A_961 = arith.remsi %select_n3A_955, %select_n3A_960 : i32
        %ne3A_962 = arith.constant 0 : i32
        %ne3A_963 = arith.cmpi ne, %rem3A_961, %ne3A_962 : i32
        %lt3A_964 = arith.constant 0 : i32
        %lt3A_965 = arith.cmpi slt, %rem3A_961, %lt3A_964 : i32
        %lt3A_966 = arith.constant 0 : i32
        %lt3A_967 = arith.cmpi slt, %select_n3A_960, %lt3A_966 : i32
        %ne3A_968 = arith.xori %lt3A_965, %lt3A_967 : i1
        %and3A_969 = arith.andi %ne3A_968, %ne3A_963 : i1
        %add3A_970 = arith.addi %rem3A_961, %select_n3A_960 : i32
        %select_n3A_971 = arith.select %and3A_969, %add3A_970, %rem3A_961 : i32
        %jit3A_972 = arith.constant 96 : i32
        %div3A_973 = arith.divsi %select_n3A_955, %jit3A_972 : i32
        %sign3A_974 = arith.constant 0 : i32
        %sign3A_975 = arith.cmpi sgt, %select_n3A_955, %sign3A_974 : i32
        %sign3A_976 = arith.extui %sign3A_975 : i1 to i32
        %sign3A_977 = arith.constant 0 : i32
        %sign3A_978 = arith.cmpi slt, %select_n3A_955, %sign3A_977 : i32
        %sign3A_979 = arith.extui %sign3A_978 : i1 to i32
        %sign3A_980 = arith.subi %sign3A_976, %sign3A_979 : i32
        %sign3A_981 = arith.constant 0 : i32
        %sign3A_982 = arith.cmpi sgt, %jit3A_972, %sign3A_981 : i32
        %sign3A_983 = arith.extui %sign3A_982 : i1 to i32
        %sign3A_984 = arith.constant 0 : i32
        %sign3A_985 = arith.cmpi slt, %jit3A_972, %sign3A_984 : i32
        %sign3A_986 = arith.extui %sign3A_985 : i1 to i32
        %sign3A_987 = arith.subi %sign3A_983, %sign3A_986 : i32
        %ne3A_988 = arith.cmpi ne, %sign3A_980, %sign3A_987 : i32
        %rem3A_989 = arith.remsi %select_n3A_955, %jit3A_972 : i32
        %ne3A_990 = arith.constant 0 : i32
        %ne3A_991 = arith.cmpi ne, %rem3A_989, %ne3A_990 : i32
        %and3A_992 = arith.andi %ne3A_988, %ne3A_991 : i1
        %sub3A_993 = arith.constant 1 : i32
        %sub3A_994 = arith.subi %div3A_973, %sub3A_993 : i32
        %select_n3A_995 = arith.select %and3A_992, %sub3A_994, %div3A_973 : i32
        %mul3A_996 = arith.constant 56 : i32
        %mul3A_997 = arith.muli %select_n3A_931, %mul3A_996 : i32
        %dma_start3A_998 = arith.constant 1 : i32
        %dma_start3A_999 = arith.constant 0 : i32
        %dma_start3A_1000 = arith.constant 0 : i32
        %dma_start3A_1001 = tpu.memref_slice %arg8[%dma_start3A_998, %dma_start3A_999, %dma_start3A_1000] : memref<2x56x224xf32, #tpu.memory_space<vmem>> -> memref<1x56x224xf32, #tpu.memory_space<vmem>>
        %dma_start3A_1002 = tpu.memref_squeeze %dma_start3A_1001 : memref<1x56x224xf32, #tpu.memory_space<vmem>> -> memref<56x224xf32, #tpu.memory_space<vmem>>
        %dma_start3A_1003 = arith.constant 0 : i32
        %dma_start3A_1004 = tpu.memref_slice %arg2[%select_n3A_995, %select_n3A_971, %mul3A_997, %dma_start3A_1003] : memref<8x96x224x224xf32, #tpu.memory_space<hbm>> -> memref<1x1x56x224xf32, #tpu.memory_space<hbm>>
        %dma_start3A_1005 = tpu.memref_squeeze %dma_start3A_1004 : memref<1x1x56x224xf32, #tpu.memory_space<hbm>> -> memref<56x224xf32, #tpu.memory_space<hbm>>
        %dma_start3A_1006 = arith.constant 0 : i32
        %dma_start3A_1007 = arith.constant 0 : i32
        %dma_start3A_1008 = tpu.memref_slice %arg8[%dma_start3A_998, %dma_start3A_1006, %dma_start3A_1007] : memref<2x56x224xf32, #tpu.memory_space<vmem>> -> memref<1x56x224xf32, #tpu.memory_space<vmem>>
        %dma_start3A_1009 = tpu.memref_squeeze %dma_start3A_1008 : memref<1x56x224xf32, #tpu.memory_space<vmem>> -> memref<56x224xf32, #tpu.memory_space<vmem>>
        %dma_start3A_1010 = arith.constant 0 : i32
        %dma_start3A_1011 = tpu.memref_slice %arg2[%select_n3A_995, %select_n3A_971, %mul3A_997, %dma_start3A_1010] : memref<8x96x224x224xf32, #tpu.memory_space<hbm>> -> memref<1x1x56x224xf32, #tpu.memory_space<hbm>>
        %dma_start3A_1012 = tpu.memref_squeeze %dma_start3A_1011 : memref<1x1x56x224xf32, #tpu.memory_space<hbm>> -> memref<56x224xf32, #tpu.memory_space<hbm>>
        tpu.enqueue_dma source(%dma_start3A_1012 : memref<56x224xf32, #tpu.memory_space<hbm>>) target(%dma_start3A_1009 : memref<56x224xf32, #tpu.memory_space<vmem>>) target_semaphore(%arg15 : memref<!tpu.dma_semaphore, #tpu.memory_space<semaphore_mem>>)
      } else {
      }
    }
    %scan3A_193 = arith.constant 48 : i32
    %add3A_194 = arith.constant 96 : i32
    %add3A_195 = arith.addi %mul3A_2, %add3A_194 : i32
    %sub3A_196 = arith.constant 2 : i32
    %sub3A_197 = arith.subi %add3A_195, %sub3A_196 : i32
    %add3A_198 = arith.constant 0 : i32
    %add3A_199 = arith.addi %sub3A_197, %add3A_198 : i32
    %jit3A_200 = arith.constant 4 : i32
    %eq3A_201 = arith.constant 0 : i32
    %eq3A_202 = arith.cmpi eq, %jit3A_200, %eq3A_201 : i32
    %jit3A_203 = arith.constant 1 : i32
    %select_n3A_204 = arith.select %eq3A_202, %jit3A_203, %jit3A_200 : i32
    %rem3A_205 = arith.remsi %add3A_199, %select_n3A_204 : i32
    %ne3A_206 = arith.constant 0 : i32
    %ne3A_207 = arith.cmpi ne, %rem3A_205, %ne3A_206 : i32
    %lt3A_208 = arith.constant 0 : i32
    %lt3A_209 = arith.cmpi slt, %rem3A_205, %lt3A_208 : i32
    %lt3A_210 = arith.constant 0 : i32
    %lt3A_211 = arith.cmpi slt, %select_n3A_204, %lt3A_210 : i32
    %ne3A_212 = arith.xori %lt3A_209, %lt3A_211 : i1
    %and3A_213 = arith.andi %ne3A_212, %ne3A_207 : i1
    %add3A_214 = arith.addi %rem3A_205, %select_n3A_204 : i32
    %select_n3A_215 = arith.select %and3A_213, %add3A_214, %rem3A_205 : i32
    %jit3A_216 = arith.constant 4 : i32
    %div3A_217 = arith.divsi %add3A_199, %jit3A_216 : i32
    %sign3A_218 = arith.constant 0 : i32
    %sign3A_219 = arith.cmpi sgt, %add3A_199, %sign3A_218 : i32
    %sign3A_220 = arith.extui %sign3A_219 : i1 to i32
    %sign3A_221 = arith.constant 0 : i32
    %sign3A_222 = arith.cmpi slt, %add3A_199, %sign3A_221 : i32
    %sign3A_223 = arith.extui %sign3A_222 : i1 to i32
    %sign3A_224 = arith.subi %sign3A_220, %sign3A_223 : i32
    %sign3A_225 = arith.constant 0 : i32
    %sign3A_226 = arith.cmpi sgt, %jit3A_216, %sign3A_225 : i32
    %sign3A_227 = arith.extui %sign3A_226 : i1 to i32
    %sign3A_228 = arith.constant 0 : i32
    %sign3A_229 = arith.cmpi slt, %jit3A_216, %sign3A_228 : i32
    %sign3A_230 = arith.extui %sign3A_229 : i1 to i32
    %sign3A_231 = arith.subi %sign3A_227, %sign3A_230 : i32
    %ne3A_232 = arith.cmpi ne, %sign3A_224, %sign3A_231 : i32
    %rem3A_233 = arith.remsi %add3A_199, %jit3A_216 : i32
    %ne3A_234 = arith.constant 0 : i32
    %ne3A_235 = arith.cmpi ne, %rem3A_233, %ne3A_234 : i32
    %and3A_236 = arith.andi %ne3A_232, %ne3A_235 : i1
    %sub3A_237 = arith.constant 1 : i32
    %sub3A_238 = arith.subi %div3A_217, %sub3A_237 : i32
    %select_n3A_239 = arith.select %and3A_236, %sub3A_238, %div3A_217 : i32
    %jit3A_240 = arith.constant 96 : i32
    %eq3A_241 = arith.constant 0 : i32
    %eq3A_242 = arith.cmpi eq, %jit3A_240, %eq3A_241 : i32
    %jit3A_243 = arith.constant 1 : i32
    %select_n3A_244 = arith.select %eq3A_242, %jit3A_243, %jit3A_240 : i32
    %rem3A_245 = arith.remsi %select_n3A_239, %select_n3A_244 : i32
    %ne3A_246 = arith.constant 0 : i32
    %ne3A_247 = arith.cmpi ne, %rem3A_245, %ne3A_246 : i32
    %lt3A_248 = arith.constant 0 : i32
    %lt3A_249 = arith.cmpi slt, %rem3A_245, %lt3A_248 : i32
    %lt3A_250 = arith.constant 0 : i32
    %lt3A_251 = arith.cmpi slt, %select_n3A_244, %lt3A_250 : i32
    %ne3A_252 = arith.xori %lt3A_249, %lt3A_251 : i1
    %and3A_253 = arith.andi %ne3A_252, %ne3A_247 : i1
    %add3A_254 = arith.addi %rem3A_245, %select_n3A_244 : i32
    %select_n3A_255 = arith.select %and3A_253, %add3A_254, %rem3A_245 : i32
    %jit3A_256 = arith.constant 96 : i32
    %div3A_257 = arith.divsi %select_n3A_239, %jit3A_256 : i32
    %sign3A_258 = arith.constant 0 : i32
    %sign3A_259 = arith.cmpi sgt, %select_n3A_239, %sign3A_258 : i32
    %sign3A_260 = arith.extui %sign3A_259 : i1 to i32
    %sign3A_261 = arith.constant 0 : i32
    %sign3A_262 = arith.cmpi slt, %select_n3A_239, %sign3A_261 : i32
    %sign3A_263 = arith.extui %sign3A_262 : i1 to i32
    %sign3A_264 = arith.subi %sign3A_260, %sign3A_263 : i32
    %sign3A_265 = arith.constant 0 : i32
    %sign3A_266 = arith.cmpi sgt, %jit3A_256, %sign3A_265 : i32
    %sign3A_267 = arith.extui %sign3A_266 : i1 to i32
    %sign3A_268 = arith.constant 0 : i32
    %sign3A_269 = arith.cmpi slt, %jit3A_256, %sign3A_268 : i32
    %sign3A_270 = arith.extui %sign3A_269 : i1 to i32
    %sign3A_271 = arith.subi %sign3A_267, %sign3A_270 : i32
    %ne3A_272 = arith.cmpi ne, %sign3A_264, %sign3A_271 : i32
    %rem3A_273 = arith.remsi %select_n3A_239, %jit3A_256 : i32
    %ne3A_274 = arith.constant 0 : i32
    %ne3A_275 = arith.cmpi ne, %rem3A_273, %ne3A_274 : i32
    %and3A_276 = arith.andi %ne3A_272, %ne3A_275 : i1
    %sub3A_277 = arith.constant 1 : i32
    %sub3A_278 = arith.subi %div3A_257, %sub3A_277 : i32
    %select_n3A_279 = arith.select %and3A_276, %sub3A_278, %div3A_257 : i32
    %mul3A_280 = arith.constant 56 : i32
    %mul3A_281 = arith.muli %select_n3A_215, %mul3A_280 : i32
    %dma_wait3A = arith.constant 0 : i32
    %dma_wait3A_282 = arith.constant 0 : i32
    %dma_wait3A_283 = arith.constant 0 : i32
    %dma_wait3A_284 = tpu.memref_slice %arg9[%dma_wait3A, %dma_wait3A_282, %dma_wait3A_283] : memref<2x56x224xf32, #tpu.memory_space<vmem>> -> memref<1x56x224xf32, #tpu.memory_space<vmem>>
    %dma_wait3A_285 = tpu.memref_squeeze %dma_wait3A_284 : memref<1x56x224xf32, #tpu.memory_space<vmem>> -> memref<56x224xf32, #tpu.memory_space<vmem>>
    %dma_wait3A_286 = arith.constant 0 : i32
    %dma_wait3A_287 = tpu.memref_slice %arg7[%select_n3A_279, %select_n3A_255, %mul3A_281, %dma_wait3A_286] : memref<8x96x224x224xf32, #tpu.memory_space<hbm>> -> memref<1x1x56x224xf32, #tpu.memory_space<hbm>>
    %dma_wait3A_288 = tpu.memref_squeeze %dma_wait3A_287 : memref<1x1x56x224xf32, #tpu.memory_space<hbm>> -> memref<56x224xf32, #tpu.memory_space<hbm>>
    %dma_wait3A_289 = arith.constant 0 : i32
    %dma_wait3A_290 = tpu.memref_slice %arg7[%select_n3A_279, %select_n3A_255, %mul3A_281, %dma_wait3A_289] : memref<8x96x224x224xf32, #tpu.memory_space<hbm>> -> memref<1x1x56x224xf32, #tpu.memory_space<hbm>>
    %dma_wait3A_291 = tpu.memref_squeeze %dma_wait3A_290 : memref<1x1x56x224xf32, #tpu.memory_space<hbm>> -> memref<56x224xf32, #tpu.memory_space<hbm>>
    %dma_wait3A_292 = arith.constant 0 : i32
    %dma_wait3A_293 = arith.constant 0 : i32
    %dma_wait3A_294 = tpu.memref_slice %arg9[%dma_wait3A, %dma_wait3A_292, %dma_wait3A_293] : memref<2x56x224xf32, #tpu.memory_space<vmem>> -> memref<1x56x224xf32, #tpu.memory_space<vmem>>
    %dma_wait3A_295 = tpu.memref_squeeze %dma_wait3A_294 : memref<1x56x224xf32, #tpu.memory_space<vmem>> -> memref<56x224xf32, #tpu.memory_space<vmem>>
    tpu.wait_dma2 semaphore(%arg16 : memref<!tpu.dma_semaphore, #tpu.memory_space<semaphore_mem>>) src(%dma_wait3A_295 : memref<56x224xf32, #tpu.memory_space<vmem>>) dst(%dma_wait3A_291 : memref<56x224xf32, #tpu.memory_space<hbm>>)
    %add3A_296 = arith.constant 96 : i32
    %add3A_297 = arith.addi %mul3A_2, %add3A_296 : i32
    %sub3A_298 = arith.constant 2 : i32
    %sub3A_299 = arith.subi %add3A_297, %sub3A_298 : i32
    %add3A_300 = arith.constant 1 : i32
    %add3A_301 = arith.addi %sub3A_299, %add3A_300 : i32
    %jit3A_302 = arith.constant 4 : i32
    %eq3A_303 = arith.constant 0 : i32
    %eq3A_304 = arith.cmpi eq, %jit3A_302, %eq3A_303 : i32
    %jit3A_305 = arith.constant 1 : i32
    %select_n3A_306 = arith.select %eq3A_304, %jit3A_305, %jit3A_302 : i32
    %rem3A_307 = arith.remsi %add3A_301, %select_n3A_306 : i32
    %ne3A_308 = arith.constant 0 : i32
    %ne3A_309 = arith.cmpi ne, %rem3A_307, %ne3A_308 : i32
    %lt3A_310 = arith.constant 0 : i32
    %lt3A_311 = arith.cmpi slt, %rem3A_307, %lt3A_310 : i32
    %lt3A_312 = arith.constant 0 : i32
    %lt3A_313 = arith.cmpi slt, %select_n3A_306, %lt3A_312 : i32
    %ne3A_314 = arith.xori %lt3A_311, %lt3A_313 : i1
    %and3A_315 = arith.andi %ne3A_314, %ne3A_309 : i1
    %add3A_316 = arith.addi %rem3A_307, %select_n3A_306 : i32
    %select_n3A_317 = arith.select %and3A_315, %add3A_316, %rem3A_307 : i32
    %jit3A_318 = arith.constant 4 : i32
    %div3A_319 = arith.divsi %add3A_301, %jit3A_318 : i32
    %sign3A_320 = arith.constant 0 : i32
    %sign3A_321 = arith.cmpi sgt, %add3A_301, %sign3A_320 : i32
    %sign3A_322 = arith.extui %sign3A_321 : i1 to i32
    %sign3A_323 = arith.constant 0 : i32
    %sign3A_324 = arith.cmpi slt, %add3A_301, %sign3A_323 : i32
    %sign3A_325 = arith.extui %sign3A_324 : i1 to i32
    %sign3A_326 = arith.subi %sign3A_322, %sign3A_325 : i32
    %sign3A_327 = arith.constant 0 : i32
    %sign3A_328 = arith.cmpi sgt, %jit3A_318, %sign3A_327 : i32
    %sign3A_329 = arith.extui %sign3A_328 : i1 to i32
    %sign3A_330 = arith.constant 0 : i32
    %sign3A_331 = arith.cmpi slt, %jit3A_318, %sign3A_330 : i32
    %sign3A_332 = arith.extui %sign3A_331 : i1 to i32
    %sign3A_333 = arith.subi %sign3A_329, %sign3A_332 : i32
    %ne3A_334 = arith.cmpi ne, %sign3A_326, %sign3A_333 : i32
    %rem3A_335 = arith.remsi %add3A_301, %jit3A_318 : i32
    %ne3A_336 = arith.constant 0 : i32
    %ne3A_337 = arith.cmpi ne, %rem3A_335, %ne3A_336 : i32
    %and3A_338 = arith.andi %ne3A_334, %ne3A_337 : i1
    %sub3A_339 = arith.constant 1 : i32
    %sub3A_340 = arith.subi %div3A_319, %sub3A_339 : i32
    %select_n3A_341 = arith.select %and3A_338, %sub3A_340, %div3A_319 : i32
    %jit3A_342 = arith.constant 96 : i32
    %eq3A_343 = arith.constant 0 : i32
    %eq3A_344 = arith.cmpi eq, %jit3A_342, %eq3A_343 : i32
    %jit3A_345 = arith.constant 1 : i32
    %select_n3A_346 = arith.select %eq3A_344, %jit3A_345, %jit3A_342 : i32
    %rem3A_347 = arith.remsi %select_n3A_341, %select_n3A_346 : i32
    %ne3A_348 = arith.constant 0 : i32
    %ne3A_349 = arith.cmpi ne, %rem3A_347, %ne3A_348 : i32
    %lt3A_350 = arith.constant 0 : i32
    %lt3A_351 = arith.cmpi slt, %rem3A_347, %lt3A_350 : i32
    %lt3A_352 = arith.constant 0 : i32
    %lt3A_353 = arith.cmpi slt, %select_n3A_346, %lt3A_352 : i32
    %ne3A_354 = arith.xori %lt3A_351, %lt3A_353 : i1
    %and3A_355 = arith.andi %ne3A_354, %ne3A_349 : i1
    %add3A_356 = arith.addi %rem3A_347, %select_n3A_346 : i32
    %select_n3A_357 = arith.select %and3A_355, %add3A_356, %rem3A_347 : i32
    %jit3A_358 = arith.constant 96 : i32
    %div3A_359 = arith.divsi %select_n3A_341, %jit3A_358 : i32
    %sign3A_360 = arith.constant 0 : i32
    %sign3A_361 = arith.cmpi sgt, %select_n3A_341, %sign3A_360 : i32
    %sign3A_362 = arith.extui %sign3A_361 : i1 to i32
    %sign3A_363 = arith.constant 0 : i32
    %sign3A_364 = arith.cmpi slt, %select_n3A_341, %sign3A_363 : i32
    %sign3A_365 = arith.extui %sign3A_364 : i1 to i32
    %sign3A_366 = arith.subi %sign3A_362, %sign3A_365 : i32
    %sign3A_367 = arith.constant 0 : i32
    %sign3A_368 = arith.cmpi sgt, %jit3A_358, %sign3A_367 : i32
    %sign3A_369 = arith.extui %sign3A_368 : i1 to i32
    %sign3A_370 = arith.constant 0 : i32
    %sign3A_371 = arith.cmpi slt, %jit3A_358, %sign3A_370 : i32
    %sign3A_372 = arith.extui %sign3A_371 : i1 to i32
    %sign3A_373 = arith.subi %sign3A_369, %sign3A_372 : i32
    %ne3A_374 = arith.cmpi ne, %sign3A_366, %sign3A_373 : i32
    %rem3A_375 = arith.remsi %select_n3A_341, %jit3A_358 : i32
    %ne3A_376 = arith.constant 0 : i32
    %ne3A_377 = arith.cmpi ne, %rem3A_375, %ne3A_376 : i32
    %and3A_378 = arith.andi %ne3A_374, %ne3A_377 : i1
    %sub3A_379 = arith.constant 1 : i32
    %sub3A_380 = arith.subi %div3A_359, %sub3A_379 : i32
    %select_n3A_381 = arith.select %and3A_378, %sub3A_380, %div3A_359 : i32
    %mul3A_382 = arith.constant 56 : i32
    %mul3A_383 = arith.muli %select_n3A_317, %mul3A_382 : i32
    %dma_wait3A_384 = arith.constant 1 : i32
    %dma_wait3A_385 = arith.constant 0 : i32
    %dma_wait3A_386 = arith.constant 0 : i32
    %dma_wait3A_387 = tpu.memref_slice %arg9[%dma_wait3A_384, %dma_wait3A_385, %dma_wait3A_386] : memref<2x56x224xf32, #tpu.memory_space<vmem>> -> memref<1x56x224xf32, #tpu.memory_space<vmem>>
    %dma_wait3A_388 = tpu.memref_squeeze %dma_wait3A_387 : memref<1x56x224xf32, #tpu.memory_space<vmem>> -> memref<56x224xf32, #tpu.memory_space<vmem>>
    %dma_wait3A_389 = arith.constant 0 : i32
    %dma_wait3A_390 = tpu.memref_slice %arg7[%select_n3A_381, %select_n3A_357, %mul3A_383, %dma_wait3A_389] : memref<8x96x224x224xf32, #tpu.memory_space<hbm>> -> memref<1x1x56x224xf32, #tpu.memory_space<hbm>>
    %dma_wait3A_391 = tpu.memref_squeeze %dma_wait3A_390 : memref<1x1x56x224xf32, #tpu.memory_space<hbm>> -> memref<56x224xf32, #tpu.memory_space<hbm>>
    %dma_wait3A_392 = arith.constant 0 : i32
    %dma_wait3A_393 = tpu.memref_slice %arg7[%select_n3A_381, %select_n3A_357, %mul3A_383, %dma_wait3A_392] : memref<8x96x224x224xf32, #tpu.memory_space<hbm>> -> memref<1x1x56x224xf32, #tpu.memory_space<hbm>>
    %dma_wait3A_394 = tpu.memref_squeeze %dma_wait3A_393 : memref<1x1x56x224xf32, #tpu.memory_space<hbm>> -> memref<56x224xf32, #tpu.memory_space<hbm>>
    %dma_wait3A_395 = arith.constant 0 : i32
    %dma_wait3A_396 = arith.constant 0 : i32
    %dma_wait3A_397 = tpu.memref_slice %arg9[%dma_wait3A_384, %dma_wait3A_395, %dma_wait3A_396] : memref<2x56x224xf32, #tpu.memory_space<vmem>> -> memref<1x56x224xf32, #tpu.memory_space<vmem>>
    %dma_wait3A_398 = tpu.memref_squeeze %dma_wait3A_397 : memref<1x56x224xf32, #tpu.memory_space<vmem>> -> memref<56x224xf32, #tpu.memory_space<vmem>>
    tpu.wait_dma2 semaphore(%arg17 : memref<!tpu.dma_semaphore, #tpu.memory_space<semaphore_mem>>) src(%dma_wait3A_398 : memref<56x224xf32, #tpu.memory_space<vmem>>) dst(%dma_wait3A_394 : memref<56x224xf32, #tpu.memory_space<hbm>>)
    return
  }
}

</mosaic_0001>

<sc_bundles>
// kernel: _pwlu_sc.3.cloned.1.call-start
scs
__scs_entry_jumppad:
0x0: {  	(pc) =	sbr.rel $0x88, $3  }
0x1: {  	(tag) =	ssettag $0x0;
	lr =	simm.s32 $0x1  }
0x2: {  	[smem:$0x3F9C] =	sst lr;
	_ =	strace $0xD0000000  }
0x3: {  	_ = 	snop  }
0x4: {  	_ = 	snop  }
0x5: {  	_ = 	snop  }
0x6: {  	_ = 	snop  }
0x7: {  	_ = 	snop  }
__scs_overlays_trampoline_lowered:
0x8: {  	[smem:$0x3FAB] =	sst s0  }
0x9: {  	[smem:$0x3FAC] =	sst s1  }
0xa: {  	[smem:$0x3FAD] =	sst s2  }
0xb: {  	[smem:$0x3FAE] =	sst s3  }
0xc: {  	[smem:$0x3FAF] =	sst s4  }
0xd: {  	[smem:$0x3FB0] =	sst s5  }
0xe: {  	[smem:$0x3FB1] =	sst s6  }
0xf: {  	[smem:$0x3FB2] =	sst s7  }
0x10: {  	[smem:$0x3FB3] =	sst s8  }
0x11: {  	[smem:$0x3FB4] =	sst s9;
	s0 =	simm.s32 @!p0 $0x0  }
0x12: {  	s1 =	sld [smem:$0x3F9A];
	s0 =	simm.s32 @p0 $0x1  }
0x13: {  	[smem:$0x3FB5] =	sst s0;
	s0 =	simm.s32 @!p1 $0x0  }
0x14: {  	s2 =	sld [smem:$0x3F99];
	s0 =	simm.s32 @p1 $0x1  }
0x15: {  	[smem:$0x3FB6] =	sst s0;
	s0 =	simm.s32 @!p2 $0x0  }
0x16: {  	s3 =	sld [smem:$0x3FDB];
	s0 =	simm.s32 @p2 $0x1  }
0x17: {  	s4 =	simm.s32 $0x1BF5;
	[smem:$0x3FB8] =	sst s0  }
0x18: {  	s0 =	sld [smem:$0x3F9B];
	_ =	swait.ge [sflag:s4], $0x0  }
0x19: {  	s7 =	sld [smem:$0x3F9C]  }
0x1a: {  	s8 =	sadd.s32 $0xFFFFE003, lr  }
0x1b: {  	s9 =	sadd.s32 $0xFFFFFEF7, lr;
	s5 =	simm.s32 $0xFFFFFFFF;
	p2 =	slt.u32 s8, $0xFFFFF086  }
0x1c: {  	p1 =	slt.u32 s9, $0xF7A;
	s5 =	simm.s32 @!p2 $0x0  }
0x1d: {  	s5 =	simm.s32 @p1 $0x1;
	p0 =	seq.s32 s7, s2  }
0x1e: {  	s7 =	smul.u32 @!p0 $0xF7A, s2;
	p2 =	seq.s32 @!p0 s5, $0x0  }
0x1f: {  	s9 =	smul.u32 $0xF7A, s1;
	s8 =	simm.s32 @!p0 $0x1BF5;
	p2 =	por !p2, p0  }
0x20: {  	[sflag:s8] =	ssyncset.s32 @!p0 $0xFFFFF086;
	s6 =	sadd.s32 @!p0 s3, s7;
	s7 =	simm.s32 @!p0 $0x108  }
0x21: {  	s3 =	sadd.s32 s3, s9;
	s6 =	sadd.s32 @!p0 $0x88, s6;
	s7 =	simm.s32 @p2 $0x1082  }
0x22: {  	[simem:s7], [sflag:s8] =	dma.local @!p0 [hbm:s6], $0xF7A  }
0x23: {  	s9 =	sor.u32 $0xD0000000, s2;
	s6 =	simm.s32 $0x108;
	_ =	swait.ge @!p0 [sflag:s8], $0x0  }
0x24: {  	s3 =	sadd.s32 $0x88, s3;
	s6 =	simm.s32 @!p1 $0x1082;
	[sflag:s4] =	ssyncset.s32 $0xFFFFF086  }
0x25: {  	[simem:s6], [sflag:s4] =	dma.local [hbm:s3], $0xF7A  }
0x26: {  	[smem:$0x3F9C] =	sst s1;
	(tag) =	ssettag s2;
	_ =	strace s9  }
0x27: {  	s1 =	sld [smem:$0x3FAC]  }
0x28: {  	s2 =	sld [smem:$0x3FAD]  }
0x29: {  	s4 =	sld [smem:$0x3FAF]  }
0x2a: {  	p0 =	seq.s32 s5, $0x0;
	s5 =	sld [smem:$0x3FB0]  }
0x2b: {  	s6 =	sld [smem:$0x3FB1]  }
0x2c: {  	s7 =	sld [smem:$0x3FB2]  }
0x2d: {  	s3 =	simm.s32 $0x108;
	s8 =	sld [smem:$0x3FB3]  }
0x2e: {  	s3 =	simm.s32 @!p0 $0x1082;
	s9 =	sld [smem:$0x3FB4]  }
0x2f: {  	lr =	sadd.s32 s0, s3;
	s0 =	sld [smem:$0x3FAB]  }
0x30: {  	s3 =	sld [smem:$0x3FAE]  }
0x31: {  	[smem:$0x3FB7] =	sst s10  }
0x32: {  	s10 =	sld [smem:$0x3FB5];
	_ =	sdelay $0x3  }
0x33: {  	p0 =	seq.s32 s10, $0x1;
	s10 =	sld [smem:$0x3FB7];
	_ =	sdelay $0x3  }
0x34: {  	[smem:$0x3FB7] =	sst s10  }
0x35: {  	s10 =	sld [smem:$0x3FB6];
	_ =	sdelay $0x3  }
0x36: {  	p1 =	seq.s32 s10, $0x1;
	s10 =	sld [smem:$0x3FB7];
	_ =	sdelay $0x3  }
0x37: {  	[smem:$0x3FB7] =	sst s10  }
0x38: {  	s10 =	sld [smem:$0x3FB8]  }
0x39: {  	_ = 	snop;
	(pc) =	sbr.ind lr, $3  }
0x3a: {  	_ = 	snop  }
0x3b: {  	_ = 	snop  }
0x3c: {  	p2 =	seq.s32 s10, $0x1;
	s10 =	sld [smem:$0x3FB7]  }
0x3d: {  	_ =	shalt  }
0x3e: {  	_ =	shalt  }
0x3f: {  	_ =	shalt  }
0x40: {  	_ =	shalt  }
0x41: {  	_ =	shalt  }
0x42: {  	_ =	shalt  }
0x43: {  	_ =	shalt  }
0x44: {  	_ =	shalt  }
0x45: {  	_ =	shalt  }
0x46: {  	_ =	shalt  }
0x47: {  	_ =	shalt  }
0x48: {  	_ =	shalt  }
0x49: {  	_ =	shalt  }
0x4a: {  	_ =	shalt  }
0x4b: {  	_ =	shalt  }
0x4c: {  	_ =	shalt  }
0x4d: {  	_ =	shalt  }
0x4e: {  	_ =	shalt  }
0x4f: {  	_ =	shalt  }
0x50: {  	_ =	shalt  }
0x51: {  	_ =	shalt  }
0x52: {  	_ =	shalt  }
0x53: {  	_ =	shalt  }
0x54: {  	_ =	shalt  }
0x55: {  	_ =	shalt  }
0x56: {  	_ =	shalt  }
0x57: {  	_ =	shalt  }
0x58: {  	_ =	shalt  }
0x59: {  	_ =	shalt  }
0x5a: {  	_ =	shalt  }
0x5b: {  	_ =	shalt  }
0x5c: {  	_ =	shalt  }
0x5d: {  	_ =	shalt  }
0x5e: {  	_ =	shalt  }
0x5f: {  	_ =	shalt  }
0x60: {  	_ =	shalt  }
0x61: {  	_ =	shalt  }
0x62: {  	_ =	shalt  }
0x63: {  	_ =	shalt  }
0x64: {  	_ =	shalt  }
0x65: {  	_ =	shalt  }
0x66: {  	_ =	shalt  }
0x67: {  	_ =	shalt  }
0x68: {  	_ =	shalt  }
0x69: {  	_ =	shalt  }
0x6a: {  	_ =	shalt  }
0x6b: {  	_ =	shalt  }
0x6c: {  	_ =	shalt  }
0x6d: {  	_ =	shalt  }
0x6e: {  	_ =	shalt  }
0x6f: {  	_ =	shalt  }
0x70: {  	_ =	shalt  }
0x71: {  	_ =	shalt  }
0x72: {  	_ =	shalt  }
0x73: {  	_ =	shalt  }
0x74: {  	_ =	shalt  }
0x75: {  	_ =	shalt  }
0x76: {  	_ =	shalt  }
0x77: {  	_ =	shalt  }
0x78: {  	_ =	shalt  }
0x79: {  	_ =	shalt  }
0x7a: {  	_ =	shalt  }
0x7b: {  	_ =	shalt  }
0x7c: {  	_ =	shalt  }
0x7d: {  	_ =	shalt  }
0x7e: {  	_ =	shalt  }
0x7f: {  	_ =	shalt  }
0x80: {  	_ =	shalt  }
0x81: {  	_ =	shalt  }
0x82: {  	_ =	shalt  }
0x83: {  	_ =	shalt  }
0x84: {  	_ =	shalt  }
0x85: {  	_ =	shalt  }
0x86: {  	_ =	shalt  }
0x87: {  	_ =	shalt  }
.Lfunc_end0:
.L_simem_size_0:
called_computation_lowered:
.L_overlay_start_0:
0x88: {  	s2 =	sld [smem:$0x3FD9]  }
0x89: {  	s3 =	sld [smem:$0x3FFE];
	_ =	sdelay $0x1  }
0x8a: {  	s1 =	srdreg.scid  }
0x8b: {  	s0 =	sand.u32 $0x1, s1  }
0x8c: {  	s18 =	sshll.u32 s0, $0xA;
	s2 =	sadd.s32 s3, s2  }
0x8d: {  	s2 =	sadd.s32 s2, s18  }
0x8e: {  	[smem:$0x3FC3] =	sst s2  }
0x8f: {  	_ = 	snop  }
0x90: {  	s2 =	sld [smem:$0x3FC9]  }
0x91: {  	s19 =	sld [smem:$0x3FC8]  }
0x92: {  	s4 =	sld [smem:$0x3FC7]  }
0x93: {  	s5 =	sld [smem:$0x3FC6]  }
0x94: {  	s6 =	sld [smem:$0x3FC5]  }
0x95: {  	s7 =	sld [smem:$0x3FD0];
	(tm) =	ssettm $0x1  }
0x96: {  	s8 =	sld [smem:$0x3FFB];
	_ =	sdelay $0x3  }
0x97: {  	_ =	strace s8  }
0x98: {  	s8 =	sld [smem:$0x3FFC];
	_ =	sdelay $0x3  }
0x99: {  	_ =	strace s8  }
0x9a: {  	s8 =	sld [smem:$0x3FFD];
	_ =	sdelay $0x3  }
0x9b: {  	_ =	strace s8  }
0x9c: {  	_ =	strace $0x8FFFFFFF  }
0x9d: {  	s20 =	sld [smem:$0x3FDB];
	_ =	sdelay $0x1  }
0x9e: {  	s9 =	simm.s32 $_scs_section_size  }
0x9f: {  	s10 =	simm.s32 $_size__tile_overlayer_lowered;
	s11 =	simm.s32 $_tile_overlayer_lowered  }
0xa0: {  	s23 =	simm.s32 $0x1BFF;
	s22 =	sshll.u32 s11, $0x1;
	s8 =	sadd.s32 s9, s20  }
0xa1: {  	s12 =	simm.s32 $0x0;
	s21 =	sshll.u32 s10, $0x1;
	s10 =	sadd.s32 s22, s8  }
0xa2: {  	[timem:s12], [sflag:s23] =	dma.local [hbm:s10], s21  }
0xa3: {  	_ =	swait.ge [sflag:s23], s21  }
0xa4: {  	s9 =	ssub.s32 $0x0, s21;
	[sflag:s23] =	ssyncset.done $0x0  }
0xa5: {  	[sflag:s23] =	ssyncadd.s32 s9;
	_ =	sdelay $0x1  }
0xa6: {  	s24 =	simm.s32 $0x1B8B  }
0xa7: {  	_ =	swait.ge [sflag:s24], $0x1  }
0xa8: {  	[sflag:s24] =	ssyncset.done $0x0  }
0xa9: {  	s25 =	simm.s32 $0x1B8E;
	[sflag:s24] =	ssyncadd.s32 $0xFFFFFFFF  }
0xaa: {  	s26 =	simm.s32 $execute0_lowered;
	[smem:$0x3FD2] =	sst s25  }
0xab: {  	s9 =	sshll.u32 s26, $0x1;
	_ =	strace $0x80000046;
	[dreg:$0x1] =	wrdreg $0xFFFFFFFF  }
0xac: {  	s28 =	simm.s32 $_size_execute0_lowered;
	s8 =	sadd.s32 s8, s9;
	[dreg:$0x0] =	wrdreg $0x0  }
0xad: {  	s9 =	sshll.u32 s28, $0x1;
	[dreg:$0x2] =	wrdreg s8  }
0xae: {  	[dreg:$0x3] =	wrdreg s9  }
0xaf: {  	[dreg:$0x4] =	wrdreg $0xC0  }
0xb0: {  	_ =	task [dreg:s12], $0x5FFFF  }
0xb1: {  	[dreg:$0x1] =	wrdreg $0xFFFFFFFF  }
0xb2: {  	[dreg:$0x0] =	wrdreg $0x60  }
0xb3: {  	[dreg:$0x2] =	wrdreg s2  }
0xb4: {  	[dreg:$0x3] =	wrdreg s19  }
0xb5: {  	[dreg:$0x4] =	wrdreg s4  }
0xb6: {  	[dreg:$0x5] =	wrdreg s5  }
0xb7: {  	[dreg:$0x6] =	wrdreg s6  }
0xb8: {  	[dreg:$0x7] =	wrdreg s7  }
0xb9: {  	[dreg:$0x8] =	wrdreg $0x9  }
0xba: {  	_ =	task.clear_ibuf [dreg:s12], $0x9FFFF;
	_ =	strace $0x90000046  }
0xbb: {  	s29 =	simm.s32 $0x9;
	_ =	strace $0x80000048  }
0xbc: {  	_ =	swait.ge [sflag:s29], $0x1  }
0xbd: {  	[sflag:s29] =	ssyncadd.s32 $0xFFFFFFFF  }
0xbe: {  	_ =	strace $0x90000048  }
0xbf: {  	_ =	sfence  }
0xc0: {  	s30 =	sld [smem:$0x0];
	_ =	sdelay $0x2  }
0xc1: {  	s31 =	sshll.u32 s1, $0xD;
	s1 =	sshrl.u32 s1, $0x2  }
0xc2: {  	s3 =	sand.u32 $0x4000, s31;
	s1 =	sadd.s32 s1, s30  }
0xc3: {  	s0 =	sor.u32 s3, s0;
	s1 =	sshll.u32 s1, $0x11  }
0xc4: {  	s0 =	sor.u32 s1, s0  }
0xc5: {  	s0 =	sadd.s32 $0x8F2B, s0  }
0xc6: {  	[sflag:s0] =	ssyncadd.remote.s32 $0x1  }
0xc7: {  	_ =	sfence.sel $0xFFFF  }
0xc8: {  	[dreg:$0x0] =	wrdreg $0xFFFFFFFF;
	(pc) =	sbr.abs _section_cstart, $3  }
0xc9: {  	[dreg:$0x1] =	wrdreg $0xFFFFFFFF  }
0xca: {  	_ =	task.clear_ibuf [dreg:s12], $0x2FFFF;
	_ =	strace $0x9FFFFFFF  }
0xcb: {  	(tm) =	ssettm $0x7FFFFFFF  }
tec
execute0_lowered:
.L_overlay_start_1:
0x0: {  	(tag) =	ssettag $0x1  }
0x1: {  	s0 =	srdreg.scid;
	s5 =	stileid.u32  }
0x2: {  	s0 =	sand.u32 $0x1, s0;
	s1 =	sshll.u32 s5, $0x1  }
0x3: {  	s1 =	sor.u32 s0, s1  }
0x4: {  	s2 =	smul.u32 $0x60, s1;
	_ =	sdelay $0x1  }
0x5: {  	[dreg:$0x7] =	wrdreg s2;
	s2 =	sshrl.u32 s2, $0x2  }
0x6: {  	s3 =	smul.u32 $0x2AB, s2  }
0x7: {  	s6 =	rddreg [dreg:$0x0]  }
0x8: {  	s4 =	simm.s32 $0x1;
	s29 =	smul.u32 $0x4008, s1;
	s3 =	sshrl.u32 s3, $0x10  }
0x9: {  	s8 =	rddreg [dreg:$0x5];
	s9 =	simm.s32 $0x0;
	s3 =	smul.u32 $0x60, s3  }
0xa: {  	s10 =	simm.s32 $0x1;
	s14 =	simm.s32 $0xE000;
	p0 =	seq.s32 s1, $0x0  }
0xb: {  	s1 =	smul.u32 $0x18, s1;
	s2 =	ssub.s32 s2, s3;
	s3 =	sshrl.u32 s29, $0x10  }
0xc: {  	s15 =	simm.s32 $0xEC00;
	s2 =	sand.u32 $0xFFF8, s2;
	s3 =	smul.u32 $0x60, s3  }
0xd: {  	s18 =	simm.s32 $0xF800;
	s5 =	sshrl.u32 s5, $0x1;
	p1 =	sne.s32 s2, $0x0  }
0xe: {  	[smem:$0x7FF] =	sst s9;
	p0 =	por !p0, !p1;
	s1 =	ssub.s32 s1, s3  }
0xf: {  	s30 =	smul.u32 $0x540000, s5;
	p0 =	por !p0, !p0;
	s1 =	sand.u32 $0xFFF8, s1  }
0x10: {  	s0 =	ssub.s32 $0x2, s0;
	s4 =	simm.s32 @!p0 $0x0;
	s1 =	smul.u32 $0xE000, s1  }
0x11: {  	s31 =	sshrl.u32 s0, $0x1;
	s2 =	smul.u32 $0xE000, s2;
	s4 =	ssub.s32 s5, s4  }
0x12: {  	s0 =	ssub.s32 s0, s31;
	s4 =	smul.u32 $0x540000, s4;
	s1 =	sadd.s32 s30, s1  }
.Ltmp0:
0x13: {  	s0 =	smax.u32 s0, $0x1;
	s1 =	sshrl.u32 s1, $0x3;
	(pc) =	sbr.rel .LBB2_1-.Ltmp0, $4  }
0x14: {  	_ =	strace $0x80000047;
	s2 =	sadd.s32 s2, s4;
	s1 =	sadd.s32 s1, s6  }
0x15: {  	[dreg:$0xa] =	wrdreg s0;
	s2 =	sshrl.u32 s2, $0x3;
	s1 =	sadd.s32 $0x700, s1  }
0x16: {  	s17 =	simm.s32 $0xF880;
	s2 =	sadd.s32 s6, s2;
	[dreg:$0x9] =	wrdreg s1  }
0x17: {  	s21 =	simm.s32 $0x2;
	[dreg:$0x8] =	wrdreg s2;
	s2 =	simm.s32 $0x0  }
.LBB2_8:
0x18: {  	s0 =	simm.s32 $0x3  }
0x19: {  	_ =	swait.ge [sflag:s0], $0x3800  }
0x1a: {  	[sflag:s0] =	ssyncset.done $0x0  }
0x1b: {  	s1 =	simm.s32 $0x4;
	[sflag:s0] =	ssyncadd.s32 $0xFFFFC800  }
0x1c: {  	_ =	swait.ge [sflag:s1], $0x3800  }
0x1d: {  	s2 =	rddreg [dreg:$0xb]  }
0x1e: {  	s31 =	rddreg [dreg:$0xa];
	s2 =	sadd.s32 $0x1, s2  }
0x1f: {  	p0 =	sne.s32 s2, s31  }
.Ltmp1:
0x20: {  	_ = 	snop;
	(pc) =	sbr.rel @!p0 .LBB2_9-.Ltmp1, $3  }
0x21: {  	_ =	sdelay $0x1  }
0x22: {  	[sflag:s1] =	ssyncset.done $0x0  }
0x23: {  	s18 =	simm.s32 $0xF800;
	[sflag:s1] =	ssyncadd.s32 $0xFFFFC800  }
.LBB2_1:
0x24: {  	[dreg:$0xb] =	wrdreg s2  }
0x25: {  	s0 =	rddreg [dreg:$0x1]  }
0x26: {  	[tilespmem:s14], [sflag:$0x5] =	stream.linear.gather [hbm4b:s0+s9], $0xC00, $0x38;
	[tilespmem:$0xF900] =	vst v63  }
0x27: {  	s25 =	rddreg [dreg:$0x2]  }
0x28: {  	[tilespmem:s15], [sflag:$0x5] =	stream.linear.gather [hbm4b:s25+s9], $0xC00, $0x38;
	[tilespmem:$0xF900] =	vst v63  }
0x29: {  	s26 =	rddreg [dreg:$0x3]  }
0x2a: {  	[tilespmem:s18], [sflag:$0x5] =	stream.linear.gather [hbm4b:s26+s9], $0x80, $0x38;
	[tilespmem:$0xF900] =	vst v63  }
0x2b: {  	s28 =	rddreg [dreg:$0x4]  }
0x2c: {  	[tilespmem:s17], [sflag:$0x5] =	stream.linear.gather [hbm4b:s28+s9], $0x80, $0x38;
	[tilespmem:$0xF900] =	vst v63  }
0x2d: {  	s29 =	rddreg [dreg:$0x8]  }
0x2e: {  	[tilespmem:s9], [sflag:$0x1] =	stream.linear.gather [hbm4b:s29+s9], $0x3800, $0x38;
	[tilespmem:$0xF900] =	vst v63  }
0x2f: {  	s30 =	rddreg [dreg:$0x9];
	s1 =	simm.s32 $0x3800;
	s31 =	simm.s32 $0x5  }
0x30: {  	[tilespmem:s1], [sflag:$0x2] =	stream.linear.gather [hbm4b:s30+s9], $0x3800, $0x38;
	[tilespmem:$0xF900] =	vst v63  }
0x31: {  	_ =	swait.ge [sflag:s31], $0xC00  }
0x32: {  	[sflag:s31] =	ssyncset.done $0x0  }
0x33: {  	[sflag:s31] =	ssyncadd.s32 $0xFFFFF400  }
0x34: {  	_ =	swait.ge [sflag:s31], $0xC00  }
0x35: {  	[sflag:s31] =	ssyncset.done $0x0  }
0x36: {  	[sflag:s31] =	ssyncadd.s32 $0xFFFFF400  }
0x37: {  	_ =	swait.ge [sflag:s31], $0x80  }
0x38: {  	[sflag:s31] =	ssyncset.done $0x0  }
0x39: {  	[sflag:s31] =	ssyncadd.s32 $0xFFFFFF80  }
0x3a: {  	_ =	swait.ge [sflag:s31], $0x80  }
0x3b: {  	[sflag:s31] =	ssyncset.done $0x0  }
0x3c: {  	s26 =	simm.s32 $0x0;
	[sflag:s31] =	ssyncadd.s32 $0xFFFFFF80  }
.LBB2_2:
0x3d: {  	s3 =	sshll.u32 s26, $0x1;
	s0 =	rddreg [dreg:$0x7]  }
0x3e: {  	s11 =	sand.u32 $0x1, s26;
	s28 =	sadd.s32 s0, s3  }
0x3f: {  	p0 =	seq.s32 s11, $0x1;
	p1 =	seq.s32 s28, $0x0  }
0x40: {  	p0 =	por !p1, !p0  }
0x41: {  	s0 =	simm.s32 $0x1;
	p0 =	por !p0, !p0  }
0x42: {  	s30 =	sshrl.u32 s28, $0x2;
	s0 =	simm.s32 @!p0 $0x0  }
0x43: {  	s5 =	ssub.s32 s30, s0  }
0x44: {  	s0 =	smulhi.u32 $0x2AAAAAAB, s5;
	s1 =	sshra.s32 s5, $0x1F  }
0x45: {  	s1 =	smul.u32 $0x2AAAAAAB, s1;
	_ =	sdelay $0x1  }
0x46: {  	s0 =	sadd.s32 s1, s0  }
0x47: {  	s1 =	sshrl.u32 s0, $0x1F;
	s0 =	sshra.s32 s0, $0x4  }
0x48: {  	s4 =	sadd.s32 s1, s0  }
0x49: {  	s0 =	smul.u32 $0xFFFFFFA0, s4;
	_ =	sdelay $0x1  }
0x4a: {  	_ =	swait.ge [sflag:s10], $0x3800;
	s29 =	sadd.s32 s5, s0  }
0x4b: {  	[sflag:s10] =	ssyncset.done $0x0;
	p1 =	slt.s32 s29, $0x0;
	s0 =	sadd.s32 $0x60, s29  }
0x4c: {  	p6 =	sne.s32 s29, $0x0;
	s29 =	smov.u32 @p1 s0;
	p1 =	seq.s32 s26, $0x0  }
0x4d: {  	[sflag:s10] =	ssyncadd.s32 $0xFFFFC800;
	v0 =	vmov s29;
	s0 =	simm.s32 @!p1 $0x3  }
0x4e: {  	s12 =	simm.s32 $0x0;
	_ =	swait.ge @!p1 [sflag:s0], $0x3800  }
0x4f: {  	s13 =	sand.u32 $0x3800, s12;
	s1 =	sand.u32 $0x300, s12;
	[sflag:s0] =	ssyncset.done @!p1 $0x0  }
0x50: {  	s31 =	sor.u32 s1, s13;
	[sflag:s0] =	ssyncadd.s32 @!p1 $0xFFFFC800  }
0x51: {  	v3 =	vld [tilespmem:s31+$0x80]  }
0x52: {  	v1 =	vld.idx.msk [tilespmem:v0+s18+$0x0], $0xffff;
	_ =	sdelay $0x1  }
0x53: {  	v2 =	vld.idx.msk [tilespmem:v0+s17+$0x0], $0xffff;
	_ =	sdelay $0x2  }
0x54: {  	v4 =	vsub.f32 v3, v1;
	_ =	sdelay $0x1  }
0x55: {  	v4 =	vmul.f32 v4, v2;
	_ =	sdelay $0x1  }
0x56: {  	v4 =	vmax.f32 v4, $0.0e+00  }
0x57: {  	v5 =	vld [tilespmem:s31+$0x90];
	v4 =	vmin.f32 v4, $1.701000020e+01  }
0x58: {  	v4 =	vtrunc.f32 v4  }
0x59: {  	v4 =	vcvt.f32.s32 v4  }
0x5a: {  	v0 =	vshll.u32 v0, $0x5  }
0x5b: {  	v10 =	vld [tilespmem:s31+$0x0];
	v4 =	vadd.s32 v4, v0  }
0x5c: {  	v6 =	vsub.f32 v5, v1;
	_ =	sdelay $0x1  }
0x5d: {  	v6 =	vmul.f32 v6, v2;
	_ =	sdelay $0x1  }
0x5e: {  	v8 =	vsub.f32 v10, v1;
	v6 =	vmax.f32 v6, $0.0e+00;
	v7 =	vld.idx.msk [tilespmem:v4+s15+$0x0], $0xffff  }
0x5f: {  	v12 =	vld [tilespmem:s31+$0xA0];
	v6 =	vmin.f32 v6, $1.701000020e+01  }
0x60: {  	v8 =	vmul.f32 v8, v2;
	v6 =	vtrunc.f32 v6;
	v4 =	vld.idx.msk [tilespmem:v4+s14+$0x0], $0xffff  }
0x61: {  	v6 =	vcvt.f32.s32 v6  }
0x62: {  	v8 =	vmax.f32 v8, $0.0e+00  }
0x63: {  	v14 =	vld [tilespmem:s31+$0x10];
	v6 =	vadd.s32 v6, v0;
	v3 =	vmul.f32 v7, v3;
	v7 =	vmin.f32 v8, $1.701000020e+01  }
0x64: {  	v8 =	vsub.f32 v12, v1;
	v7 =	vtrunc.f32 v7  }
0x65: {  	v3 =	vadd.f32 v3, v4;
	v7 =	vcvt.f32.s32 v7  }
0x66: {  	v8 =	vmul.f32 v8, v2  }
0x67: {  	[tilespmem:s31+$0x7080] =	vst v3;
	v3 =	vadd.s32 v7, v0  }
0x68: {  	v16 =	vsub.f32 v14, v1;
	v7 =	vmax.f32 v8, $0.0e+00;
	v11 =	vld.idx.msk [tilespmem:v6+s15+$0x0], $0xffff  }
0x69: {  	v17 =	vld [tilespmem:s31+$0xB0];
	v7 =	vmin.f32 v7, $1.701000020e+01  }
0x6a: {  	v16 =	vmul.f32 v16, v2;
	v18 =	vld.idx.msk [tilespmem:v6+s14+$0x0], $0xffff;
	v6 =	vtrunc.f32 v7  }
0x6b: {  	v15 =	vld [tilespmem:s31+$0x20];
	v6 =	vcvt.f32.s32 v6  }
0x6c: {  	v16 =	vmax.f32 v16, $0.0e+00;
	v19 =	vld.idx.msk [tilespmem:v3+s15+$0x0], $0xffff  }
0x6d: {  	v20 =	vadd.s32 v6, v0;
	v5 =	vmul.f32 v11, v5;
	v11 =	vmin.f32 v16, $1.701000020e+01  }
0x6e: {  	v3 =	vld.idx.msk [tilespmem:v3+s14+$0x0], $0xffff;
	v16 =	vsub.f32 v17, v1;
	v11 =	vtrunc.f32 v11  }
0x6f: {  	v18 =	vadd.f32 v5, v18;
	v21 =	vcvt.f32.s32 v11  }
0x70: {  	v16 =	vmul.f32 v16, v2  }
0x71: {  	v13 =	vld [tilespmem:s31+$0x30];
	v22 =	vsub.f32 v15, v1;
	[tilespmem:s31+$0x7090] =	vst v18;
	v18 =	vadd.s32 v21, v0;
	v10 =	vmul.f32 v19, v10  }
0x72: {  	v16 =	vmax.f32 v16, $0.0e+00;
	v19 =	vld.idx.msk [tilespmem:v20+s15+$0x0], $0xffff  }
0x73: {  	v22 =	vmul.f32 v22, v2;
	v21 =	vld [tilespmem:s31+$0xC0];
	v16 =	vmin.f32 v16, $1.701000020e+01;
	v3 =	vadd.f32 v10, v3  }
0x74: {  	v20 =	vld.idx.msk [tilespmem:v20+s14+$0x0], $0xffff;
	v16 =	vtrunc.f32 v16  }
0x75: {  	v9 =	vld [tilespmem:s31+$0x40];
	v22 =	vmax.f32 v22, $0.0e+00;
	v16 =	vcvt.f32.s32 v16;
	[tilespmem:s31+$0x7000] =	vst v3  }
0x76: {  	v3 =	vmin.f32 v22, $1.701000020e+01;
	v22 =	vld.idx.msk [tilespmem:v18+s15+$0x0], $0xffff  }
0x77: {  	v16 =	vadd.s32 v16, v0;
	v12 =	vmul.f32 v19, v12  }
0x78: {  	v23 =	vsub.f32 v13, v1;
	v3 =	vtrunc.f32 v3;
	v24 =	vld.idx.msk [tilespmem:v18+s14+$0x0], $0xffff;
	v19 =	vsub.f32 v21, v1  }
0x79: {  	v3 =	vcvt.f32.s32 v3;
	v12 =	vadd.f32 v12, v20  }
0x7a: {  	v19 =	vmul.f32 v19, v2;
	v20 =	vmul.f32 v23, v2  }
0x7b: {  	v4 =	vld [tilespmem:s31+$0x50];
	v23 =	vadd.s32 v3, v0;
	v3 =	vsub.f32 v9, v1;
	[tilespmem:s31+$0x70A0] =	vst v12;
	v12 =	vmul.f32 v22, v14  }
0x7c: {  	v19 =	vmax.f32 v19, $0.0e+00;
	v14 =	vld.idx.msk [tilespmem:v16+s15+$0x0], $0xffff  }
0x7d: {  	v22 =	vld [tilespmem:s31+$0xD0];
	v25 =	vmul.f32 v3, v2;
	v19 =	vmin.f32 v19, $1.701000020e+01;
	v12 =	vadd.f32 v12, v24  }
0x7e: {  	v20 =	vmax.f32 v20, $0.0e+00;
	v16 =	vld.idx.msk [tilespmem:v16+s14+$0x0], $0xffff;
	v19 =	vtrunc.f32 v19  }
0x7f: {  	v8 =	vld [tilespmem:s31+$0x60];
	v20 =	vmin.f32 v20, $1.701000020e+01;
	v24 =	vmax.f32 v25, $0.0e+00;
	v19 =	vcvt.f32.s32 v19;
	[tilespmem:s31+$0x7010] =	vst v12  }
0x80: {  	v20 =	vtrunc.f32 v20;
	v12 =	vmin.f32 v24, $1.701000020e+01;
	v24 =	vld.idx.msk [tilespmem:v23+s15+$0x0], $0xffff  }
0x81: {  	v7 =	vld [tilespmem:s31+$0x70];
	v20 =	vcvt.f32.s32 v20;
	v14 =	vmul.f32 v14, v17;
	v17 =	vadd.s32 v19, v0  }
0x82: {  	v12 =	vtrunc.f32 v12;
	v25 =	vsub.f32 v22, v1;
	v23 =	vld.idx.msk [tilespmem:v23+s14+$0x0], $0xffff;
	v19 =	vsub.f32 v4, v1  }
0x83: {  	v12 =	vcvt.f32.s32 v12;
	v14 =	vadd.f32 v14, v16  }
0x84: {  	v20 =	vadd.s32 v20, v0;
	v16 =	vmul.f32 v19, v2;
	v19 =	vmul.f32 v25, v2  }
0x85: {  	v6 =	vld [tilespmem:s31+$0x400];
	v25 =	vadd.s32 v12, v0;
	v12 =	vsub.f32 v8, v1;
	[tilespmem:s31+$0x70B0] =	vst v14;
	v15 =	vmul.f32 v24, v15  }
0x86: {  	v26 =	vsub.f32 v7, v1;
	v14 =	vmax.f32 v16, $0.0e+00;
	v16 =	vld.idx.msk [tilespmem:v17+s15+$0x0], $0xffff  }
0x87: {  	v19 =	vmax.f32 v19, $0.0e+00;
	v12 =	vmul.f32 v12, v2;
	v24 =	vld [tilespmem:s31+$0xE0];
	v15 =	vadd.f32 v15, v23  }
0x88: {  	v14 =	vmin.f32 v14, $1.701000020e+01;
	v19 =	vmin.f32 v19, $1.701000020e+01;
	v17 =	vld.idx.msk [tilespmem:v17+s14+$0x0], $0xffff  }
0x89: {  	v5 =	vld [tilespmem:s31+$0x410];
	v19 =	vtrunc.f32 v19;
	v12 =	vmax.f32 v12, $0.0e+00;
	v23 =	vmul.f32 v26, v2;
	[tilespmem:s31+$0x7020] =	vst v15  }
0x8a: {  	v14 =	vtrunc.f32 v14;
	v19 =	vcvt.f32.s32 v19;
	v12 =	vmin.f32 v12, $1.701000020e+01;
	v15 =	vld.idx.msk [tilespmem:v20+s15+$0x0], $0xffff  }
0x8b: {  	v14 =	vcvt.f32.s32 v14;
	v23 =	vmax.f32 v23, $0.0e+00;
	v16 =	vmul.f32 v16, v21  }
0x8c: {  	v19 =	vadd.s32 v19, v0;
	v26 =	vsub.f32 v24, v1;
	v20 =	vld.idx.msk [tilespmem:v20+s14+$0x0], $0xffff;
	v21 =	vsub.f32 v6, v1  }
0x8d: {  	v11 =	vld [tilespmem:s31+$0x420];
	v12 =	vtrunc.f32 v12;
	v16 =	vadd.f32 v16, v17;
	v17 =	vmin.f32 v23, $1.701000020e+01  }
0x8e: {  	v21 =	vmul.f32 v21, v2;
	v23 =	vmul.f32 v26, v2;
	v26 =	vsub.f32 v5, v1  }
0x8f: {  	v10 =	vld [tilespmem:s31+$0x430];
	v14 =	vadd.s32 v14, v0;
	v17 =	vtrunc.f32 v17;
	v13 =	vmul.f32 v15, v13  }
0x90: {  	v18 =	vld [tilespmem:s31+$0x440];
	[tilespmem:s31+$0x70C0] =	vst v16;
	v16 =	vmax.f32 v21, $0.0e+00;
	v21 =	vmax.f32 v23, $0.0e+00;
	v23 =	vmul.f32 v26, v2  }
0x91: {  	v17 =	vcvt.f32.s32 v17;
	v15 =	vld.idx.msk [tilespmem:v19+s15+$0x0], $0xffff;
	v21 =	vmin.f32 v21, $1.701000020e+01;
	v13 =	vadd.f32 v13, v20  }
0x92: {  	v31 =	vld [tilespmem:s31+$0xF0];
	v20 =	vtrunc.f32 v21;
	v21 =	vmax.f32 v23, $0.0e+00;
	v23 =	vsub.f32 v11, v1  }
0x93: {  	v12 =	vcvt.f32.s32 v12;
	v16 =	vmin.f32 v16, $1.701000020e+01;
	v19 =	vld.idx.msk [tilespmem:v19+s14+$0x0], $0xffff;
	v20 =	vcvt.f32.s32 v20;
	[tilespmem:s31+$0x7030] =	vst v13  }
0x94: {  	v16 =	vtrunc.f32 v16;
	v26 =	vadd.s32 v17, v0;
	v13 =	vmul.f32 v23, v2;
	v23 =	vld.idx.msk [tilespmem:v25+s15+$0x0], $0xffff  }
0x95: {  	v16 =	vcvt.f32.s32 v16;
	v21 =	vmin.f32 v21, $1.701000020e+01;
	v27 =	vadd.s32 v20, v0  }
0x96: {  	s16 =	simm.s32 $0x100;
	s19 =	simm.s32 $0x200;
	v17 =	vld.idx.msk [tilespmem:v25+s14+$0x0], $0xffff;
	v20 =	vsub.f32 v10, v1;
	v25 =	vsub.f32 v18, v1;
	v15 =	vmul.f32 v15, v22  }
0x97: {  	s1 =	sand.u32 $0x3800, s19;
	s0 =	sand.u32 $0x300, s16;
	v22 =	vadd.s32 v16, v0;
	v16 =	vtrunc.f32 v21;
	v13 =	vmax.f32 v13, $0.0e+00  }
0x98: {  	s6 =	sor.u32 s0, s1;
	v32 =	vld [tilespmem:s31+$0x480];
	v16 =	vcvt.f32.s32 v16;
	v15 =	vadd.f32 v15, v19;
	v19 =	vsub.f32 v31, v1  }
0x99: {  	v33 =	vld [tilespmem:s6+$0x0];
	v13 =	vmin.f32 v13, $1.701000020e+01;
	v21 =	vmul.f32 v20, v2;
	v9 =	vmul.f32 v23, v9  }
0x9a: {  	v3 =	vld [tilespmem:s31+$0x450];
	v13 =	vtrunc.f32 v13;
	v20 =	vadd.s32 v16, v0;
	[tilespmem:s31+$0x70D0] =	vst v15;
	v15 =	vmul.f32 v19, v2  }
0x9b: {  	v19 =	vmax.f32 v21, $0.0e+00;
	v21 =	vmul.f32 v25, v2;
	v25 =	vld [tilespmem:s6+$0x80];
	v9 =	vadd.f32 v9, v17  }
0x9c: {  	v13 =	vcvt.f32.s32 v13;
	v16 =	vld.idx.msk [tilespmem:v27+s15+$0x0], $0xffff;
	v19 =	vmin.f32 v19, $1.701000020e+01;
	v15 =	vmax.f32 v15, $0.0e+00  }
0x9d: {  	v17 =	vld.idx.msk [tilespmem:v27+s14+$0x0], $0xffff;
	v19 =	vtrunc.f32 v19;
	v21 =	vmax.f32 v21, $0.0e+00;
	v15 =	vmin.f32 v15, $1.701000020e+01;
	[tilespmem:s31+$0x7040] =	vst v9  }
0x9e: {  	v9 =	vcvt.f32.s32 v19;
	v19 =	vmin.f32 v21, $1.701000020e+01;
	v21 =	vtrunc.f32 v15;
	v34 =	vld.idx.msk [tilespmem:v14+s15+$0x0], $0xffff  }
0x9f: {  	v15 =	vadd.s32 v13, v0;
	v19 =	vtrunc.f32 v19;
	v21 =	vcvt.f32.s32 v21;
	v14 =	vld.idx.msk [tilespmem:v14+s14+$0x0], $0xffff;
	[tilespmem:$0x1FFC0] =	vst v3  }
0xa0: {  	v23 =	vsub.f32 v25, v1;
	v13 =	vadd.s32 v9, v0;
	v9 =	vsub.f32 v3, v1;
	v30 =	vld [tilespmem:s6+$0x10]  }
0xa1: {  	v35 =	vsub.f32 v32, v1;
	v19 =	vcvt.f32.s32 v19;
	v16 =	vmul.f32 v16, v24;
	v63 =	vld [tilespmem:s6+$0x90]  }
0xa2: {  	v29 =	vld [tilespmem:s6+$0x20];
	v21 =	vadd.s32 v21, v0;
	v24 =	vmul.f32 v23, v2;
	v9 =	vmul.f32 v9, v2  }
0xa3: {  	v23 =	vadd.s32 v19, v0;
	v16 =	vadd.f32 v16, v17;
	v17 =	vsub.f32 v33, v1  }
0xa4: {  	v19 =	vmax.f32 v24, $0.0e+00;
	v24 =	vmul.f32 v35, v2;
	v9 =	vmax.f32 v9, $0.0e+00  }
0xa5: {  	v4 =	vmul.f32 v34, v4;
	[tilespmem:s31+$0x70E0] =	vst v16;
	v16 =	vmul.f32 v17, v2;
	v17 =	vmin.f32 v19, $1.701000020e+01  }
0xa6: {  	v28 =	vld [tilespmem:s6+$0x30];
	v9 =	vmin.f32 v9, $1.701000020e+01;
	v17 =	vtrunc.f32 v17;
	v39 =	vsub.f32 v63, v1  }
0xa7: {  	v27 =	vld [tilespmem:s6+$0x40];
	v19 =	vmax.f32 v24, $0.0e+00;
	v40 =	vsub.f32 v30, v1;
	v41 =	vsub.f32 v29, v1  }
0xa8: {  	v46 =	vld.idx.msk [tilespmem:v21+s15+$0x0], $0xffff;
	v17 =	vcvt.f32.s32 v17;
	v19 =	vmin.f32 v19, $1.701000020e+01;
	v9 =	vtrunc.f32 v9  }
0xa9: {  	v36 =	vld [tilespmem:s31+$0x490];
	v16 =	vmax.f32 v16, $0.0e+00;
	v19 =	vtrunc.f32 v19;
	v9 =	vcvt.f32.s32 v9  }
0xaa: {  	v21 =	vld.idx.msk [tilespmem:v21+s14+$0x0], $0xffff;
	v16 =	vmin.f32 v16, $1.701000020e+01;
	v48 =	vmul.f32 v39, v2;
	v49 =	vmul.f32 v40, v2  }
0xab: {  	v24 =	vld [tilespmem:s6+$0x50];
	v51 =	vmul.f32 v41, v2;
	v16 =	vtrunc.f32 v16;
	v37 =	vadd.s32 v17, v0  }
0xac: {  	v4 =	vadd.f32 v4, v14;
	v40 =	vld [tilespmem:s6+$0xA0];
	v38 =	vcvt.f32.s32 v19;
	v14 =	vcvt.f32.s32 v16  }
0xad: {  	v19 =	vld [tilespmem:s6+$0x60];
	v3 =	vadd.s32 v9, v0;
	v39 =	vmax.f32 v49, $0.0e+00;
	v31 =	vmul.f32 v46, v31  }
0xae: {  	v17 =	vld [tilespmem:s6+$0x70];
	v47 =	vadd.s32 v38, v0;
	v50 =	vmin.f32 v39, $1.701000020e+01;
	v39 =	vmax.f32 v51, $0.0e+00  }
0xaf: {  	v16 =	vld [tilespmem:s6+$0x400];
	[tilespmem:$0x1FFF0] =	vst v3;
	v14 =	vadd.s32 v14, v0;
	v21 =	vadd.f32 v31, v21;
	v31 =	vsub.f32 v36, v1  }
0xb0: {  	v38 =	vmax.f32 v48, $0.0e+00;
	v39 =	vmin.f32 v39, $1.701000020e+01;
	v46 =	vsub.f32 v28, v1;
	v42 =	vld.idx.msk [tilespmem:v37+s15+$0x0], $0xffff  }
0xb1: {  	v44 =	vld [tilespmem:s31+$0x4A0];
	v39 =	vtrunc.f32 v39;
	[tilespmem:s31+$0x70F0] =	vst v21;
	v21 =	vmul.f32 v31, v2;
	v31 =	vmin.f32 v38, $1.701000020e+01  }
0xb2: {  	v45 =	vsub.f32 v40, v1;
	v37 =	vld.idx.msk [tilespmem:v37+s14+$0x0], $0xffff;
	v46 =	vmul.f32 v46, v2;
	v31 =	vtrunc.f32 v31  }
0xb3: {  	v12 =	vadd.s32 v12, v0;
	v39 =	vcvt.f32.s32 v39;
	v31 =	vcvt.f32.s32 v31  }
0xb4: {  	v45 =	vmul.f32 v45, v2;
	v38 =	vtrunc.f32 v50;
	v46 =	vmax.f32 v46, $0.0e+00;
	v43 =	vld.idx.msk [tilespmem:v14+s15+$0x0], $0xffff  }
0xb5: {  	v52 =	vld.idx.msk [tilespmem:v47+s15+$0x0], $0xffff;
	v21 =	vmax.f32 v21, $0.0e+00;
	v25 =	vmul.f32 v42, v25;
	v31 =	vadd.s32 v31, v0  }
0xb6: {  	v38 =	vcvt.f32.s32 v38;
	v53 =	vld.idx.msk [tilespmem:v14+s14+$0x0], $0xffff;
	v55 =	vsub.f32 v44, v1;
	v21 =	vmin.f32 v21, $1.701000020e+01  }
0xb7: {  	v35 =	vld.idx.msk [tilespmem:v47+s14+$0x0], $0xffff;
	v45 =	vmax.f32 v45, $0.0e+00;
	v21 =	vtrunc.f32 v21;
	v37 =	vadd.f32 v25, v37  }
0xb8: {  	v48 =	vld [tilespmem:s6+$0xC0];
	v47 =	vsub.f32 v27, v1;
	v58 =	vmin.f32 v46, $1.701000020e+01;
	v21 =	vcvt.f32.s32 v21  }
0xb9: {  	v45 =	vmin.f32 v45, $1.701000020e+01;
	v38 =	vadd.s32 v38, v0;
	v33 =	vmul.f32 v43, v33;
	v43 =	vld [tilespmem:s6+$0xB0];
	[tilespmem:s6+$0x7080] =	vst v37  }
0xba: {  	v56 =	vmul.f32 v55, v2;
	v32 =	vmul.f32 v52, v32;
	v54 =	vadd.s32 v21, v0;
	v37 =	vld.idx.msk [tilespmem:v31+s15+$0x0], $0xffff  }
0xbb: {  	v14 =	vld [tilespmem:s6+$0x410];
	v57 =	vtrunc.f32 v45;
	v60 =	vmul.f32 v47, v2;
	v33 =	vadd.f32 v33, v53  }
0xbc: {  	[tilespmem:s31+$0x7050] =	vst v4;
	v45 =	vtrunc.f32 v58;
	v32 =	vadd.f32 v32, v35;
	v35 =	vcvt.f32.s32 v57;
	v31 =	vld.idx.msk [tilespmem:v31+s14+$0x0], $0xffff  }
0xbd: {  	v39 =	vadd.s32 v39, v0;
	v45 =	vcvt.f32.s32 v45;
	v4 =	vmax.f32 v60, $0.0e+00;
	[tilespmem:s6+$0x7000] =	vst v33;
	v33 =	vld [tilespmem:s31+$0x4B0]  }
0xbe: {  	v4 =	vmin.f32 v4, $1.701000020e+01;
	[tilespmem:s31+$0x7480] =	vst v32;
	v32 =	vmax.f32 v56, $0.0e+00;
	v35 =	vadd.s32 v35, v0;
	v61 =	vld.idx.msk [tilespmem:v38+s15+$0x0], $0xffff  }
0xbf: {  	v32 =	vmin.f32 v32, $1.701000020e+01;
	v62 =	vsub.f32 v43, v1;
	v59 =	vld.idx.msk [tilespmem:v54+s15+$0x0], $0xffff;
	v34 =	vmul.f32 v37, v63  }
0xc0: {  	v58 =	vsub.f32 v19, v1;
	v4 =	vtrunc.f32 v4;
	v38 =	vld.idx.msk [tilespmem:v38+s14+$0x0], $0xffff;
	v32 =	vtrunc.f32 v32  }
0xc1: {  	v41 =	vld.idx.msk [tilespmem:v54+s14+$0x0], $0xffff;
	v32 =	vcvt.f32.s32 v32;
	v46 =	vmul.f32 v62, v2;
	v31 =	vadd.f32 v34, v31  }
0xc2: {  	v60 =	vmul.f32 v58, v2;
	v58 =	vsub.f32 v16, v1;
	v4 =	vcvt.f32.s32 v4;
	v63 =	vld.idx.msk [tilespmem:v12+s15+$0x0], $0xffff  }
0xc3: {  	v32 =	vadd.s32 v32, v0;
	v46 =	vmax.f32 v46, $0.0e+00;
	v34 =	vld.idx.msk [tilespmem:v12+s14+$0x0], $0xffff;
	v30 =	vmul.f32 v61, v30;
	[tilespmem:s6+$0x7090] =	vst v31  }
0xc4: {  	v12 =	vsub.f32 v24, v1;
	v61 =	vsub.f32 v17, v1;
	v36 =	vmul.f32 v59, v36;
	v52 =	vld.idx.msk [tilespmem:v35+s15+$0x0], $0xffff  }
0xc5: {  	v25 =	vld [tilespmem:s6+$0x420];
	v53 =	vmin.f32 v46, $1.701000020e+01;
	v31 =	vsub.f32 v33, v1;
	v30 =	vadd.f32 v30, v38  }
0xc6: {  	v37 =	vtrunc.f32 v53;
	v54 =	vmul.f32 v12, v2;
	v36 =	vadd.f32 v36, v41;
	v35 =	vld.idx.msk [tilespmem:v35+s14+$0x0], $0xffff  }
0xc7: {  	v46 =	vld [tilespmem:s6+$0xD0];
	v59 =	vsub.f32 v48, v1;
	v55 =	vcvt.f32.s32 v37;
	v31 =	vmul.f32 v31, v2;
	[tilespmem:s6+$0x7010] =	vst v30  }
0xc8: {  	v37 =	vadd.s32 v4, v0;
	v38 =	vmax.f32 v60, $0.0e+00;
	v41 =	vadd.s32 v45, v0;
	v30 =	vld [tilespmem:s31+$0x4C0];
	[tilespmem:s31+$0x7490] =	vst v36  }
0xc9: {  	v36 =	vadd.s32 v55, v0;
	v56 =	vld.idx.msk [tilespmem:v32+s15+$0x0], $0xffff;
	v31 =	vmax.f32 v31, $0.0e+00;
	v57 =	vmul.f32 v52, v40  }
0xca: {  	v42 =	vmul.f32 v59, v2;
	v8 =	vmul.f32 v63, v8;
	v49 =	vld.idx.msk [tilespmem:v39+s15+$0x0], $0xffff;
	v31 =	vmin.f32 v31, $1.701000020e+01  }
0xcb: {  	v45 =	vmax.f32 v54, $0.0e+00;
	v32 =	vld.idx.msk [tilespmem:v32+s14+$0x0], $0xffff;
	v31 =	vtrunc.f32 v31;
	v35 =	vadd.f32 v57, v35  }
0xcc: {  	v45 =	vmin.f32 v45, $1.701000020e+01;
	v39 =	vld.idx.msk [tilespmem:v39+s14+$0x0], $0xffff;
	v8 =	vadd.f32 v8, v34;
	v31 =	vcvt.f32.s32 v31  }
0xcd: {  	v38 =	vmin.f32 v38, $1.701000020e+01;
	v62 =	vtrunc.f32 v45;
	v45 =	vld [tilespmem:s6+$0xE0];
	v47 =	vsub.f32 v30, v1;
	[tilespmem:s6+$0x70A0] =	vst v35  }
0xce: {  	v42 =	vmax.f32 v42, $0.0e+00;
	[tilespmem:s31+$0x7060] =	vst v8;
	v44 =	vmul.f32 v56, v44;
	v31 =	vadd.s32 v31, v0;
	v63 =	vld.idx.msk [tilespmem:v36+s15+$0x0], $0xffff  }
0xcf: {  	v42 =	vmin.f32 v42, $1.701000020e+01;
	v51 =	vld.idx.msk [tilespmem:v26+s15+$0x0], $0xffff;
	v29 =	vmul.f32 v49, v29;
	v8 =	vmul.f32 v47, v2  }
0xd0: {  	v38 =	vtrunc.f32 v38;
	v42 =	vtrunc.f32 v42;
	v32 =	vadd.f32 v44, v32;
	v36 =	vld.idx.msk [tilespmem:v36+s14+$0x0], $0xffff  }
0xd1: {  	v26 =	vld.idx.msk [tilespmem:v26+s14+$0x0], $0xffff;
	v49 =	vcvt.f32.s32 v42;
	v29 =	vadd.f32 v29, v39;
	v8 =	vmax.f32 v8, $0.0e+00  }
0xd2: {  	v53 =	vsub.f32 v46, v1;
	v40 =	vmul.f32 v61, v2;
	v54 =	vmin.f32 v8, $1.701000020e+01;
	v8 =	vld [tilespmem:s31+$0x4D0];
	[tilespmem:s31+$0x74A0] =	vst v32  }
0xd3: {  	v38 =	vcvt.f32.s32 v38;
	[tilespmem:s6+$0x7020] =	vst v29;
	v32 =	vadd.s32 v49, v0;
	v50 =	vld.idx.msk [tilespmem:v31+s15+$0x0], $0xffff;
	v52 =	vmul.f32 v63, v43  }
0xd4: {  	v40 =	vmax.f32 v40, $0.0e+00;
	v47 =	vmul.f32 v58, v2;
	v35 =	vcvt.f32.s32 v62;
	v56 =	vld.idx.msk [tilespmem:v41+s15+$0x0], $0xffff  }
0xd5: {  	v7 =	vmul.f32 v51, v7;
	v55 =	vtrunc.f32 v54;
	v31 =	vld.idx.msk [tilespmem:v31+s14+$0x0], $0xffff;
	v29 =	vadd.f32 v52, v36  }
0xd6: {  	v42 =	vadd.s32 v35, v0;
	v35 =	vadd.s32 v38, v0;
	v57 =	vld.idx.msk [tilespmem:v41+s14+$0x0], $0xffff;
	v36 =	vcvt.f32.s32 v55  }
0xd7: {  	v49 =	vsub.f32 v14, v1;
	v7 =	vadd.f32 v7, v26;
	v43 =	vmul.f32 v53, v2;
	[tilespmem:s6+$0x70B0] =	vst v29  }
0xd8: {  	v62 =	vsub.f32 v8, v1;
	v33 =	vmul.f32 v50, v33;
	v60 =	vadd.s32 v36, v0;
	v59 =	vld.idx.msk [tilespmem:v32+s15+$0x0], $0xffff  }
0xd9: {  	v9 =	vld [tilespmem:s6+$0x440];
	v43 =	vmax.f32 v43, $0.0e+00;
	v28 =	vmul.f32 v56, v28;
	v52 =	vsub.f32 v45, v1  }
0xda: {  	[tilespmem:s31+$0x7070] =	vst v7;
	v55 =	vsub.f32 v25, v1;
	v61 =	vmin.f32 v43, $1.701000020e+01;
	v32 =	vld.idx.msk [tilespmem:v32+s14+$0x0], $0xffff;
	v31 =	vadd.f32 v33, v31  }
0xdb: {  	v54 =	vld.idx.msk [tilespmem:v22+s15+$0x0], $0xffff;
	v43 =	vmul.f32 v62, v2;
	v29 =	vmin.f32 v40, $1.701000020e+01;
	v36 =	vtrunc.f32 v61  }
0xdc: {  	v22 =	vld.idx.msk [tilespmem:v22+s14+$0x0], $0xffff;
	v28 =	vadd.f32 v28, v57;
	v53 =	vmul.f32 v52, v2;
	v63 =	vcvt.f32.s32 v36;
	[tilespmem:s31+$0x74B0] =	vst v31  }
0xdd: {  	v58 =	vmul.f32 v55, v2;
	v51 =	vmax.f32 v43, $0.0e+00;
	v50 =	vld.idx.msk [tilespmem:v60+s15+$0x0], $0xffff;
	v31 =	vmul.f32 v59, v48  }
0xde: {  	v29 =	vtrunc.f32 v29;
	v39 =	vmin.f32 v51, $1.701000020e+01;
	[tilespmem:s6+$0x7030] =	vst v28;
	v33 =	vadd.s32 v63, v0;
	v34 =	vld.idx.msk [tilespmem:v60+s14+$0x0], $0xffff  }
0xdf: {  	v36 =	vmax.f32 v47, $0.0e+00;
	v26 =	vtrunc.f32 v39;
	v28 =	vadd.f32 v31, v32;
	v31 =	vld.idx.msk [tilespmem:v37+s15+$0x0], $0xffff  }
0xe0: {  	v21 =	vld [tilespmem:s6+$0x430];
	v6 =	vmul.f32 v54, v6;
	v36 =	vmin.f32 v36, $1.701000020e+01;
	v26 =	vcvt.f32.s32 v26  }
0xe1: {  	v62 =	vsub.f32 v9, v1;
	v29 =	vcvt.f32.s32 v29;
	v36 =	vtrunc.f32 v36;
	v37 =	vld.idx.msk [tilespmem:v37+s14+$0x0], $0xffff  }
0xe2: {  	v3 =	vld [tilespmem:s6+$0x450];
	v6 =	vadd.f32 v6, v22;
	v26 =	vadd.s32 v26, v0;
	[tilespmem:s6+$0x70C0] =	vst v28;
	v30 =	vmul.f32 v50, v30  }
0xe3: {  	v57 =	vcvt.f32.s32 v36;
	v32 =	vmax.f32 v53, $0.0e+00;
	v28 =	vmul.f32 v49, v2;
	v7 =	vld.idx.msk [tilespmem:v33+s15+$0x0], $0xffff  }
0xe4: {  	v41 =	vld [tilespmem:s6+$0xF0];
	v32 =	vmin.f32 v32, $1.701000020e+01;
	v30 =	vadd.f32 v30, v34;
	v27 =	vmul.f32 v31, v27  }
0xe5: {  	v59 =	vsub.f32 v21, v1;
	v32 =	vtrunc.f32 v32;
	v56 =	vld.idx.msk [tilespmem:v33+s14+$0x0], $0xffff;
	v28 =	vmax.f32 v28, $0.0e+00  }
0xe6: {  	v44 =	vld [tilespmem:s6+$0x480];
	v31 =	vcvt.f32.s32 v32;
	v28 =	vmin.f32 v28, $1.701000020e+01;
	[tilespmem:s31+$0x74C0] =	vst v30;
	v27 =	vadd.f32 v27, v37  }
0xe7: {  	v36 =	vadd.s32 v29, v0;
	[tilespmem:s31+$0x7400] =	vst v6;
	v61 =	vmul.f32 v59, v2;
	v28 =	vtrunc.f32 v28;
	v29 =	vld.idx.msk [tilespmem:v26+s15+$0x0], $0xffff  }
0xe8: {  	s20 =	simm.s32 $0x200;
	s22 =	simm.s32 $0x400;
	v30 =	vadd.s32 v31, v0;
	v31 =	vmax.f32 v58, $0.0e+00;
	v7 =	vmul.f32 v7, v46;
	v46 =	vld.idx.msk [tilespmem:v20+s15+$0x0], $0xffff;
	[tilespmem:s6+$0x7040] =	vst v27  }
0xe9: {  	s1 =	sand.u32 $0x3800, s22;
	s0 =	sand.u32 $0x300, s20;
	v50 =	vmax.f32 v61, $0.0e+00;
	v27 =	vcvt.f32.s32 v28;
	v28 =	vmin.f32 v31, $1.701000020e+01;
	v31 =	vld.idx.msk [tilespmem:v42+s15+$0x0], $0xffff  }
0xea: {  	s0 =	sor.u32 s0, s1;
	v60 =	vsub.f32 v41, v1;
	v34 =	vmin.f32 v50, $1.701000020e+01;
	v7 =	vadd.f32 v7, v56;
	v63 =	vld.idx.msk [tilespmem:v42+s14+$0x0], $0xffff  }
0xeb: {  	v55 =	vsub.f32 v3, v1;
	v51 =	vmul.f32 v62, v2;
	v22 =	vtrunc.f32 v34;
	v42 =	vld [tilespmem:s0+$0x80]  }
0xec: {  	v33 =	vadd.s32 v57, v0;
	v28 =	vtrunc.f32 v28;
	[tilespmem:s6+$0x70D0] =	vst v7;
	v7 =	vmul.f32 v60, v2  }
0xed: {  	v47 =	vld.idx.msk [tilespmem:v20+s14+$0x0], $0xffff;
	v22 =	vcvt.f32.s32 v22;
	v32 =	vadd.s32 v27, v0;
	v28 =	vcvt.f32.s32 v28  }
0xee: {  	v8 =	vmul.f32 v29, v8;
	v29 =	vsub.f32 v44, v1;
	v27 =	vld.idx.msk [tilespmem:v30+s15+$0x0], $0xffff;
	v7 =	vmax.f32 v7, $0.0e+00  }
0xef: {  	v52 =	vld.idx.msk [tilespmem:v30+s14+$0x0], $0xffff;
	v30 =	vmax.f32 v51, $0.0e+00;
	v5 =	vmul.f32 v46, v5;
	v7 =	vmin.f32 v7, $1.701000020e+01  }
0xf0: {  	v26 =	vld.idx.msk [tilespmem:v26+s14+$0x0], $0xffff;
	v53 =	vmin.f32 v30, $1.701000020e+01;
	v20 =	vsub.f32 v42, v1;
	v6 =	vtrunc.f32 v7  }
0xf1: {  	v30 =	vadd.s32 v28, v0;
	v29 =	vmul.f32 v29, v2;
	v54 =	vcvt.f32.s32 v6  }
0xf2: {  	v28 =	vadd.s32 v22, v0;
	v34 =	vtrunc.f32 v53;
	v7 =	vld [tilespmem:s0+$0x0];
	[tilespmem:$0x1FFD0] =	vst v3;
	v20 =	vmul.f32 v20, v2  }
0xf3: {  	v24 =	vmul.f32 v31, v24;
	v6 =	vld [tilespmem:s0+$0x10];
	v27 =	vmul.f32 v27, v45;
	v56 =	vadd.s32 v54, v0  }
0xf4: {  	v22 =	vcvt.f32.s32 v34;
	v29 =	vmax.f32 v29, $0.0e+00;
	v39 =	vld [tilespmem:s0+$0x20];
	v58 =	vmax.f32 v20, $0.0e+00  }
0xf5: {  	v43 =	vld [tilespmem:s0+$0x90];
	v20 =	vadd.f32 v8, v26;
	v27 =	vadd.f32 v27, v52;
	v26 =	vmin.f32 v58, $1.701000020e+01  }
0xf6: {  	v34 =	vmul.f32 v55, v2;
	v38 =	vld [tilespmem:s0+$0x30];
	v29 =	vmin.f32 v29, $1.701000020e+01;
	v26 =	vtrunc.f32 v26  }
0xf7: {  	v37 =	vld [tilespmem:s0+$0x40];
	v29 =	vtrunc.f32 v29;
	v57 =	vsub.f32 v7, v1;
	[tilespmem:s6+$0x70E0] =	vst v27;
	v26 =	vcvt.f32.s32 v26  }
0xf8: {  	v40 =	vadd.f32 v5, v47;
	v53 =	vadd.f32 v24, v63;
	v50 =	vcvt.f32.s32 v29;
	v59 =	vld.idx.msk [tilespmem:v56+s15+$0x0], $0xffff  }
0xf9: {  	v49 =	vld [tilespmem:s6+$0x490];
	v27 =	vmax.f32 v34, $0.0e+00;
	v8 =	vmul.f32 v57, v2;
	v26 =	vadd.s32 v26, v0  }
0xfa: {  	v52 =	vsub.f32 v43, v1;
	v60 =	vsub.f32 v6, v1;
	v51 =	vmin.f32 v27, $1.701000020e+01;
	v45 =	vld.idx.msk [tilespmem:v56+s14+$0x0], $0xffff  }
0xfb: {  	v31 =	vld [tilespmem:s0+$0x60];
	v5 =	vsub.f32 v39, v1;
	v62 =	vtrunc.f32 v51;
	v8 =	vmax.f32 v8, $0.0e+00  }
0xfc: {  	v55 =	vld [tilespmem:s6+$0x4A0];
	v61 =	vmul.f32 v52, v2;
	v57 =	vcvt.f32.s32 v62;
	v8 =	vmin.f32 v8, $1.701000020e+01  }
0xfd: {  	v51 =	vld [tilespmem:s0+$0xA0];
	v8 =	vtrunc.f32 v8;
	v24 =	vmul.f32 v59, v41;
	v41 =	vadd.s32 v50, v0  }
0xfe: {  	v62 =	vmul.f32 v5, v2;
	v48 =	vmax.f32 v61, $0.0e+00;
	v8 =	vcvt.f32.s32 v8;
	v58 =	vld.idx.msk [tilespmem:v26+s15+$0x0], $0xffff  }
0xff: {  	v63 =	vsub.f32 v49, v1;
	v54 =	vld.idx.msk [tilespmem:v26+s14+$0x0], $0xffff;
	v26 =	vmin.f32 v48, $1.701000020e+01;
	v24 =	vadd.f32 v24, v45  }
0x100: {  	v29 =	vld [tilespmem:s0+$0x70];
	v52 =	vmax.f32 v62, $0.0e+00;
	v8 =	vadd.s32 v8, v0;
	v26 =	vtrunc.f32 v26  }
0x101: {  	v34 =	vld [tilespmem:s0+$0x50];
	v62 =	vsub.f32 v38, v1;
	v26 =	vcvt.f32.s32 v26;
	[tilespmem:s6+$0x70F0] =	vst v24;
	v24 =	vmul.f32 v63, v2  }
0x102: {  	v52 =	vmin.f32 v52, $1.701000020e+01;
	v59 =	vmul.f32 v60, v2;
	v56 =	vsub.f32 v51, v1;
	v60 =	vld.idx.msk [tilespmem:v41+s15+$0x0], $0xffff  }
0x103: {  	v27 =	vld [tilespmem:s0+$0x400];
	v50 =	vadd.s32 v26, v0;
	v42 =	vmul.f32 v58, v42;
	v24 =	vmax.f32 v24, $0.0e+00  }
0x104: {  	v52 =	vtrunc.f32 v52;
	v61 =	vmax.f32 v59, $0.0e+00;
	v41 =	vld.idx.msk [tilespmem:v41+s14+$0x0], $0xffff;
	v5 =	vmin.f32 v24, $1.701000020e+01  }
0x105: {  	v47 =	vmin.f32 v61, $1.701000020e+01;
	v48 =	vld.idx.msk [tilespmem:v8+s15+$0x0], $0xffff;
	v42 =	vadd.f32 v42, v54;
	v24 =	vtrunc.f32 v5  }
0x106: {  	v61 =	vsub.f32 v55, v1;
	v63 =	vtrunc.f32 v47;
	v47 =	vld.idx.msk [tilespmem:v8+s14+$0x0], $0xffff;
	v8 =	vcvt.f32.s32 v24  }
0x107: {  	v5 =	vadd.s32 v57, v0;
	v57 =	vld [tilespmem:s0+$0xB0];
	[tilespmem:s0+$0x7080] =	vst v42;
	v44 =	vmul.f32 v60, v44;
	v60 =	vmul.f32 v56, v2  }
0x108: {  	[tilespmem:s6+$0x7050] =	vst v53;
	v52 =	vcvt.f32.s32 v52;
	v46 =	vcvt.f32.s32 v63;
	v63 =	vld.idx.msk [tilespmem:v50+s15+$0x0], $0xffff;
	v45 =	vadd.s32 v8, v0  }
0x109: {  	v54 =	vmul.f32 v61, v2;
	v56 =	vld.idx.msk [tilespmem:v35+s15+$0x0], $0xffff;
	v41 =	vadd.f32 v44, v41;
	v42 =	vmax.f32 v60, $0.0e+00  }
0x10a: {  	v46 =	vadd.s32 v46, v0;
	v35 =	vld.idx.msk [tilespmem:v35+s14+$0x0], $0xffff;
	v7 =	vmul.f32 v48, v7;
	v59 =	vmin.f32 v42, $1.701000020e+01  }
0x10b: {  	v54 =	vmax.f32 v54, $0.0e+00;
	v48 =	vld.idx.msk [tilespmem:v50+s14+$0x0], $0xffff;
	v60 =	vmul.f32 v62, v2;
	[tilespmem:s6+$0x7480] =	vst v41;
	v41 =	vtrunc.f32 v59  }
0x10c: {  	v62 =	vmin.f32 v54, $1.701000020e+01;
	v54 =	vld [tilespmem:s6+$0x4B0];
	v7 =	vadd.f32 v7, v47;
	v41 =	vcvt.f32.s32 v41  }
0x10d: {  	v50 =	vadd.s32 v52, v0;
	v42 =	vmax.f32 v60, $0.0e+00;
	v60 =	vsub.f32 v57, v1;
	v61 =	vld.idx.msk [tilespmem:v45+s15+$0x0], $0xffff  }
0x10e: {  	v47 =	vtrunc.f32 v62;
	v43 =	vmul.f32 v63, v43;
	[tilespmem:s0+$0x7000] =	vst v7;
	v45 =	vld.idx.msk [tilespmem:v45+s14+$0x0], $0xffff;
	v41 =	vadd.s32 v41, v0  }
0x10f: {  	v63 =	vsub.f32 v37, v1;
	v7 =	vcvt.f32.s32 v47;
	v42 =	vmin.f32 v42, $1.701000020e+01;
	v47 =	vld.idx.msk [tilespmem:v46+s15+$0x0], $0xffff  }
0x110: {  	v26 =	vld [tilespmem:s0+$0x410];
	v19 =	vmul.f32 v56, v19;
	v42 =	vtrunc.f32 v42;
	v43 =	vadd.f32 v43, v48  }
0x111: {  	v46 =	vld.idx.msk [tilespmem:v46+s14+$0x0], $0xffff;
	v62 =	vmul.f32 v60, v2;
	v44 =	vmul.f32 v63, v2;
	v63 =	vsub.f32 v54, v1  }
0x112: {  	v58 =	vld [tilespmem:s6+$0x4C0];
	v42 =	vcvt.f32.s32 v42;
	[tilespmem:s0+$0x7090] =	vst v43;
	v61 =	vmul.f32 v61, v49;
	v49 =	vadd.s32 v7, v0  }
0x113: {  	v35 =	vadd.f32 v19, v35;
	v44 =	vmax.f32 v44, $0.0e+00;
	v43 =	vmax.f32 v62, $0.0e+00;
	v60 =	vld.idx.msk [tilespmem:v41+s15+$0x0], $0xffff  }
0x114: {  	v52 =	vld [tilespmem:s0+$0xC0];
	v43 =	vmin.f32 v43, $1.701000020e+01;
	v6 =	vmul.f32 v47, v6;
	v45 =	vadd.f32 v61, v45  }
0x115: {  	v62 =	vsub.f32 v34, v1;
	v43 =	vtrunc.f32 v43;
	v41 =	vld.idx.msk [tilespmem:v41+s14+$0x0], $0xffff;
	v61 =	vmul.f32 v63, v2  }
0x116: {  	v24 =	vld [tilespmem:s0+$0x420];
	v44 =	vmin.f32 v44, $1.701000020e+01;
	v43 =	vcvt.f32.s32 v43;
	v46 =	vadd.f32 v6, v46;
	[tilespmem:s6+$0x7490] =	vst v45  }
0x117: {  	v42 =	vadd.s32 v42, v0;
	v44 =	vtrunc.f32 v44;
	v45 =	vmax.f32 v61, $0.0e+00;
	v48 =	vld.idx.msk [tilespmem:v49+s15+$0x0], $0xffff  }
0x118: {  	v43 =	vadd.s32 v43, v0;
	[tilespmem:s0+$0x7010] =	vst v46;
	v45 =	vmin.f32 v45, $1.701000020e+01;
	v49 =	vld.idx.msk [tilespmem:v49+s14+$0x0], $0xffff;
	v63 =	vmul.f32 v60, v51  }
0x119: {  	v47 =	vmul.f32 v62, v2;
	v61 =	vsub.f32 v52, v1;
	v53 =	vld.idx.msk [tilespmem:v50+s15+$0x0], $0xffff;
	v45 =	vtrunc.f32 v45  }
0x11a: {  	v8 =	vld [tilespmem:s0+$0x430];
	v44 =	vcvt.f32.s32 v44;
	v45 =	vcvt.f32.s32 v45;
	v41 =	vadd.f32 v63, v41  }
0x11b: {  	v47 =	vmax.f32 v47, $0.0e+00;
	v50 =	vld.idx.msk [tilespmem:v50+s14+$0x0], $0xffff;
	v60 =	vsub.f32 v31, v1;
	v63 =	vmul.f32 v61, v2  }
0x11c: {  	v19 =	vld [tilespmem:s6+$0x4D0];
	v59 =	vadd.s32 v44, v0;
	v45 =	vadd.s32 v45, v0;
	v48 =	vmul.f32 v48, v55;
	[tilespmem:s0+$0x70A0] =	vst v41  }
0x11d: {  	v62 =	vmul.f32 v60, v2;
	v55 =	vsub.f32 v58, v1;
	v41 =	vmax.f32 v63, $0.0e+00;
	v60 =	vld.idx.msk [tilespmem:v43+s15+$0x0], $0xffff  }
0x11e: {  	v51 =	vld [tilespmem:s0+$0xD0];
	v39 =	vmul.f32 v53, v39;
	v41 =	vmin.f32 v41, $1.701000020e+01;
	v48 =	vadd.f32 v48, v49  }
0x11f: {  	[tilespmem:s6+$0x7060] =	vst v35;
	v47 =	vmin.f32 v47, $1.701000020e+01;
	v46 =	vmax.f32 v62, $0.0e+00;
	v43 =	vld.idx.msk [tilespmem:v43+s14+$0x0], $0xffff;
	v41 =	vtrunc.f32 v41  }
0x120: {  	v44 =	vmul.f32 v55, v2;
	v39 =	vadd.f32 v39, v50;
	v50 =	vld.idx.msk [tilespmem:v36+s15+$0x0], $0xffff;
	v41 =	vcvt.f32.s32 v41;
	[tilespmem:s6+$0x74A0] =	vst v48  }
0x121: {  	v47 =	vtrunc.f32 v47;
	v61 =	vsub.f32 v29, v1;
	v46 =	vmin.f32 v46, $1.701000020e+01;
	v48 =	vld.idx.msk [tilespmem:v45+s15+$0x0], $0xffff  }
0x122: {  	v36 =	vld.idx.msk [tilespmem:v36+s14+$0x0], $0xffff;
	v44 =	vmax.f32 v44, $0.0e+00;
	[tilespmem:s0+$0x7020] =	vst v39;
	v41 =	vadd.s32 v41, v0;
	v63 =	vmul.f32 v60, v57  }
0x123: {  	v49 =	vmul.f32 v61, v2;
	v46 =	vtrunc.f32 v46;
	v44 =	vmin.f32 v44, $1.701000020e+01;
	v56 =	vld.idx.msk [tilespmem:v42+s15+$0x0], $0xffff  }
0x124: {  	v45 =	vld.idx.msk [tilespmem:v45+s14+$0x0], $0xffff;
	v62 =	vtrunc.f32 v44;
	v60 =	vcvt.f32.s32 v47;
	v43 =	vadd.f32 v63, v43  }
0x125: {  	[tilespmem:s31+$0x7410] =	vst v40;
	v42 =	vld.idx.msk [tilespmem:v42+s14+$0x0], $0xffff;
	v57 =	vsub.f32 v51, v1;
	v39 =	vcvt.f32.s32 v62;
	v17 =	vmul.f32 v50, v17  }
0x126: {  	v63 =	vsub.f32 v19, v1;
	v61 =	vmul.f32 v48, v54;
	[tilespmem:s0+$0x70B0] =	vst v43;
	v54 =	vcvt.f32.s32 v46;
	v46 =	vld [tilespmem:s0+$0xE0]  }
0x127: {  	v62 =	vmul.f32 v57, v2;
	v53 =	vadd.s32 v60, v0;
	v39 =	vadd.s32 v39, v0;
	v47 =	vld.idx.msk [tilespmem:v41+s15+$0x0], $0xffff  }
0x128: {  	v17 =	vadd.f32 v17, v36;
	v35 =	vmul.f32 v56, v38;
	v56 =	vmul.f32 v63, v2;
	v41 =	vld.idx.msk [tilespmem:v41+s14+$0x0], $0xffff  }
0x129: {  	v57 =	vmax.f32 v49, $0.0e+00;
	v55 =	vmax.f32 v62, $0.0e+00;
	v45 =	vadd.f32 v61, v45;
	v61 =	vld.idx.msk [tilespmem:v15+s15+$0x0], $0xffff  }
0x12a: {  	v62 =	vmin.f32 v57, $1.701000020e+01;
	v38 =	vmin.f32 v55, $1.701000020e+01;
	[tilespmem:s6+$0x7070] =	vst v17;
	v60 =	vmax.f32 v56, $0.0e+00;
	v15 =	vld.idx.msk [tilespmem:v15+s14+$0x0], $0xffff  }
0x12b: {  	v35 =	vadd.f32 v35, v42;
	v38 =	vtrunc.f32 v38;
	v42 =	vmin.f32 v60, $1.701000020e+01;
	v60 =	vld.idx.msk [tilespmem:v33+s15+$0x0], $0xffff  }
0x12c: {  	v44 =	vadd.s32 v54, v0;
	v56 =	vsub.f32 v27, v1;
	v38 =	vcvt.f32.s32 v38;
	v33 =	vld.idx.msk [tilespmem:v33+s14+$0x0], $0xffff;
	[tilespmem:s6+$0x74B0] =	vst v45  }
0x12d: {  	[tilespmem:s0+$0x7030] =	vst v35;
	v50 =	vtrunc.f32 v42;
	v45 =	vtrunc.f32 v62;
	v40 =	vld.idx.msk [tilespmem:v39+s15+$0x0], $0xffff;
	v17 =	vsub.f32 v46, v1  }
0x12e: {  	v54 =	vld.idx.msk [tilespmem:v59+s15+$0x0], $0xffff;
	v38 =	vadd.s32 v38, v0;
	v35 =	vcvt.f32.s32 v50;
	v55 =	vmul.f32 v47, v52  }
0x12f: {  	v57 =	vld.idx.msk [tilespmem:v59+s14+$0x0], $0xffff;
	v59 =	vsub.f32 v26, v1;
	v45 =	vcvt.f32.s32 v45;
	v17 =	vmul.f32 v17, v2  }
0x130: {  	v35 =	vadd.s32 v35, v0;
	v11 =	vmul.f32 v61, v11;
	v41 =	vadd.f32 v55, v41  }
0x131: {  	v63 =	vld.idx.msk [tilespmem:v39+s14+$0x0], $0xffff;
	v16 =	vmul.f32 v60, v16;
	v55 =	vsub.f32 v8, v1;
	v17 =	vmax.f32 v17, $0.0e+00  }
0x132: {  	v3 =	vld [tilespmem:s0+$0x450];
	v11 =	vadd.f32 v11, v15;
	v15 =	vmul.f32 v59, v2;
	v40 =	vmul.f32 v40, v58  }
0x133: {  	v7 =	vld [tilespmem:s0+$0x440];
	v58 =	vmul.f32 v56, v2;
	[tilespmem:s0+$0x70C0] =	vst v41;
	v37 =	vmul.f32 v54, v37;
	v41 =	vadd.s32 v45, v0  }
0x134: {  	v47 =	vld [tilespmem:s0+$0xF0];
	v17 =	vmin.f32 v17, $1.701000020e+01;
	v45 =	vsub.f32 v24, v1;
	v16 =	vadd.f32 v16, v33  }
0x135: {  	v56 =	vmul.f32 v55, v2;
	v62 =	vld.idx.msk [tilespmem:v38+s15+$0x0], $0xffff;
	v17 =	vtrunc.f32 v17;
	v15 =	vmax.f32 v15, $0.0e+00  }
0x136: {  	v38 =	vld.idx.msk [tilespmem:v38+s14+$0x0], $0xffff;
	[tilespmem:s31+$0x7420] =	vst v11;
	v36 =	vadd.f32 v40, v63;
	v61 =	vmax.f32 v58, $0.0e+00;
	v63 =	vadd.f32 v37, v57  }
0x137: {  	v17 =	vcvt.f32.s32 v17;
	v48 =	vld.idx.msk [tilespmem:v13+s15+$0x0], $0xffff;
	v15 =	vmin.f32 v15, $1.701000020e+01;
	[tilespmem:s6+$0x7400] =	vst v16;
	v43 =	vmin.f32 v61, $1.701000020e+01  }
0x138: {  	v54 =	vmul.f32 v45, v2;
	v57 =	vsub.f32 v7, v1;
	v50 =	vld.idx.msk [tilespmem:v32+s15+$0x0], $0xffff;
	[tilespmem:s6+$0x74C0] =	vst v36;
	v11 =	vtrunc.f32 v43  }
0x139: {  	v58 =	vmax.f32 v56, $0.0e+00;
	v15 =	vtrunc.f32 v15;
	[tilespmem:s0+$0x7040] =	vst v63;
	v39 =	vld.idx.msk [tilespmem:v35+s15+$0x0], $0xffff;
	v11 =	vcvt.f32.s32 v11  }
0x13a: {  	s23 =	simm.s32 $0x300;
	s2 =	simm.s32 $0x600;
	v17 =	vadd.s32 v17, v0;
	v63 =	vsub.f32 v3, v1;
	v35 =	vld.idx.msk [tilespmem:v35+s14+$0x0], $0xffff;
	v52 =	vmul.f32 v62, v51  }
0x13b: {  	s2 =	sand.u32 $0x3800, s2;
	s1 =	sand.u32 $0x300, s23;
	v37 =	vld.idx.msk [tilespmem:v53+s15+$0x0], $0xffff;
	v40 =	vadd.s32 v11, v0;
	v11 =	vcvt.f32.s32 v15;
	v15 =	vsub.f32 v47, v1  }
0x13c: {  	s7 =	sor.u32 s1, s2;
	v59 =	vmul.f32 v57, v2;
	v51 =	vld.idx.msk [tilespmem:v32+s14+$0x0], $0xffff;
	v55 =	vmul.f32 v63, v2;
	v16 =	vadd.f32 v52, v38  }
0x13d: {  	v36 =	vmax.f32 v54, $0.0e+00;
	v32 =	vmin.f32 v58, $1.701000020e+01;
	v52 =	vld [tilespmem:s7+$0x80];
	v15 =	vmul.f32 v15, v2  }
0x13e: {  	v49 =	vld.idx.msk [tilespmem:v53+s14+$0x0], $0xffff;
	v60 =	vmax.f32 v59, $0.0e+00;
	v10 =	vmul.f32 v48, v10;
	v55 =	vmax.f32 v55, $0.0e+00;
	[tilespmem:s0+$0x70D0] =	vst v16  }
0x13f: {  	v33 =	vadd.s32 v11, v0;
	v11 =	vmin.f32 v36, $1.701000020e+01;
	v16 =	vld.idx.msk [tilespmem:v17+s15+$0x0], $0xffff;
	v15 =	vmax.f32 v15, $0.0e+00  }
0x140: {  	v53 =	vld [tilespmem:s0+$0x480];
	v14 =	vmul.f32 v50, v14;
	v11 =	vtrunc.f32 v11;
	v15 =	vmin.f32 v15, $1.701000020e+01  }
0x141: {  	v55 =	vmin.f32 v55, $1.701000020e+01;
	v19 =	vmul.f32 v39, v19;
	v38 =	vld.idx.msk [tilespmem:v17+s14+$0x0], $0xffff;
	v15 =	vtrunc.f32 v15  }
0x142: {  	v54 =	vld [tilespmem:s7+$0x0];
	v34 =	vmul.f32 v37, v34;
	v62 =	vsub.f32 v52, v1;
	v61 =	vcvt.f32.s32 v15  }
0x143: {  	v13 =	vld.idx.msk [tilespmem:v13+s14+$0x0], $0xffff;
	v55 =	vtrunc.f32 v55;
	v17 =	vtrunc.f32 v32;
	v32 =	vmin.f32 v60, $1.701000020e+01  }
0x144: {  	v15 =	vld [tilespmem:s7+$0x10];
	[tilespmem:$0x1FFE0] =	vst v3;
	v60 =	vmul.f32 v62, v2;
	v16 =	vmul.f32 v16, v46;
	v46 =	vadd.s32 v61, v0  }
0x145: {  	v11 =	vcvt.f32.s32 v11;
	v55 =	vcvt.f32.s32 v55;
	v57 =	vld [tilespmem:s7+$0x90];
	v61 =	vsub.f32 v53, v1  }
0x146: {  	v35 =	vadd.f32 v19, v35;
	v39 =	vmax.f32 v60, $0.0e+00;
	v16 =	vadd.f32 v16, v38  }
0x147: {  	v45 =	vld [tilespmem:s7+$0x20];
	v62 =	vsub.f32 v54, v1;
	v56 =	vmul.f32 v61, v2;
	v19 =	vmin.f32 v39, $1.701000020e+01  }
0x148: {  	v17 =	vcvt.f32.s32 v17;
	v34 =	vadd.f32 v34, v49;
	v43 =	vld [tilespmem:s7+$0x30];
	v19 =	vtrunc.f32 v19;
	[tilespmem:s0+$0x70E0] =	vst v16  }
0x149: {  	v16 =	vmul.f32 v62, v2;
	v63 =	vmax.f32 v56, $0.0e+00;
	v19 =	vcvt.f32.s32 v19;
	v37 =	vld.idx.msk [tilespmem:v46+s15+$0x0], $0xffff  }
0x14a: {  	v36 =	vadd.s32 v11, v0;
	v49 =	vld [tilespmem:s0+$0x490];
	v62 =	vsub.f32 v57, v1;
	v38 =	vmin.f32 v63, $1.701000020e+01  }
0x14b: {  	v60 =	vld.idx.msk [tilespmem:v46+s14+$0x0], $0xffff;
	v16 =	vmax.f32 v16, $0.0e+00;
	v38 =	vtrunc.f32 v38;
	v19 =	vadd.s32 v19, v0  }
0x14c: {  	v11 =	vtrunc.f32 v32;
	v58 =	vld [tilespmem:s7+$0xA0];
	v16 =	vmin.f32 v16, $1.701000020e+01;
	v61 =	vcvt.f32.s32 v38  }
0x14d: {  	v42 =	vld [tilespmem:s7+$0x40];
	[tilespmem:s0+$0x7050] =	vst v34;
	v34 =	vmul.f32 v62, v2;
	v16 =	vtrunc.f32 v16  }
0x14e: {  	v32 =	vld [tilespmem:s7+$0x50];
	v16 =	vcvt.f32.s32 v16;
	v48 =	vadd.s32 v61, v0;
	v47 =	vmul.f32 v37, v47  }
0x14f: {  	v11 =	vcvt.f32.s32 v11;
	v39 =	vld [tilespmem:s7+$0x60];
	v50 =	vsub.f32 v15, v1;
	v56 =	vsub.f32 v49, v1  }
0x150: {  	v34 =	vmax.f32 v34, $0.0e+00;
	v16 =	vadd.s32 v16, v0;
	v59 =	vld.idx.msk [tilespmem:v19+s15+$0x0], $0xffff;
	v47 =	vadd.f32 v47, v60  }
0x151: {  	v62 =	vsub.f32 v58, v1;
	v34 =	vmin.f32 v34, $1.701000020e+01;
	v60 =	vld.idx.msk [tilespmem:v19+s14+$0x0], $0xffff;
	v19 =	vmul.f32 v56, v2  }
0x152: {  	v63 =	vtrunc.f32 v34;
	[tilespmem:s0+$0x70F0] =	vst v47;
	v47 =	vadd.f32 v14, v51;
	v14 =	vmul.f32 v50, v2;
	v51 =	vld [tilespmem:s0+$0x4A0]  }
0x153: {  	v34 =	vadd.f32 v10, v13;
	v13 =	vcvt.f32.s32 v63;
	v10 =	vmax.f32 v19, $0.0e+00;
	v50 =	vld.idx.msk [tilespmem:v48+s15+$0x0], $0xffff  }
0x154: {  	v19 =	vsub.f32 v45, v1;
	v10 =	vmin.f32 v10, $1.701000020e+01;
	v48 =	vld.idx.msk [tilespmem:v48+s14+$0x0], $0xffff;
	v14 =	vmax.f32 v14, $0.0e+00  }
0x155: {  	v56 =	vld.idx.msk [tilespmem:v16+s15+$0x0], $0xffff;
	v61 =	vtrunc.f32 v10;
	v52 =	vmul.f32 v59, v52;
	v59 =	vadd.s32 v13, v0  }
0x156: {  	v46 =	vld.idx.msk [tilespmem:v44+s15+$0x0], $0xffff;
	v10 =	vadd.s32 v55, v0;
	v13 =	vmin.f32 v14, $1.701000020e+01;
	v55 =	vcvt.f32.s32 v61  }
0x157: {  	v44 =	vld.idx.msk [tilespmem:v44+s14+$0x0], $0xffff;
	v61 =	vmul.f32 v19, v2;
	v52 =	vadd.f32 v52, v60;
	v60 =	vtrunc.f32 v13  }
0x158: {  	v16 =	vld.idx.msk [tilespmem:v16+s14+$0x0], $0xffff;
	v60 =	vcvt.f32.s32 v60;
	v50 =	vmul.f32 v50, v53;
	v53 =	vadd.s32 v55, v0  }
0x159: {  	v55 =	vmax.f32 v61, $0.0e+00;
	[tilespmem:s7+$0x7080] =	vst v52;
	v52 =	vmul.f32 v62, v2;
	v61 =	vsub.f32 v51, v1;
	v62 =	vld [tilespmem:s7+$0xB0]  }
0x15a: {  	v55 =	vmin.f32 v55, $1.701000020e+01;
	v54 =	vmul.f32 v56, v54;
	v48 =	vadd.f32 v50, v48;
	v50 =	vld.idx.msk [tilespmem:v59+s15+$0x0], $0xffff  }
0x15b: {  	v38 =	vld [tilespmem:s7+$0x70];
	v55 =	vtrunc.f32 v55;
	v52 =	vmax.f32 v52, $0.0e+00;
	v61 =	vmul.f32 v61, v2  }
0x15c: {  	v60 =	vadd.s32 v60, v0;
	v56 =	vld.idx.msk [tilespmem:v59+s14+$0x0], $0xffff;
	v59 =	vmin.f32 v52, $1.701000020e+01;
	v52 =	vcvt.f32.s32 v55;
	[tilespmem:s0+$0x7480] =	vst v48  }
0x15d: {  	v16 =	vadd.f32 v54, v16;
	v48 =	vtrunc.f32 v59;
	v63 =	vmax.f32 v61, $0.0e+00;
	v55 =	vld.idx.msk [tilespmem:v53+s15+$0x0], $0xffff  }
0x15e: {  	v59 =	vsub.f32 v43, v1;
	v48 =	vcvt.f32.s32 v48;
	v53 =	vld.idx.msk [tilespmem:v53+s14+$0x0], $0xffff;
	v61 =	vmin.f32 v63, $1.701000020e+01  }
0x15f: {  	v63 =	vsub.f32 v62, v1;
	v54 =	vtrunc.f32 v61;
	v61 =	vld [tilespmem:s0+$0x4B0];
	v50 =	vmul.f32 v50, v57  }
0x160: {  	v37 =	vld [tilespmem:s7+$0x400];
	[tilespmem:s7+$0x7000] =	vst v16;
	v48 =	vadd.s32 v48, v0;
	v16 =	vcvt.f32.s32 v54;
	v54 =	vmul.f32 v59, v2  }
0x161: {  	v31 =	vmul.f32 v46, v31;
	v57 =	vsub.f32 v42, v1;
	v59 =	vld.idx.msk [tilespmem:v60+s15+$0x0], $0xffff;
	v50 =	vadd.f32 v50, v56  }
0x162: {  	v52 =	vadd.s32 v52, v0;
	v56 =	vld.idx.msk [tilespmem:v60+s14+$0x0], $0xffff;
	v54 =	vmax.f32 v54, $0.0e+00;
	v49 =	vmul.f32 v55, v49  }
0x163: {  	v46 =	vld [tilespmem:s7+$0xD0];
	v57 =	vmul.f32 v57, v2;
	v55 =	vadd.s32 v16, v0;
	[tilespmem:s7+$0x7090] =	vst v50;
	v50 =	vmul.f32 v63, v2  }
0x164: {  	v19 =	vld [tilespmem:s7+$0x410];
	v54 =	vmin.f32 v54, $1.701000020e+01;
	v49 =	vadd.f32 v49, v53;
	v53 =	vsub.f32 v61, v1  }
0x165: {  	v54 =	vtrunc.f32 v54;
	v57 =	vmax.f32 v57, $0.0e+00;
	v63 =	vld.idx.msk [tilespmem:v48+s15+$0x0], $0xffff;
	v50 =	vmax.f32 v50, $0.0e+00  }
0x166: {  	v60 =	vld [tilespmem:s7+$0xC0];
	v15 =	vmul.f32 v59, v15;
	[tilespmem:s0+$0x7490] =	vst v49;
	v49 =	vmul.f32 v53, v2;
	v50 =	vmin.f32 v50, $1.701000020e+01  }
0x167: {  	v48 =	vld.idx.msk [tilespmem:v48+s14+$0x0], $0xffff;
	v53 =	vcvt.f32.s32 v54;
	v54 =	vmin.f32 v57, $1.701000020e+01;
	v50 =	vtrunc.f32 v50  }
0x168: {  	v56 =	vadd.f32 v15, v56;
	v57 =	vld.idx.msk [tilespmem:v55+s15+$0x0], $0xffff;
	v49 =	vmax.f32 v49, $0.0e+00;
	v50 =	vcvt.f32.s32 v50  }
0x169: {  	v31 =	vadd.f32 v31, v44;
	v59 =	vsub.f32 v32, v1;
	v55 =	vld.idx.msk [tilespmem:v55+s14+$0x0], $0xffff;
	v49 =	vmin.f32 v49, $1.701000020e+01  }
0x16a: {  	[tilespmem:s7+$0x7010] =	vst v56;
	v56 =	vld [tilespmem:s0+$0x4C0];
	v58 =	vmul.f32 v63, v58;
	v49 =	vtrunc.f32 v49;
	v50 =	vadd.s32 v50, v0  }
0x16b: {  	v4 =	vmovc v9;
	[tilespmem:s6+$0x7410] =	vst v47;
	v47 =	vtrunc.f32 v54;
	v54 =	vld.idx.msk [tilespmem:v52+s15+$0x0], $0xffff;
	v63 =	vsub.f32 v60, v1;
	v49 =	vcvt.f32.s32 v49  }
0x16c: {  	v9 =	vld.idx.msk [tilespmem:v30+s14+$0x0], $0xffff;
	v59 =	vmul.f32 v59, v2;
	v53 =	vadd.s32 v53, v0;
	v48 =	vadd.f32 v58, v48  }
0x16d: {  	v52 =	vld.idx.msk [tilespmem:v52+s14+$0x0], $0xffff;
	v63 =	vmul.f32 v63, v2;
	v51 =	vmul.f32 v57, v51;
	v49 =	vadd.s32 v49, v0  }
0x16e: {  	v47 =	vcvt.f32.s32 v47;
	v59 =	vmax.f32 v59, $0.0e+00;
	v58 =	vld.idx.msk [tilespmem:v30+s15+$0x0], $0xffff;
	v57 =	vsub.f32 v39, v1;
	[tilespmem:s7+$0x70A0] =	vst v48  }
0x16f: {  	v48 =	vsub.f32 v56, v1;
	v63 =	vmax.f32 v63, $0.0e+00;
	v30 =	vadd.f32 v51, v55;
	v51 =	vld.idx.msk [tilespmem:v50+s15+$0x0], $0xffff  }
0x170: {  	[tilespmem:s31+$0x7430] =	vst v34;
	v14 =	vld [tilespmem:s7+$0x420];
	v57 =	vmul.f32 v57, v2;
	v45 =	vmul.f32 v54, v45;
	v63 =	vmin.f32 v63, $1.701000020e+01  }
0x171: {  	v34 =	vadd.s32 v47, v0;
	v50 =	vld.idx.msk [tilespmem:v50+s14+$0x0], $0xffff;
	v63 =	vtrunc.f32 v63;
	[tilespmem:s0+$0x74A0] =	vst v30;
	v30 =	vmul.f32 v48, v2  }
0x172: {  	v54 =	vmin.f32 v59, $1.701000020e+01;
	v45 =	vadd.f32 v45, v52;
	v48 =	vcvt.f32.s32 v63;
	v55 =	vld.idx.msk [tilespmem:v49+s15+$0x0], $0xffff  }
0x173: {  	v54 =	vtrunc.f32 v54;
	v63 =	vsub.f32 v46, v1;
	v30 =	vmax.f32 v30, $0.0e+00;
	v44 =	vld.idx.msk [tilespmem:v49+s14+$0x0], $0xffff  }
0x174: {  	[tilespmem:s7+$0x7020] =	vst v45;
	v48 =	vadd.s32 v48, v0;
	v59 =	vmin.f32 v30, $1.701000020e+01;
	v30 =	vld [tilespmem:s0+$0x4D0];
	v62 =	vmul.f32 v51, v62  }
0x175: {  	[tilespmem:s0+$0x7060] =	vst v31;
	v52 =	vmax.f32 v57, $0.0e+00;
	v54 =	vcvt.f32.s32 v54;
	v63 =	vmul.f32 v63, v2;
	v49 =	vld.idx.msk [tilespmem:v53+s15+$0x0], $0xffff  }
0x176: {  	v51 =	vsub.f32 v38, v1;
	v31 =	vtrunc.f32 v59;
	v59 =	vld.idx.msk [tilespmem:v41+s15+$0x0], $0xffff;
	v45 =	vadd.f32 v62, v50  }
0x177: {  	v25 =	vmul.f32 v58, v25;
	v41 =	vld.idx.msk [tilespmem:v41+s14+$0x0], $0xffff;
	v31 =	vcvt.f32.s32 v31;
	v62 =	vmin.f32 v52, $1.701000020e+01  }
0x178: {  	v51 =	vmul.f32 v51, v2;
	v52 =	vld.idx.msk [tilespmem:v53+s14+$0x0], $0xffff;
	v53 =	vmax.f32 v63, $0.0e+00;
	v55 =	vmul.f32 v55, v61;
	[tilespmem:s7+$0x70B0] =	vst v45  }
0x179: {  	v31 =	vadd.s32 v31, v0;
	v45 =	vtrunc.f32 v62;
	v50 =	vsub.f32 v30, v1;
	v57 =	vld.idx.msk [tilespmem:v48+s15+$0x0], $0xffff  }
0x17a: {  	v61 =	vld [tilespmem:s7+$0xE0];
	v43 =	vmul.f32 v49, v43;
	v44 =	vadd.f32 v55, v44;
	v55 =	vmin.f32 v53, $1.701000020e+01  }
0x17b: {  	v58 =	vsub.f32 v14, v1;
	v47 =	vld.idx.msk [tilespmem:v48+s14+$0x0], $0xffff;
	v45 =	vcvt.f32.s32 v45;
	v49 =	vtrunc.f32 v55  }
0x17c: {  	v9 =	vadd.f32 v25, v9;
	v53 =	vld.idx.msk [tilespmem:v23+s15+$0x0], $0xffff;
	v62 =	vmul.f32 v50, v2;
	v63 =	vcvt.f32.s32 v49  }
0x17d: {  	v13 =	vld [tilespmem:s7+$0x430];
	v29 =	vmul.f32 v59, v29;
	v50 =	vadd.s32 v54, v0;
	[tilespmem:s0+$0x74B0] =	vst v44;
	v43 =	vadd.f32 v43, v52  }
0x17e: {  	v49 =	vld.idx.msk [tilespmem:v31+s15+$0x0], $0xffff;
	v48 =	vmax.f32 v62, $0.0e+00;
	v44 =	vadd.s32 v63, v0;
	v60 =	vmul.f32 v57, v60  }
0x17f: {  	v29 =	vadd.f32 v29, v41;
	v31 =	vld.idx.msk [tilespmem:v31+s14+$0x0], $0xffff;
	v48 =	vmin.f32 v48, $1.701000020e+01;
	[tilespmem:s7+$0x7030] =	vst v43;
	v63 =	vsub.f32 v61, v1  }
0x180: {  	v55 =	vmax.f32 v51, $0.0e+00;
	v62 =	vtrunc.f32 v48;
	v51 =	vld.idx.msk [tilespmem:v34+s15+$0x0], $0xffff;
	v47 =	vadd.f32 v60, v47  }
0x181: {  	[tilespmem:s0+$0x7070] =	vst v29;
	v48 =	vmin.f32 v55, $1.701000020e+01;
	v29 =	vld.idx.msk [tilespmem:v34+s14+$0x0], $0xffff;
	v18 =	vmul.f32 v53, v18;
	v59 =	vmul.f32 v63, v2  }
0x182: {  	v57 =	vsub.f32 v37, v1;
	v41 =	vcvt.f32.s32 v62;
	v43 =	vtrunc.f32 v48;
	v48 =	vld.idx.msk [tilespmem:v40+s15+$0x0], $0xffff;
	[tilespmem:s7+$0x70C0] =	vst v47  }
0x183: {  	v62 =	vsub.f32 v19, v1;
	v49 =	vmul.f32 v49, v56;
	v34 =	vmax.f32 v59, $0.0e+00;
	v63 =	vld.idx.msk [tilespmem:v44+s15+$0x0], $0xffff  }
0x184: {  	v60 =	vmul.f32 v57, v2;
	v43 =	vcvt.f32.s32 v43;
	v34 =	vmin.f32 v34, $1.701000020e+01;
	v44 =	vld.idx.msk [tilespmem:v44+s14+$0x0], $0xffff  }
0x185: {  	s24 =	simm.s32 $0x400;
	s25 =	simm.s32 $0x800;
	v57 =	vmul.f32 v62, v2;
	v31 =	vadd.f32 v49, v31;
	v34 =	vtrunc.f32 v34;
	v49 =	vld [tilespmem:s7+$0xF0]  }
0x186: {  	s2 =	sand.u32 $0x3800, s25;
	s1 =	sand.u32 $0x300, s24;
	v40 =	vld.idx.msk [tilespmem:v40+s14+$0x0], $0xffff;
	v41 =	vadd.s32 v41, v0;
	v42 =	vmul.f32 v51, v42;
	v25 =	vcvt.f32.s32 v34  }
0x187: {  	s11 =	sor.u32 s1, s2;
	v62 =	vsub.f32 v13, v1;
	v47 =	vmax.f32 v60, $0.0e+00;
	v59 =	vmax.f32 v57, $0.0e+00  }
0x188: {  	[tilespmem:s6+$0x7420] =	vst v9;
	v54 =	vld [tilespmem:s11+$0x80];
	v29 =	vadd.f32 v42, v29;
	v25 =	vadd.s32 v25, v0;
	v9 =	vmul.f32 v63, v46  }
0x189: {  	v16 =	vld [tilespmem:s7+$0x440];
	v34 =	vmul.f32 v58, v2;
	v27 =	vmul.f32 v48, v27;
	[tilespmem:s0+$0x74C0] =	vst v31;
	v31 =	vmin.f32 v47, $1.701000020e+01  }
0x18a: {  	v56 =	vld [tilespmem:s11+$0x0];
	v42 =	vmin.f32 v59, $1.701000020e+01;
	[tilespmem:s7+$0x7040] =	vst v29;
	v60 =	vsub.f32 v49, v1;
	v9 =	vadd.f32 v9, v44  }
0x18b: {  	v31 =	vtrunc.f32 v31;
	v42 =	vtrunc.f32 v42;
	v27 =	vadd.f32 v27, v40;
	v55 =	vld.idx.msk [tilespmem:v50+s15+$0x0], $0xffff  }
0x18c: {  	v34 =	vmax.f32 v34, $0.0e+00;
	v29 =	vadd.s32 v45, v0;
	v48 =	vld.idx.msk [tilespmem:v50+s14+$0x0], $0xffff;
	[tilespmem:s7+$0x70D0] =	vst v9;
	v9 =	vmul.f32 v60, v2  }
0x18d: {  	v31 =	vcvt.f32.s32 v31;
	v63 =	vmul.f32 v62, v2;
	v60 =	vsub.f32 v54, v1;
	v44 =	vld.idx.msk [tilespmem:v25+s15+$0x0], $0xffff  }
0x18e: {  	v45 =	vcvt.f32.s32 v42;
	v34 =	vmin.f32 v34, $1.701000020e+01;
	v50 =	vld [tilespmem:s7+$0x480];
	v9 =	vmax.f32 v9, $0.0e+00  }
0x18f: {  	[tilespmem:s0+$0x7400] =	vst v27;
	v27 =	vmax.f32 v63, $0.0e+00;
	v25 =	vld.idx.msk [tilespmem:v25+s14+$0x0], $0xffff;
	v63 =	vmul.f32 v60, v2;
	v9 =	vmin.f32 v9, $1.701000020e+01  }
0x190: {  	v52 =	vld.idx.msk [tilespmem:v41+s15+$0x0], $0xffff;
	v34 =	vtrunc.f32 v34;
	v9 =	vtrunc.f32 v9  }
0x191: {  	v60 =	vsub.f32 v56, v1;
	v40 =	vmax.f32 v63, $0.0e+00;
	v9 =	vcvt.f32.s32 v9  }
0x192: {  	v23 =	vld.idx.msk [tilespmem:v23+s14+$0x0], $0xffff;
	v62 =	vsub.f32 v16, v1;
	v40 =	vmin.f32 v40, $1.701000020e+01;
	v42 =	vmul.f32 v44, v61  }
0x193: {  	v41 =	vld.idx.msk [tilespmem:v41+s14+$0x0], $0xffff;
	v60 =	vmul.f32 v60, v2;
	v40 =	vtrunc.f32 v40;
	v9 =	vadd.s32 v9, v0  }
0x194: {  	v44 =	vsub.f32 v50, v1;
	v61 =	vld [tilespmem:s11+$0x90];
	v40 =	vcvt.f32.s32 v40;
	v25 =	vadd.f32 v42, v25  }
0x195: {  	v57 =	vld.idx.msk [tilespmem:v33+s15+$0x0], $0xffff;
	v42 =	vadd.s32 v31, v0;
	v31 =	vmul.f32 v52, v30;
	v30 =	vmax.f32 v60, $0.0e+00  }
0x196: {  	v59 =	vld.idx.msk [tilespmem:v33+s14+$0x0], $0xffff;
	v58 =	vmul.f32 v62, v2;
	v62 =	vmul.f32 v44, v2;
	v30 =	vmin.f32 v30, $1.701000020e+01  }
0x197: {  	v33 =	vld [tilespmem:s11+$0x10];
	v53 =	vadd.s32 v40, v0;
	v40 =	vadd.s32 v45, v0;
	[tilespmem:s7+$0x70E0] =	vst v25;
	v45 =	vtrunc.f32 v30  }
0x198: {  	v25 =	vmax.f32 v62, $0.0e+00;
	v41 =	vadd.f32 v31, v41;
	v31 =	vcvt.f32.s32 v45;
	v52 =	vld.idx.msk [tilespmem:v9+s15+$0x0], $0xffff  }
0x199: {  	v27 =	vmin.f32 v27, $1.701000020e+01;
	v62 =	vld [tilespmem:s7+$0x490];
	v25 =	vmin.f32 v25, $1.701000020e+01;
	v60 =	vsub.f32 v61, v1  }
0x19a: {  	v45 =	vadd.f32 v18, v23;
	v9 =	vld.idx.msk [tilespmem:v9+s14+$0x0], $0xffff;
	v25 =	vtrunc.f32 v25;
	v23 =	vadd.s32 v31, v0  }
0x19b: {  	v27 =	vtrunc.f32 v27;
	v63 =	vcvt.f32.s32 v25  }
0x19c: {  	v22 =	vadd.s32 v22, v0;
	v15 =	vld [tilespmem:s7+$0x450];
	v32 =	vmul.f32 v55, v32;
	v60 =	vmul.f32 v60, v2  }
0x19d: {  	v55 =	vsub.f32 v33, v1;
	v49 =	vmul.f32 v52, v49;
	v52 =	vadd.s32 v63, v0;
	v63 =	vld.idx.msk [tilespmem:v53+s15+$0x0], $0xffff  }
0x19e: {  	v51 =	vld.idx.msk [tilespmem:v28+s15+$0x0], $0xffff;
	v12 =	vadd.f32 v32, v48;
	v60 =	vmax.f32 v60, $0.0e+00;
	v31 =	vsub.f32 v62, v1  }
0x19f: {  	v55 =	vmul.f32 v55, v2;
	v18 =	vmin.f32 v60, $1.701000020e+01;
	v32 =	vld.idx.msk [tilespmem:v23+s15+$0x0], $0xffff;
	v9 =	vadd.f32 v49, v9  }
0x1a0: {  	v58 =	vmax.f32 v58, $0.0e+00;
	v60 =	vtrunc.f32 v18;
	v31 =	vmul.f32 v31, v2;
	v49 =	vld.idx.msk [tilespmem:v53+s14+$0x0], $0xffff  }
0x1a1: {  	v53 =	vcvt.f32.s32 v60;
	v60 =	vcvt.f32.s32 v27;
	v27 =	vmin.f32 v58, $1.701000020e+01;
	[tilespmem:s7+$0x70F0] =	vst v9;
	v9 =	vld [tilespmem:s11+$0xA0]  }
0x1a2: {  	v54 =	vmul.f32 v63, v54;
	v58 =	vld.idx.msk [tilespmem:v52+s15+$0x0], $0xffff;
	v63 =	vtrunc.f32 v27;
	v27 =	vmax.f32 v31, $0.0e+00  }
0x1a3: {  	v34 =	vcvt.f32.s32 v34;
	v23 =	vld.idx.msk [tilespmem:v23+s14+$0x0], $0xffff;
	v53 =	vadd.s32 v53, v0;
	v27 =	vmin.f32 v27, $1.701000020e+01  }
0x1a4: {  	v26 =	vmul.f32 v57, v26;
	v31 =	vmax.f32 v55, $0.0e+00;
	v52 =	vld.idx.msk [tilespmem:v52+s14+$0x0], $0xffff;
	v27 =	vtrunc.f32 v27  }
0x1a5: {  	v31 =	vmin.f32 v31, $1.701000020e+01;
	v48 =	vadd.f32 v54, v49;
	v54 =	vld [tilespmem:s7+$0x4A0];
	v27 =	vcvt.f32.s32 v27  }
0x1a6: {  	v55 =	vsub.f32 v15, v1;
	v31 =	vtrunc.f32 v31;
	v49 =	vsub.f32 v9, v1  }
0x1a7: {  	v47 =	vld [tilespmem:s11+$0x20];
	[tilespmem:s11+$0x7080] =	vst v48;
	v48 =	vadd.f32 v26, v59;
	v50 =	vmul.f32 v58, v50;
	v58 =	vadd.s32 v27, v0  }
0x1a8: {  	v59 =	vld.idx.msk [tilespmem:v53+s15+$0x0], $0xffff;
	v27 =	vadd.s32 v34, v0;
	v34 =	vmul.f32 v55, v2;
	v55 =	vmul.f32 v32, v56  }
0x1a9: {  	v28 =	vld.idx.msk [tilespmem:v28+s14+$0x0], $0xffff;
	v57 =	vcvt.f32.s32 v31;
	v49 =	vmul.f32 v49, v2;
	v50 =	vadd.f32 v50, v52  }
0x1aa: {  	v51 =	vmul.f32 v51, v21;
	v52 =	vld.idx.msk [tilespmem:v53+s14+$0x0], $0xffff;
	v53 =	vadd.f32 v55, v23;
	v55 =	vsub.f32 v54, v1  }
0x1ab: {  	v46 =	vld [tilespmem:s11+$0x30];
	v56 =	vadd.s32 v57, v0;
	v34 =	vmax.f32 v34, $0.0e+00;
	v49 =	vmax.f32 v49, $0.0e+00  }
0x1ac: {  	v21 =	vld [tilespmem:s11+$0x70];
	v23 =	vmin.f32 v49, $1.701000020e+01;
	[tilespmem:s7+$0x7480] =	vst v50;
	v49 =	vsub.f32 v47, v1;
	v55 =	vmul.f32 v55, v2  }
0x1ad: {  	v50 =	vmul.f32 v59, v61;
	v61 =	vtrunc.f32 v23;
	v23 =	vadd.s32 v60, v0;
	v60 =	vld.idx.msk [tilespmem:v58+s15+$0x0], $0xffff  }
0x1ae: {  	v44 =	vadd.s32 v43, v0;
	v57 =	vld [tilespmem:s11+$0xB0];
	v34 =	vmin.f32 v34, $1.701000020e+01;
	[tilespmem:s11+$0x7000] =	vst v53;
	v53 =	vcvt.f32.s32 v63  }
0x1af: {  	v58 =	vld.idx.msk [tilespmem:v58+s14+$0x0], $0xffff;
	v59 =	vcvt.f32.s32 v61;
	v49 =	vmul.f32 v49, v2;
	v55 =	vmax.f32 v55, $0.0e+00  }
0x1b0: {  	v34 =	vtrunc.f32 v34;
	v50 =	vadd.f32 v50, v52;
	v52 =	vld.idx.msk [tilespmem:v56+s15+$0x0], $0xffff;
	v55 =	vmin.f32 v55, $1.701000020e+01  }
0x1b1: {  	v61 =	vld [tilespmem:s7+$0x4B0];
	v59 =	vadd.s32 v59, v0;
	v49 =	vmax.f32 v49, $0.0e+00;
	v55 =	vtrunc.f32 v55  }
0x1b2: {  	[tilespmem:s7+$0x7050] =	vst v12;
	v49 =	vmin.f32 v49, $1.701000020e+01;
	v12 =	vcvt.f32.s32 v55;
	v55 =	vld.idx.msk [tilespmem:v56+s14+$0x0], $0xffff;
	v56 =	vmul.f32 v60, v62  }
0x1b3: {  	v43 =	vld [tilespmem:s11+$0x40];
	[tilespmem:s11+$0x7090] =	vst v50;
	v60 =	vsub.f32 v57, v1;
	v62 =	vcvt.f32.s32 v34;
	v50 =	vtrunc.f32 v49  }
0x1b4: {  	v34 =	vsub.f32 v46, v1;
	v49 =	vadd.f32 v51, v28;
	v51 =	vld.idx.msk [tilespmem:v29+s15+$0x0], $0xffff;
	v28 =	vcvt.f32.s32 v50  }
0x1b5: {  	v63 =	vld.idx.msk [tilespmem:v29+s14+$0x0], $0xffff;
	v12 =	vadd.s32 v12, v0;
	v60 =	vmul.f32 v60, v2;
	v33 =	vmul.f32 v52, v33  }
0x1b6: {  	v50 =	vmul.f32 v34, v2;
	v29 =	vadd.f32 v56, v58;
	v56 =	vsub.f32 v61, v1;
	v52 =	vld.idx.msk [tilespmem:v59+s15+$0x0], $0xffff  }
0x1b7: {  	v30 =	vld [tilespmem:s11+$0x50];
	v58 =	vmax.f32 v60, $0.0e+00;
	v60 =	vadd.s32 v28, v0;
	v28 =	vadd.f32 v33, v55  }
0x1b8: {  	[tilespmem:s7+$0x7490] =	vst v29;
	v29 =	vsub.f32 v43, v1;
	v55 =	vld.idx.msk [tilespmem:v59+s14+$0x0], $0xffff;
	v56 =	vmul.f32 v56, v2;
	v50 =	vmax.f32 v50, $0.0e+00  }
0x1b9: {  	v25 =	vld [tilespmem:s11+$0x60];
	v33 =	vmin.f32 v58, $1.701000020e+01;
	v50 =	vmin.f32 v50, $1.701000020e+01;
	v39 =	vmul.f32 v51, v39  }
0x1ba: {  	v18 =	vld [tilespmem:s11+$0x400];
	v33 =	vtrunc.f32 v33;
	v29 =	vmul.f32 v29, v2;
	v56 =	vmax.f32 v56, $0.0e+00  }
0x1bb: {  	[tilespmem:s11+$0x7010] =	vst v28;
	v58 =	vcvt.f32.s32 v33;
	v56 =	vmin.f32 v56, $1.701000020e+01;
	v9 =	vmul.f32 v52, v9;
	v52 =	vld.idx.msk [tilespmem:v12+s15+$0x0], $0xffff  }
0x1bc: {  	v50 =	vtrunc.f32 v50;
	v59 =	vtrunc.f32 v56;
	v29 =	vmax.f32 v29, $0.0e+00;
	v51 =	vld.idx.msk [tilespmem:v60+s15+$0x0], $0xffff  }
0x1bd: {  	v12 =	vld.idx.msk [tilespmem:v12+s14+$0x0], $0xffff;
	v58 =	vadd.s32 v58, v0;
	v29 =	vmin.f32 v29, $1.701000020e+01;
	v9 =	vadd.f32 v9, v55  }
0x1be: {  	v28 =	vadd.s32 v53, v0;
	v53 =	vcvt.f32.s32 v59;
	v55 =	vld [tilespmem:s11+$0xC0];
	v29 =	vtrunc.f32 v29  }
0x1bf: {  	[tilespmem:s11+$0x70A0] =	vst v9;
	v9 =	vcvt.f32.s32 v50;
	v50 =	vld.idx.msk [tilespmem:v60+s14+$0x0], $0xffff;
	v60 =	vcvt.f32.s32 v29;
	v29 =	vadd.s32 v62, v0  }
0x1c0: {  	v31 =	vld [tilespmem:s11+$0x410];
	v62 =	vsub.f32 v25, v1;
	v52 =	vmul.f32 v52, v54;
	v54 =	vsub.f32 v30, v1  }
0x1c1: {  	v39 =	vadd.f32 v39, v63;
	v56 =	vld [tilespmem:s7+$0x4C0];
	v53 =	vadd.s32 v53, v0;
	v47 =	vmul.f32 v51, v47  }
0x1c2: {  	v51 =	vmul.f32 v62, v2;
	v54 =	vmul.f32 v54, v2;
	v12 =	vadd.f32 v52, v12;
	v52 =	vld.idx.msk [tilespmem:v58+s15+$0x0], $0xffff  }
0x1c3: {  	v26 =	vld [tilespmem:s11+$0x420];
	v9 =	vadd.s32 v9, v0;
	v59 =	vadd.s32 v60, v0;
	v60 =	vsub.f32 v55, v1  }
0x1c4: {  	v32 =	vld [tilespmem:s11+$0x430];
	v51 =	vmax.f32 v51, $0.0e+00;
	v54 =	vmax.f32 v54, $0.0e+00;
	v47 =	vadd.f32 v47, v50  }
0x1c5: {  	v58 =	vld.idx.msk [tilespmem:v58+s14+$0x0], $0xffff;
	[tilespmem:s7+$0x74A0] =	vst v12;
	v60 =	vmul.f32 v60, v2;
	v51 =	vmin.f32 v51, $1.701000020e+01;
	v12 =	vmin.f32 v54, $1.701000020e+01  }
0x1c6: {  	v54 =	vsub.f32 v56, v1;
	v50 =	vld.idx.msk [tilespmem:v53+s15+$0x0], $0xffff;
	v51 =	vtrunc.f32 v51;
	v12 =	vtrunc.f32 v12  }
0x1c7: {  	v34 =	vld [tilespmem:s11+$0x440];
	v60 =	vmax.f32 v60, $0.0e+00;
	v52 =	vmul.f32 v52, v57;
	v57 =	vsub.f32 v21, v1  }
0x1c8: {  	v62 =	vld [tilespmem:s11+$0xD0];
	v51 =	vcvt.f32.s32 v51;
	v54 =	vmul.f32 v54, v2;
	v60 =	vmin.f32 v60, $1.701000020e+01  }
0x1c9: {  	v53 =	vld.idx.msk [tilespmem:v53+s14+$0x0], $0xffff;
	[tilespmem:s11+$0x7020] =	vst v47;
	v47 =	vtrunc.f32 v60;
	v60 =	vsub.f32 v18, v1;
	v57 =	vmul.f32 v57, v2  }
0x1ca: {  	v33 =	vld [tilespmem:s11+$0x450];
	v54 =	vmax.f32 v54, $0.0e+00;
	v47 =	vcvt.f32.s32 v47;
	v52 =	vadd.f32 v52, v58  }
0x1cb: {  	[tilespmem:s0+$0x7410] =	vst v48;
	v58 =	vsub.f32 v31, v1;
	v54 =	vmin.f32 v54, $1.701000020e+01;
	v50 =	vmul.f32 v50, v61;
	v61 =	vld.idx.msk [tilespmem:v9+s15+$0x0], $0xffff  }
0x1cc: {  	[tilespmem:s7+$0x7060] =	vst v39;
	v9 =	vld.idx.msk [tilespmem:v9+s14+$0x0], $0xffff;
	v54 =	vtrunc.f32 v54;
	v57 =	vmax.f32 v57, $0.0e+00;
	v47 =	vadd.s32 v47, v0  }
0x1cd: {  	[tilespmem:s11+$0x70B0] =	vst v52;
	v52 =	vld.idx.msk [tilespmem:v36+s15+$0x0], $0xffff;
	v54 =	vcvt.f32.s32 v54;
	v39 =	vmin.f32 v57, $1.701000020e+01;
	v57 =	vmul.f32 v60, v2  }
0x1ce: {  	v60 =	vld.idx.msk [tilespmem:v44+s15+$0x0], $0xffff;
	v50 =	vadd.f32 v50, v53;
	v53 =	vmul.f32 v58, v2;
	v58 =	vsub.f32 v62, v1  }
0x1cf: {  	v12 =	vcvt.f32.s32 v12;
	v54 =	vadd.s32 v54, v0;
	v48 =	vmax.f32 v57, $0.0e+00;
	v57 =	vld [tilespmem:s7+$0x4D0]  }
0x1d0: {  	v17 =	vadd.s32 v17, v0;
	v44 =	vld.idx.msk [tilespmem:v44+s14+$0x0], $0xffff;
	v39 =	vtrunc.f32 v39;
	v63 =	vmul.f32 v58, v2  }
0x1d1: {  	[tilespmem:s7+$0x74B0] =	vst v50;
	v46 =	vmul.f32 v61, v46;
	v61 =	vcvt.f32.s32 v39;
	v48 =	vmin.f32 v48, $1.701000020e+01;
	v50 =	vld.idx.msk [tilespmem:v47+s15+$0x0], $0xffff  }
0x1d2: {  	v39 =	vtrunc.f32 v48;
	v48 =	vmax.f32 v53, $0.0e+00;
	v53 =	vmax.f32 v63, $0.0e+00;
	v47 =	vld.idx.msk [tilespmem:v47+s14+$0x0], $0xffff  }
0x1d3: {  	v48 =	vmin.f32 v48, $1.701000020e+01;
	v38 =	vmul.f32 v60, v38;
	v9 =	vadd.f32 v46, v9;
	v46 =	vld.idx.msk [tilespmem:v36+s14+$0x0], $0xffff  }
0x1d4: {  	[tilespmem:s31+$0x7440] =	vst v45;
	v60 =	vsub.f32 v26, v1;
	v63 =	vmin.f32 v53, $1.701000020e+01;
	v58 =	vld.idx.msk [tilespmem:v54+s15+$0x0], $0xffff;
	v36 =	vsub.f32 v57, v1  }
0x1d5: {  	[tilespmem:s6+$0x7430] =	vst v49;
	v48 =	vtrunc.f32 v48;
	v63 =	vtrunc.f32 v63;
	v38 =	vadd.f32 v38, v44;
	v54 =	vld.idx.msk [tilespmem:v54+s14+$0x0], $0xffff  }
0x1d6: {  	v11 =	vadd.s32 v11, v0;
	[tilespmem:s11+$0x7030] =	vst v9;
	v44 =	vld [tilespmem:s11+$0xE0];
	v9 =	vmul.f32 v60, v2;
	v53 =	vmul.f32 v36, v2  }
0x1d7: {  	v36 =	vadd.s32 v51, v0;
	v51 =	vcvt.f32.s32 v63;
	v50 =	vmul.f32 v50, v55;
	[tilespmem:s7+$0x7070] =	vst v38;
	v38 =	vld.idx.msk [tilespmem:v22+s14+$0x0], $0xffff  }
0x1d8: {  	v12 =	vadd.s32 v12, v0;
	v48 =	vcvt.f32.s32 v48;
	v9 =	vmax.f32 v9, $0.0e+00;
	v3 =	vld [tilespmem:$0x1FFF0]  }
0x1d9: {  	v60 =	vmax.f32 v53, $0.0e+00;
	v49 =	vadd.s32 v51, v0;
	v45 =	vadd.f32 v50, v47;
	v47 =	vld.idx.msk [tilespmem:v42+s15+$0x0], $0xffff  }
0x1da: {  	v9 =	vmin.f32 v9, $1.701000020e+01;
	v53 =	vld.idx.msk [tilespmem:v59+s15+$0x0], $0xffff;
	v51 =	vmul.f32 v52, v24;
	v60 =	vmin.f32 v60, $1.701000020e+01  }
0x1db: {  	v24 =	vadd.s32 v61, v0;
	v63 =	vmul.f32 v58, v56;
	v56 =	vld.idx.msk [tilespmem:v22+s15+$0x0], $0xffff;
	v22 =	vtrunc.f32 v60  }
0x1dc: {  	v9 =	vtrunc.f32 v9;
	v60 =	vsub.f32 v44, v1;
	[tilespmem:s11+$0x70C0] =	vst v45;
	v45 =	vld.idx.msk [tilespmem:v42+s14+$0x0], $0xffff;
	v22 =	vcvt.f32.s32 v22  }
0x1dd: {  	v58 =	vcvt.f32.s32 v39;
	v50 =	vadd.f32 v63, v54;
	v63 =	vsub.f32 v32, v1;
	v54 =	vld.idx.msk [tilespmem:v59+s14+$0x0], $0xffff  }
0x1de: {  	v9 =	vcvt.f32.s32 v9;
	v59 =	vadd.s32 v22, v0;
	v37 =	vmul.f32 v47, v37;
	v47 =	vld.idx.msk [tilespmem:v49+s15+$0x0], $0xffff  }
0x1df: {  	v22 =	vadd.s32 v58, v0;
	v63 =	vmul.f32 v63, v2;
	v58 =	vmul.f32 v60, v2;
	v49 =	vld.idx.msk [tilespmem:v49+s14+$0x0], $0xffff  }
0x1e0: {  	v42 =	vadd.s32 v48, v0;
	v53 =	vmul.f32 v53, v43;
	v60 =	vsub.f32 v34, v1;
	v39 =	vld.idx.msk [tilespmem:v3+s15+$0x0], $0xffff  }
0x1e1: {  	[tilespmem:s31+$0x74D0] =	vst v20;
	v46 =	vadd.f32 v51, v46;
	v43 =	vld.idx.msk [tilespmem:v3+s14+$0x0], $0xffff;
	v48 =	vmax.f32 v63, $0.0e+00;
	v61 =	vmax.f32 v58, $0.0e+00  }
0x1e2: {  	[tilespmem:s7+$0x74C0] =	vst v50;
	v51 =	vmul.f32 v60, v2;
	v58 =	vadd.f32 v37, v45;
	v45 =	vld [tilespmem:s11+$0xF0];
	v63 =	vadd.f32 v53, v54  }
0x1e3: {  	v20 =	vadd.s32 v9, v0;
	[tilespmem:s0+$0x7420] =	vst v46;
	v50 =	vmin.f32 v61, $1.701000020e+01;
	v60 =	vmin.f32 v48, $1.701000020e+01;
	v55 =	vld.idx.msk [tilespmem:v59+s15+$0x0], $0xffff  }
0x1e4: {  	v9 =	vtrunc.f32 v50;
	v61 =	vmax.f32 v51, $0.0e+00;
	v37 =	vtrunc.f32 v60;
	v46 =	vld.idx.msk [tilespmem:v59+s14+$0x0], $0xffff;
	[tilespmem:s11+$0x7040] =	vst v63  }
0x1e5: {  	p2 =	slt.s32 s5, $0x1;
	[tilespmem:s6+$0x74D0] =	vst v35;
	v9 =	vcvt.f32.s32 v9;
	v48 =	vmin.f32 v61, $1.701000020e+01;
	v62 =	vmul.f32 v47, v62;
	v52 =	vld.idx.msk [tilespmem:v12+s15+$0x0], $0xffff  }
0x1e6: {  	p0 =	por !p2, !p6;
	[tilespmem:s0+$0x74D0] =	vst v41;
	v37 =	vcvt.f32.s32 v37;
	v63 =	vtrunc.f32 v48;
	v48 =	vld.idx.msk [tilespmem:v12+s14+$0x0], $0xffff;
	v12 =	vsub.f32 v33, v1  }
0x1e7: {  	p0 =	por !p0, !p0;
	s1 =	simm.s32 $0x1;
	[tilespmem:s7+$0x7400] =	vst v58;
	v47 =	vld.idx.msk [tilespmem:v17+s15+$0x0], $0xffff;
	v53 =	vadd.s32 v9, v0;
	v9 =	vcvt.f32.s32 v63;
	v54 =	vadd.f32 v62, v49  }
0x1e8: {  	s12 =	simm.s32 $0x500;
	s13 =	simm.s32 $0xA00;
	s1 =	simm.s32 @!p0 $0x0;
	v50 =	vld.idx.msk [tilespmem:v40+s15+$0x0], $0xffff;
	v37 =	vadd.s32 v37, v0;
	v49 =	vmul.f32 v56, v4;
	v41 =	vmul.f32 v12, v2  }
0x1e9: {  	s5 =	sand.u32 $0x2, s3;
	s3 =	ssub.s32 s4, s1;
	s4 =	simm.s32 $0x8;
	v35 =	vld.idx.msk [tilespmem:v40+s14+$0x0], $0xffff;
	v9 =	vadd.s32 v9, v0;
	v51 =	vmul.f32 v55, v57;
	v55 =	vsub.f32 v45, v1  }
.LBB2_3:
0x1ea: {  	v17 =	vld.idx.msk [tilespmem:v17+s14+$0x0], $0xffff  }
0x1eb: {  	v4 =	vld [tilespmem:$0x1FFD0];
	v3 =	vmax.f32 v41, $0.0e+00  }
0x1ec: {  	s1 =	sand.u32 $0x3800, s13;
	s2 =	sand.u32 $0x300, s12;
	[tilespmem:s11+$0x70D0] =	vst v54;
	v38 =	vadd.f32 v49, v38;
	v61 =	vmin.f32 v3, $1.701000020e+01;
	v3 =	vld [tilespmem:$0x1FFC0]  }
0x1ed: {  	s1 =	sor.u32 s2, s1;
	v60 =	vld.idx.msk [tilespmem:v53+s15+$0x0], $0xffff  }
0x1ee: {  	v40 =	vmul.f32 v55, v2;
	v51 =	vadd.f32 v51, v46;
	v46 =	vld [tilespmem:s1+$0x80];
	v30 =	vmul.f32 v52, v30;
	[tilespmem:s6+$0x7440] =	vst v38  }
0x1ef: {  	v12 =	vmov v7;
	v7 =	vmov v16;
	v16 =	vmov v34;
	v34 =	vld [tilespmem:s1+$0x0]  }
0x1f0: {  	v47 =	vmul.f32 v47, v8;
	v40 =	vmax.f32 v40, $0.0e+00;
	v38 =	vld [tilespmem:s1+$0x10];
	[tilespmem:s7+$0x74D0] =	vst v51;
	v30 =	vadd.f32 v30, v48  }
0x1f1: {  	v8 =	vmovc v13;
	v13 =	vmov v32;
	v62 =	vmin.f32 v40, $1.701000020e+01;
	v32 =	vld [tilespmem:s11+$0x480];
	v63 =	vmul.f32 v39, v3  }
0x1f2: {  	v49 =	vtrunc.f32 v61;
	v52 =	vtrunc.f32 v62;
	v47 =	vadd.f32 v47, v17;
	v51 =	vld.idx.msk [tilespmem:v53+s14+$0x0], $0xffff;
	[tilespmem:s11+$0x7050] =	vst v30  }
0x1f3: {  	v6 =	vmovc v4;
	v53 =	vmul.f32 v50, v19;
	v54 =	vcvt.f32.s32 v52;
	v39 =	vld [tilespmem:s1+$0x20];
	v43 =	vadd.f32 v63, v43  }
0x1f4: {  	v17 =	vmovc v23;
	v19 =	vmovc v31;
	v31 =	vcvt.f32.s32 v49;
	v41 =	vmul.f32 v60, v44;
	v55 =	vsub.f32 v46, v1  }
0x1f5: {  	v4 =	vld [tilespmem:$0x1FFE0];
	v30 =	vadd.f32 v53, v35;
	v48 =	vadd.s32 v54, v0;
	v58 =	vsub.f32 v34, v1;
	[tilespmem:s31+$0x7450] =	vst v43;
	s31 =	smov.u32 s6  }
0x1f6: {  	v35 =	vmovc v42;
	v40 =	vadd.s32 v31, v0;
	v31 =	vmul.f32 v55, v2;
	s6 =	smov.u32 s0;
	s0 =	smov.u32 s7;
	s7 =	smov.u32 s11;
	v57 =	vsub.f32 v32, v1;
	v42 =	vld [tilespmem:s1+$0x30]  }
0x1f7: {  	v59 =	vsub.f32 v38, v1;
	s11 =	smov.u32 s1;
	v56 =	vadd.f32 v41, v51;
	v61 =	vmul.f32 v58, v2;
	[tilespmem:s0+$0x7410] =	vst v30;
	v54 =	vld [tilespmem:s7+$0x490]  }
0x1f8: {  	v23 =	vmovc v37;
	v31 =	vmax.f32 v31, $0.0e+00;
	v37 =	vld [tilespmem:s11+$0x40];
	[tilespmem:s6+$0x7430] =	vst v47;
	v60 =	vmul.f32 v57, v2;
	v62 =	vsub.f32 v39, v1  }
0x1f9: {  	[tilespmem:s7+$0x70E0] =	vst v56;
	v31 =	vmin.f32 v31, $1.701000020e+01;
	v56 =	vmul.f32 v59, v2;
	v41 =	vmax.f32 v61, $0.0e+00;
	v30 =	vld [tilespmem:s11+$0x50]  }
0x1fa: {  	v3 =	vmovc v15;
	v15 =	vmovc v33;
	v31 =	vtrunc.f32 v31;
	v47 =	vld [tilespmem:s11+$0x90];
	v41 =	vmin.f32 v41, $1.701000020e+01;
	v33 =	vmax.f32 v60, $0.0e+00  }
0x1fb: {  	v63 =	vld.idx.msk [tilespmem:v48+s15+$0x0], $0xffff;
	v31 =	vcvt.f32.s32 v31;
	v57 =	vmax.f32 v56, $0.0e+00;
	v41 =	vtrunc.f32 v41  }
0x1fc: {  	v44 =	vld [tilespmem:s11+$0x60];
	v59 =	vmul.f32 v62, v2;
	v33 =	vmin.f32 v33, $1.701000020e+01;
	v41 =	vcvt.f32.s32 v41  }
0x1fd: {  	v48 =	vld.idx.msk [tilespmem:v48+s14+$0x0], $0xffff;
	v58 =	vmin.f32 v57, $1.701000020e+01;
	v33 =	vtrunc.f32 v33;
	v31 =	vadd.s32 v31, v0  }
0x1fe: {  	v43 =	vld [tilespmem:s11+$0x70];
	v52 =	vtrunc.f32 v58;
	v53 =	vmax.f32 v59, $0.0e+00;
	v56 =	vsub.f32 v42, v1  }
0x1ff: {  	v49 =	vld.idx.msk [tilespmem:v36+s15+$0x0], $0xffff;
	v33 =	vcvt.f32.s32 v33;
	v52 =	vcvt.f32.s32 v52;
	v60 =	vsub.f32 v47, v1  }
0x200: {  	v51 =	vld.idx.msk [tilespmem:v36+s14+$0x0], $0xffff;
	v50 =	vadd.s32 v41, v0;
	v45 =	vmul.f32 v63, v45;
	v57 =	vmul.f32 v56, v2  }
0x201: {  	v36 =	vld [tilespmem:s11+$0xA0];
	v61 =	vsub.f32 v54, v1;
	v33 =	vadd.s32 v33, v0;
	v55 =	vmul.f32 v60, v2  }
0x202: {  	v45 =	vadd.f32 v45, v48;
	v48 =	vadd.s32 v52, v0;
	v52 =	vmax.f32 v57, $0.0e+00;
	v57 =	vld [tilespmem:s7+$0x4A0]  }
0x203: {  	v4 =	vmov v4;
	v53 =	vmin.f32 v53, $1.701000020e+01;
	v58 =	vld.idx.msk [tilespmem:v31+s15+$0x0], $0xffff  }
0x204: {  	[tilespmem:$0x1FFD0] =	vst v4;
	v53 =	vtrunc.f32 v53;
	v62 =	vmul.f32 v61, v2;
	v59 =	vld.idx.msk [tilespmem:v31+s14+$0x0], $0xffff;
	v31 =	vmax.f32 v55, $0.0e+00  }
0x205: {  	v4 =	vsub.f32 v43, v1;
	v25 =	vmul.f32 v49, v25;
	[tilespmem:s7+$0x70F0] =	vst v45;
	v55 =	vld.idx.msk [tilespmem:v50+s15+$0x0], $0xffff;
	v31 =	vmin.f32 v31, $1.701000020e+01  }
0x206: {  	v63 =	vcvt.f32.s32 v53;
	v60 =	vsub.f32 v37, v1;
	v53 =	vld.idx.msk [tilespmem:v33+s15+$0x0], $0xffff;
	v31 =	vtrunc.f32 v31  }
0x207: {  	v4 =	vmul.f32 v4, v2;
	v45 =	vmax.f32 v62, $0.0e+00;
	v50 =	vld.idx.msk [tilespmem:v50+s14+$0x0], $0xffff;
	v31 =	vcvt.f32.s32 v31  }
0x208: {  	v52 =	vmin.f32 v52, $1.701000020e+01;
	v60 =	vmul.f32 v60, v2;
	v45 =	vmin.f32 v45, $1.701000020e+01;
	v33 =	vld.idx.msk [tilespmem:v33+s14+$0x0], $0xffff  }
0x209: {  	v41 =	vld [tilespmem:s11+$0x400];
	v45 =	vtrunc.f32 v45;
	v46 =	vmul.f32 v58, v46;
	v58 =	vadd.s32 v31, v0  }
0x20a: {  	v62 =	vsub.f32 v36, v1;
	v61 =	vcvt.f32.s32 v45;
	v45 =	vld [tilespmem:s11+$0x420];
	v34 =	vmul.f32 v55, v34  }
0x20b: {  	v60 =	vmax.f32 v60, $0.0e+00;
	v31 =	vld [tilespmem:s11+$0x410];
	v46 =	vadd.f32 v46, v59;
	v53 =	vmul.f32 v53, v32  }
0x20c: {  	v55 =	vtrunc.f32 v52;
	v52 =	vld [tilespmem:s11+$0xB0];
	v59 =	vadd.s32 v61, v0;
	v34 =	vadd.f32 v34, v50  }
0x20d: {  	v32 =	vld [tilespmem:s11+$0x430];
	[tilespmem:s11+$0x7080] =	vst v46;
	v46 =	vmul.f32 v62, v2;
	v33 =	vadd.f32 v53, v33;
	v53 =	vsub.f32 v57, v1  }
0x20e: {  	v56 =	vadd.s32 v63, v0;
	v60 =	vmin.f32 v60, $1.701000020e+01;
	v55 =	vcvt.f32.s32 v55;
	[tilespmem:s11+$0x7000] =	vst v34;
	v62 =	vld.idx.msk [tilespmem:v58+s15+$0x0], $0xffff  }
0x20f: {  	v61 =	vsub.f32 v30, v1;
	v58 =	vld.idx.msk [tilespmem:v58+s14+$0x0], $0xffff;
	v46 =	vmax.f32 v46, $0.0e+00;
	[tilespmem:s7+$0x7480] =	vst v33;
	v33 =	vmul.f32 v53, v2  }
0x210: {  	[tilespmem:$0x1FFE0] =	vst v3;
	v3 =	vld.idx.msk [tilespmem:v48+s15+$0x0], $0xffff;
	v53 =	vadd.s32 v55, v0;
	v55 =	vtrunc.f32 v60;
	v46 =	vmin.f32 v46, $1.701000020e+01  }
0x211: {  	v4 =	vmax.f32 v4, $0.0e+00;
	v48 =	vld.idx.msk [tilespmem:v48+s14+$0x0], $0xffff;
	v34 =	vcvt.f32.s32 v55;
	v55 =	vtrunc.f32 v46  }
0x212: {  	v61 =	vmul.f32 v61, v2;
	v60 =	vld.idx.msk [tilespmem:v59+s15+$0x0], $0xffff;
	v33 =	vmax.f32 v33, $0.0e+00;
	v63 =	vcvt.f32.s32 v55  }
0x213: {  	v59 =	vld.idx.msk [tilespmem:v59+s14+$0x0], $0xffff;
	v33 =	vmin.f32 v33, $1.701000020e+01;
	v50 =	vadd.s32 v34, v0;
	v34 =	vsub.f32 v44, v1  }
0x214: {  	v55 =	vld [tilespmem:s7+$0x4B0];
	v33 =	vtrunc.f32 v33;
	v47 =	vmul.f32 v62, v47;
	v62 =	vadd.s32 v63, v0  }
0x215: {  	v61 =	vmax.f32 v61, $0.0e+00;
	v46 =	vld.idx.msk [tilespmem:v27+s15+$0x0], $0xffff;
	v3 =	vmul.f32 v3, v38;
	v33 =	vcvt.f32.s32 v33  }
0x216: {  	v63 =	vsub.f32 v52, v1;
	v34 =	vmul.f32 v34, v2;
	v58 =	vadd.f32 v47, v58;
	v47 =	vld.idx.msk [tilespmem:v27+s14+$0x0], $0xffff  }
0x217: {  	v54 =	vmul.f32 v60, v54;
	v27 =	vmovc v20;
	v20 =	vld [tilespmem:s11+$0xC0];
	v3 =	vadd.f32 v3, v48;
	v60 =	vadd.s32 v33, v0  }
0x218: {  	v33 =	vmin.f32 v61, $1.701000020e+01;
	v61 =	vmax.f32 v34, $0.0e+00;
	v34 =	vld [tilespmem:s11+$0x440];
	[tilespmem:s11+$0x7090] =	vst v58;
	v58 =	vmul.f32 v63, v2  }
0x219: {  	v54 =	vadd.f32 v54, v59;
	v59 =	vsub.f32 v55, v1;
	v61 =	vmin.f32 v61, $1.701000020e+01;
	v63 =	vld.idx.msk [tilespmem:v62+s15+$0x0], $0xffff  }
0x21a: {  	v4 =	vmin.f32 v4, $1.701000020e+01;
	v33 =	vtrunc.f32 v33;
	[tilespmem:s11+$0x7010] =	vst v3;
	v38 =	vld.idx.msk [tilespmem:v62+s14+$0x0], $0xffff;
	v61 =	vtrunc.f32 v61  }
0x21b: {  	v58 =	vmax.f32 v58, $0.0e+00;
	[tilespmem:s7+$0x7490] =	vst v54;
	v54 =	vmul.f32 v59, v2;
	v3 =	vcvt.f32.s32 v61;
	v61 =	vld.idx.msk [tilespmem:v56+s15+$0x0], $0xffff  }
0x21c: {  	v4 =	vtrunc.f32 v4;
	v59 =	vcvt.f32.s32 v33;
	v56 =	vld.idx.msk [tilespmem:v56+s14+$0x0], $0xffff;
	v58 =	vmin.f32 v58, $1.701000020e+01  }
0x21d: {  	v4 =	vcvt.f32.s32 v4;
	v62 =	vld.idx.msk [tilespmem:v60+s15+$0x0], $0xffff;
	v58 =	vtrunc.f32 v58;
	v54 =	vmax.f32 v54, $0.0e+00  }
0x21e: {  	v48 =	vadd.s32 v59, v0;
	v59 =	vld.idx.msk [tilespmem:v60+s14+$0x0], $0xffff;
	v58 =	vcvt.f32.s32 v58;
	v54 =	vmin.f32 v54, $1.701000020e+01  }
0x21f: {  	[tilespmem:$0x1FFC0] =	vst v6;
	v6 =	vadd.f32 v25, v51;
	v60 =	vtrunc.f32 v54;
	v54 =	vld [tilespmem:s7+$0x4C0];
	v63 =	vmul.f32 v63, v36  }
0x220: {  	v49 =	vld.idx.msk [tilespmem:v11+s15+$0x0], $0xffff;
	v36 =	vadd.s32 v3, v0;
	v3 =	vsub.f32 v20, v1;
	v58 =	vadd.s32 v58, v0  }
0x221: {  	v4 =	vadd.s32 v4, v0;
	v33 =	vld [tilespmem:s11+$0x450];
	v60 =	vcvt.f32.s32 v60;
	v63 =	vadd.f32 v63, v38  }
0x222: {  	v38 =	vld.idx.msk [tilespmem:v11+s14+$0x0], $0xffff;
	v3 =	vmul.f32 v3, v2;
	[tilespmem:s7+$0x7060] =	vst v6;
	v6 =	vmul.f32 v61, v39  }
0x223: {  	v25 =	vmovc v44;
	v51 =	vld [tilespmem:s11+$0xD0];
	v57 =	vmul.f32 v62, v57;
	v60 =	vadd.s32 v60, v0;
	v62 =	vsub.f32 v41, v1  }
0x224: {  	[tilespmem:s11+$0x70A0] =	vst v63;
	v3 =	vmax.f32 v3, $0.0e+00;
	v6 =	vadd.f32 v6, v56;
	v56 =	vld.idx.msk [tilespmem:v24+s15+$0x0], $0xffff;
	v44 =	vsub.f32 v54, v1  }
0x225: {  	v63 =	vadd.f32 v57, v59;
	v57 =	vmul.f32 v62, v2;
	v59 =	vsub.f32 v31, v1;
	v62 =	vld.idx.msk [tilespmem:v58+s15+$0x0], $0xffff  }
0x226: {  	v46 =	vmul.f32 v46, v14;
	v3 =	vmin.f32 v3, $1.701000020e+01;
	v39 =	vld.idx.msk [tilespmem:v58+s14+$0x0], $0xffff;
	[tilespmem:s11+$0x7020] =	vst v6;
	v44 =	vmul.f32 v44, v2  }
0x227: {  	v3 =	vtrunc.f32 v3;
	[tilespmem:s7+$0x74A0] =	vst v63;
	v57 =	vmax.f32 v57, $0.0e+00;
	v63 =	vmul.f32 v59, v2;
	v59 =	vld.idx.msk [tilespmem:v53+s15+$0x0], $0xffff  }
0x228: {  	v11 =	vmovc v28;
	v28 =	vmovc v9;
	v3 =	vcvt.f32.s32 v3;
	v58 =	vld.idx.msk [tilespmem:v60+s15+$0x0], $0xffff;
	v6 =	vmin.f32 v57, $1.701000020e+01;
	v9 =	vmax.f32 v44, $0.0e+00  }
0x229: {  	v60 =	vld.idx.msk [tilespmem:v60+s14+$0x0], $0xffff;
	v6 =	vtrunc.f32 v6;
	v56 =	vmul.f32 v56, v21;
	v9 =	vmin.f32 v9, $1.701000020e+01  }
0x22a: {  	v3 =	vadd.s32 v3, v0;
	v6 =	vcvt.f32.s32 v6;
	v61 =	vtrunc.f32 v9;
	v9 =	vld [tilespmem:s7+$0x4D0]  }
0x22b: {  	v53 =	vld.idx.msk [tilespmem:v53+s14+$0x0], $0xffff;
	v44 =	vmax.f32 v63, $0.0e+00;
	v52 =	vmul.f32 v62, v52;
	v57 =	vcvt.f32.s32 v61  }
0x22c: {  	v63 =	vmin.f32 v44, $1.701000020e+01;
	v61 =	vsub.f32 v51, v1;
	v6 =	vadd.s32 v6, v0  }
0x22d: {  	v62 =	vld.idx.msk [tilespmem:v24+s14+$0x0], $0xffff;
	v52 =	vadd.f32 v52, v39;
	v55 =	vmul.f32 v58, v55;
	v57 =	vadd.s32 v57, v0  }
0x22e: {  	v44 =	vld [tilespmem:s11+$0xE0];
	v24 =	vmovc v4;
	v42 =	vmul.f32 v59, v42;
	v58 =	vsub.f32 v45, v1;
	v4 =	vmul.f32 v61, v2  }
0x22f: {  	v21 =	vmov v43;
	v39 =	vld.idx.msk [tilespmem:v5+s15+$0x0], $0xffff;
	[tilespmem:s11+$0x70B0] =	vst v52;
	v43 =	vadd.f32 v55, v60;
	v52 =	vsub.f32 v9, v1  }
0x230: {  	v42 =	vadd.f32 v42, v53;
	v55 =	vtrunc.f32 v63;
	v60 =	vld.idx.msk [tilespmem:v3+s15+$0x0], $0xffff;
	v4 =	vmax.f32 v4, $0.0e+00  }
0x231: {  	v61 =	vmul.f32 v58, v2;
	v3 =	vld.idx.msk [tilespmem:v3+s14+$0x0], $0xffff;
	[tilespmem:s7+$0x74B0] =	vst v43;
	v4 =	vmin.f32 v4, $1.701000020e+01;
	v63 =	vmul.f32 v52, v2  }
0x232: {  	v56 =	vadd.f32 v56, v62;
	v62 =	vsub.f32 v32, v1;
	v4 =	vtrunc.f32 v4;
	v58 =	vld.idx.msk [tilespmem:v57+s15+$0x0], $0xffff  }
0x233: {  	v43 =	vld.idx.msk [tilespmem:v5+s14+$0x0], $0xffff;
	v5 =	vmovc v10;
	v59 =	vmax.f32 v61, $0.0e+00;
	v4 =	vcvt.f32.s32 v4;
	v63 =	vmax.f32 v63, $0.0e+00  }
0x234: {  	v10 =	vmovc v29;
	v29 =	vmovc v40;
	[tilespmem:s11+$0x7030] =	vst v42;
	v52 =	vcvt.f32.s32 v55;
	v40 =	vmin.f32 v59, $1.701000020e+01;
	v57 =	vld.idx.msk [tilespmem:v57+s14+$0x0], $0xffff;
	v53 =	vmin.f32 v63, $1.701000020e+01  }
0x235: {  	v20 =	vmul.f32 v60, v20;
	v4 =	vadd.s32 v4, v0;
	v61 =	vtrunc.f32 v53;
	v53 =	vld.idx.msk [tilespmem:v50+s15+$0x0], $0xffff;
	[tilespmem:s7+$0x7070] =	vst v56  }
0x236: {  	v40 =	vtrunc.f32 v40;
	v42 =	vadd.s32 v52, v0;
	v52 =	vcvt.f32.s32 v61;
	v50 =	vld.idx.msk [tilespmem:v50+s14+$0x0], $0xffff  }
0x237: {  	v63 =	vsub.f32 v44, v1;
	v3 =	vadd.f32 v20, v3;
	v59 =	vld.idx.msk [tilespmem:v22+s15+$0x0], $0xffff;
	v20 =	vmul.f32 v58, v54  }
0x238: {  	v60 =	vmul.f32 v62, v2;
	v61 =	vsub.f32 v34, v1;
	v62 =	vld.idx.msk [tilespmem:v22+s14+$0x0], $0xffff;
	v52 =	vadd.s32 v52, v0  }
0x239: {  	v22 =	vmovc v6;
	v6 =	vcvt.f32.s32 v40;
	[tilespmem:s11+$0x70C0] =	vst v3;
	v3 =	vmul.f32 v63, v2;
	v63 =	vadd.f32 v20, v57  }
0x23a: {  	v47 =	vadd.f32 v46, v47;
	v54 =	vmax.f32 v60, $0.0e+00;
	v56 =	vld.idx.msk [tilespmem:v4+s15+$0x0], $0xffff;
	v37 =	vmul.f32 v53, v37  }
0x23b: {  	v55 =	vmul.f32 v61, v2;
	v20 =	vadd.s32 v6, v0;
	v4 =	vld.idx.msk [tilespmem:v4+s14+$0x0], $0xffff;
	v6 =	vmin.f32 v54, $1.701000020e+01;
	[tilespmem:s7+$0x74C0] =	vst v63  }
0x23c: {  	v14 =	vmovc v26;
	v26 =	vmovc v45;
	v3 =	vmax.f32 v3, $0.0e+00;
	v6 =	vtrunc.f32 v6;
	v37 =	vadd.f32 v37, v50;
	v45 =	vld [tilespmem:s11+$0xF0]  }
0x23d: {  	s4 =	sadd.s32 $0x2, s4;
	[tilespmem:s0+$0x7420] =	vst v47;
	v60 =	vmax.f32 v55, $0.0e+00;
	v3 =	vmin.f32 v3, $1.701000020e+01;
	v59 =	vmul.f32 v59, v18;
	v40 =	vld.idx.msk [tilespmem:v52+s15+$0x0], $0xffff  }
0x23e: {  	p0 =	slt.u32 s4, $0x36;
	v6 =	vcvt.f32.s32 v6;
	v61 =	vmin.f32 v60, $1.701000020e+01;
	v3 =	vtrunc.f32 v3;
	v46 =	vld.idx.msk [tilespmem:v52+s14+$0x0], $0xffff;
	[tilespmem:s11+$0x7040] =	vst v37  }
.Ltmp2:
0x23f: {  	v63 =	vtrunc.f32 v61;
	v3 =	vcvt.f32.s32 v3;
	v62 =	vadd.f32 v59, v62;
	v47 =	vld.idx.msk [tilespmem:v17+s15+$0x0], $0xffff;
	(pc) =	sbr.rel @p0 .LBB2_3-.Ltmp2, $4  }
0x240: {  	v51 =	vmul.f32 v56, v51;
	v37 =	vadd.s32 v6, v0;
	v6 =	vsub.f32 v33, v1;
	v52 =	vld.idx.msk [tilespmem:v48+s15+$0x0], $0xffff  }
0x241: {  	v49 =	vmul.f32 v49, v12;
	v53 =	vadd.s32 v3, v0;
	v48 =	vld.idx.msk [tilespmem:v48+s14+$0x0], $0xffff;
	v3 =	vcvt.f32.s32 v63;
	[tilespmem:s7+$0x7400] =	vst v62  }
0x242: {  	v18 =	vmov v41;
	v54 =	vadd.f32 v51, v4;
	v50 =	vld.idx.msk [tilespmem:v35+s15+$0x0], $0xffff;
	v41 =	vmul.f32 v6, v2  }
0x243: {  	s12 =	sadd.s32 $0x100, s12;
	s13 =	sadd.s32 $0x200, s13;
	v35 =	vld.idx.msk [tilespmem:v35+s14+$0x0], $0xffff;
	v55 =	vsub.f32 v45, v1;
	v51 =	vmul.f32 v40, v9;
	v9 =	vadd.s32 v3, v0  }
0x244: {  	_ =	sdelay $0x1  }
0x245: {  	v3 =	vmul.f32 v55, v2  }
0x246: {  	[tilespmem:s11+$0x70D0] =	vst v54  }
0x247: {  	v4 =	vld.idx.msk [tilespmem:v53+s15+$0x0], $0xffff;
	v3 =	vmax.f32 v3, $0.0e+00  }
0x248: {  	v6 =	vld [tilespmem:s11+$0x480];
	v3 =	vmin.f32 v3, $1.701000020e+01  }
0x249: {  	v12 =	vld.idx.msk [tilespmem:v53+s14+$0x0], $0xffff;
	v3 =	vtrunc.f32 v3  }
0x24a: {  	v3 =	vcvt.f32.s32 v3;
	_ =	sdelay $0x1  }
0x24b: {  	v4 =	vmul.f32 v4, v44;
	v3 =	vadd.s32 v3, v0  }
0x24c: {  	v40 =	vsub.f32 v6, v1  }
0x24d: {  	v4 =	vadd.f32 v4, v12  }
0x24e: {  	v12 =	vmul.f32 v40, v2  }
0x24f: {  	[tilespmem:s11+$0x70E0] =	vst v4  }
0x250: {  	v12 =	vmax.f32 v12, $0.0e+00;
	v4 =	vld.idx.msk [tilespmem:v3+s15+$0x0], $0xffff  }
0x251: {  	v61 =	vld [tilespmem:s11+$0x490];
	v12 =	vmin.f32 v12, $1.701000020e+01  }
0x252: {  	v12 =	vtrunc.f32 v12;
	v3 =	vld.idx.msk [tilespmem:v3+s14+$0x0], $0xffff  }
0x253: {  	v12 =	vcvt.f32.s32 v12;
	_ =	sdelay $0x1  }
0x254: {  	v12 =	vadd.s32 v12, v0;
	v4 =	vmul.f32 v4, v45  }
0x255: {  	v62 =	vsub.f32 v61, v1  }
0x256: {  	v3 =	vadd.f32 v4, v3  }
0x257: {  	v4 =	vmul.f32 v62, v2  }
0x258: {  	[tilespmem:s11+$0x70F0] =	vst v3  }
0x259: {  	v4 =	vmax.f32 v4, $0.0e+00;
	v3 =	vld.idx.msk [tilespmem:v12+s15+$0x0], $0xffff  }
0x25a: {  	v63 =	vld [tilespmem:s11+$0x4A0];
	v4 =	vmin.f32 v4, $1.701000020e+01  }
0x25b: {  	v12 =	vld.idx.msk [tilespmem:v12+s14+$0x0], $0xffff;
	v4 =	vtrunc.f32 v4  }
0x25c: {  	v4 =	vcvt.f32.s32 v4;
	_ =	sdelay $0x1  }
0x25d: {  	v4 =	vadd.s32 v4, v0;
	v3 =	vmul.f32 v3, v6  }
0x25e: {  	v6 =	vsub.f32 v63, v1  }
0x25f: {  	v3 =	vadd.f32 v3, v12  }
0x260: {  	v6 =	vmul.f32 v6, v2  }
0x261: {  	[tilespmem:s11+$0x7480] =	vst v3  }
0x262: {  	v6 =	vmax.f32 v6, $0.0e+00;
	v3 =	vld.idx.msk [tilespmem:v4+s15+$0x0], $0xffff  }
0x263: {  	v12 =	vld [tilespmem:s11+$0x4B0];
	v6 =	vmin.f32 v6, $1.701000020e+01  }
0x264: {  	v4 =	vld.idx.msk [tilespmem:v4+s14+$0x0], $0xffff;
	v6 =	vtrunc.f32 v6  }
0x265: {  	v6 =	vcvt.f32.s32 v6;
	_ =	sdelay $0x1  }
0x266: {  	v6 =	vadd.s32 v6, v0;
	v3 =	vmul.f32 v3, v61;
	_ =	sdelay $0x1  }
0x267: {  	v53 =	vsub.f32 v12, v1;
	v3 =	vadd.f32 v3, v4  }
0x268: {  	v4 =	vmul.f32 v52, v30  }
0x269: {  	v30 =	vmul.f32 v53, v2;
	[tilespmem:s11+$0x7490] =	vst v3  }
0x26a: {  	v3 =	vadd.f32 v4, v48;
	v4 =	vld.idx.msk [tilespmem:v6+s15+$0x0], $0xffff  }
0x26b: {  	v54 =	vld [tilespmem:s11+$0x4C0];
	v30 =	vmax.f32 v30, $0.0e+00  }
0x26c: {  	v30 =	vmin.f32 v30, $1.701000020e+01;
	[tilespmem:s11+$0x7050] =	vst v3;
	v3 =	vld.idx.msk [tilespmem:v6+s14+$0x0], $0xffff  }
0x26d: {  	v6 =	vtrunc.f32 v30;
	v30 =	vld.idx.msk [tilespmem:v36+s15+$0x0], $0xffff  }
0x26e: {  	v6 =	vcvt.f32.s32 v6  }
0x26f: {  	v55 =	vld.idx.msk [tilespmem:v36+s14+$0x0], $0xffff;
	v4 =	vmul.f32 v4, v63  }
0x270: {  	v19 =	vmul.f32 v50, v19;
	v6 =	vadd.s32 v6, v0  }
0x271: {  	v3 =	vadd.f32 v4, v3;
	v4 =	vld.idx.msk [tilespmem:v17+s14+$0x0], $0xffff  }
0x272: {  	v56 =	vsub.f32 v54, v1;
	v17 =	vadd.f32 v19, v35;
	v19 =	vmul.f32 v30, v25;
	_ =	sdelay $0x1  }
0x273: {  	v8 =	vmul.f32 v47, v8;
	v25 =	vmul.f32 v56, v2;
	[tilespmem:s11+$0x74A0] =	vst v3;
	v3 =	vadd.f32 v19, v55  }
0x274: {  	[tilespmem:s7+$0x7410] =	vst v17;
	v17 =	vld.idx.msk [tilespmem:v6+s15+$0x0], $0xffff  }
0x275: {  	v19 =	vmax.f32 v25, $0.0e+00;
	v25 =	vld.idx.msk [tilespmem:v27+s15+$0x0], $0xffff;
	[tilespmem:s11+$0x7060] =	vst v3;
	v4 =	vadd.f32 v8, v4  }
0x276: {  	v8 =	vld.idx.msk [tilespmem:v24+s15+$0x0], $0xffff  }
0x277: {  	[tilespmem:s0+$0x7430] =	vst v4;
	v4 =	vld.idx.msk [tilespmem:v24+s14+$0x0], $0xffff  }
0x278: {  	v19 =	vmin.f32 v19, $1.701000020e+01;
	v24 =	vld [tilespmem:$0x1FFC0]  }
0x279: {  	v3 =	vld.idx.msk [tilespmem:v6+s14+$0x0], $0xffff;
	v6 =	vtrunc.f32 v19  }
0x27a: {  	v27 =	vld.idx.msk [tilespmem:v27+s14+$0x0], $0xffff;
	v6 =	vcvt.f32.s32 v6  }
0x27b: {  	v12 =	vmul.f32 v17, v12;
	v17 =	vadd.f32 v49, v38;
	v30 =	vld.idx.msk [tilespmem:v11+s15+$0x0], $0xffff;
	v8 =	vmul.f32 v8, v21  }
0x27c: {  	v19 =	vadd.f32 v51, v46;
	v6 =	vadd.s32 v6, v0;
	v11 =	vld.idx.msk [tilespmem:v11+s14+$0x0], $0xffff  }
0x27d: {  	[tilespmem:s6+$0x7440] =	vst v17;
	v17 =	vld [tilespmem:s11+$0x4D0];
	v4 =	vadd.f32 v8, v4;
	v24 =	vmul.f32 v39, v24  }
0x27e: {  	[tilespmem:s7+$0x74D0] =	vst v19;
	v3 =	vadd.f32 v12, v3;
	v19 =	vld.idx.msk [tilespmem:v5+s15+$0x0], $0xffff  }
0x27f: {  	v5 =	vld.idx.msk [tilespmem:v5+s14+$0x0], $0xffff;
	[tilespmem:s11+$0x7070] =	vst v4;
	v12 =	vadd.f32 v24, v43  }
0x280: {  	[tilespmem:s11+$0x74B0] =	vst v3;
	v4 =	vld.idx.msk [tilespmem:v22+s15+$0x0], $0xffff  }
0x281: {  	v3 =	vld.idx.msk [tilespmem:v6+s15+$0x0], $0xffff;
	[tilespmem:s31+$0x7450] =	vst v12  }
0x282: {  	v8 =	vld.idx.msk [tilespmem:v22+s14+$0x0], $0xffff;
	_ =	sdelay $0x2  }
0x283: {  	v4 =	vmul.f32 v4, v18;
	_ =	sdelay $0x1  }
0x284: {  	v4 =	vadd.f32 v4, v8;
	_ =	sdelay $0x1  }
0x285: {  	[tilespmem:s11+$0x7400] =	vst v4  }
0x286: {  	v4 =	vld.idx.msk [tilespmem:v42+s15+$0x0], $0xffff;
	_ =	sdelay $0x1  }
0x287: {  	v8 =	vld.idx.msk [tilespmem:v42+s14+$0x0], $0xffff;
	_ =	sdelay $0x2  }
0x288: {  	v4 =	vmul.f32 v4, v31;
	_ =	sdelay $0x1  }
0x289: {  	v4 =	vadd.f32 v4, v8;
	_ =	sdelay $0x1  }
0x28a: {  	[tilespmem:s11+$0x7410] =	vst v4  }
0x28b: {  	v4 =	vld.idx.msk [tilespmem:v20+s15+$0x0], $0xffff;
	_ =	sdelay $0x1  }
0x28c: {  	v8 =	vld.idx.msk [tilespmem:v20+s14+$0x0], $0xffff;
	_ =	sdelay $0x1  }
0x28d: {  	v12 =	vmul.f32 v25, v14  }
0x28e: {  	v4 =	vmul.f32 v4, v26  }
0x28f: {  	v12 =	vadd.f32 v12, v27  }
0x290: {  	v4 =	vadd.f32 v4, v8  }
0x291: {  	[tilespmem:s7+$0x7420] =	vst v12  }
0x292: {  	v8 =	vld.idx.msk [tilespmem:v23+s15+$0x0], $0xffff;
	[tilespmem:s11+$0x7420] =	vst v4  }
0x293: {  	v1 =	vsub.f32 v17, v1;
	v4 =	vld.idx.msk [tilespmem:v37+s15+$0x0], $0xffff  }
0x294: {  	v12 =	vld.idx.msk [tilespmem:v23+s14+$0x0], $0xffff  }
0x295: {  	v1 =	vmul.f32 v1, v2;
	v14 =	vld.idx.msk [tilespmem:v37+s14+$0x0], $0xffff;
	_ =	sdelay $0x1  }
0x296: {  	v1 =	vmax.f32 v1, $0.0e+00;
	v2 =	vmul.f32 v8, v13  }
0x297: {  	v1 =	vmin.f32 v1, $1.701000020e+01;
	v4 =	vmul.f32 v4, v32  }
0x298: {  	v6 =	vld.idx.msk [tilespmem:v6+s14+$0x0], $0xffff;
	v1 =	vtrunc.f32 v1;
	v2 =	vadd.f32 v2, v12  }
0x299: {  	v1 =	vcvt.f32.s32 v1;
	v4 =	vadd.f32 v4, v14  }
0x29a: {  	[tilespmem:s7+$0x7430] =	vst v2  }
0x29b: {  	v3 =	vmul.f32 v3, v54;
	v1 =	vadd.s32 v1, v0;
	v2 =	vld.idx.msk [tilespmem:v28+s15+$0x0], $0xffff;
	[tilespmem:s11+$0x7430] =	vst v4;
	v4 =	vmax.f32 v41, $0.0e+00  }
0x29c: {  	v8 =	vld.idx.msk [tilespmem:v9+s15+$0x0], $0xffff;
	v4 =	vmin.f32 v4, $1.701000020e+01  }
0x29d: {  	v3 =	vadd.f32 v3, v6;
	v12 =	vld.idx.msk [tilespmem:v28+s14+$0x0], $0xffff;
	v4 =	vtrunc.f32 v4  }
0x29e: {  	v6 =	vmul.f32 v30, v7;
	v7 =	vld.idx.msk [tilespmem:v9+s14+$0x0], $0xffff;
	v4 =	vcvt.f32.s32 v4  }
0x29f: {  	[tilespmem:s11+$0x74C0] =	vst v3  }
0x2a0: {  	v3 =	vadd.f32 v6, v11;
	v2 =	vmul.f32 v2, v16;
	v0 =	vadd.s32 v4, v0;
	v4 =	vld.idx.msk [tilespmem:v1+s15+$0x0], $0xffff  }
0x2a1: {  	v6 =	vmul.f32 v8, v34  }
0x2a2: {  	[tilespmem:s0+$0x7440] =	vst v3;
	v1 =	vld.idx.msk [tilespmem:v1+s14+$0x0], $0xffff;
	v2 =	vadd.f32 v2, v12  }
0x2a3: {  	v3 =	vld.idx.msk [tilespmem:v10+s15+$0x0], $0xffff;
	v6 =	vadd.f32 v6, v7  }
0x2a4: {  	[tilespmem:s7+$0x7440] =	vst v2;
	v7 =	vld.idx.msk [tilespmem:v10+s14+$0x0], $0xffff  }
0x2a5: {  	v2 =	vld.idx.msk [tilespmem:v29+s15+$0x0], $0xffff;
	[tilespmem:s11+$0x7440] =	vst v6;
	v4 =	vmul.f32 v4, v17  }
0x2a6: {  	v9 =	vld [tilespmem:$0x1FFD0]  }
0x2a7: {  	v1 =	vadd.f32 v4, v1;
	v4 =	vld [tilespmem:$0x1FFE0]  }
0x2a8: {  	v8 =	vld.idx.msk [tilespmem:v29+s14+$0x0], $0xffff  }
0x2a9: {  	v6 =	vld.idx.msk [tilespmem:v0+s15+$0x0], $0xffff;
	_ =	sdelay $0x1  }
0x2aa: {  	v0 =	vld.idx.msk [tilespmem:v0+s14+$0x0], $0xffff;
	v2 =	vmul.f32 v2, v15  }
0x2ab: {  	s1 =	smul.u32 $0xE000, s29;
	v9 =	vmul.f32 v19, v9;
	v3 =	vmul.f32 v3, v4  }
0x2ac: {  	s29 =	smul.u32 $0x3800, s5;
	v2 =	vadd.f32 v2, v8  }
0x2ad: {  	s2 =	smul.u32 $0x540000, s3;
	[tilespmem:s11+$0x74D0] =	vst v1;
	v4 =	vadd.f32 v9, v5;
	v1 =	vadd.f32 v3, v7;
	v3 =	vmul.f32 v6, v33  }
0x2ae: {  	s1 =	sadd.s32 s29, s1;
	[tilespmem:s7+$0x7450] =	vst v2  }
0x2af: {  	s3 =	sadd.s32 s2, s1;
	[tilespmem:s6+$0x7450] =	vst v4;
	v0 =	vadd.f32 v3, v0  }
0x2b0: {  	[tilespmem:s0+$0x7450] =	vst v1;
	s0 =	sshrl.u32 s3, $0x3  }
0x2b1: {  	s4 =	simm.s32 $0x7000;
	p0 =	seq.s32 s26, $0x2F;
	s0 =	sadd.s32 s8, s0;
	[tilespmem:s11+$0x7450] =	vst v0  }
0x2b2: {  	[hbm4b:s0+s9] =	stream.linear.scatter [tilespmem:s4], [sflag:$0x3], $0x3800, $0x38;
	[tilespmem:$0xF900] =	vst v63  }
0x2b3: {  	s0 =	sadd.s32 @!p0 $0x2, s28  }
0x2b4: {  	s1 =	sshrl.u32 @!p0 s0, $0x2  }
0x2b5: {  	s2 =	smulhi.u32 @!p0 $0xAAAAAAB, s1;
	_ =	sdelay $0x1  }
0x2b6: {  	s3 =	smulhi.u32 @!p0 $0x2AAAAAAB, s0;
	s2 =	sshrl.u32 @!p0 s2, $0x2  }
0x2b7: {  	s0 =	sand.u32 @!p0 $0x2, s0;
	s2 =	smul.u32 @!p0 $0x60, s2  }
0x2b8: {  	s0 =	smul.u32 @!p0 $0x3800, s0;
	s3 =	sshrl.u32 @!p0 s3, $0x6  }
0x2b9: {  	s3 =	smul.u32 @!p0 $0x540000, s3;
	s1 =	ssub.s32 @!p0 s1, s2  }
0x2ba: {  	s1 =	smul.u32 @!p0 $0xE000, s1  }
0x2bb: {  	s5 =	smulhi.u32 $0xAAAAAAB, s30;
	s0 =	sor.u32 @!p0 s3, s0  }
0x2bc: {  	s0 =	sadd.s32 @!p0 s1, s0  }
0x2bd: {  	s6 =	sshrl.u32 s5, $0x2;
	s2 =	rddreg [dreg:$0x0];
	s0 =	sshrl.u32 @!p0 s0, $0x3  }
0x2be: {  	s1 =	smul.u32 $0x60, s6;
	s0 =	sadd.s32 @!p0 s2, s0;
	s2 =	simm.s32 @!p0 $0x0  }
0x2bf: {  	[tilespmem:s2], [sflag:$0x1] =	stream.linear.gather @!p0 [hbm4b:s0+s2], $0x3800, $0x38;
	[tilespmem:$0xF900] =	vst v63  }
0x2c0: {  	s30 =	ssub.s32 s30, s1;
	_ =	swait.ge [sflag:s21], $0x3800  }
0x2c1: {  	v0 =	vmov s30;
	[sflag:s21] =	ssyncset.done $0x0  }
0x2c2: {  	s0 =	simm.s32 @!p1 $0x4;
	[sflag:s21] =	ssyncadd.s32 $0xFFFFC800  }
0x2c3: {  	s16 =	smov.u32 s8;
	s7 =	simm.s32 $0x0;
	_ =	swait.ge @!p1 [sflag:s0], $0x3800  }
0x2c4: {  	s8 =	sand.u32 $0x3800, s7;
	s4 =	sand.u32 $0x300, s7;
	[sflag:s0] =	ssyncset.done @!p1 $0x0  }
0x2c5: {  	s11 =	sadd.s32 $0x3800, s8;
	s13 =	sor.u32 $0x80, s4;
	[sflag:s0] =	ssyncadd.s32 @!p1 $0xFFFFC800  }
0x2c6: {  	s12 =	sor.u32 s13, s11;
	v2 =	vld.idx.msk [tilespmem:v0+s18+$0x0], $0xffff  }
0x2c7: {  	v3 =	vld [tilespmem:s12+$0x0];
	_ =	sdelay $0x1  }
0x2c8: {  	v1 =	vld.idx.msk [tilespmem:v0+s17+$0x0], $0xffff;
	_ =	sdelay $0x2  }
0x2c9: {  	v4 =	vsub.f32 v3, v2;
	_ =	sdelay $0x1  }
0x2ca: {  	v4 =	vmul.f32 v4, v1;
	_ =	sdelay $0x1  }
0x2cb: {  	v4 =	vmax.f32 v4, $0.0e+00  }
0x2cc: {  	v5 =	vld [tilespmem:s12+$0x10];
	v4 =	vmin.f32 v4, $1.701000020e+01  }
0x2cd: {  	v4 =	vtrunc.f32 v4  }
0x2ce: {  	v4 =	vcvt.f32.s32 v4  }
0x2cf: {  	v0 =	vshll.u32 v0, $0x5  }
0x2d0: {  	v4 =	vadd.s32 v4, v0  }
0x2d1: {  	v6 =	vsub.f32 v5, v2;
	_ =	sdelay $0x1  }
0x2d2: {  	s19 =	sor.u32 s4, s11;
	v6 =	vmul.f32 v6, v1  }
0x2d3: {  	v7 =	vld [tilespmem:s19+$0x0]  }
0x2d4: {  	v6 =	vmax.f32 v6, $0.0e+00;
	v8 =	vld.idx.msk [tilespmem:v4+s15+$0x0], $0xffff  }
0x2d5: {  	v9 =	vld [tilespmem:s12+$0x20];
	v6 =	vmin.f32 v6, $1.701000020e+01  }
0x2d6: {  	v6 =	vtrunc.f32 v6;
	v4 =	vld.idx.msk [tilespmem:v4+s14+$0x0], $0xffff  }
0x2d7: {  	v6 =	vcvt.f32.s32 v6  }
0x2d8: {  	v10 =	vsub.f32 v7, v2  }
0x2d9: {  	v6 =	vadd.s32 v6, v0;
	v3 =	vmul.f32 v8, v3  }
0x2da: {  	v8 =	vmul.f32 v10, v1;
	v10 =	vsub.f32 v9, v2  }
0x2db: {  	v3 =	vadd.f32 v3, v4  }
0x2dc: {  	v4 =	vmax.f32 v8, $0.0e+00;
	v8 =	vmul.f32 v10, v1  }
0x2dd: {  	v10 =	vld [tilespmem:s19+$0x10];
	v4 =	vmin.f32 v4, $1.701000020e+01;
	[tilespmem:s12+$0x7000] =	vst v3  }
0x2de: {  	v3 =	vtrunc.f32 v4;
	v8 =	vmax.f32 v8, $0.0e+00;
	v4 =	vld.idx.msk [tilespmem:v6+s15+$0x0], $0xffff  }
0x2df: {  	v11 =	vld [tilespmem:s12+$0x30];
	v3 =	vcvt.f32.s32 v3;
	v8 =	vmin.f32 v8, $1.701000020e+01  }
0x2e0: {  	v6 =	vld.idx.msk [tilespmem:v6+s14+$0x0], $0xffff;
	v8 =	vtrunc.f32 v8  }
0x2e1: {  	v3 =	vadd.s32 v3, v0;
	v8 =	vcvt.f32.s32 v8  }
0x2e2: {  	v12 =	vsub.f32 v10, v2  }
0x2e3: {  	v4 =	vmul.f32 v4, v5;
	v5 =	vadd.s32 v8, v0  }
0x2e4: {  	v8 =	vmul.f32 v12, v1;
	v12 =	vsub.f32 v11, v2  }
0x2e5: {  	v13 =	vld [tilespmem:s19+$0x20];
	v4 =	vadd.f32 v4, v6  }
0x2e6: {  	v6 =	vmax.f32 v8, $0.0e+00;
	v8 =	vld.idx.msk [tilespmem:v3+s15+$0x0], $0xffff;
	v12 =	vmul.f32 v12, v1  }
0x2e7: {  	v3 =	vld.idx.msk [tilespmem:v3+s14+$0x0], $0xffff;
	v6 =	vmin.f32 v6, $1.701000020e+01;
	[tilespmem:s12+$0x7010] =	vst v4  }
0x2e8: {  	v4 =	vtrunc.f32 v6;
	v12 =	vmax.f32 v12, $0.0e+00;
	v6 =	vld.idx.msk [tilespmem:v5+s15+$0x0], $0xffff  }
0x2e9: {  	v14 =	vld [tilespmem:s12+$0x40];
	v4 =	vcvt.f32.s32 v4;
	v12 =	vmin.f32 v12, $1.701000020e+01  }
0x2ea: {  	v5 =	vld.idx.msk [tilespmem:v5+s14+$0x0], $0xffff;
	v12 =	vtrunc.f32 v12  }
0x2eb: {  	v4 =	vadd.s32 v4, v0;
	v7 =	vmul.f32 v8, v7;
	v8 =	vcvt.f32.s32 v12  }
0x2ec: {  	v12 =	vsub.f32 v13, v2  }
0x2ed: {  	v3 =	vadd.f32 v7, v3;
	v7 =	vadd.s32 v8, v0;
	v6 =	vmul.f32 v6, v9  }
0x2ee: {  	v8 =	vmul.f32 v12, v1;
	v9 =	vsub.f32 v14, v2  }
0x2ef: {  	v12 =	vld [tilespmem:s19+$0x30];
	[tilespmem:s19+$0x7000] =	vst v3;
	v3 =	vadd.f32 v6, v5  }
0x2f0: {  	v5 =	vmax.f32 v8, $0.0e+00;
	v6 =	vld.idx.msk [tilespmem:v4+s15+$0x0], $0xffff;
	v8 =	vmul.f32 v9, v1  }
0x2f1: {  	v4 =	vld.idx.msk [tilespmem:v4+s14+$0x0], $0xffff;
	v5 =	vmin.f32 v5, $1.701000020e+01;
	[tilespmem:s12+$0x7020] =	vst v3  }
0x2f2: {  	v3 =	vtrunc.f32 v5;
	v8 =	vmax.f32 v8, $0.0e+00;
	v5 =	vld.idx.msk [tilespmem:v7+s15+$0x0], $0xffff  }
0x2f3: {  	v9 =	vld [tilespmem:s12+$0x50];
	v3 =	vcvt.f32.s32 v3;
	v8 =	vmin.f32 v8, $1.701000020e+01  }
0x2f4: {  	v7 =	vld.idx.msk [tilespmem:v7+s14+$0x0], $0xffff;
	v8 =	vtrunc.f32 v8  }
0x2f5: {  	v3 =	vadd.s32 v3, v0;
	v6 =	vmul.f32 v6, v10;
	v8 =	vcvt.f32.s32 v8  }
0x2f6: {  	v10 =	vsub.f32 v12, v2  }
0x2f7: {  	v4 =	vadd.f32 v6, v4;
	v6 =	vadd.s32 v8, v0;
	v5 =	vmul.f32 v5, v11  }
0x2f8: {  	v8 =	vsub.f32 v9, v2  }
0x2f9: {  	v10 =	vmul.f32 v10, v1;
	v11 =	vld [tilespmem:s19+$0x40];
	[tilespmem:s19+$0x7010] =	vst v4;
	v4 =	vadd.f32 v5, v7  }
0x2fa: {  	v5 =	vld.idx.msk [tilespmem:v3+s15+$0x0], $0xffff;
	v7 =	vmul.f32 v8, v1  }
0x2fb: {  	v8 =	vmax.f32 v10, $0.0e+00;
	v3 =	vld.idx.msk [tilespmem:v3+s14+$0x0], $0xffff;
	[tilespmem:s12+$0x7030] =	vst v4  }
0x2fc: {  	v4 =	vmin.f32 v8, $1.701000020e+01;
	v7 =	vmax.f32 v7, $0.0e+00;
	v8 =	vld.idx.msk [tilespmem:v6+s15+$0x0], $0xffff  }
0x2fd: {  	v10 =	vld [tilespmem:s12+$0x60];
	v7 =	vmin.f32 v7, $1.701000020e+01  }
0x2fe: {  	v6 =	vld.idx.msk [tilespmem:v6+s14+$0x0], $0xffff;
	v7 =	vtrunc.f32 v7  }
0x2ff: {  	v4 =	vtrunc.f32 v4;
	v7 =	vcvt.f32.s32 v7  }
0x300: {  	v4 =	vcvt.f32.s32 v4;
	v5 =	vmul.f32 v5, v13  }
0x301: {  	v7 =	vadd.s32 v7, v0;
	v8 =	vmul.f32 v8, v14  }
0x302: {  	v4 =	vadd.s32 v4, v0;
	v3 =	vadd.f32 v5, v3;
	v5 =	vsub.f32 v10, v2  }
0x303: {  	v13 =	vsub.f32 v11, v2;
	v6 =	vadd.f32 v8, v6  }
0x304: {  	v14 =	vld [tilespmem:s12+$0x70];
	[tilespmem:s19+$0x7020] =	vst v3;
	v3 =	vmul.f32 v5, v1  }
0x305: {  	v5 =	vmul.f32 v13, v1;
	v8 =	vld [tilespmem:s19+$0x50];
	[tilespmem:s12+$0x7040] =	vst v6  }
0x306: {  	v3 =	vmax.f32 v3, $0.0e+00;
	v6 =	vld.idx.msk [tilespmem:v7+s15+$0x0], $0xffff  }
0x307: {  	v13 =	vld.idx.msk [tilespmem:v4+s15+$0x0], $0xffff;
	v5 =	vmax.f32 v5, $0.0e+00;
	v3 =	vmin.f32 v3, $1.701000020e+01  }
0x308: {  	v5 =	vmin.f32 v5, $1.701000020e+01;
	v7 =	vld.idx.msk [tilespmem:v7+s14+$0x0], $0xffff;
	v3 =	vtrunc.f32 v3  }
0x309: {  	v4 =	vld.idx.msk [tilespmem:v4+s14+$0x0], $0xffff;
	v5 =	vtrunc.f32 v5;
	v3 =	vcvt.f32.s32 v3  }
0x30a: {  	v5 =	vcvt.f32.s32 v5  }
0x30b: {  	s20 =	simm.s32 $0x100;
	s22 =	simm.s32 $0x200;
	v3 =	vadd.s32 v3, v0;
	v6 =	vmul.f32 v6, v9  }
0x30c: {  	s23 =	sand.u32 $0x3800, s22;
	s0 =	sand.u32 $0x300, s20;
	v5 =	vadd.s32 v5, v0;
	v9 =	vmul.f32 v13, v12;
	v12 =	vsub.f32 v14, v2  }
0x30d: {  	s1 =	sadd.s32 $0x3800, s23;
	s24 =	sor.u32 $0x80, s0;
	v13 =	vsub.f32 v8, v2;
	v6 =	vadd.f32 v6, v7  }
0x30e: {  	s20 =	sor.u32 s24, s1;
	v4 =	vadd.f32 v9, v4  }
0x30f: {  	v15 =	vld [tilespmem:s20+$0x0];
	v7 =	vmul.f32 v12, v1;
	v9 =	vmul.f32 v13, v1;
	[tilespmem:s12+$0x7050] =	vst v6  }
0x310: {  	[tilespmem:s19+$0x7030] =	vst v4;
	v6 =	vld.idx.msk [tilespmem:v3+s15+$0x0], $0xffff  }
0x311: {  	v4 =	vmax.f32 v7, $0.0e+00;
	v7 =	vmax.f32 v9, $0.0e+00;
	v9 =	vld.idx.msk [tilespmem:v5+s15+$0x0], $0xffff  }
0x312: {  	v4 =	vmin.f32 v4, $1.701000020e+01;
	v3 =	vld.idx.msk [tilespmem:v3+s14+$0x0], $0xffff  }
0x313: {  	v7 =	vmin.f32 v7, $1.701000020e+01;
	v12 =	vld.idx.msk [tilespmem:v5+s14+$0x0], $0xffff;
	v4 =	vtrunc.f32 v4  }
0x314: {  	s25 =	sor.u32 s0, s1;
	v13 =	vsub.f32 v15, v2;
	v7 =	vtrunc.f32 v7;
	v5 =	vcvt.f32.s32 v4;
	v4 =	vld [tilespmem:s19+$0x60]  }
0x315: {  	v16 =	vld [tilespmem:s25+$0x0];
	v7 =	vcvt.f32.s32 v7  }
0x316: {  	v13 =	vmul.f32 v13, v1;
	v6 =	vmul.f32 v6, v10;
	v10 =	vadd.s32 v5, v0;
	v5 =	vld [tilespmem:s19+$0x70]  }
0x317: {  	v7 =	vadd.s32 v7, v0;
	v9 =	vmul.f32 v9, v11  }
0x318: {  	v3 =	vadd.f32 v6, v3;
	v6 =	vmax.f32 v13, $0.0e+00  }
0x319: {  	v19 =	vld [tilespmem:s25+$0x10];
	v9 =	vadd.f32 v9, v12;
	v11 =	vsub.f32 v4, v2;
	v6 =	vmin.f32 v6, $1.701000020e+01  }
0x31a: {  	v12 =	vld [tilespmem:s20+$0x10];
	[tilespmem:s12+$0x7060] =	vst v3;
	v3 =	vtrunc.f32 v6;
	v6 =	vsub.f32 v16, v2  }
0x31b: {  	[tilespmem:s19+$0x7040] =	vst v9;
	v11 =	vmul.f32 v11, v1;
	v13 =	vld.idx.msk [tilespmem:v10+s15+$0x0], $0xffff;
	v3 =	vcvt.f32.s32 v3;
	v9 =	vsub.f32 v5, v2  }
0x31c: {  	v17 =	vld.idx.msk [tilespmem:v7+s15+$0x0], $0xffff;
	v6 =	vmul.f32 v6, v1  }
0x31d: {  	v10 =	vld.idx.msk [tilespmem:v10+s14+$0x0], $0xffff;
	v3 =	vadd.s32 v3, v0;
	v18 =	vmul.f32 v9, v1;
	v9 =	vmax.f32 v11, $0.0e+00  }
0x31e: {  	v11 =	vld.idx.msk [tilespmem:v7+s14+$0x0], $0xffff;
	v7 =	vmin.f32 v9, $1.701000020e+01;
	v6 =	vmax.f32 v6, $0.0e+00  }
0x31f: {  	v20 =	vsub.f32 v12, v2;
	v21 =	vtrunc.f32 v7;
	v6 =	vmin.f32 v6, $1.701000020e+01  }
0x320: {  	v9 =	vld [tilespmem:s25+$0x20];
	v13 =	vmul.f32 v13, v14;
	v6 =	vtrunc.f32 v6  }
0x321: {  	v7 =	vld [tilespmem:s25+$0x30];
	v14 =	vmax.f32 v18, $0.0e+00;
	v18 =	vmul.f32 v20, v1;
	v20 =	vcvt.f32.s32 v21  }
0x322: {  	v8 =	vmul.f32 v17, v8;
	v6 =	vcvt.f32.s32 v6;
	v21 =	vld.idx.msk [tilespmem:v3+s15+$0x0], $0xffff;
	v10 =	vadd.f32 v13, v10  }
0x323: {  	s6 =	sadd.s32 $0x3C00, s8;
	v17 =	vsub.f32 v19, v2;
	v13 =	vmin.f32 v14, $1.701000020e+01;
	v14 =	vmax.f32 v18, $0.0e+00;
	v3 =	vld.idx.msk [tilespmem:v3+s14+$0x0], $0xffff  }
0x324: {  	s3 =	sor.u32 s13, s6;
	v18 =	vadd.s32 v20, v0;
	v6 =	vadd.s32 v6, v0;
	v14 =	vmin.f32 v14, $1.701000020e+01;
	[tilespmem:s12+$0x7070] =	vst v10;
	v10 =	vld [tilespmem:s20+$0x20]  }
0x325: {  	v11 =	vadd.f32 v8, v11;
	v17 =	vmul.f32 v17, v1;
	v14 =	vtrunc.f32 v14;
	v20 =	vld [tilespmem:s3+$0x0]  }
0x326: {  	v13 =	vtrunc.f32 v13;
	v22 =	vsub.f32 v9, v2;
	v14 =	vcvt.f32.s32 v14  }
0x327: {  	v8 =	vld [tilespmem:s25+$0x40];
	v13 =	vcvt.f32.s32 v13;
	v23 =	vsub.f32 v7, v2;
	v17 =	vmax.f32 v17, $0.0e+00  }
0x328: {  	v17 =	vmin.f32 v17, $1.701000020e+01;
	v15 =	vmul.f32 v21, v15;
	v14 =	vadd.s32 v14, v0  }
0x329: {  	v17 =	vtrunc.f32 v17;
	v21 =	vmul.f32 v22, v1;
	v22 =	vld.idx.msk [tilespmem:v6+s15+$0x0], $0xffff;
	v24 =	vsub.f32 v10, v2  }
0x32a: {  	v23 =	vmul.f32 v23, v1;
	v15 =	vadd.f32 v15, v3;
	v25 =	vsub.f32 v20, v2  }
0x32b: {  	v17 =	vcvt.f32.s32 v17;
	v6 =	vld.idx.msk [tilespmem:v6+s14+$0x0], $0xffff;
	v24 =	vmul.f32 v24, v1  }
0x32c: {  	v26 =	vsub.f32 v8, v2;
	v23 =	vmax.f32 v23, $0.0e+00;
	v3 =	vld [tilespmem:s25+$0x50];
	[tilespmem:s20+$0x7000] =	vst v15;
	v15 =	vmul.f32 v25, v1  }
0x32d: {  	v21 =	vmax.f32 v21, $0.0e+00;
	v17 =	vadd.s32 v17, v0;
	v25 =	vld.idx.msk [tilespmem:v14+s15+$0x0], $0xffff;
	v24 =	vmax.f32 v24, $0.0e+00  }
0x32e: {  	v14 =	vld.idx.msk [tilespmem:v14+s14+$0x0], $0xffff;
	v16 =	vmul.f32 v22, v16;
	v22 =	vmin.f32 v24, $1.701000020e+01;
	v15 =	vmax.f32 v15, $0.0e+00  }
0x32f: {  	v21 =	vmin.f32 v21, $1.701000020e+01;
	v24 =	vld [tilespmem:s20+$0x30];
	v22 =	vtrunc.f32 v22;
	v15 =	vmin.f32 v15, $1.701000020e+01  }
0x330: {  	[tilespmem:s19+$0x7050] =	vst v11;
	v11 =	vadd.f32 v16, v6;
	v16 =	vcvt.f32.s32 v22;
	v6 =	vtrunc.f32 v15;
	v15 =	vld [tilespmem:s3+$0x10]  }
0x331: {  	v26 =	vmul.f32 v26, v1;
	v23 =	vmin.f32 v23, $1.701000020e+01;
	v21 =	vtrunc.f32 v21;
	v22 =	vld.idx.msk [tilespmem:v18+s15+$0x0], $0xffff  }
0x332: {  	v18 =	vld.idx.msk [tilespmem:v18+s14+$0x0], $0xffff;
	v27 =	vcvt.f32.s32 v6;
	[tilespmem:s25+$0x7000] =	vst v11;
	v11 =	vmul.f32 v25, v12;
	v12 =	vadd.s32 v16, v0  }
0x333: {  	v23 =	vtrunc.f32 v23;
	v26 =	vmax.f32 v26, $0.0e+00;
	v21 =	vcvt.f32.s32 v21;
	v25 =	vld.idx.msk [tilespmem:v17+s15+$0x0], $0xffff  }
0x334: {  	v6 =	vld [tilespmem:s25+$0x60];
	v27 =	vadd.s32 v27, v0;
	v11 =	vadd.f32 v11, v14;
	v14 =	vsub.f32 v24, v2  }
0x335: {  	v23 =	vcvt.f32.s32 v23;
	v16 =	vadd.s32 v21, v0;
	v21 =	vsub.f32 v3, v2;
	v17 =	vld.idx.msk [tilespmem:v17+s14+$0x0], $0xffff  }
0x336: {  	v26 =	vmin.f32 v26, $1.701000020e+01;
	v28 =	vsub.f32 v15, v2;
	[tilespmem:s20+$0x7010] =	vst v11;
	v11 =	vmul.f32 v14, v1;
	v14 =	vld [tilespmem:s20+$0x40]  }
0x337: {  	v13 =	vadd.s32 v13, v0;
	v26 =	vtrunc.f32 v26;
	v21 =	vmul.f32 v21, v1;
	v29 =	vld.idx.msk [tilespmem:v12+s15+$0x0], $0xffff  }
0x338: {  	v28 =	vmul.f32 v28, v1;
	v19 =	vmul.f32 v25, v19;
	v11 =	vmax.f32 v11, $0.0e+00;
	v12 =	vld.idx.msk [tilespmem:v12+s14+$0x0], $0xffff  }
0x339: {  	v22 =	vmul.f32 v22, v4;
	v21 =	vmax.f32 v21, $0.0e+00;
	v25 =	vld.idx.msk [tilespmem:v27+s15+$0x0], $0xffff;
	v4 =	vmin.f32 v11, $1.701000020e+01  }
0x33a: {  	v11 =	vmax.f32 v28, $0.0e+00;
	v17 =	vadd.f32 v19, v17;
	v4 =	vtrunc.f32 v4;
	v19 =	vld.idx.msk [tilespmem:v27+s14+$0x0], $0xffff  }
0x33b: {  	v18 =	vadd.f32 v22, v18;
	v28 =	vld [tilespmem:s3+$0x20];
	v11 =	vmin.f32 v11, $1.701000020e+01;
	v27 =	vcvt.f32.s32 v4  }
0x33c: {  	v21 =	vmin.f32 v21, $1.701000020e+01;
	v4 =	vld [tilespmem:s25+$0x70];
	v11 =	vtrunc.f32 v11;
	[tilespmem:s25+$0x7010] =	vst v17;
	v17 =	vadd.s32 v23, v0  }
0x33d: {  	[tilespmem:s19+$0x7060] =	vst v18;
	v11 =	vcvt.f32.s32 v11;
	v22 =	vld.idx.msk [tilespmem:v16+s15+$0x0], $0xffff;
	v10 =	vmul.f32 v29, v10;
	v23 =	vadd.s32 v27, v0  }
0x33e: {  	v21 =	vtrunc.f32 v21;
	v18 =	vmul.f32 v25, v20;
	v25 =	vld.idx.msk [tilespmem:v13+s15+$0x0], $0xffff  }
0x33f: {  	v16 =	vld.idx.msk [tilespmem:v16+s14+$0x0], $0xffff;
	v11 =	vadd.s32 v11, v0;
	v10 =	vadd.f32 v10, v12;
	v12 =	vsub.f32 v14, v2  }
0x340: {  	v26 =	vcvt.f32.s32 v26;
	v21 =	vcvt.f32.s32 v21;
	v13 =	vld.idx.msk [tilespmem:v13+s14+$0x0], $0xffff  }
0x341: {  	v27 =	vld [tilespmem:s20+$0x50];
	v18 =	vadd.f32 v18, v19;
	v19 =	vsub.f32 v28, v2;
	[tilespmem:s20+$0x7020] =	vst v10;
	v10 =	vmul.f32 v12, v1  }
0x342: {  	v20 =	vadd.s32 v26, v0;
	v26 =	vsub.f32 v6, v2;
	v9 =	vmul.f32 v22, v9;
	v12 =	vld.idx.msk [tilespmem:v23+s15+$0x0], $0xffff  }
0x343: {  	[tilespmem:s3+$0x7000] =	vst v18;
	v18 =	vmul.f32 v19, v1;
	v10 =	vmax.f32 v10, $0.0e+00;
	v5 =	vmul.f32 v25, v5;
	v25 =	vld [tilespmem:s20+$0x60]  }
0x344: {  	v19 =	vsub.f32 v4, v2;
	v22 =	vmul.f32 v26, v1;
	v26 =	vld.idx.msk [tilespmem:v11+s15+$0x0], $0xffff;
	v10 =	vmin.f32 v10, $1.701000020e+01  }
0x345: {  	v9 =	vadd.f32 v9, v16;
	v16 =	vld.idx.msk [tilespmem:v23+s14+$0x0], $0xffff;
	v18 =	vmax.f32 v18, $0.0e+00;
	v10 =	vtrunc.f32 v10  }
0x346: {  	v23 =	vld.idx.msk [tilespmem:v11+s14+$0x0], $0xffff;
	v11 =	vmin.f32 v18, $1.701000020e+01;
	v18 =	vadd.s32 v21, v0;
	v5 =	vadd.f32 v5, v13  }
0x347: {  	v21 =	vld [tilespmem:s3+$0x30];
	[tilespmem:s25+$0x7020] =	vst v9;
	v9 =	vcvt.f32.s32 v10;
	v10 =	vtrunc.f32 v11;
	v11 =	vmax.f32 v22, $0.0e+00  }
0x348: {  	v22 =	vld.idx.msk [tilespmem:v17+s15+$0x0], $0xffff;
	v10 =	vcvt.f32.s32 v10;
	v11 =	vmin.f32 v11, $1.701000020e+01;
	v12 =	vmul.f32 v12, v24  }
0x349: {  	s5 =	simm.s32 $0x400;
	s6 =	sor.u32 s4, s6;
	s4 =	simm.s32 $0x200;
	v13 =	vld.idx.msk [tilespmem:v17+s14+$0x0], $0xffff;
	v17 =	vmul.f32 v19, v1;
	v9 =	vadd.s32 v9, v0;
	v19 =	vtrunc.f32 v11  }
0x34a: {  	s8 =	sand.u32 $0x3800, s5;
	s4 =	sand.u32 $0x300, s4;
	[tilespmem:s19+$0x7070] =	vst v5;
	v5 =	vmul.f32 v26, v15;
	v10 =	vadd.s32 v10, v0;
	v15 =	vsub.f32 v27, v2  }
0x34b: {  	s22 =	sadd.s32 $0x3800, s8;
	s13 =	sor.u32 $0x80, s4;
	v24 =	vsub.f32 v25, v2;
	v12 =	vadd.f32 v12, v16;
	v16 =	vld [tilespmem:s6+$0x0];
	v19 =	vcvt.f32.s32 v19  }
0x34c: {  	s19 =	sor.u32 s13, s22;
	v11 =	vld [tilespmem:s6+$0x10];
	v5 =	vadd.f32 v5, v23;
	v23 =	vsub.f32 v21, v2;
	v15 =	vmul.f32 v15, v1  }
0x34d: {  	v30 =	vld [tilespmem:s19+$0x0];
	v17 =	vmax.f32 v17, $0.0e+00;
	v24 =	vmul.f32 v24, v1;
	[tilespmem:s20+$0x7030] =	vst v12;
	v7 =	vmul.f32 v22, v7  }
0x34e: {  	v12 =	vmin.f32 v17, $1.701000020e+01;
	v22 =	vld.idx.msk [tilespmem:v9+s15+$0x0], $0xffff;
	[tilespmem:s3+$0x7010] =	vst v5;
	v5 =	vmul.f32 v23, v1;
	v15 =	vmax.f32 v15, $0.0e+00  }
0x34f: {  	v17 =	vadd.s32 v19, v0;
	v23 =	vld.idx.msk [tilespmem:v10+s15+$0x0], $0xffff;
	v7 =	vadd.f32 v7, v13;
	v13 =	vmin.f32 v15, $1.701000020e+01  }
0x350: {  	v9 =	vld.idx.msk [tilespmem:v9+s14+$0x0], $0xffff;
	v15 =	vsub.f32 v16, v2;
	v5 =	vmax.f32 v5, $0.0e+00;
	v13 =	vtrunc.f32 v13  }
0x351: {  	v26 =	vld [tilespmem:s3+$0x40];
	v12 =	vtrunc.f32 v12;
	v5 =	vmin.f32 v5, $1.701000020e+01;
	v13 =	vcvt.f32.s32 v13  }
0x352: {  	v10 =	vld.idx.msk [tilespmem:v10+s14+$0x0], $0xffff;
	[tilespmem:s25+$0x7030] =	vst v7;
	v7 =	vmul.f32 v15, v1;
	v15 =	vsub.f32 v11, v2;
	v5 =	vtrunc.f32 v5  }
0x353: {  	v19 =	vld.idx.msk [tilespmem:v20+s15+$0x0], $0xffff;
	v5 =	vcvt.f32.s32 v5;
	v14 =	vmul.f32 v22, v14;
	v13 =	vadd.s32 v13, v0  }
0x354: {  	v20 =	vld.idx.msk [tilespmem:v20+s14+$0x0], $0xffff;
	v7 =	vmax.f32 v7, $0.0e+00;
	v15 =	vmul.f32 v15, v1;
	v22 =	vmul.f32 v23, v28  }
0x355: {  	v7 =	vmin.f32 v7, $1.701000020e+01;
	v23 =	vadd.s32 v5, v0;
	v5 =	vld [tilespmem:s6+$0x20];
	v9 =	vadd.f32 v14, v9  }
0x356: {  	v12 =	vcvt.f32.s32 v12;
	v14 =	vtrunc.f32 v7;
	v7 =	vld [tilespmem:s6+$0x30]  }
0x357: {  	v15 =	vmax.f32 v15, $0.0e+00;
	v10 =	vadd.f32 v22, v10;
	v22 =	vsub.f32 v26, v2;
	[tilespmem:s20+$0x7040] =	vst v9;
	v9 =	vld [tilespmem:s20+$0x70]  }
0x358: {  	v14 =	vcvt.f32.s32 v14;
	v15 =	vmin.f32 v15, $1.701000020e+01;
	v8 =	vmul.f32 v19, v8;
	v19 =	vld.idx.msk [tilespmem:v13+s15+$0x0], $0xffff  }
0x359: {  	v15 =	vtrunc.f32 v15;
	[tilespmem:s3+$0x7020] =	vst v10;
	v10 =	vmul.f32 v22, v1;
	v22 =	vmax.f32 v24, $0.0e+00;
	v13 =	vld.idx.msk [tilespmem:v13+s14+$0x0], $0xffff  }
0x35a: {  	v14 =	vadd.s32 v14, v0;
	v22 =	vmin.f32 v22, $1.701000020e+01;
	v8 =	vadd.f32 v8, v20;
	v24 =	vld.idx.msk [tilespmem:v23+s15+$0x0], $0xffff  }
0x35b: {  	v10 =	vmax.f32 v10, $0.0e+00;
	v20 =	vtrunc.f32 v22;
	v22 =	vld.idx.msk [tilespmem:v23+s14+$0x0], $0xffff;
	v23 =	vsub.f32 v5, v2  }
0x35c: {  	v28 =	vld [tilespmem:s3+$0x50];
	v15 =	vcvt.f32.s32 v15;
	v10 =	vmin.f32 v10, $1.701000020e+01;
	v20 =	vcvt.f32.s32 v20  }
0x35d: {  	v31 =	vld [tilespmem:s19+$0x10];
	[tilespmem:s25+$0x7040] =	vst v8;
	v8 =	vsub.f32 v7, v2;
	v10 =	vtrunc.f32 v10;
	v23 =	vmul.f32 v23, v1  }
0x35e: {  	v29 =	vld.idx.msk [tilespmem:v18+s15+$0x0], $0xffff;
	v10 =	vcvt.f32.s32 v10;
	v19 =	vmul.f32 v19, v27  }
0x35f: {  	v49 =	vld [tilespmem:s19+$0x30];
	v27 =	vadd.s32 v20, v0;
	v8 =	vmul.f32 v8, v1;
	v23 =	vmax.f32 v23, $0.0e+00  }
0x360: {  	v18 =	vld.idx.msk [tilespmem:v18+s14+$0x0], $0xffff;
	v20 =	vmul.f32 v24, v21;
	v21 =	vsub.f32 v9, v2;
	v13 =	vadd.f32 v19, v13  }
0x361: {  	v10 =	vadd.s32 v10, v0;
	v24 =	vld.idx.msk [tilespmem:v14+s15+$0x0], $0xffff;
	v19 =	vmin.f32 v23, $1.701000020e+01;
	v23 =	vsub.f32 v28, v2  }
0x362: {  	s5 =	sor.u32 s4, s22;
	v60 =	vsub.f32 v31, v2;
	v14 =	vld.idx.msk [tilespmem:v14+s14+$0x0], $0xffff;
	v21 =	vmul.f32 v21, v1;
	[tilespmem:s20+$0x7050] =	vst v13;
	v13 =	vtrunc.f32 v19  }
0x363: {  	v22 =	vadd.f32 v20, v22;
	v3 =	vmul.f32 v29, v3;
	v19 =	vmul.f32 v23, v1;
	v23 =	vld [tilespmem:s5+$0x0]  }
0x364: {  	v54 =	vsub.f32 v49, v2;
	v20 =	vadd.s32 v15, v0;
	v15 =	vld.idx.msk [tilespmem:v27+s15+$0x0], $0xffff;
	v21 =	vmax.f32 v21, $0.0e+00  }
0x365: {  	v8 =	vmax.f32 v8, $0.0e+00;
	[tilespmem:s3+$0x7030] =	vst v22;
	v3 =	vadd.f32 v3, v18;
	v18 =	vld.idx.msk [tilespmem:v27+s14+$0x0], $0xffff;
	v21 =	vmin.f32 v21, $1.701000020e+01  }
0x366: {  	v19 =	vmax.f32 v19, $0.0e+00;
	v27 =	vsub.f32 v30, v2;
	v22 =	vld.idx.msk [tilespmem:v10+s15+$0x0], $0xffff;
	v21 =	vtrunc.f32 v21  }
0x367: {  	v19 =	vmin.f32 v19, $1.701000020e+01;
	v16 =	vmul.f32 v24, v16;
	v24 =	vld [tilespmem:s5+$0x10];
	v21 =	vcvt.f32.s32 v21  }
0x368: {  	v12 =	vadd.s32 v12, v0;
	v8 =	vmin.f32 v8, $1.701000020e+01;
	v10 =	vld.idx.msk [tilespmem:v10+s14+$0x0], $0xffff;
	v19 =	vtrunc.f32 v19  }
0x369: {  	v27 =	vmul.f32 v27, v1;
	[tilespmem:s25+$0x7050] =	vst v3;
	v15 =	vmul.f32 v15, v25;
	v25 =	vadd.s32 v21, v0  }
0x36a: {  	v8 =	vtrunc.f32 v8;
	v29 =	vadd.f32 v16, v14;
	v14 =	vcvt.f32.s32 v19;
	v46 =	vld.idx.msk [tilespmem:v17+s15+$0x0], $0xffff  }
0x36b: {  	v21 =	vld [tilespmem:s5+$0x20];
	v16 =	vmul.f32 v22, v26;
	v15 =	vadd.f32 v15, v18;
	v22 =	vmax.f32 v27, $0.0e+00  }
0x36c: {  	v13 =	vcvt.f32.s32 v13;
	[tilespmem:s6+$0x7000] =	vst v29;
	v18 =	vld [tilespmem:s5+$0x40];
	v26 =	vsub.f32 v23, v2;
	v22 =	vmin.f32 v22, $1.701000020e+01  }
0x36d: {  	v14 =	vadd.s32 v14, v0;
	v27 =	vsub.f32 v24, v2;
	v53 =	vld.idx.msk [tilespmem:v20+s15+$0x0], $0xffff;
	[tilespmem:s20+$0x7060] =	vst v15;
	v15 =	vtrunc.f32 v22  }
0x36e: {  	v10 =	vadd.f32 v16, v10;
	v16 =	vmul.f32 v26, v1;
	v15 =	vcvt.f32.s32 v15;
	v22 =	vld.idx.msk [tilespmem:v25+s15+$0x0], $0xffff  }
0x36f: {  	v8 =	vcvt.f32.s32 v8;
	v13 =	vadd.s32 v13, v0;
	v19 =	vld [tilespmem:s5+$0x30];
	v27 =	vmul.f32 v27, v1  }
0x370: {  	v17 =	vld.idx.msk [tilespmem:v17+s14+$0x0], $0xffff;
	v26 =	vsub.f32 v21, v2;
	v16 =	vmax.f32 v16, $0.0e+00;
	v15 =	vadd.s32 v15, v0  }
0x371: {  	v6 =	vmul.f32 v46, v6;
	v25 =	vld.idx.msk [tilespmem:v25+s14+$0x0], $0xffff;
	[tilespmem:s3+$0x7040] =	vst v10;
	v27 =	vmax.f32 v27, $0.0e+00;
	v16 =	vmin.f32 v16, $1.701000020e+01  }
0x372: {  	v58 =	vld.idx.msk [tilespmem:v14+s15+$0x0], $0xffff;
	v27 =	vmin.f32 v27, $1.701000020e+01;
	v11 =	vmul.f32 v53, v11;
	v10 =	vmul.f32 v26, v1  }
0x373: {  	v20 =	vld.idx.msk [tilespmem:v20+s14+$0x0], $0xffff;
	v26 =	vsub.f32 v18, v2;
	v59 =	vtrunc.f32 v16;
	v9 =	vmul.f32 v22, v9  }
0x374: {  	v57 =	vsub.f32 v19, v2;
	v16 =	vld [tilespmem:s5+$0x50];
	v22 =	vtrunc.f32 v27;
	v27 =	vmul.f32 v60, v1  }
0x375: {  	v34 =	vcvt.f32.s32 v59;
	v10 =	vmax.f32 v10, $0.0e+00;
	v26 =	vmul.f32 v26, v1;
	v61 =	vld.idx.msk [tilespmem:v15+s15+$0x0], $0xffff  }
0x376: {  	v22 =	vcvt.f32.s32 v22;
	v62 =	vld.idx.msk [tilespmem:v15+s14+$0x0], $0xffff;
	v9 =	vadd.f32 v9, v25;
	v27 =	vmax.f32 v27, $0.0e+00  }
0x377: {  	s18 =	sadd.s32 $0x3C00, s23;
	v15 =	vmul.f32 v58, v28;
	v28 =	vld [tilespmem:s19+$0x20];
	v25 =	vadd.s32 v34, v0;
	v27 =	vmin.f32 v27, $1.701000020e+01  }
0x378: {  	s7 =	sor.u32 s24, s18;
	v14 =	vld.idx.msk [tilespmem:v14+s14+$0x0], $0xffff;
	v10 =	vmin.f32 v10, $1.701000020e+01;
	v63 =	vadd.s32 v22, v0;
	[tilespmem:s20+$0x7070] =	vst v9;
	v22 =	vtrunc.f32 v27  }
0x379: {  	v6 =	vadd.f32 v6, v17;
	v10 =	vtrunc.f32 v10;
	v27 =	vld [tilespmem:s7+$0x0];
	v22 =	vcvt.f32.s32 v22  }
0x37a: {  	v11 =	vadd.f32 v11, v20;
	v26 =	vmax.f32 v26, $0.0e+00;
	v10 =	vcvt.f32.s32 v10  }
0x37b: {  	v9 =	vmul.f32 v57, v1;
	v30 =	vmul.f32 v61, v30;
	v22 =	vadd.s32 v22, v0  }
0x37c: {  	v40 =	vsub.f32 v16, v2;
	v3 =	vmin.f32 v26, $1.701000020e+01;
	v43 =	vsub.f32 v28, v2;
	v41 =	vld.idx.msk [tilespmem:v25+s15+$0x0], $0xffff  }
0x37d: {  	v14 =	vadd.f32 v15, v14;
	v15 =	vld [tilespmem:s6+$0x40];
	v9 =	vmax.f32 v9, $0.0e+00;
	v30 =	vadd.f32 v30, v62  }
0x37e: {  	v42 =	vmin.f32 v9, $1.701000020e+01;
	v25 =	vld.idx.msk [tilespmem:v25+s14+$0x0], $0xffff;
	v45 =	vmul.f32 v43, v1;
	v44 =	vsub.f32 v27, v2  }
0x37f: {  	v32 =	vadd.s32 v10, v0;
	v10 =	vld [tilespmem:s5+$0x60];
	v36 =	vmul.f32 v40, v1;
	v37 =	vtrunc.f32 v42;
	[tilespmem:s19+$0x7000] =	vst v30  }
0x380: {  	v26 =	vcvt.f32.s32 v37;
	v37 =	vmax.f32 v45, $0.0e+00;
	v30 =	vmul.f32 v44, v1;
	v47 =	vld.idx.msk [tilespmem:v22+s15+$0x0], $0xffff  }
0x381: {  	[tilespmem:s25+$0x7060] =	vst v6;
	v3 =	vtrunc.f32 v3;
	v23 =	vmul.f32 v41, v23;
	v48 =	vld.idx.msk [tilespmem:v22+s14+$0x0], $0xffff;
	v22 =	vmin.f32 v37, $1.701000020e+01  }
0x382: {  	v40 =	vld.idx.msk [tilespmem:v12+s15+$0x0], $0xffff;
	v36 =	vmax.f32 v36, $0.0e+00;
	v22 =	vtrunc.f32 v22;
	v30 =	vmax.f32 v30, $0.0e+00  }
0x383: {  	v9 =	vld [tilespmem:s5+$0x70];
	v25 =	vadd.f32 v23, v25;
	v22 =	vcvt.f32.s32 v22;
	v30 =	vmin.f32 v30, $1.701000020e+01  }
0x384: {  	v36 =	vmin.f32 v36, $1.701000020e+01;
	v50 =	vsub.f32 v10, v2;
	v29 =	vtrunc.f32 v30;
	v30 =	vld [tilespmem:s7+$0x10]  }
0x385: {  	[tilespmem:s5+$0x7000] =	vst v25;
	v29 =	vcvt.f32.s32 v29;
	v25 =	vmul.f32 v47, v31;
	v31 =	vadd.s32 v22, v0  }
0x386: {  	v3 =	vcvt.f32.s32 v3;
	v36 =	vtrunc.f32 v36;
	v55 =	vsub.f32 v15, v2;
	v52 =	vld.idx.msk [tilespmem:v63+s15+$0x0], $0xffff  }
0x387: {  	v58 =	vld [tilespmem:s19+$0x40];
	v34 =	vmul.f32 v50, v1;
	v29 =	vadd.s32 v29, v0;
	v25 =	vadd.f32 v25, v48  }
0x388: {  	v36 =	vcvt.f32.s32 v36;
	v4 =	vmul.f32 v40, v4;
	v51 =	vsub.f32 v9, v2;
	v33 =	vld.idx.msk [tilespmem:v63+s14+$0x0], $0xffff  }
0x389: {  	v62 =	vld [tilespmem:s7+$0x20];
	v34 =	vmax.f32 v34, $0.0e+00;
	v56 =	vsub.f32 v30, v2;
	[tilespmem:s19+$0x7010] =	vst v25;
	v25 =	vmul.f32 v54, v1  }
0x38a: {  	v23 =	vadd.s32 v3, v0;
	v39 =	vmul.f32 v51, v1;
	v34 =	vmin.f32 v34, $1.701000020e+01;
	v59 =	vld.idx.msk [tilespmem:v31+s15+$0x0], $0xffff  }
0x38b: {  	v44 =	vld.idx.msk [tilespmem:v12+s14+$0x0], $0xffff;
	v24 =	vmul.f32 v52, v24;
	v42 =	vmul.f32 v56, v1;
	v25 =	vmax.f32 v25, $0.0e+00  }
0x38c: {  	v34 =	vtrunc.f32 v34;
	v39 =	vmax.f32 v39, $0.0e+00;
	v60 =	vld.idx.msk [tilespmem:v29+s15+$0x0], $0xffff;
	v25 =	vmin.f32 v25, $1.701000020e+01  }
0x38d: {  	v31 =	vld.idx.msk [tilespmem:v31+s14+$0x0], $0xffff;
	v24 =	vadd.f32 v24, v33;
	v42 =	vmax.f32 v42, $0.0e+00;
	v25 =	vtrunc.f32 v25  }
0x38e: {  	v3 =	vld [tilespmem:s6+$0x50];
	v34 =	vcvt.f32.s32 v34;
	v61 =	vmin.f32 v42, $1.701000020e+01;
	v25 =	vcvt.f32.s32 v25  }
0x38f: {  	v29 =	vld.idx.msk [tilespmem:v29+s14+$0x0], $0xffff;
	[tilespmem:s5+$0x7010] =	vst v24;
	v24 =	vmin.f32 v39, $1.701000020e+01;
	v33 =	vtrunc.f32 v61;
	v28 =	vmul.f32 v59, v28  }
0x390: {  	v63 =	vld.idx.msk [tilespmem:v32+s15+$0x0], $0xffff;
	v24 =	vtrunc.f32 v24;
	v17 =	vcvt.f32.s32 v33;
	v25 =	vadd.s32 v25, v0  }
0x391: {  	[tilespmem:s6+$0x7010] =	vst v11;
	v53 =	vld [tilespmem:s7+$0x40];
	v26 =	vadd.s32 v26, v0;
	v24 =	vcvt.f32.s32 v24;
	v27 =	vmul.f32 v60, v27  }
0x392: {  	v32 =	vld.idx.msk [tilespmem:v32+s14+$0x0], $0xffff;
	v28 =	vadd.f32 v28, v31;
	v31 =	vsub.f32 v58, v2;
	v17 =	vadd.s32 v17, v0  }
0x393: {  	v22 =	vadd.s32 v36, v0;
	v57 =	vsub.f32 v3, v2;
	v54 =	vld.idx.msk [tilespmem:v13+s15+$0x0], $0xffff;
	v12 =	vadd.s32 v24, v0  }
0x394: {  	v27 =	vadd.f32 v27, v29;
	v29 =	vsub.f32 v62, v2;
	[tilespmem:s19+$0x7020] =	vst v28;
	v24 =	vmul.f32 v31, v1;
	v28 =	vld [tilespmem:s19+$0x50]  }
0x395: {  	v4 =	vadd.f32 v4, v44;
	v6 =	vadd.s32 v34, v0;
	v21 =	vmul.f32 v63, v21;
	v31 =	vld.idx.msk [tilespmem:v25+s15+$0x0], $0xffff  }
0x396: {  	v46 =	vmul.f32 v57, v1;
	[tilespmem:s7+$0x7000] =	vst v27;
	v27 =	vmul.f32 v29, v1;
	v20 =	vmax.f32 v24, $0.0e+00;
	v25 =	vld.idx.msk [tilespmem:v25+s14+$0x0], $0xffff  }
0x397: {  	v29 =	vmul.f32 v55, v1;
	v21 =	vadd.f32 v21, v32;
	v20 =	vmin.f32 v20, $1.701000020e+01;
	v24 =	vld.idx.msk [tilespmem:v17+s15+$0x0], $0xffff  }
0x398: {  	v57 =	vsub.f32 v53, v2;
	v27 =	vmax.f32 v27, $0.0e+00;
	v20 =	vtrunc.f32 v20;
	v45 =	vld.idx.msk [tilespmem:v17+s14+$0x0], $0xffff  }
0x399: {  	v17 =	vmin.f32 v27, $1.701000020e+01;
	v27 =	vmax.f32 v29, $0.0e+00;
	[tilespmem:s5+$0x7020] =	vst v21;
	v20 =	vcvt.f32.s32 v20;
	v29 =	vld [tilespmem:s7+$0x30]  }
0x39a: {  	v5 =	vmul.f32 v54, v5;
	v17 =	vtrunc.f32 v17;
	v21 =	vmin.f32 v27, $1.701000020e+01;
	v27 =	vld.idx.msk [tilespmem:v26+s15+$0x0], $0xffff  }
0x39b: {  	v17 =	vcvt.f32.s32 v17;
	v31 =	vmul.f32 v31, v49;
	v47 =	vadd.s32 v20, v0  }
0x39c: {  	s0 =	sor.u32 s0, s18;
	[tilespmem:s25+$0x7070] =	vst v4;
	v26 =	vld.idx.msk [tilespmem:v26+s14+$0x0], $0xffff;
	v20 =	vsub.f32 v28, v2;
	v21 =	vtrunc.f32 v21;
	v4 =	vmul.f32 v24, v30  }
0x39d: {  	v24 =	vadd.s32 v17, v0;
	v30 =	vmax.f32 v46, $0.0e+00;
	v25 =	vadd.f32 v31, v25;
	v31 =	vld [tilespmem:s0+$0x0]  }
0x39e: {  	v49 =	vmul.f32 v20, v1;
	v20 =	vld [tilespmem:s19+$0x60];
	v48 =	vsub.f32 v29, v2;
	v30 =	vmin.f32 v30, $1.701000020e+01  }
0x39f: {  	s23 =	simm.s32 $0x300;
	s24 =	simm.s32 $0x600;
	v17 =	vld [tilespmem:s0+$0x10];
	v4 =	vadd.f32 v4, v45;
	[tilespmem:s19+$0x7030] =	vst v25;
	v19 =	vmul.f32 v27, v19;
	v25 =	vtrunc.f32 v30  }
0x3a0: {  	s31 =	sand.u32 $0x300, s23;
	s18 =	sand.u32 $0x3800, s24;
	v21 =	vcvt.f32.s32 v21;
	v30 =	vmax.f32 v49, $0.0e+00;
	v27 =	vld.idx.msk [tilespmem:v47+s15+$0x0], $0xffff;
	v25 =	vcvt.f32.s32 v25  }
0x3a1: {  	s20 =	sor.u32 $0x80, s31;
	s25 =	sadd.s32 $0x3800, s18;
	[tilespmem:s7+$0x7010] =	vst v4;
	v4 =	vmul.f32 v48, v1;
	v26 =	vadd.f32 v19, v26;
	v19 =	vmin.f32 v30, $1.701000020e+01;
	v30 =	vld.idx.msk [tilespmem:v47+s14+$0x0], $0xffff  }
0x3a2: {  	s22 =	sor.u32 s20, s25;
	v50 =	vld.idx.msk [tilespmem:v24+s15+$0x0], $0xffff;
	v51 =	vtrunc.f32 v19;
	v52 =	vsub.f32 v31, v2;
	v19 =	vadd.s32 v21, v0  }
0x3a3: {  	v34 =	vld [tilespmem:s22+$0x10];
	v56 =	vsub.f32 v20, v2;
	v4 =	vmax.f32 v4, $0.0e+00;
	v33 =	vcvt.f32.s32 v51  }
0x3a4: {  	v24 =	vld.idx.msk [tilespmem:v24+s14+$0x0], $0xffff;
	[tilespmem:s5+$0x7030] =	vst v26;
	v21 =	vmin.f32 v4, $1.701000020e+01;
	v4 =	vadd.s32 v25, v0;
	v25 =	vmul.f32 v52, v1  }
0x3a5: {  	v11 =	vsub.f32 v17, v2;
	v26 =	vld.idx.msk [tilespmem:v23+s15+$0x0], $0xffff;
	v21 =	vtrunc.f32 v21;
	v27 =	vmul.f32 v27, v58  }
0x3a6: {  	v13 =	vld.idx.msk [tilespmem:v13+s14+$0x0], $0xffff;
	v37 =	vmul.f32 v56, v1;
	v33 =	vadd.s32 v33, v0;
	v21 =	vcvt.f32.s32 v21  }
0x3a7: {  	v23 =	vld.idx.msk [tilespmem:v23+s14+$0x0], $0xffff;
	v25 =	vmax.f32 v25, $0.0e+00;
	v32 =	vmul.f32 v50, v62;
	v27 =	vadd.f32 v27, v30  }
0x3a8: {  	v49 =	vld [tilespmem:s22+$0x0];
	v55 =	vadd.s32 v21, v0;
	v21 =	vmin.f32 v25, $1.701000020e+01;
	v25 =	vmul.f32 v11, v1  }
0x3a9: {  	v56 =	vsub.f32 v34, v2;
	v11 =	vld [tilespmem:s0+$0x20];
	v30 =	vtrunc.f32 v21;
	v24 =	vadd.f32 v32, v24  }
0x3aa: {  	v21 =	vld [tilespmem:s0+$0x30];
	[tilespmem:s19+$0x7040] =	vst v27;
	v18 =	vmul.f32 v26, v18;
	v27 =	vcvt.f32.s32 v30;
	v25 =	vmax.f32 v25, $0.0e+00  }
0x3ab: {  	v26 =	vld.idx.msk [tilespmem:v33+s15+$0x0], $0xffff;
	v30 =	vmax.f32 v37, $0.0e+00;
	v25 =	vmin.f32 v25, $1.701000020e+01;
	[tilespmem:s7+$0x7020] =	vst v24;
	v24 =	vmul.f32 v57, v1  }
0x3ac: {  	v18 =	vadd.f32 v18, v23;
	v23 =	vld.idx.msk [tilespmem:v33+s14+$0x0], $0xffff;
	v30 =	vmin.f32 v30, $1.701000020e+01;
	v27 =	vadd.s32 v27, v0  }
0x3ad: {  	v25 =	vtrunc.f32 v25;
	v30 =	vtrunc.f32 v30;
	v59 =	vld.idx.msk [tilespmem:v55+s15+$0x0], $0xffff;
	v24 =	vmax.f32 v24, $0.0e+00  }
0x3ae: {  	v58 =	vld [tilespmem:s19+$0x70];
	v25 =	vcvt.f32.s32 v25;
	v61 =	vsub.f32 v11, v2;
	v24 =	vmin.f32 v24, $1.701000020e+01  }
0x3af: {  	v62 =	vld [tilespmem:s7+$0x50];
	[tilespmem:s5+$0x7040] =	vst v18;
	v18 =	vcvt.f32.s32 v30;
	v45 =	vsub.f32 v21, v2;
	v30 =	vtrunc.f32 v24  }
0x3b0: {  	v60 =	vld.idx.msk [tilespmem:v55+s14+$0x0], $0xffff;
	v24 =	vadd.s32 v25, v0;
	v35 =	vmul.f32 v61, v1;
	v26 =	vmul.f32 v26, v28  }
0x3b1: {  	s25 =	sor.u32 s31, s25;
	v25 =	vld.idx.msk [tilespmem:v22+s15+$0x0], $0xffff;
	v18 =	vadd.s32 v18, v0;
	v30 =	vcvt.f32.s32 v30;
	v39 =	vmul.f32 v45, v1  }
0x3b2: {  	v32 =	vld [tilespmem:s25+$0x0];
	v46 =	vmax.f32 v35, $0.0e+00;
	v23 =	vadd.f32 v26, v23;
	v28 =	vmul.f32 v59, v29  }
0x3b3: {  	v22 =	vld.idx.msk [tilespmem:v22+s14+$0x0], $0xffff;
	v29 =	vadd.s32 v30, v0;
	v30 =	vsub.f32 v58, v2;
	v26 =	vmin.f32 v46, $1.701000020e+01  }
0x3b4: {  	v57 =	vmul.f32 v56, v1;
	v48 =	vsub.f32 v62, v2;
	v47 =	vld.idx.msk [tilespmem:v27+s15+$0x0], $0xffff;
	[tilespmem:s19+$0x7050] =	vst v23;
	v23 =	vtrunc.f32 v26  }
0x3b5: {  	v27 =	vld.idx.msk [tilespmem:v27+s14+$0x0], $0xffff;
	v26 =	vmax.f32 v39, $0.0e+00;
	v28 =	vadd.f32 v28, v60;
	v30 =	vmul.f32 v30, v1  }
0x3b6: {  	v16 =	vmul.f32 v25, v16;
	v63 =	vld.idx.msk [tilespmem:v18+s15+$0x0], $0xffff;
	v44 =	vmin.f32 v26, $1.701000020e+01;
	v25 =	vmul.f32 v48, v1  }
0x3b7: {  	v23 =	vcvt.f32.s32 v23;
	v18 =	vld.idx.msk [tilespmem:v18+s14+$0x0], $0xffff;
	v48 =	vadd.f32 v5, v13;
	[tilespmem:s7+$0x7030] =	vst v28;
	v26 =	vmax.f32 v30, $0.0e+00  }
0x3b8: {  	v22 =	vadd.f32 v16, v22;
	v16 =	vmax.f32 v25, $0.0e+00;
	v28 =	vld.idx.msk [tilespmem:v29+s15+$0x0], $0xffff;
	v26 =	vmin.f32 v26, $1.701000020e+01  }
0x3b9: {  	v30 =	vmin.f32 v16, $1.701000020e+01;
	v45 =	vld.idx.msk [tilespmem:v29+s14+$0x0], $0xffff;
	v29 =	vsub.f32 v49, v2;
	v25 =	vtrunc.f32 v26  }
0x3ba: {  	v16 =	vadd.s32 v23, v0;
	v26 =	vmul.f32 v47, v31;
	v31 =	vcvt.f32.s32 v25;
	v25 =	vld [tilespmem:s25+$0x10]  }
0x3bb: {  	v23 =	vtrunc.f32 v30;
	v47 =	vsub.f32 v32, v2;
	[tilespmem:s5+$0x7050] =	vst v22;
	v46 =	vmul.f32 v29, v1;
	v29 =	vld [tilespmem:s25+$0x30]  }
0x3bc: {  	v23 =	vcvt.f32.s32 v23;
	v20 =	vmul.f32 v63, v20;
	v63 =	vld.idx.msk [tilespmem:v6+s15+$0x0], $0xffff;
	v31 =	vadd.s32 v31, v0  }
0x3bd: {  	v30 =	vadd.f32 v26, v27;
	v26 =	vld [tilespmem:s25+$0x20];
	v27 =	vtrunc.f32 v44;
	v28 =	vmul.f32 v28, v53  }
0x3be: {  	v18 =	vadd.f32 v20, v18;
	v20 =	vcvt.f32.s32 v27;
	v35 =	vmax.f32 v46, $0.0e+00  }
0x3bf: {  	v23 =	vadd.s32 v23, v0;
	v27 =	vld [tilespmem:s25+$0x40];
	v13 =	vmin.f32 v35, $1.701000020e+01;
	[tilespmem:s0+$0x7000] =	vst v30;
	v5 =	vadd.f32 v28, v45  }
0x3c0: {  	[tilespmem:s19+$0x7060] =	vst v18;
	v18 =	vmul.f32 v47, v1;
	v35 =	vtrunc.f32 v13;
	v13 =	vadd.s32 v20, v0  }
0x3c1: {  	v28 =	vsub.f32 v25, v2;
	v51 =	vsub.f32 v29, v2;
	v50 =	vld.idx.msk [tilespmem:v31+s15+$0x0], $0xffff;
	[tilespmem:s7+$0x7040] =	vst v5;
	v5 =	vcvt.f32.s32 v35  }
0x3c2: {  	v46 =	vld.idx.msk [tilespmem:v24+s15+$0x0], $0xffff;
	v10 =	vmul.f32 v63, v10;
	v20 =	vsub.f32 v26, v2;
	v18 =	vmax.f32 v18, $0.0e+00  }
0x3c3: {  	v28 =	vmul.f32 v28, v1;
	v31 =	vld.idx.msk [tilespmem:v31+s14+$0x0], $0xffff;
	v18 =	vmin.f32 v18, $1.701000020e+01;
	v53 =	vadd.s32 v5, v0  }
0x3c4: {  	v54 =	vsub.f32 v27, v2;
	v35 =	vmul.f32 v51, v1;
	v52 =	vld.idx.msk [tilespmem:v23+s15+$0x0], $0xffff;
	v18 =	vtrunc.f32 v18  }
0x3c5: {  	v42 =	vld [tilespmem:s22+$0x20];
	v59 =	vmax.f32 v57, $0.0e+00;
	v20 =	vmul.f32 v20, v1;
	v55 =	vcvt.f32.s32 v18  }
0x3c6: {  	v23 =	vld.idx.msk [tilespmem:v23+s14+$0x0], $0xffff;
	v28 =	vmax.f32 v28, $0.0e+00;
	v61 =	vmul.f32 v54, v1;
	v36 =	vmul.f32 v50, v58  }
0x3c7: {  	v18 =	vld [tilespmem:s25+$0x50];
	v17 =	vmul.f32 v46, v17;
	v28 =	vmin.f32 v28, $1.701000020e+01;
	v20 =	vmax.f32 v20, $0.0e+00  }
0x3c8: {  	v28 =	vtrunc.f32 v28;
	v43 =	vadd.s32 v55, v0;
	v58 =	vld.idx.msk [tilespmem:v53+s15+$0x0], $0xffff;
	v31 =	vadd.f32 v36, v31  }
0x3c9: {  	s2 =	sadd.s32 $0x3C00, s8;
	v40 =	vld [tilespmem:s22+$0x30];
	v20 =	vmin.f32 v20, $1.701000020e+01;
	v37 =	vmul.f32 v52, v62;
	v36 =	vmin.f32 v59, $1.701000020e+01  }
0x3ca: {  	s8 =	sor.u32 s13, s2;
	v41 =	vmax.f32 v61, $0.0e+00;
	v28 =	vcvt.f32.s32 v28;
	v60 =	vld.idx.msk [tilespmem:v53+s14+$0x0], $0xffff;
	v36 =	vtrunc.f32 v36;
	[tilespmem:s19+$0x7070] =	vst v31  }
0x3cb: {  	v20 =	vtrunc.f32 v20;
	v23 =	vadd.f32 v37, v23;
	v36 =	vcvt.f32.s32 v36;
	v37 =	vld [tilespmem:s8+$0x0]  }
0x3cc: {  	v47 =	vld.idx.msk [tilespmem:v6+s14+$0x0], $0xffff;
	v41 =	vmin.f32 v41, $1.701000020e+01;
	v50 =	vsub.f32 v42, v2;
	v62 =	vsub.f32 v18, v2  }
0x3cd: {  	v6 =	vtrunc.f32 v41;
	v36 =	vadd.s32 v36, v0;
	v33 =	vmul.f32 v58, v49;
	v49 =	vld.idx.msk [tilespmem:v43+s15+$0x0], $0xffff  }
0x3ce: {  	v8 =	vadd.s32 v8, v0;
	v39 =	vld.idx.msk [tilespmem:v24+s14+$0x0], $0xffff;
	v31 =	vcvt.f32.s32 v20;
	v44 =	vmul.f32 v62, v1  }
0x3cf: {  	v6 =	vcvt.f32.s32 v6;
	v52 =	vmul.f32 v50, v1;
	v30 =	vld.idx.msk [tilespmem:v43+s14+$0x0], $0xffff;
	v33 =	vadd.f32 v33, v60  }
0x3d0: {  	v22 =	vld [tilespmem:s25+$0x70];
	v41 =	vadd.s32 v31, v0;
	v31 =	vmax.f32 v44, $0.0e+00;
	v51 =	vsub.f32 v37, v2  }
0x3d1: {  	v5 =	vld [tilespmem:s0+$0x40];
	v28 =	vadd.s32 v28, v0;
	v54 =	vmin.f32 v31, $1.701000020e+01;
	v31 =	vadd.s32 v6, v0;
	[tilespmem:s22+$0x7000] =	vst v33  }
0x3d2: {  	v6 =	vmax.f32 v52, $0.0e+00;
	v53 =	vmul.f32 v51, v1;
	v55 =	vld.idx.msk [tilespmem:v36+s15+$0x0], $0xffff;
	v32 =	vmul.f32 v49, v32  }
0x3d3: {  	v35 =	vmax.f32 v35, $0.0e+00;
	v17 =	vadd.f32 v17, v39;
	v39 =	vld [tilespmem:s22+$0x50];
	v6 =	vmin.f32 v6, $1.701000020e+01  }
0x3d4: {  	[tilespmem:s6+$0x7020] =	vst v48;
	v6 =	vtrunc.f32 v6;
	v36 =	vld.idx.msk [tilespmem:v36+s14+$0x0], $0xffff;
	v33 =	vmax.f32 v53, $0.0e+00;
	v30 =	vadd.f32 v32, v30  }
0x3d5: {  	v35 =	vmin.f32 v35, $1.701000020e+01;
	v50 =	vld.idx.msk [tilespmem:v8+s15+$0x0], $0xffff;
	v56 =	vcvt.f32.s32 v6;
	v33 =	vmin.f32 v33, $1.701000020e+01  }
0x3d6: {  	v35 =	vtrunc.f32 v35;
	v6 =	vtrunc.f32 v33;
	v33 =	vld [tilespmem:s8+$0x10];
	[tilespmem:s25+$0x7000] =	vst v30  }
0x3d7: {  	v32 =	vadd.s32 v56, v0;
	v57 =	vcvt.f32.s32 v6;
	v34 =	vmul.f32 v55, v34;
	v59 =	vld.idx.msk [tilespmem:v28+s15+$0x0], $0xffff  }
0x3d8: {  	v10 =	vadd.f32 v10, v47;
	v35 =	vcvt.f32.s32 v35;
	v8 =	vld.idx.msk [tilespmem:v8+s14+$0x0], $0xffff  }
0x3d9: {  	v60 =	vsub.f32 v40, v2;
	v28 =	vld.idx.msk [tilespmem:v28+s14+$0x0], $0xffff;
	v43 =	vadd.s32 v57, v0;
	v34 =	vadd.f32 v34, v36  }
0x3da: {  	v35 =	vadd.s32 v35, v0;
	v20 =	vld [tilespmem:s25+$0x60];
	v58 =	vsub.f32 v22, v2;
	v7 =	vmul.f32 v50, v7  }
0x3db: {  	v38 =	vtrunc.f32 v54;
	v63 =	vmul.f32 v60, v1;
	v36 =	vld [tilespmem:s22+$0x40];
	v62 =	vsub.f32 v33, v2;
	[tilespmem:s22+$0x7010] =	vst v34  }
0x3dc: {  	v44 =	vsub.f32 v5, v2;
	v38 =	vcvt.f32.s32 v38;
	v54 =	vld.idx.msk [tilespmem:v32+s15+$0x0], $0xffff;
	v25 =	vmul.f32 v59, v25  }
0x3dd: {  	v61 =	vmul.f32 v58, v1;
	v34 =	vmax.f32 v63, $0.0e+00;
	v32 =	vld.idx.msk [tilespmem:v32+s14+$0x0], $0xffff;
	v48 =	vmul.f32 v62, v1  }
0x3de: {  	v30 =	vadd.s32 v38, v0;
	v34 =	vmin.f32 v34, $1.701000020e+01;
	v55 =	vld.idx.msk [tilespmem:v43+s15+$0x0], $0xffff;
	v25 =	vadd.f32 v25, v28  }
0x3df: {  	v38 =	vmax.f32 v61, $0.0e+00;
	v28 =	vtrunc.f32 v34;
	v56 =	vld.idx.msk [tilespmem:v43+s14+$0x0], $0xffff;
	v48 =	vmax.f32 v48, $0.0e+00  }
0x3e0: {  	v38 =	vmin.f32 v38, $1.701000020e+01;
	v28 =	vcvt.f32.s32 v28;
	v57 =	vmin.f32 v48, $1.701000020e+01;
	v48 =	vld [tilespmem:s8+$0x20];
	[tilespmem:s25+$0x7010] =	vst v25  }
0x3e1: {  	[tilespmem:s5+$0x7060] =	vst v10;
	v24 =	vsub.f32 v20, v2;
	v38 =	vtrunc.f32 v38;
	v43 =	vtrunc.f32 v57;
	v58 =	vld.idx.msk [tilespmem:v41+s15+$0x0], $0xffff  }
0x3e2: {  	v61 =	vld.idx.msk [tilespmem:v12+s15+$0x0], $0xffff;
	v42 =	vmul.f32 v54, v42;
	v28 =	vadd.s32 v28, v0;
	v25 =	vcvt.f32.s32 v43  }
0x3e3: {  	v24 =	vmul.f32 v24, v1;
	v10 =	vcvt.f32.s32 v38;
	v62 =	vsub.f32 v36, v2;
	v59 =	vld.idx.msk [tilespmem:v41+s14+$0x0], $0xffff  }
0x3e4: {  	v6 =	vld [tilespmem:s0+$0x50];
	v37 =	vmul.f32 v55, v37;
	v32 =	vadd.f32 v42, v32;
	v60 =	vadd.s32 v25, v0  }
0x3e5: {  	v24 =	vmax.f32 v24, $0.0e+00;
	v49 =	vmul.f32 v62, v1;
	v25 =	vadd.s32 v10, v0;
	v10 =	vld.idx.msk [tilespmem:v12+s14+$0x0], $0xffff  }
0x3e6: {  	v41 =	vld [tilespmem:s8+$0x30];
	v12 =	vadd.f32 v37, v56;
	v63 =	vsub.f32 v48, v2;
	[tilespmem:s22+$0x7020] =	vst v32;
	v26 =	vmul.f32 v58, v26  }
0x3e7: {  	v47 =	vmul.f32 v44, v1;
	v24 =	vmin.f32 v24, $1.701000020e+01;
	v9 =	vmul.f32 v61, v9;
	v51 =	vld.idx.msk [tilespmem:v28+s15+$0x0], $0xffff  }
0x3e8: {  	v32 =	vmax.f32 v49, $0.0e+00;
	v54 =	vld.idx.msk [tilespmem:v28+s14+$0x0], $0xffff;
	[tilespmem:s8+$0x7000] =	vst v12;
	v12 =	vmul.f32 v63, v1;
	v26 =	vadd.f32 v26, v59  }
0x3e9: {  	v52 =	vmax.f32 v47, $0.0e+00;
	v24 =	vtrunc.f32 v24;
	v28 =	vmin.f32 v32, $1.701000020e+01;
	v53 =	vld.idx.msk [tilespmem:v60+s15+$0x0], $0xffff  }
0x3ea: {  	v28 =	vtrunc.f32 v28;
	v12 =	vmax.f32 v12, $0.0e+00;
	v55 =	vld.idx.msk [tilespmem:v60+s14+$0x0], $0xffff;
	v9 =	vadd.f32 v9, v10;
	[tilespmem:s25+$0x7020] =	vst v26  }
0x3eb: {  	v61 =	vsub.f32 v39, v2;
	v12 =	vmin.f32 v12, $1.701000020e+01;
	v26 =	vcvt.f32.s32 v28;
	v57 =	vld.idx.msk [tilespmem:v35+s15+$0x0], $0xffff  }
0x3ec: {  	s4 =	sor.u32 s4, s2;
	v45 =	vsub.f32 v6, v2;
	v34 =	vmin.f32 v52, $1.701000020e+01;
	v12 =	vtrunc.f32 v12;
	v58 =	vld.idx.msk [tilespmem:v35+s14+$0x0], $0xffff;
	[tilespmem:s5+$0x7070] =	vst v9  }
0x3ed: {  	v59 =	vmul.f32 v51, v40;
	v10 =	vcvt.f32.s32 v12;
	v60 =	vadd.s32 v26, v0;
	v35 =	vld [tilespmem:s4+$0x0]  }
0x3ee: {  	v56 =	vmul.f32 v45, v1;
	v28 =	vadd.f32 v7, v8;
	v12 =	vtrunc.f32 v34;
	v26 =	vld [tilespmem:s4+$0x10]  }
0x3ef: {  	v8 =	vadd.f32 v59, v54;
	v9 =	vmul.f32 v53, v33;
	v10 =	vadd.s32 v10, v0  }
0x3f0: {  	v24 =	vcvt.f32.s32 v24;
	v7 =	vmax.f32 v56, $0.0e+00;
	v63 =	vcvt.f32.s32 v12;
	v12 =	vld [tilespmem:s22+$0x60]  }
0x3f1: {  	v44 =	vld [tilespmem:s22+$0x70];
	v7 =	vmin.f32 v7, $1.701000020e+01;
	v33 =	vmul.f32 v61, v1;
	[tilespmem:s22+$0x7030] =	vst v8;
	v9 =	vadd.f32 v9, v55  }
0x3f2: {  	[tilespmem:s0+$0x7010] =	vst v17;
	v62 =	vsub.f32 v41, v2;
	v7 =	vtrunc.f32 v7;
	v8 =	vmul.f32 v57, v29;
	v29 =	vld.idx.msk [tilespmem:v60+s15+$0x0], $0xffff  }
0x3f3: {  	v45 =	vmax.f32 v33, $0.0e+00;
	v47 =	vld.idx.msk [tilespmem:v60+s14+$0x0], $0xffff;
	v50 =	vsub.f32 v35, v2;
	v17 =	vsub.f32 v26, v2;
	[tilespmem:s8+$0x7010] =	vst v9  }
0x3f4: {  	v9 =	vmul.f32 v62, v1;
	v34 =	vadd.f32 v8, v58;
	v8 =	vmin.f32 v45, $1.701000020e+01;
	v46 =	vld.idx.msk [tilespmem:v10+s15+$0x0], $0xffff  }
0x3f5: {  	v56 =	vsub.f32 v12, v2;
	v49 =	vtrunc.f32 v8;
	v51 =	vld.idx.msk [tilespmem:v10+s14+$0x0], $0xffff;
	v52 =	vmul.f32 v50, v1  }
0x3f6: {  	v17 =	vmul.f32 v17, v1;
	v50 =	vsub.f32 v44, v2;
	v9 =	vmax.f32 v9, $0.0e+00;
	[tilespmem:s25+$0x7030] =	vst v34;
	v34 =	vld [tilespmem:s8+$0x40]  }
0x3f7: {  	v10 =	vcvt.f32.s32 v49;
	v43 =	vmul.f32 v56, v1;
	v9 =	vmin.f32 v9, $1.701000020e+01;
	v53 =	vld.idx.msk [tilespmem:v31+s15+$0x0], $0xffff  }
0x3f8: {  	v31 =	vld.idx.msk [tilespmem:v31+s14+$0x0], $0xffff;
	v17 =	vmax.f32 v17, $0.0e+00;
	v40 =	vmul.f32 v50, v1;
	v9 =	vtrunc.f32 v9  }
0x3f9: {  	v29 =	vmul.f32 v29, v36;
	v36 =	vld.idx.msk [tilespmem:v16+s15+$0x0], $0xffff;
	v54 =	vadd.s32 v10, v0;
	v10 =	vmax.f32 v52, $0.0e+00  }
0x3fa: {  	v17 =	vmin.f32 v17, $1.701000020e+01;
	v61 =	vmax.f32 v43, $0.0e+00;
	v43 =	vld [tilespmem:s8+$0x50];
	v9 =	vcvt.f32.s32 v9  }
0x3fb: {  	s23 =	simm.s32 $0x800;
	s13 =	simm.s32 $0x400;
	v16 =	vld.idx.msk [tilespmem:v16+s14+$0x0], $0xffff;
	v17 =	vtrunc.f32 v17;
	v33 =	vmul.f32 v46, v48;
	v29 =	vadd.f32 v29, v47  }
0x3fc: {  	s12 =	sand.u32 $0x3800, s23;
	s11 =	sand.u32 $0x300, s13;
	v55 =	vadd.s32 v9, v0;
	v9 =	vmin.f32 v10, $1.701000020e+01;
	v10 =	vld [tilespmem:s4+$0x20];
	v58 =	vsub.f32 v34, v2  }
0x3fd: {  	s24 =	sadd.s32 $0x3800, s12;
	s23 =	sor.u32 $0x80, s11;
	v57 =	vtrunc.f32 v9;
	v9 =	vld [tilespmem:s4+$0x30];
	v33 =	vadd.f32 v33, v51;
	[tilespmem:s22+$0x7040] =	vst v29;
	v27 =	vmul.f32 v53, v27  }
0x3fe: {  	s13 =	sor.u32 s23, s24;
	v24 =	vadd.s32 v24, v0;
	v29 =	vcvt.f32.s32 v57;
	v59 =	vld.idx.msk [tilespmem:v54+s15+$0x0], $0xffff;
	v60 =	vmul.f32 v58, v1  }
0x3ff: {  	v57 =	vmax.f32 v40, $0.0e+00;
	v40 =	vld [tilespmem:s13+$0x10];
	[tilespmem:s8+$0x7020] =	vst v33;
	v27 =	vadd.f32 v27, v31;
	v33 =	vmin.f32 v61, $1.701000020e+01  }
0x400: {  	v31 =	vld.idx.msk [tilespmem:v54+s14+$0x0], $0xffff;
	v29 =	vadd.s32 v29, v0;
	v32 =	vmax.f32 v60, $0.0e+00;
	v33 =	vtrunc.f32 v33  }
0x401: {  	v17 =	vcvt.f32.s32 v17;
	v62 =	vld.idx.msk [tilespmem:v55+s15+$0x0], $0xffff;
	v32 =	vmin.f32 v32, $1.701000020e+01;
	[tilespmem:s25+$0x7040] =	vst v27;
	v27 =	vcvt.f32.s32 v33  }
0x402: {  	v8 =	vadd.s32 v63, v0;
	v38 =	vld.idx.msk [tilespmem:v55+s14+$0x0], $0xffff;
	v63 =	vsub.f32 v10, v2;
	v48 =	vtrunc.f32 v32  }
0x403: {  	v32 =	vadd.s32 v17, v0;
	v17 =	vld.idx.msk [tilespmem:v30+s15+$0x0], $0xffff;
	v39 =	vmul.f32 v59, v39;
	v27 =	vadd.s32 v27, v0  }
0x404: {  	v7 =	vcvt.f32.s32 v7;
	v54 =	vsub.f32 v43, v2;
	v30 =	vld.idx.msk [tilespmem:v30+s14+$0x0], $0xffff;
	v33 =	vcvt.f32.s32 v48  }
0x405: {  	v49 =	vsub.f32 v9, v2;
	v42 =	vmul.f32 v63, v1;
	v52 =	vld.idx.msk [tilespmem:v29+s15+$0x0], $0xffff;
	v31 =	vadd.f32 v39, v31  }
0x406: {  	v11 =	vmul.f32 v36, v11;
	v33 =	vadd.s32 v33, v0;
	v29 =	vld.idx.msk [tilespmem:v29+s14+$0x0], $0xffff;
	v37 =	vmul.f32 v62, v41  }
0x407: {  	v56 =	vmul.f32 v54, v1;
	v45 =	vmul.f32 v49, v1;
	v51 =	vmax.f32 v42, $0.0e+00;
	v41 =	vld [tilespmem:s13+$0x0];
	[tilespmem:s22+$0x7050] =	vst v31  }
0x408: {  	v53 =	vmin.f32 v51, $1.701000020e+01;
	v17 =	vmul.f32 v17, v18;
	v37 =	vadd.f32 v37, v38;
	v18 =	vld.idx.msk [tilespmem:v27+s15+$0x0], $0xffff  }
0x409: {  	s24 =	sor.u32 s11, s24;
	v59 =	vmin.f32 v57, $1.701000020e+01;
	v55 =	vmax.f32 v45, $0.0e+00;
	v31 =	vtrunc.f32 v53;
	v60 =	vld.idx.msk [tilespmem:v27+s14+$0x0], $0xffff  }
0x40a: {  	v39 =	vmin.f32 v55, $1.701000020e+01;
	v31 =	vcvt.f32.s32 v31;
	v27 =	vmax.f32 v56, $0.0e+00;
	[tilespmem:s8+$0x7030] =	vst v37;
	v37 =	vld [tilespmem:s24+$0x0]  }
0x40b: {  	v39 =	vtrunc.f32 v39;
	v17 =	vadd.f32 v17, v30;
	v30 =	vtrunc.f32 v59;
	v58 =	vld.idx.msk [tilespmem:v33+s15+$0x0], $0xffff  }
0x40c: {  	v61 =	vmin.f32 v27, $1.701000020e+01;
	v49 =	vcvt.f32.s32 v39;
	v62 =	vcvt.f32.s32 v30;
	v63 =	vld.idx.msk [tilespmem:v33+s14+$0x0], $0xffff  }
0x40d: {  	v27 =	vadd.s32 v31, v0;
	v30 =	vtrunc.f32 v61;
	v31 =	vsub.f32 v41, v2;
	v33 =	vld [tilespmem:s24+$0x10]  }
0x40e: {  	v42 =	vadd.f32 v11, v16;
	v35 =	vmul.f32 v52, v35;
	v48 =	vcvt.f32.s32 v30;
	v30 =	vld [tilespmem:s24+$0x20]  }
0x40f: {  	v47 =	vld [tilespmem:s13+$0x20];
	v12 =	vmul.f32 v18, v12;
	v18 =	vadd.s32 v62, v0;
	v31 =	vmul.f32 v31, v1  }
0x410: {  	v36 =	vadd.f32 v35, v29;
	v29 =	vld [tilespmem:s24+$0x30];
	v35 =	vadd.s32 v48, v0;
	v34 =	vmul.f32 v58, v34  }
0x411: {  	v12 =	vadd.f32 v12, v60;
	v50 =	vsub.f32 v37, v2;
	v51 =	vmax.f32 v31, $0.0e+00  }
0x412: {  	v60 =	vsub.f32 v40, v2;
	v16 =	vmin.f32 v51, $1.701000020e+01;
	v11 =	vadd.f32 v34, v63  }
0x413: {  	v31 =	vld [tilespmem:s24+$0x40];
	v52 =	vsub.f32 v33, v2;
	v53 =	vsub.f32 v30, v2;
	[tilespmem:s22+$0x7060] =	vst v12;
	v16 =	vtrunc.f32 v16  }
0x414: {  	v39 =	vmul.f32 v50, v1;
	v12 =	vadd.s32 v49, v0;
	v54 =	vld.idx.msk [tilespmem:v18+s15+$0x0], $0xffff;
	[tilespmem:s8+$0x7040] =	vst v11;
	v11 =	vcvt.f32.s32 v16  }
0x415: {  	[tilespmem:s25+$0x7050] =	vst v17;
	v17 =	vld [tilespmem:s24+$0x70];
	v50 =	vmul.f32 v60, v1;
	v60 =	vsub.f32 v47, v2;
	v34 =	vsub.f32 v29, v2  }
0x416: {  	v38 =	vmul.f32 v53, v1;
	v56 =	vld.idx.msk [tilespmem:v18+s14+$0x0], $0xffff;
	v39 =	vmax.f32 v39, $0.0e+00;
	v57 =	vadd.s32 v11, v0  }
0x417: {  	[tilespmem:s0+$0x7020] =	vst v42;
	v51 =	vmul.f32 v60, v1;
	v16 =	vmul.f32 v52, v1;
	v18 =	vmin.f32 v39, $1.701000020e+01;
	v55 =	vld.idx.msk [tilespmem:v35+s15+$0x0], $0xffff  }
0x418: {  	v53 =	vld.idx.msk [tilespmem:v13+s15+$0x0], $0xffff;
	v58 =	vsub.f32 v31, v2;
	v38 =	vmax.f32 v38, $0.0e+00;
	v34 =	vmul.f32 v34, v1  }
0x419: {  	v59 =	vtrunc.f32 v18;
	v18 =	vld [tilespmem:s24+$0x50];
	v38 =	vmin.f32 v38, $1.701000020e+01;
	v44 =	vmul.f32 v54, v44  }
0x41a: {  	v35 =	vld.idx.msk [tilespmem:v35+s14+$0x0], $0xffff;
	v16 =	vmax.f32 v16, $0.0e+00;
	v49 =	vcvt.f32.s32 v59;
	v38 =	vtrunc.f32 v38  }
0x41b: {  	v34 =	vmax.f32 v34, $0.0e+00;
	v54 =	vmax.f32 v50, $0.0e+00;
	v44 =	vadd.f32 v44, v56;
	v63 =	vld.idx.msk [tilespmem:v57+s15+$0x0], $0xffff  }
0x41c: {  	s18 =	sadd.s32 $0x3C00, s18;
	v50 =	vld.idx.msk [tilespmem:v24+s15+$0x0], $0xffff;
	v49 =	vadd.s32 v49, v0;
	v43 =	vmul.f32 v55, v43;
	v55 =	vmin.f32 v54, $1.701000020e+01  }
0x41d: {  	s5 =	sor.u32 s20, s18;
	v16 =	vmin.f32 v16, $1.701000020e+01;
	v38 =	vcvt.f32.s32 v38;
	v39 =	vld.idx.msk [tilespmem:v57+s14+$0x0], $0xffff;
	[tilespmem:s22+$0x7070] =	vst v44;
	v44 =	vtrunc.f32 v55  }
0x41e: {  	v34 =	vmin.f32 v34, $1.701000020e+01;
	v21 =	vmul.f32 v53, v21;
	v48 =	vld [tilespmem:s5+$0x0];
	v44 =	vcvt.f32.s32 v44  }
0x41f: {  	[tilespmem:s4+$0x7000] =	vst v36;
	v51 =	vmax.f32 v51, $0.0e+00;
	v61 =	vtrunc.f32 v16;
	v16 =	vld [tilespmem:s24+$0x60];
	v34 =	vtrunc.f32 v34  }
0x420: {  	v52 =	vld.idx.msk [tilespmem:v32+s15+$0x0], $0xffff;
	v62 =	vcvt.f32.s32 v61;
	v44 =	vadd.s32 v44, v0;
	v41 =	vmul.f32 v63, v41  }
0x421: {  	v56 =	vmul.f32 v58, v1;
	v34 =	vcvt.f32.s32 v34;
	v57 =	vsub.f32 v18, v2;
	v58 =	vld.idx.msk [tilespmem:v49+s15+$0x0], $0xffff  }
0x422: {  	v32 =	vld.idx.msk [tilespmem:v32+s14+$0x0], $0xffff;
	v45 =	vadd.s32 v62, v0;
	v35 =	vadd.f32 v43, v35;
	v39 =	vadd.f32 v41, v39  }
0x423: {  	v43 =	vmax.f32 v56, $0.0e+00;
	v59 =	vmul.f32 v57, v1;
	v49 =	vld.idx.msk [tilespmem:v49+s14+$0x0], $0xffff;
	v61 =	vsub.f32 v48, v2  }
0x424: {  	v11 =	vld [tilespmem:s4+$0x40];
	v20 =	vmul.f32 v50, v20;
	v43 =	vmin.f32 v43, $1.701000020e+01;
	v60 =	vsub.f32 v16, v2;
	[tilespmem:s13+$0x7000] =	vst v39  }
0x425: {  	v43 =	vtrunc.f32 v43;
	v46 =	vmax.f32 v59, $0.0e+00;
	v62 =	vmul.f32 v61, v1;
	v57 =	vld.idx.msk [tilespmem:v44+s15+$0x0], $0xffff  }
0x426: {  	v24 =	vld.idx.msk [tilespmem:v24+s14+$0x0], $0xffff;
	v59 =	vmin.f32 v51, $1.701000020e+01;
	v42 =	vmul.f32 v60, v1;
	v36 =	vmul.f32 v58, v37  }
0x427: {  	v46 =	vmin.f32 v46, $1.701000020e+01;
	v58 =	vld.idx.msk [tilespmem:v44+s14+$0x0], $0xffff;
	v39 =	vmax.f32 v62, $0.0e+00;
	v44 =	vtrunc.f32 v59  }
0x428: {  	v51 =	vld [tilespmem:s13+$0x30];
	v36 =	vadd.f32 v36, v49;
	v39 =	vmin.f32 v39, $1.701000020e+01;
	v44 =	vcvt.f32.s32 v44  }
0x429: {  	v38 =	vadd.s32 v38, v0;
	v55 =	vld.idx.msk [tilespmem:v13+s14+$0x0], $0xffff;
	v63 =	vtrunc.f32 v46;
	v39 =	vtrunc.f32 v39  }
0x42a: {  	v54 =	vld [tilespmem:s5+$0x10];
	[tilespmem:s24+$0x7000] =	vst v36;
	v39 =	vcvt.f32.s32 v39;
	v62 =	vmul.f32 v57, v40;
	v40 =	vadd.s32 v44, v0  }
0x42b: {  	v42 =	vmax.f32 v42, $0.0e+00;
	v41 =	vcvt.f32.s32 v63;
	v61 =	vsub.f32 v17, v2;
	v44 =	vld.idx.msk [tilespmem:v45+s15+$0x0], $0xffff  }
0x42c: {  	[tilespmem:s6+$0x7030] =	vst v28;
	v13 =	vld [tilespmem:s4+$0x50];
	v42 =	vmin.f32 v42, $1.701000020e+01;
	v39 =	vadd.s32 v39, v0;
	v60 =	vadd.f32 v62, v58  }
0x42d: {  	v56 =	vsub.f32 v51, v2;
	v63 =	vmul.f32 v61, v1;
	v61 =	vtrunc.f32 v42;
	v42 =	vld.idx.msk [tilespmem:v19+s15+$0x0], $0xffff  }
0x42e: {  	v26 =	vmul.f32 v52, v26;
	v20 =	vadd.f32 v20, v24;
	v43 =	vcvt.f32.s32 v43;
	v28 =	vld.idx.msk [tilespmem:v45+s14+$0x0], $0xffff;
	[tilespmem:s13+$0x7010] =	vst v60  }
0x42f: {  	v57 =	vmul.f32 v56, v1;
	v62 =	vmax.f32 v63, $0.0e+00;
	v63 =	vsub.f32 v54, v2;
	v49 =	vld.idx.msk [tilespmem:v40+s15+$0x0], $0xffff  }
0x430: {  	v36 =	vadd.s32 v43, v0;
	v43 =	vmin.f32 v62, $1.701000020e+01;
	v33 =	vmul.f32 v44, v33;
	v44 =	vld [tilespmem:s13+$0x40]  }
0x431: {  	v46 =	vmax.f32 v57, $0.0e+00;
	v45 =	vmul.f32 v63, v1;
	v24 =	vtrunc.f32 v43;
	v43 =	vld.idx.msk [tilespmem:v39+s15+$0x0], $0xffff  }
0x432: {  	v37 =	vadd.s32 v41, v0;
	v41 =	vcvt.f32.s32 v61;
	v46 =	vmin.f32 v46, $1.701000020e+01;
	v39 =	vld.idx.msk [tilespmem:v39+s14+$0x0], $0xffff  }
0x433: {  	[tilespmem:s25+$0x7060] =	vst v20;
	v59 =	vtrunc.f32 v46;
	v58 =	vmax.f32 v45, $0.0e+00;
	v28 =	vadd.f32 v33, v28;
	v33 =	vld.idx.msk [tilespmem:v40+s14+$0x0], $0xffff  }
0x434: {  	v60 =	vcvt.f32.s32 v24;
	v61 =	vcvt.f32.s32 v59;
	v24 =	vmin.f32 v58, $1.701000020e+01;
	v58 =	vld.idx.msk [tilespmem:v25+s15+$0x0], $0xffff  }
0x435: {  	v34 =	vadd.s32 v34, v0;
	v63 =	vtrunc.f32 v24;
	[tilespmem:s24+$0x7010] =	vst v28;
	v47 =	vmul.f32 v49, v47;
	v49 =	vld [tilespmem:s5+$0x20]  }
0x436: {  	v62 =	vsub.f32 v11, v2;
	v40 =	vadd.s32 v61, v0;
	v56 =	vcvt.f32.s32 v63;
	v57 =	vld.idx.msk [tilespmem:v38+s15+$0x0], $0xffff  }
0x437: {  	v20 =	vadd.s32 v60, v0;
	v25 =	vld.idx.msk [tilespmem:v25+s14+$0x0], $0xffff;
	v24 =	vadd.s32 v41, v0;
	v43 =	vmul.f32 v43, v48  }
0x438: {  	v59 =	vld.idx.msk [tilespmem:v38+s14+$0x0], $0xffff;
	v60 =	vsub.f32 v44, v2;
	v41 =	vadd.s32 v56, v0;
	v33 =	vadd.f32 v47, v33  }
0x439: {  	v19 =	vld.idx.msk [tilespmem:v19+s14+$0x0], $0xffff;
	v45 =	vmul.f32 v62, v1;
	v28 =	vsub.f32 v13, v2;
	v39 =	vadd.f32 v43, v39  }
0x43a: {  	v38 =	vld [tilespmem:s13+$0x50];
	v62 =	vmul.f32 v60, v1;
	v22 =	vmul.f32 v58, v22;
	[tilespmem:s13+$0x7020] =	vst v33;
	v61 =	vsub.f32 v49, v2  }
0x43b: {  	v26 =	vadd.f32 v26, v32;
	v28 =	vmul.f32 v28, v1;
	v30 =	vmul.f32 v57, v30;
	v33 =	vld.idx.msk [tilespmem:v40+s15+$0x0], $0xffff  }
0x43c: {  	[tilespmem:s5+$0x7000] =	vst v39;
	v32 =	vmax.f32 v62, $0.0e+00;
	v22 =	vadd.f32 v22, v25;
	v40 =	vld.idx.msk [tilespmem:v40+s14+$0x0], $0xffff;
	v63 =	vmul.f32 v61, v1  }
0x43d: {  	v43 =	vadd.f32 v21, v55;
	v32 =	vmin.f32 v32, $1.701000020e+01;
	v48 =	vld.idx.msk [tilespmem:v41+s15+$0x0], $0xffff;
	v30 =	vadd.f32 v30, v59  }
0x43e: {  	v25 =	vmax.f32 v45, $0.0e+00;
	v32 =	vtrunc.f32 v32;
	v41 =	vld.idx.msk [tilespmem:v41+s14+$0x0], $0xffff;
	[tilespmem:s25+$0x7070] =	vst v22;
	v39 =	vmax.f32 v63, $0.0e+00  }
0x43f: {  	s31 =	sor.u32 s31, s18;
	v22 =	vmin.f32 v25, $1.701000020e+01;
	[tilespmem:s24+$0x7020] =	vst v30;
	v30 =	vcvt.f32.s32 v32;
	v32 =	vld [tilespmem:s5+$0x30];
	v39 =	vmin.f32 v39, $1.701000020e+01  }
0x440: {  	v21 =	vmax.f32 v28, $0.0e+00;
	v22 =	vtrunc.f32 v22;
	v28 =	vld [tilespmem:s31+$0x0];
	v39 =	vtrunc.f32 v39  }
0x441: {  	v50 =	vld.idx.msk [tilespmem:v34+s15+$0x0], $0xffff;
	v33 =	vmul.f32 v33, v51;
	v30 =	vadd.s32 v30, v0;
	v25 =	vcvt.f32.s32 v39  }
0x442: {  	[tilespmem:s4+$0x7010] =	vst v26;
	v21 =	vmin.f32 v21, $1.701000020e+01;
	v52 =	vsub.f32 v38, v2;
	v53 =	vcvt.f32.s32 v22;
	v22 =	vld [tilespmem:s31+$0x10]  }
0x443: {  	v26 =	vld.idx.msk [tilespmem:v34+s14+$0x0], $0xffff;
	v51 =	vmul.f32 v48, v54;
	v33 =	vadd.f32 v33, v40;
	v39 =	vadd.s32 v25, v0  }
0x444: {  	v56 =	vmul.f32 v42, v15;
	v21 =	vtrunc.f32 v21;
	v34 =	vld [tilespmem:s13+$0x60];
	v54 =	vsub.f32 v32, v2  }
0x445: {  	v21 =	vcvt.f32.s32 v21;
	v55 =	vmul.f32 v52, v1;
	v41 =	vadd.f32 v51, v41;
	v25 =	vld.idx.msk [tilespmem:v27+s15+$0x0], $0xffff;
	[tilespmem:s13+$0x7030] =	vst v33  }
0x446: {  	v46 =	vadd.f32 v56, v19;
	v29 =	vmul.f32 v50, v29;
	v57 =	vld.idx.msk [tilespmem:v30+s15+$0x0], $0xffff;
	v58 =	vmul.f32 v54, v1  }
0x447: {  	v19 =	vadd.s32 v21, v0;
	v61 =	vsub.f32 v28, v2;
	v33 =	vmax.f32 v55, $0.0e+00;
	[tilespmem:s5+$0x7010] =	vst v41;
	v30 =	vld.idx.msk [tilespmem:v30+s14+$0x0], $0xffff  }
0x448: {  	v26 =	vadd.f32 v29, v26;
	v29 =	vmin.f32 v33, $1.701000020e+01;
	v60 =	vmax.f32 v58, $0.0e+00;
	v59 =	vld.idx.msk [tilespmem:v39+s15+$0x0], $0xffff  }
0x449: {  	v62 =	vmul.f32 v61, v1;
	v29 =	vtrunc.f32 v29;
	v39 =	vld.idx.msk [tilespmem:v39+s14+$0x0], $0xffff;
	v33 =	vmin.f32 v60, $1.701000020e+01  }
0x44a: {  	v51 =	vsub.f32 v22, v2;
	v29 =	vcvt.f32.s32 v29;
	[tilespmem:s24+$0x7030] =	vst v26;
	v26 =	vtrunc.f32 v33;
	v33 =	vld [tilespmem:s5+$0x40]  }
0x44b: {  	v15 =	vadd.s32 v53, v0;
	v63 =	vld.idx.msk [tilespmem:v36+s15+$0x0], $0xffff;
	v21 =	vcvt.f32.s32 v26;
	v26 =	vmul.f32 v57, v44  }
0x44c: {  	v42 =	vmul.f32 v51, v1;
	v52 =	vld.idx.msk [tilespmem:v36+s14+$0x0], $0xffff;
	v53 =	vadd.s32 v29, v0;
	v57 =	vsub.f32 v34, v2  }
0x44d: {  	v54 =	vmax.f32 v62, $0.0e+00;
	v36 =	vld [tilespmem:s13+$0x70];
	v56 =	vadd.s32 v21, v0;
	v26 =	vadd.f32 v26, v30  }
0x44e: {  	[tilespmem:s3+$0x7050] =	vst v14;
	v29 =	vld [tilespmem:s31+$0x20];
	v30 =	vmin.f32 v54, $1.701000020e+01;
	v14 =	vmul.f32 v57, v1;
	v55 =	vmul.f32 v59, v49  }
0x44f: {  	v58 =	vtrunc.f32 v30;
	v30 =	vld.idx.msk [tilespmem:v27+s14+$0x0], $0xffff;
	v27 =	vmax.f32 v42, $0.0e+00;
	v59 =	vsub.f32 v33, v2  }
0x450: {  	v21 =	vld [tilespmem:s31+$0x30];
	[tilespmem:s13+$0x7040] =	vst v26;
	v26 =	vcvt.f32.s32 v58;
	v31 =	vmul.f32 v63, v31;
	v39 =	vadd.f32 v55, v39  }
0x451: {  	[tilespmem:s7+$0x7050] =	vst v23;
	v27 =	vmin.f32 v27, $1.701000020e+01;
	v14 =	vmax.f32 v14, $0.0e+00;
	v60 =	vld.idx.msk [tilespmem:v53+s15+$0x0], $0xffff;
	v61 =	vmul.f32 v59, v1  }
0x452: {  	v7 =	vadd.s32 v7, v0;
	v23 =	vtrunc.f32 v27;
	v44 =	vld.idx.msk [tilespmem:v53+s14+$0x0], $0xffff;
	v14 =	vmin.f32 v14, $1.701000020e+01;
	[tilespmem:s5+$0x7020] =	vst v39  }
0x453: {  	[tilespmem:s8+$0x7050] =	vst v35;
	v26 =	vadd.s32 v26, v0;
	v27 =	vadd.f32 v31, v52;
	v40 =	vld.idx.msk [tilespmem:v56+s15+$0x0], $0xffff;
	v31 =	vmax.f32 v61, $0.0e+00  }
0x454: {  	[tilespmem:s0+$0x7030] =	vst v43;
	v14 =	vtrunc.f32 v14;
	v23 =	vcvt.f32.s32 v23;
	v39 =	vld.idx.msk [tilespmem:v56+s14+$0x0], $0xffff;
	v31 =	vmin.f32 v31, $1.701000020e+01  }
0x455: {  	s25 =	smulhi.u32 $0x2AAAAAAB, s28;
	v62 =	vsub.f32 v29, v2;
	[tilespmem:s24+$0x7040] =	vst v27;
	v27 =	vcvt.f32.s32 v14;
	v14 =	vld [tilespmem:s5+$0x50];
	v63 =	vtrunc.f32 v31  }
0x456: {  	s19 =	simm.s32 $0x500;
	[tilespmem:s6+$0x7040] =	vst v46;
	v43 =	vld.idx.msk [tilespmem:v37+s15+$0x0], $0xffff;
	v31 =	vadd.s32 v23, v0;
	v23 =	vsub.f32 v21, v2;
	v41 =	vcvt.f32.s32 v63  }
0x457: {  	s7 =	simm.s32 $0x8;
	s3 =	sshrl.u32 s25, $0x6;
	s25 =	simm.s32 $0xA00;
	v42 =	vld.idx.msk [tilespmem:v37+s14+$0x0], $0xffff;
	v35 =	vmul.f32 v60, v38;
	v37 =	vadd.s32 v27, v0;
	v27 =	vmul.f32 v62, v1  }
.LBB2_5:
0x458: {  	s20 =	sand.u32 $0x3800, s25;
	s22 =	sand.u32 $0x300, s19;
	v38 =	vld.idx.msk [tilespmem:v26+s15+$0x0], $0xffff;
	v23 =	vmul.f32 v23, v1;
	v32 =	vmul.f32 v40, v32;
	v40 =	vadd.s32 v41, v0  }
0x459: {  	s1 =	sadd.s32 $0x3800, s20;
	s2 =	sor.u32 $0x80, s22;
	v41 =	vadd.f32 v35, v44;
	v44 =	vsub.f32 v36, v2;
	v26 =	vld.idx.msk [tilespmem:v26+s14+$0x0], $0xffff;
	v27 =	vmax.f32 v27, $0.0e+00  }
0x45a: {  	s7 =	sadd.s32 $0x2, s7;
	s18 =	sor.u32 s22, s1;
	s1 =	sor.u32 s2, s1;
	v45 =	vmin.f32 v27, $1.701000020e+01;
	v27 =	vld [tilespmem:s31+$0x40];
	v32 =	vadd.f32 v32, v39;
	v39 =	vsub.f32 v14, v2  }
0x45b: {  	p1 =	slt.u32 s7, $0x36;
	v23 =	vmax.f32 v23, $0.0e+00;
	v35 =	vld [tilespmem:s1+$0x0];
	[tilespmem:s13+$0x7050] =	vst v41;
	v41 =	vmul.f32 v44, v1;
	v44 =	vtrunc.f32 v45  }
0x45c: {  	v18 =	vmul.f32 v43, v18;
	v45 =	vmin.f32 v23, $1.701000020e+01;
	v43 =	vld.idx.msk [tilespmem:v37+s15+$0x0], $0xffff;
	[tilespmem:s5+$0x7030] =	vst v32;
	v23 =	vmul.f32 v39, v1  }
0x45d: {  	v39 =	vcvt.f32.s32 v44;
	v44 =	vmul.f32 v25, v10;
	v10 =	vmovc v29;
	v32 =	vmax.f32 v41, $0.0e+00;
	v41 =	vld.idx.msk [tilespmem:v40+s15+$0x0], $0xffff  }
0x45e: {  	v18 =	vadd.f32 v18, v42;
	v42 =	vld.idx.msk [tilespmem:v37+s14+$0x0], $0xffff;
	v25 =	vmin.f32 v32, $1.701000020e+01;
	v23 =	vmax.f32 v23, $0.0e+00  }
0x45f: {  	v28 =	vmul.f32 v38, v28;
	v25 =	vtrunc.f32 v25;
	v38 =	vld.idx.msk [tilespmem:v40+s14+$0x0], $0xffff;
	v29 =	vmin.f32 v23, $1.701000020e+01  }
0x460: {  	v23 =	vadd.s32 v39, v0;
	v37 =	vld [tilespmem:s18+$0x0];
	[tilespmem:s24+$0x7050] =	vst v18;
	v18 =	vcvt.f32.s32 v25;
	v25 =	vtrunc.f32 v29  }
0x461: {  	v26 =	vadd.f32 v28, v26;
	v39 =	vsub.f32 v35, v2;
	v32 =	vld [tilespmem:s18+$0x10];
	v28 =	vcvt.f32.s32 v25  }
0x462: {  	v34 =	vmul.f32 v43, v34;
	v25 =	vld [tilespmem:s18+$0x20];
	v40 =	vadd.s32 v18, v0;
	v18 =	vtrunc.f32 v45  }
0x463: {  	v39 =	vmul.f32 v39, v1;
	v33 =	vmul.f32 v41, v33;
	v29 =	vld [tilespmem:s18+$0x30];
	[tilespmem:s31+$0x7000] =	vst v26;
	v28 =	vadd.s32 v28, v0  }
0x464: {  	v30 =	vadd.f32 v44, v30;
	v34 =	vadd.f32 v34, v42;
	v41 =	vcvt.f32.s32 v18;
	v26 =	vld [tilespmem:s18+$0x40]  }
0x465: {  	v39 =	vmax.f32 v39, $0.0e+00;
	v33 =	vadd.f32 v33, v38;
	v42 =	vsub.f32 v37, v2;
	v18 =	vld [tilespmem:s18+$0x50]  }
0x466: {  	v39 =	vmin.f32 v39, $1.701000020e+01;
	v43 =	vsub.f32 v32, v2;
	v38 =	vld [tilespmem:s1+$0x10];
	[tilespmem:s13+$0x7060] =	vst v34;
	v34 =	vadd.s32 v41, v0  }
0x467: {  	v39 =	vtrunc.f32 v39;
	v41 =	vmul.f32 v42, v1;
	v42 =	vsub.f32 v25, v2;
	v44 =	vld.idx.msk [tilespmem:v40+s15+$0x0], $0xffff;
	[tilespmem:s5+$0x7040] =	vst v33  }
0x468: {  	v39 =	vcvt.f32.s32 v39;
	v33 =	vmul.f32 v43, v1;
	v43 =	vsub.f32 v29, v2;
	v45 =	vld.idx.msk [tilespmem:v28+s15+$0x0], $0xffff;
	[tilespmem:s4+$0x7020] =	vst v30  }
0x469: {  	v30 =	vmax.f32 v41, $0.0e+00;
	v41 =	vmul.f32 v42, v1;
	v42 =	vsub.f32 v26, v2;
	v40 =	vld.idx.msk [tilespmem:v40+s14+$0x0], $0xffff  }
0x46a: {  	v39 =	vadd.s32 v39, v0;
	v30 =	vmin.f32 v30, $1.701000020e+01;
	v33 =	vmax.f32 v33, $0.0e+00;
	v46 =	vld.idx.msk [tilespmem:v28+s14+$0x0], $0xffff  }
0x46b: {  	v28 =	vtrunc.f32 v30;
	v30 =	vmin.f32 v33, $1.701000020e+01;
	v33 =	vmax.f32 v41, $0.0e+00;
	v41 =	vld [tilespmem:s18+$0x60]  }
0x46c: {  	v48 =	vsub.f32 v38, v2;
	v47 =	vcvt.f32.s32 v28;
	v30 =	vtrunc.f32 v30;
	v28 =	vld [tilespmem:s18+$0x70]  }
0x46d: {  	v33 =	vmin.f32 v33, $1.701000020e+01;
	v36 =	vmul.f32 v44, v36;
	v30 =	vcvt.f32.s32 v30;
	v49 =	vld.idx.msk [tilespmem:v24+s15+$0x0], $0xffff  }
0x46e: {  	v44 =	vmul.f32 v48, v1;
	v14 =	vmul.f32 v45, v14;
	v50 =	vadd.s32 v47, v0;
	v24 =	vld.idx.msk [tilespmem:v24+s14+$0x0], $0xffff  }
0x46f: {  	v36 =	vadd.f32 v36, v40;
	v48 =	vadd.s32 v30, v0;
	v30 =	vtrunc.f32 v33;
	v45 =	vld.idx.msk [tilespmem:v39+s15+$0x0], $0xffff  }
0x470: {  	v40 =	vmax.f32 v44, $0.0e+00;
	v14 =	vadd.f32 v14, v46;
	v30 =	vcvt.f32.s32 v30;
	v33 =	vld.idx.msk [tilespmem:v31+s15+$0x0], $0xffff  }
0x471: {  	s8 =	sadd.s32 $0x3C00, s12;
	s12 =	smov.u32 s20;
	v43 =	vmul.f32 v43, v1;
	v46 =	vmul.f32 v42, v1;
	v40 =	vmin.f32 v40, $1.701000020e+01;
	v39 =	vld.idx.msk [tilespmem:v39+s14+$0x0], $0xffff;
	[tilespmem:s13+$0x7070] =	vst v36;
	s13 =	smov.u32 s1  }
0x472: {  	s20 =	sor.u32 s11, s8;
	s11 =	smov.u32 s22;
	v36 =	vtrunc.f32 v40;
	v42 =	vadd.s32 v30, v0;
	v30 =	vsub.f32 v18, v2;
	v44 =	vld [tilespmem:s13+$0x20];
	[tilespmem:s5+$0x7050] =	vst v14;
	s5 =	sor.u32 s23, s8  }
0x473: {  	v40 =	vmax.f32 v46, $0.0e+00;
	v14 =	vmax.f32 v43, $0.0e+00;
	v36 =	vcvt.f32.s32 v36;
	s23 =	smov.u32 s2;
	v47 =	vld [tilespmem:s5+$0x0]  }
0x474: {  	v40 =	vmin.f32 v40, $1.701000020e+01;
	v14 =	vmin.f32 v14, $1.701000020e+01;
	v46 =	vld.idx.msk [tilespmem:v50+s15+$0x0], $0xffff;
	v30 =	vmul.f32 v30, v1  }
0x475: {  	v14 =	vtrunc.f32 v14;
	v35 =	vmul.f32 v45, v35;
	v36 =	vadd.s32 v36, v0;
	v50 =	vld.idx.msk [tilespmem:v50+s14+$0x0], $0xffff  }
0x476: {  	v40 =	vtrunc.f32 v40;
	v14 =	vcvt.f32.s32 v14;
	v30 =	vmax.f32 v30, $0.0e+00;
	v51 =	vld.idx.msk [tilespmem:v31+s14+$0x0], $0xffff  }
0x477: {  	v40 =	vcvt.f32.s32 v40;
	v35 =	vadd.f32 v35, v39;
	v39 =	vsub.f32 v44, v2;
	v52 =	vld.idx.msk [tilespmem:v12+s15+$0x0], $0xffff  }
0x478: {  	v31 =	vadd.s32 v14, v0;
	v30 =	vmin.f32 v30, $1.701000020e+01;
	v45 =	vsub.f32 v47, v2;
	v43 =	vld.idx.msk [tilespmem:v12+s14+$0x0], $0xffff;
	v12 =	vmovc v34  }
0x479: {  	v14 =	vadd.s32 v40, v0;
	v34 =	vtrunc.f32 v30;
	[tilespmem:s13+$0x7000] =	vst v35;
	v35 =	vmul.f32 v39, v1;
	v30 =	vld [tilespmem:s31+$0x50]  }
0x47a: {  	v37 =	vmul.f32 v46, v37;
	v39 =	vsub.f32 v41, v2;
	v40 =	vld.idx.msk [tilespmem:v36+s15+$0x0], $0xffff;
	v45 =	vmul.f32 v45, v1  }
0x47b: {  	v53 =	vsub.f32 v28, v2;
	v46 =	vcvt.f32.s32 v34;
	v35 =	vmax.f32 v35, $0.0e+00;
	v34 =	vld.idx.msk [tilespmem:v8+s15+$0x0], $0xffff  }
0x47c: {  	v37 =	vadd.f32 v37, v50;
	v36 =	vld.idx.msk [tilespmem:v36+s14+$0x0], $0xffff;
	v50 =	vmin.f32 v35, $1.701000020e+01;
	v54 =	vmax.f32 v45, $0.0e+00  }
0x47d: {  	v35 =	vadd.s32 v46, v0;
	v46 =	vtrunc.f32 v50;
	v45 =	vld [tilespmem:s13+$0x30];
	v50 =	vmin.f32 v54, $1.701000020e+01  }
0x47e: {  	v54 =	vsub.f32 v27, v2;
	[tilespmem:s18+$0x7000] =	vst v37;
	v37 =	vcvt.f32.s32 v46;
	v50 =	vtrunc.f32 v50;
	v46 =	vld [tilespmem:s5+$0x10]  }
0x47f: {  	v39 =	vmul.f32 v39, v1;
	v56 =	vsub.f32 v30, v2;
	v55 =	vld.idx.msk [tilespmem:v48+s15+$0x0], $0xffff;
	v50 =	vcvt.f32.s32 v50  }
0x480: {  	v53 =	vmul.f32 v53, v1;
	v38 =	vmul.f32 v40, v38;
	v48 =	vld.idx.msk [tilespmem:v48+s14+$0x0], $0xffff;
	v37 =	vadd.s32 v37, v0  }
0x481: {  	v49 =	vmul.f32 v49, v16;
	v16 =	vmovc v41;
	v39 =	vmax.f32 v39, $0.0e+00;
	v50 =	vadd.s32 v50, v0;
	v40 =	vld.idx.msk [tilespmem:v8+s14+$0x0], $0xffff  }
0x482: {  	v41 =	vmin.f32 v39, $1.701000020e+01;
	v38 =	vadd.f32 v38, v36;
	v8 =	vmovc v15;
	v57 =	vsub.f32 v45, v2;
	v39 =	vld.idx.msk [tilespmem:v4+s15+$0x0], $0xffff  }
0x483: {  	v15 =	vtrunc.f32 v41;
	v41 =	vmax.f32 v53, $0.0e+00;
	v53 =	vsub.f32 v46, v2;
	v36 =	vld.idx.msk [tilespmem:v4+s14+$0x0], $0xffff;
	v4 =	vmovc v7;
	v7 =	vmovc v19  }
0x484: {  	v15 =	vcvt.f32.s32 v15;
	v19 =	vmin.f32 v41, $1.701000020e+01;
	[tilespmem:s13+$0x7010] =	vst v38;
	v41 =	vmul.f32 v57, v1;
	v38 =	vld [tilespmem:s13+$0x40]  }
0x485: {  	v49 =	vadd.f32 v49, v24;
	v32 =	vmul.f32 v55, v32;
	v55 =	vld.idx.msk [tilespmem:v37+s15+$0x0], $0xffff;
	v53 =	vmul.f32 v53, v1  }
0x486: {  	v24 =	vadd.s32 v15, v0;
	v15 =	vtrunc.f32 v19;
	v19 =	vmax.f32 v41, $0.0e+00;
	v57 =	vld.idx.msk [tilespmem:v50+s15+$0x0], $0xffff  }
0x487: {  	v32 =	vadd.f32 v32, v48;
	v37 =	vld.idx.msk [tilespmem:v37+s14+$0x0], $0xffff;
	v19 =	vmin.f32 v19, $1.701000020e+01;
	[tilespmem:s24+$0x7060] =	vst v49;
	v41 =	vmax.f32 v53, $0.0e+00  }
0x488: {  	v15 =	vcvt.f32.s32 v15;
	v19 =	vtrunc.f32 v19;
	v48 =	vld.idx.msk [tilespmem:v50+s14+$0x0], $0xffff;
	v41 =	vmin.f32 v41, $1.701000020e+01  }
0x489: {  	[tilespmem:s18+$0x7010] =	vst v32;
	v19 =	vcvt.f32.s32 v19;
	v32 =	vtrunc.f32 v41;
	v41 =	vld [tilespmem:s5+$0x20]  }
0x48a: {  	v22 =	vmul.f32 v33, v22;
	v15 =	vadd.s32 v15, v0;
	v49 =	vld.idx.msk [tilespmem:v42+s15+$0x0], $0xffff;
	v32 =	vcvt.f32.s32 v32  }
0x48b: {  	v33 =	vld.idx.msk [tilespmem:v42+s14+$0x0], $0xffff;
	v42 =	vmul.f32 v55, v44;
	v19 =	vadd.s32 v19, v0;
	v44 =	vmul.f32 v54, v1  }
0x48c: {  	v22 =	vadd.f32 v22, v51;
	v47 =	vmul.f32 v57, v47;
	v50 =	vld.idx.msk [tilespmem:v20+s15+$0x0], $0xffff;
	v32 =	vadd.s32 v32, v0  }
0x48d: {  	v37 =	vadd.f32 v42, v37;
	v42 =	vsub.f32 v38, v2;
	v51 =	vld.idx.msk [tilespmem:v20+s14+$0x0], $0xffff;
	v44 =	vmax.f32 v44, $0.0e+00;
	v20 =	vmovc v15  }
0x48e: {  	v15 =	vadd.f32 v47, v48;
	v47 =	vsub.f32 v41, v2;
	[tilespmem:s31+$0x7010] =	vst v22;
	v22 =	vmul.f32 v52, v9  }
0x48f: {  	v48 =	vmul.f32 v56, v1;
	v44 =	vmin.f32 v44, $1.701000020e+01;
	v9 =	vmovc v21;
	[tilespmem:s13+$0x7020] =	vst v37;
	v42 =	vmul.f32 v42, v1;
	v37 =	vld [tilespmem:s13+$0x50]  }
0x490: {  	v21 =	vmul.f32 v49, v25;
	v25 =	vld.idx.msk [tilespmem:v19+s15+$0x0], $0xffff;
	[tilespmem:s5+$0x7000] =	vst v15;
	v15 =	vmul.f32 v47, v1  }
0x491: {  	v44 =	vtrunc.f32 v44;
	v22 =	vadd.f32 v22, v43;
	v42 =	vmax.f32 v42, $0.0e+00;
	v47 =	vld.idx.msk [tilespmem:v32+s15+$0x0], $0xffff  }
0x492: {  	v21 =	vadd.f32 v21, v33;
	v19 =	vld.idx.msk [tilespmem:v19+s14+$0x0], $0xffff;
	v33 =	vmin.f32 v42, $1.701000020e+01;
	v15 =	vmax.f32 v15, $0.0e+00  }
0x493: {  	v42 =	vmul.f32 v50, v17;
	v17 =	vmovc v28;
	v33 =	vtrunc.f32 v33;
	v43 =	vld.idx.msk [tilespmem:v32+s14+$0x0], $0xffff;
	v15 =	vmin.f32 v15, $1.701000020e+01;
	[tilespmem:s4+$0x7030] =	vst v22  }
0x494: {  	v22 =	vmax.f32 v48, $0.0e+00;
	[tilespmem:s18+$0x7020] =	vst v21;
	v21 =	vcvt.f32.s32 v33;
	v15 =	vtrunc.f32 v15;
	v32 =	vld [tilespmem:s5+$0x30]  }
0x495: {  	v28 =	vadd.f32 v42, v51;
	v42 =	vcvt.f32.s32 v44;
	v33 =	vld.idx.msk [tilespmem:v31+s15+$0x0], $0xffff;
	v15 =	vcvt.f32.s32 v15  }
0x496: {  	v44 =	vmul.f32 v25, v45;
	v45 =	vmul.f32 v34, v5;
	v31 =	vld.idx.msk [tilespmem:v31+s14+$0x0], $0xffff;
	v21 =	vadd.s32 v21, v0  }
0x497: {  	v34 =	vmul.f32 v47, v46;
	v47 =	vmin.f32 v22, $1.701000020e+01;
	[tilespmem:s24+$0x7070] =	vst v28;
	v46 =	vadd.s32 v15, v0;
	v25 =	vld.idx.msk [tilespmem:v23+s15+$0x0], $0xffff;
	s24 =	smov.u32 s18  }
0x498: {  	v5 =	vmovc v11;
	v19 =	vadd.f32 v44, v19;
	v44 =	vsub.f32 v37, v2;
	v15 =	vadd.s32 v42, v0;
	v28 =	vld [tilespmem:s20+$0x0]  }
0x499: {  	v11 =	vmovc v27;
	v47 =	vtrunc.f32 v47;
	v42 =	vadd.f32 v34, v43;
	v22 =	vld [tilespmem:s20+$0x10];
	v43 =	vsub.f32 v32, v2  }
0x49a: {  	v40 =	vadd.f32 v45, v40;
	v27 =	vcvt.f32.s32 v47;
	[tilespmem:s13+$0x7030] =	vst v19;
	v19 =	vmul.f32 v44, v1;
	v34 =	vld [tilespmem:s13+$0x60]  }
0x49b: {  	v29 =	vmul.f32 v33, v29;
	v44 =	vld.idx.msk [tilespmem:v21+s15+$0x0], $0xffff;
	[tilespmem:s5+$0x7010] =	vst v42;
	v33 =	vmul.f32 v43, v1  }
0x49c: {  	v42 =	vmax.f32 v19, $0.0e+00;
	v43 =	vld.idx.msk [tilespmem:v46+s15+$0x0], $0xffff;
	v19 =	vadd.s32 v27, v0;
	[tilespmem:s0+$0x7040] =	vst v40;
	v27 =	vmul.f32 v39, v3  }
0x49d: {  	v29 =	vadd.f32 v29, v31;
	v3 =	vmovc v6;
	v6 =	vmovc v13;
	v21 =	vld.idx.msk [tilespmem:v21+s14+$0x0], $0xffff;
	v31 =	vmin.f32 v42, $1.701000020e+01;
	v33 =	vmax.f32 v33, $0.0e+00  }
0x49e: {  	v13 =	vmovc v30;
	v39 =	vsub.f32 v28, v2;
	v31 =	vtrunc.f32 v31;
	v40 =	vld.idx.msk [tilespmem:v46+s14+$0x0], $0xffff;
	v33 =	vmin.f32 v33, $1.701000020e+01  }
0x49f: {  	v30 =	vsub.f32 v22, v2;
	[tilespmem:s24+$0x7030] =	vst v29;
	v29 =	vcvt.f32.s32 v31;
	v31 =	vtrunc.f32 v33;
	v33 =	vld [tilespmem:s5+$0x40]  }
0x4a0: {  	v27 =	vadd.f32 v27, v36;
	v39 =	vmul.f32 v39, v1;
	v42 =	vld.idx.msk [tilespmem:v14+s15+$0x0], $0xffff;
	v31 =	vcvt.f32.s32 v31  }
0x4a1: {  	v36 =	vmul.f32 v44, v38;
	v44 =	vmul.f32 v30, v1;
	v14 =	vld.idx.msk [tilespmem:v14+s14+$0x0], $0xffff;
	v38 =	vadd.s32 v29, v0  }
0x4a2: {  	v30 =	vmax.f32 v39, $0.0e+00;
	v39 =	vmul.f32 v43, v41;
	v29 =	vld [tilespmem:s20+$0x20];
	v31 =	vadd.s32 v31, v0;
	[tilespmem:s6+$0x7050] =	vst v27;
	s6 =	smov.u32 s0;
	s0 =	smov.u32 s4;
	s4 =	smov.u32 s31  }
0x4a3: {  	v27 =	vadd.f32 v36, v21;
	v36 =	vsub.f32 v34, v2;
	v30 =	vmin.f32 v30, $1.701000020e+01;
	s31 =	smov.u32 s20;
	v21 =	vld [tilespmem:s20+$0x30]  }
0x4a4: {  	v41 =	vtrunc.f32 v30;
	v39 =	vadd.f32 v39, v40;
	v40 =	vsub.f32 v33, v2;
	v30 =	vld.idx.msk [tilespmem:v23+s14+$0x0], $0xffff  }
0x4a5: {  	v23 =	vmul.f32 v36, v1;
	[tilespmem:s13+$0x7040] =	vst v27;
	v36 =	vld [tilespmem:s13+$0x70];
	v27 =	vcvt.f32.s32 v41;
	v41 =	vmax.f32 v44, $0.0e+00  }
0x4a6: {  	v42 =	vmul.f32 v42, v26;
	v45 =	vld.idx.msk [tilespmem:v38+s15+$0x0], $0xffff;
	v41 =	vmin.f32 v41, $1.701000020e+01;
	[tilespmem:s5+$0x7020] =	vst v39;
	v39 =	vmul.f32 v40, v1  }
0x4a7: {  	v23 =	vmax.f32 v23, $0.0e+00;
	v26 =	vadd.s32 v27, v0;
	v27 =	vtrunc.f32 v41;
	v40 =	vld.idx.msk [tilespmem:v31+s15+$0x0], $0xffff  }
.Ltmp3:
0x4a8: {  	v14 =	vadd.f32 v42, v14;
	v23 =	vmin.f32 v23, $1.701000020e+01;
	v44 =	vld.idx.msk [tilespmem:v38+s14+$0x0], $0xffff;
	v38 =	vmax.f32 v39, $0.0e+00;
	(pc) =	sbr.rel @p1 .LBB2_5-.Ltmp3, $4  }
0x4a9: {  	v23 =	vtrunc.f32 v23;
	v27 =	vcvt.f32.s32 v27;
	v39 =	vld.idx.msk [tilespmem:v31+s14+$0x0], $0xffff;
	v31 =	vmin.f32 v38, $1.701000020e+01  }
0x4aa: {  	v46 =	vsub.f32 v29, v2;
	v38 =	vcvt.f32.s32 v23;
	[tilespmem:s24+$0x7040] =	vst v14;
	v41 =	vtrunc.f32 v31;
	v14 =	vld [tilespmem:s5+$0x50]  }
0x4ab: {  	v23 =	vsub.f32 v21, v2;
	v31 =	vadd.s32 v27, v0;
	v43 =	vld.idx.msk [tilespmem:v35+s15+$0x0], $0xffff;
	v41 =	vcvt.f32.s32 v41  }
0x4ac: {  	s19 =	sadd.s32 $0x100, s19;
	s25 =	sadd.s32 $0x200, s25;
	v27 =	vmul.f32 v46, v1;
	v42 =	vld.idx.msk [tilespmem:v35+s14+$0x0], $0xffff;
	v35 =	vmul.f32 v45, v37;
	v37 =	vadd.s32 v38, v0  }
0x4ad: {  	v38 =	vsub.f32 v36, v2  }
0x4ae: {  	v35 =	vadd.f32 v35, v44  }
0x4af: {  	v38 =	vmul.f32 v38, v1  }
0x4b0: {  	[tilespmem:s13+$0x7050] =	vst v35  }
0x4b1: {  	v35 =	vld.idx.msk [tilespmem:v37+s15+$0x0], $0xffff;
	v38 =	vmax.f32 v38, $0.0e+00  }
0x4b2: {  	v38 =	vmin.f32 v38, $1.701000020e+01  }
0x4b3: {  	v45 =	vld.idx.msk [tilespmem:v37+s14+$0x0], $0xffff;
	v38 =	vtrunc.f32 v38  }
0x4b4: {  	v38 =	vcvt.f32.s32 v38  }
0x4b5: {  	v18 =	vmul.f32 v43, v18  }
0x4b6: {  	v34 =	vmul.f32 v35, v34;
	v46 =	vadd.s32 v38, v0  }
0x4b7: {  	v18 =	vadd.f32 v18, v42  }
0x4b8: {  	v34 =	vadd.f32 v34, v45  }
0x4b9: {  	[tilespmem:s24+$0x7050] =	vst v18  }
0x4ba: {  	v48 =	vld.idx.msk [tilespmem:v24+s15+$0x0], $0xffff;
	[tilespmem:s13+$0x7060] =	vst v34  }
0x4bb: {  	v34 =	vld.idx.msk [tilespmem:v46+s15+$0x0], $0xffff  }
0x4bc: {  	v49 =	vld.idx.msk [tilespmem:v24+s14+$0x0], $0xffff  }
0x4bd: {  	v47 =	vld.idx.msk [tilespmem:v46+s14+$0x0], $0xffff;
	_ =	sdelay $0x1  }
0x4be: {  	v16 =	vmul.f32 v48, v16  }
0x4bf: {  	v34 =	vmul.f32 v34, v36  }
0x4c0: {  	v16 =	vadd.f32 v16, v49  }
0x4c1: {  	v18 =	vadd.f32 v34, v47  }
0x4c2: {  	s1 =	sadd.s32 $0x3C00, s12;
	[tilespmem:s24+$0x7060] =	vst v16  }
0x4c3: {  	s7 =	sor.u32 s23, s1;
	v16 =	vld.idx.msk [tilespmem:v20+s15+$0x0], $0xffff;
	[tilespmem:s13+$0x7070] =	vst v18  }
0x4c4: {  	v18 =	vld [tilespmem:s7+$0x0]  }
0x4c5: {  	v51 =	vld.idx.msk [tilespmem:v20+s14+$0x0], $0xffff;
	_ =	sdelay $0x2  }
0x4c6: {  	v16 =	vmul.f32 v16, v17  }
0x4c7: {  	v50 =	vsub.f32 v18, v2  }
0x4c8: {  	v16 =	vadd.f32 v16, v51  }
0x4c9: {  	v24 =	vmul.f32 v50, v1  }
0x4ca: {  	s11 =	sor.u32 s11, s1;
	[tilespmem:s24+$0x7070] =	vst v16  }
0x4cb: {  	v20 =	vld [tilespmem:s11+$0x0];
	v52 =	vmax.f32 v24, $0.0e+00  }
0x4cc: {  	v53 =	vld [tilespmem:s7+$0x10];
	v17 =	vmin.f32 v52, $1.701000020e+01  }
0x4cd: {  	v17 =	vtrunc.f32 v17  }
0x4ce: {  	v32 =	vmul.f32 v40, v32;
	v58 =	vadd.s32 v41, v0;
	v17 =	vcvt.f32.s32 v17;
	_ =	sdelay $0x1  }
0x4cf: {  	v32 =	vadd.f32 v32, v39;
	v56 =	vsub.f32 v20, v2;
	v54 =	vadd.s32 v17, v0  }
0x4d0: {  	v55 =	vsub.f32 v53, v2  }
0x4d1: {  	[tilespmem:s5+$0x7030] =	vst v32;
	v34 =	vmul.f32 v56, v1  }
0x4d2: {  	v62 =	vld.idx.msk [tilespmem:v58+s15+$0x0], $0xffff;
	v17 =	vmul.f32 v55, v1  }
0x4d3: {  	v36 =	vld [tilespmem:s7+$0x20];
	v34 =	vmax.f32 v34, $0.0e+00  }
0x4d4: {  	v34 =	vmin.f32 v34, $1.701000020e+01;
	v17 =	vmax.f32 v17, $0.0e+00;
	v57 =	vld.idx.msk [tilespmem:v54+s15+$0x0], $0xffff  }
0x4d5: {  	v39 =	vld [tilespmem:s11+$0x10];
	v34 =	vtrunc.f32 v34;
	v17 =	vmin.f32 v17, $1.701000020e+01  }
0x4d6: {  	v34 =	vcvt.f32.s32 v34;
	v17 =	vtrunc.f32 v17;
	v16 =	vld.idx.msk [tilespmem:v54+s14+$0x0], $0xffff  }
0x4d7: {  	v37 =	vld.idx.msk [tilespmem:v58+s14+$0x0], $0xffff;
	v17 =	vcvt.f32.s32 v17  }
0x4d8: {  	v34 =	vadd.s32 v34, v0  }
0x4d9: {  	v60 =	vld.idx.msk [tilespmem:v26+s15+$0x0], $0xffff;
	v17 =	vadd.s32 v17, v0;
	v18 =	vmul.f32 v57, v18  }
0x4da: {  	v63 =	vld.idx.msk [tilespmem:v26+s14+$0x0], $0xffff;
	v33 =	vmul.f32 v62, v33;
	v61 =	vsub.f32 v36, v2  }
0x4db: {  	v35 =	vld [tilespmem:s7+$0x30];
	v43 =	vsub.f32 v39, v2;
	v16 =	vadd.f32 v18, v16  }
0x4dc: {  	v10 =	vmul.f32 v25, v10;
	v48 =	vadd.f32 v33, v37;
	v33 =	vld [tilespmem:s11+$0x20];
	v32 =	vmul.f32 v61, v1  }
0x4dd: {  	v27 =	vmax.f32 v27, $0.0e+00;
	v59 =	vsub.f32 v14, v2;
	v47 =	vld.idx.msk [tilespmem:v34+s15+$0x0], $0xffff;
	[tilespmem:s7+$0x7000] =	vst v16;
	v16 =	vmul.f32 v43, v1  }
0x4de: {  	v10 =	vadd.f32 v10, v30;
	v28 =	vmul.f32 v60, v28;
	v32 =	vmax.f32 v32, $0.0e+00;
	v44 =	vld.idx.msk [tilespmem:v17+s15+$0x0], $0xffff  }
0x4df: {  	v38 =	vmul.f32 v59, v1;
	v32 =	vmin.f32 v32, $1.701000020e+01;
	v34 =	vld.idx.msk [tilespmem:v34+s14+$0x0], $0xffff;
	v16 =	vmax.f32 v16, $0.0e+00  }
0x4e0: {  	v50 =	vsub.f32 v35, v2;
	v46 =	vtrunc.f32 v32;
	v45 =	vld.idx.msk [tilespmem:v17+s14+$0x0], $0xffff;
	v16 =	vmin.f32 v16, $1.701000020e+01  }
0x4e1: {  	v18 =	vadd.f32 v28, v63;
	v17 =	vcvt.f32.s32 v46;
	v16 =	vtrunc.f32 v16  }
0x4e2: {  	v38 =	vmax.f32 v38, $0.0e+00;
	v28 =	vmul.f32 v50, v1;
	v50 =	vld.idx.msk [tilespmem:v8+s15+$0x0], $0xffff;
	v51 =	vcvt.f32.s32 v16  }
0x4e3: {  	v30 =	vld [tilespmem:s11+$0x40];
	[tilespmem:s31+$0x7000] =	vst v18;
	v20 =	vmul.f32 v47, v20;
	v49 =	vadd.s32 v17, v0;
	v24 =	vmul.f32 v44, v53  }
0x4e4: {  	v42 =	vmin.f32 v38, $1.701000020e+01;
	v55 =	vsub.f32 v33, v2;
	v54 =	vld.idx.msk [tilespmem:v31+s14+$0x0], $0xffff;
	v38 =	vadd.s32 v51, v0  }
0x4e5: {  	v27 =	vmin.f32 v27, $1.701000020e+01;
	v20 =	vadd.f32 v20, v34;
	v34 =	vld [tilespmem:s7+$0x40];
	v52 =	vadd.f32 v24, v45  }
0x4e6: {  	v27 =	vtrunc.f32 v27;
	v26 =	vtrunc.f32 v42;
	v53 =	vld.idx.msk [tilespmem:v31+s15+$0x0], $0xffff  }
0x4e7: {  	v26 =	vcvt.f32.s32 v26;
	v28 =	vmax.f32 v28, $0.0e+00;
	v18 =	vmul.f32 v55, v1;
	v24 =	vld [tilespmem:s11+$0x30];
	[tilespmem:s7+$0x7010] =	vst v52  }
0x4e8: {  	v27 =	vcvt.f32.s32 v27;
	v28 =	vmin.f32 v28, $1.701000020e+01;
	[tilespmem:s11+$0x7000] =	vst v20;
	v56 =	vld.idx.msk [tilespmem:v49+s15+$0x0], $0xffff  }
0x4e9: {  	v26 =	vadd.s32 v26, v0;
	v28 =	vtrunc.f32 v28;
	v18 =	vmax.f32 v18, $0.0e+00;
	v58 =	vld.idx.msk [tilespmem:v38+s15+$0x0], $0xffff  }
0x4ea: {  	v57 =	vcvt.f32.s32 v28;
	v18 =	vmin.f32 v18, $1.701000020e+01;
	v37 =	vld.idx.msk [tilespmem:v49+s14+$0x0], $0xffff  }
0x4eb: {  	[tilespmem:s4+$0x7020] =	vst v10;
	v27 =	vadd.s32 v27, v0;
	v18 =	vtrunc.f32 v18;
	v22 =	vmul.f32 v53, v22;
	v38 =	vld.idx.msk [tilespmem:v38+s14+$0x0], $0xffff  }
0x4ec: {  	v23 =	vmul.f32 v23, v1;
	v47 =	vld.idx.msk [tilespmem:v12+s15+$0x0], $0xffff;
	v61 =	vcvt.f32.s32 v18  }
0x4ed: {  	[tilespmem:s5+$0x7040] =	vst v48;
	v17 =	vld [tilespmem:s31+$0x40];
	v59 =	vadd.s32 v57, v0;
	v22 =	vadd.f32 v22, v54;
	v32 =	vmul.f32 v56, v36  }
0x4ee: {  	v23 =	vmax.f32 v23, $0.0e+00;
	v20 =	vld.idx.msk [tilespmem:v26+s14+$0x0], $0xffff;
	v63 =	vadd.s32 v61, v0;
	v28 =	vmul.f32 v58, v39  }
0x4ef: {  	v23 =	vmin.f32 v23, $1.701000020e+01;
	v16 =	vld.idx.msk [tilespmem:v26+s15+$0x0], $0xffff;
	v41 =	vsub.f32 v24, v2;
	[tilespmem:s31+$0x7010] =	vst v22;
	v32 =	vadd.f32 v32, v37  }
0x4f0: {  	v23 =	vtrunc.f32 v23;
	v60 =	vsub.f32 v34, v2;
	v40 =	vld.idx.msk [tilespmem:v27+s15+$0x0], $0xffff;
	v28 =	vadd.f32 v28, v38  }
0x4f1: {  	v23 =	vcvt.f32.s32 v23;
	v44 =	vmul.f32 v41, v1;
	v43 =	vld.idx.msk [tilespmem:v27+s14+$0x0], $0xffff;
	[tilespmem:s7+$0x7020] =	vst v32  }
0x4f2: {  	v62 =	vmul.f32 v60, v1;
	v42 =	vld.idx.msk [tilespmem:v59+s15+$0x0], $0xffff;
	[tilespmem:s11+$0x7010] =	vst v28  }
0x4f3: {  	v23 =	vadd.s32 v23, v0;
	v27 =	vmax.f32 v44, $0.0e+00;
	v28 =	vld.idx.msk [tilespmem:v63+s15+$0x0], $0xffff  }
0x4f4: {  	v51 =	vsub.f32 v30, v2;
	v22 =	vmax.f32 v62, $0.0e+00;
	v27 =	vmin.f32 v27, $1.701000020e+01;
	v45 =	vld.idx.msk [tilespmem:v59+s14+$0x0], $0xffff  }
0x4f5: {  	v22 =	vmin.f32 v22, $1.701000020e+01;
	v27 =	vtrunc.f32 v27;
	v29 =	vmul.f32 v40, v29;
	v26 =	vld.idx.msk [tilespmem:v63+s14+$0x0], $0xffff  }
0x4f6: {  	v18 =	vld [tilespmem:s31+$0x50];
	v48 =	vsub.f32 v17, v2;
	v22 =	vtrunc.f32 v22;
	v27 =	vcvt.f32.s32 v27  }
0x4f7: {  	v49 =	vld.idx.msk [tilespmem:v12+s14+$0x0], $0xffff;
	v22 =	vcvt.f32.s32 v22;
	v25 =	vadd.f32 v29, v43;
	v46 =	vmul.f32 v42, v35  }
0x4f8: {  	v31 =	vmul.f32 v48, v1;
	v36 =	vld [tilespmem:s7+$0x50];
	v27 =	vadd.s32 v27, v0;
	v28 =	vmul.f32 v28, v33  }
0x4f9: {  	v22 =	vadd.s32 v22, v0;
	v59 =	vld.idx.msk [tilespmem:v8+s14+$0x0], $0xffff;
	[tilespmem:s31+$0x7020] =	vst v25;
	v10 =	vadd.f32 v46, v45  }
0x4fa: {  	v55 =	vld.idx.msk [tilespmem:v23+s15+$0x0], $0xffff;
	v53 =	vadd.f32 v28, v26  }
0x4fb: {  	v31 =	vmax.f32 v31, $0.0e+00;
	v23 =	vld.idx.msk [tilespmem:v23+s14+$0x0], $0xffff;
	[tilespmem:s7+$0x7030] =	vst v10;
	v10 =	vmul.f32 v51, v1  }
0x4fc: {  	v9 =	vmul.f32 v47, v9;
	v57 =	vmin.f32 v31, $1.701000020e+01;
	v35 =	vld [tilespmem:s11+$0x50];
	[tilespmem:s11+$0x7020] =	vst v53  }
0x4fd: {  	v56 =	vsub.f32 v36, v2;
	v25 =	vtrunc.f32 v57;
	v10 =	vmax.f32 v10, $0.0e+00;
	v58 =	vld.idx.msk [tilespmem:v27+s15+$0x0], $0xffff  }
0x4fe: {  	v54 =	vsub.f32 v18, v2;
	v25 =	vcvt.f32.s32 v25;
	v52 =	vld.idx.msk [tilespmem:v22+s15+$0x0], $0xffff;
	v10 =	vmin.f32 v10, $1.701000020e+01  }
0x4ff: {  	v9 =	vadd.f32 v9, v49;
	v33 =	vmul.f32 v56, v1;
	v27 =	vld.idx.msk [tilespmem:v27+s14+$0x0], $0xffff;
	v10 =	vtrunc.f32 v10  }
0x500: {  	v61 =	vld.idx.msk [tilespmem:v4+s15+$0x0], $0xffff;
	v39 =	vmul.f32 v50, v5;
	v25 =	vadd.s32 v25, v0;
	v10 =	vcvt.f32.s32 v10  }
0x501: {  	v62 =	vld.idx.msk [tilespmem:v4+s14+$0x0], $0xffff;
	[tilespmem:s4+$0x7030] =	vst v9;
	v60 =	vmax.f32 v33, $0.0e+00;
	v21 =	vmul.f32 v55, v21;
	v28 =	vsub.f32 v35, v2  }
0x502: {  	v37 =	vld.idx.msk [tilespmem:v15+s14+$0x0], $0xffff;
	v2 =	vadd.f32 v39, v59;
	v10 =	vadd.s32 v10, v0;
	v24 =	vmul.f32 v58, v24  }
0x503: {  	v26 =	vmul.f32 v54, v1;
	v12 =	vmin.f32 v60, $1.701000020e+01;
	v22 =	vld.idx.msk [tilespmem:v22+s14+$0x0], $0xffff;
	v31 =	vadd.f32 v21, v23  }
0x504: {  	v12 =	vtrunc.f32 v12;
	[tilespmem:s0+$0x7040] =	vst v2;
	v32 =	vmul.f32 v52, v34;
	v34 =	vld.idx.msk [tilespmem:v15+s15+$0x0], $0xffff;
	v24 =	vadd.f32 v24, v27  }
0x505: {  	v26 =	vmax.f32 v26, $0.0e+00;
	v63 =	vcvt.f32.s32 v12;
	v38 =	vmul.f32 v28, v1;
	v47 =	vld.idx.msk [tilespmem:v7+s15+$0x0], $0xffff;
	[tilespmem:s31+$0x7030] =	vst v31  }
0x506: {  	v40 =	vmin.f32 v26, $1.701000020e+01;
	v12 =	vld.idx.msk [tilespmem:v25+s15+$0x0], $0xffff;
	[tilespmem:s11+$0x7030] =	vst v24  }
0x507: {  	v5 =	vtrunc.f32 v40;
	v9 =	vadd.s32 v63, v0;
	v1 =	vmax.f32 v38, $0.0e+00;
	v41 =	vld.idx.msk [tilespmem:v10+s15+$0x0], $0xffff  }
0x508: {  	v5 =	vcvt.f32.s32 v5;
	v1 =	vmin.f32 v1, $1.701000020e+01;
	v42 =	vld.idx.msk [tilespmem:v25+s14+$0x0], $0xffff  }
0x509: {  	v1 =	vtrunc.f32 v1;
	v21 =	vadd.f32 v32, v22;
	v43 =	vmul.f32 v34, v11;
	v10 =	vld.idx.msk [tilespmem:v10+s14+$0x0], $0xffff  }
0x50a: {  	v50 =	vld.idx.msk [tilespmem:v7+s14+$0x0], $0xffff;
	v1 =	vcvt.f32.s32 v1  }
0x50b: {  	v5 =	vadd.s32 v5, v0;
	[tilespmem:s7+$0x7040] =	vst v21;
	v46 =	vmul.f32 v12, v17;
	v8 =	vadd.f32 v43, v37  }
0x50c: {  	v48 =	vadd.s32 v1, v0;
	v44 =	vld.idx.msk [tilespmem:v9+s15+$0x0], $0xffff;
	v49 =	vmul.f32 v41, v30  }
0x50d: {  	v45 =	vld.idx.msk [tilespmem:v9+s14+$0x0], $0xffff;
	v51 =	vadd.f32 v46, v42;
	[tilespmem:s4+$0x7040] =	vst v8  }
0x50e: {  	v52 =	vld.idx.msk [tilespmem:v19+s15+$0x0], $0xffff;
	v1 =	vadd.f32 v49, v10  }
0x50f: {  	[tilespmem:s31+$0x7040] =	vst v51;
	v53 =	vld.idx.msk [tilespmem:v19+s14+$0x0], $0xffff  }
0x510: {  	v58 =	vmul.f32 v47, v6;
	v55 =	vld.idx.msk [tilespmem:v5+s15+$0x0], $0xffff;
	[tilespmem:s11+$0x7040] =	vst v1  }
0x511: {  	v54 =	vmul.f32 v16, v14;
	v57 =	vld.idx.msk [tilespmem:v48+s15+$0x0], $0xffff  }
0x512: {  	v60 =	vadd.f32 v58, v50;
	v11 =	vmul.f32 v44, v36;
	v5 =	vld.idx.msk [tilespmem:v5+s14+$0x0], $0xffff  }
0x513: {  	v56 =	vmul.f32 v61, v3;
	v8 =	vadd.f32 v54, v20;
	v0 =	vld.idx.msk [tilespmem:v48+s14+$0x0], $0xffff  }
0x514: {  	s25 =	smul.u32 $0x540000, s3;
	[tilespmem:s0+$0x7050] =	vst v60;
	v2 =	vadd.f32 v11, v45;
	v59 =	vmul.f32 v52, v13  }
0x515: {  	s2 =	smul.u32 $0xE000, s30;
	[tilespmem:s5+$0x7050] =	vst v8;
	v1 =	vadd.f32 v56, v62;
	v61 =	vmul.f32 v55, v18  }
0x516: {  	s1 =	sor.u32 s25, s29;
	[tilespmem:s7+$0x7050] =	vst v2;
	v62 =	vadd.f32 v59, v53;
	v3 =	vmul.f32 v57, v35  }
.Ltmp4:
0x517: {  	s30 =	sadd.s32 s2, s1;
	[tilespmem:s6+$0x7050] =	vst v1;
	v63 =	vadd.f32 v61, v5;
	(pc) =	sbr.rel @p0 .LBB2_8-.Ltmp4, $4  }
0x518: {  	s0 =	sadd.s32 $0x3800, s30;
	[tilespmem:s4+$0x7050] =	vst v62;
	v0 =	vadd.f32 v3, v0  }
0x519: {  	s0 =	sshrl.u32 s0, $0x3;
	[tilespmem:s31+$0x7050] =	vst v63  }
0x51a: {  	s8 =	smov.u32 s16;
	s0 =	sadd.s32 s16, s0;
	s31 =	simm.s32 $0xA800;
	[tilespmem:s11+$0x7050] =	vst v0  }
0x51b: {  	[hbm4b:s0+s9] =	stream.linear.scatter [tilespmem:s31], [sflag:$0x4], $0x3800, $0x38;
	[tilespmem:$0xF900] =	vst v63  }
0x51c: {  	s0 =	sadd.s32 $0x3, s28  }
0x51d: {  	s1 =	sshrl.u32 s0, $0x2  }
0x51e: {  	s2 =	smulhi.u32 $0xAAAAAAB, s1;
	_ =	sdelay $0x1  }
0x51f: {  	s3 =	smulhi.u32 $0x2AAAAAAB, s0;
	s2 =	sshrl.u32 s2, $0x2  }
0x520: {  	s0 =	sand.u32 $0x3, s0;
	s2 =	smul.u32 $0x60, s2  }
0x521: {  	s0 =	smul.u32 $0x3800, s0;
	s3 =	sshrl.u32 s3, $0x6  }
0x522: {  	s3 =	smul.u32 $0x540000, s3;
	s1 =	ssub.s32 s1, s2  }
0x523: {  	s1 =	smul.u32 $0xE000, s1  }
.Ltmp5:
0x524: {  	s0 =	sor.u32 s3, s0;
	(pc) =	sbr.rel .LBB2_2-.Ltmp5, $4  }
0x525: {  	s0 =	sadd.s32 s1, s0  }
0x526: {  	s30 =	rddreg [dreg:$0x0];
	s31 =	simm.s32 $0x3800;
	s0 =	sshrl.u32 s0, $0x3  }
0x527: {  	s26 =	sadd.s32 $0x1, s26;
	s18 =	simm.s32 $0xF800;
	s0 =	sadd.s32 s30, s0  }
0x528: {  	[tilespmem:s31], [sflag:$0x2] =	stream.linear.gather [hbm4b:s0+s9], $0x3800, $0x38;
	[tilespmem:$0xF900] =	vst v63  }
.LBB2_9:
0x529: {  	_ =	sfence.sel $0x180000  }
0x52a: {  	[bflag:$0x0] =	sbarrier.arrive $0xFFFF  }
0x52b: {  	_ =	strace $0x90000047  }
0x52c: {  	s0 =	stileid.u32;
	[bflag:$0x2] =	sbarrier.arrive $0xFFFF  }
0x52d: {  	p0 =	sne.s32 s0, $0x0;
	s0 =	rddreg [dreg:$0x6]  }
0x52e: {  	s0 =	sadd.s32 @!p0 $0x100000, s0  }
0x52f: {  	[sflag:s0] =	ssyncadd.tile.s32 @!p0 $0x1;
	_ =	shalt  }
.Lfunc_end2:
_tile_overlayer_lowered:
.L_overlay_start_2:
0x530: {  	(tag) =	ssettag $0x2  }
0x531: {  	s0 =	rddreg [dreg:$0x0];
	s2 =	stileid.u32  }
0x532: {  	s1 =	rddreg [dreg:$0x1];
	p0 =	sne.s32 s2, $0x0  }
0x533: {  	s3 =	rddreg [dreg:$0x2];
	[bflag:$0x3] =	sbarrier.arrive $0xFFFF;
	s2 =	simm.s32 @!p0 $0x1C06  }
0x534: {  	[timem:s3], [sflag:s2] =	dma.local @!p0 [hbm:s0], s1  }
0x535: {  	s0 =	simm.s32 @!p0 $0x6  }
0x536: {  	_ =	swait.ge @!p0 [sflag:s0], s1  }
0x537: {  	s1 =	ssub.s32 @!p0 $0x0, s1;
	[sflag:s0] =	ssyncset.done @!p0 $0x0  }
0x538: {  	[sflag:s0] =	ssyncadd.s32 @!p0 s1  }
0x539: {  	[bflag:$0x3] =	sbarrier.arrive $0xFFFF  }
0x53a: {  	_ =	shalt  }

</sc_bundles>
